<compile_context>
chip_gen: v7x
topology: tpu7x:2x2x1
jax: 0.10.2.dev20260603
libtpu: 0.0.44.dev20260713+nightly
codegen_flags: <defaults>
</compile_context>

<pallas_src>
import functools

import jax
import jax.numpy as jnp
from jax import lax
from jax.experimental import pallas as pl
from jax.experimental.pallas import tpu as pltpu
from jax.experimental.pallas import tpu_sc as plsc

N = 10000
E = 320000
H = 128

NP = 10240
ROWS_PER_TILE = NP // 16
ECHUNK = 128
EP_ROWS = 2560
EROWS_PER_TILE = EP_ROWS // 32
HALF = EROWS_PER_TILE // 2
HEAVY_PT = 128
LIGHT_PT = 32
HEAVY_CORE = 0
ACC_ROWS = 10112
ACC_RPT = ACC_ROWS // 16
DUMMY = 10050
BM = 512
GRID = NP // BM


def _deg_body(dst2d, zdeg, degp, acc2, dst_t, e0_buf, sem):
    c = lax.axis_index("c")
    s = lax.axis_index("s")
    row_base = (c * 16 + s) * EROWS_PER_TILE

    pltpu.sync_copy(zdeg, acc2.at[pl.ds(s * ACC_RPT, ACC_RPT)])

    e0 = jnp.where(lax.iota(jnp.int32, 16) == 0, 1.0, 0.0)
    zv = jnp.zeros((16,), jnp.float32)

    def fill(i, carry):
        def fill_col(cc, carry2):
            e0_buf[i, pl.ds(cc * 16, 16)] = jnp.where(cc == 0, e0, zv)
            return carry2
        lax.fori_loop(0, H // 16, fill_col, 0)
        return carry
    lax.fori_loop(0, ECHUNK, fill, 0)

    pltpu.sync_copy(dst2d.at[pl.ds(row_base, EROWS_PER_TILE)], dst_t)
    plsc.subcore_barrier()

    def scat(j, carry):
        pltpu.sync_copy(e0_buf, acc2.at[dst_t.at[j]], add=True)
        return carry
    lax.fori_loop(0, EROWS_PER_TILE, scat, 0)

    plsc.subcore_barrier()

    pltpu.sync_copy(acc2.at[pl.ds(s * ACC_RPT, ACC_RPT)],
                    degp.at[c, pl.ds(s * ACC_RPT, ACC_RPT)])





def _prop_pipeline(u_hbm, acc, src2d, dst2d, src_t, dst_t, rows0, rows1,
                   sem0, sem1, base, rows_pt, n_pass):
    half_pt = rows_pt // n_pass

    def half(hb, carry):
        rb = base + hb * half_pt
        pltpu.sync_copy(src2d.at[pl.ds(rb, half_pt)],
                        src_t.at[pl.ds(0, half_pt)])
        pltpu.sync_copy(dst2d.at[pl.ds(rb, half_pt)],
                        dst_t.at[pl.ds(0, half_pt)])
        pltpu.async_copy(u_hbm.at[src_t.at[0]], rows0, sem0)

        def pair(k, carry2):
            j = 2 * k
            pltpu.async_copy(u_hbm.at[src_t.at[j + 1]], rows1, sem1)
            pltpu.make_async_copy(u_hbm.at[src_t.at[j]], rows0, sem0).wait()
            pltpu.sync_copy(rows0, acc.at[dst_t.at[j]], add=True)
            pltpu.async_copy(u_hbm.at[src_t.at[j + 2]], rows0, sem0)
            pltpu.make_async_copy(u_hbm.at[src_t.at[j + 1]], rows1, sem1).wait()
            pltpu.sync_copy(rows1, acc.at[dst_t.at[j + 1]], add=True)
            return carry2
        lax.fori_loop(0, half_pt // 2 - 1, pair, 0)

        last = half_pt - 1
        pltpu.async_copy(u_hbm.at[src_t.at[last]], rows1, sem1)
        pltpu.make_async_copy(u_hbm.at[src_t.at[last - 1]], rows0, sem0).wait()
        pltpu.sync_copy(rows0, acc.at[dst_t.at[last - 1]], add=True)
        pltpu.make_async_copy(u_hbm.at[src_t.at[last]], rows1, sem1).wait()
        pltpu.sync_copy(rows1, acc.at[dst_t.at[last]], add=True)
        return carry
    lax.fori_loop(0, n_pass, half, 0)


def _prop_body(u_hbm, src2d, dst2d, zacc, out_hbm,
               acc, src_t, dst_t, rows0, rows1, sem0, sem1):
    c = lax.axis_index("c")
    s = lax.axis_index("s")

    pltpu.sync_copy(zacc, acc.at[pl.ds(s * ACC_RPT, ACC_RPT)])
    plsc.subcore_barrier()

    rows_c0 = HEAVY_PT if HEAVY_CORE == 0 else LIGHT_PT
    rows_c1 = HEAVY_PT if HEAVY_CORE == 1 else LIGHT_PT

    @pl.when(c == 0)
    def _core0():
        _prop_pipeline(u_hbm, acc, src2d, dst2d, src_t, dst_t, rows0, rows1,
                       sem0, sem1, s * rows_c0, rows_c0, 2)

    @pl.when(c == 1)
    def _core1():
        _prop_pipeline(u_hbm, acc, src2d, dst2d, src_t, dst_t, rows0, rows1,
                       sem0, sem1, 16 * rows_c0 + s * rows_c1, rows_c1, 2)

    plsc.subcore_barrier()
    pltpu.sync_copy(acc.at[pl.ds(s * ACC_RPT, ACC_RPT)],
                    out_hbm.at[c, pl.ds(s * ACC_RPT, ACC_RPT)])


@functools.lru_cache(maxsize=None)
def _sc_calls():
    mesh = plsc.VectorSubcoreMesh(core_axis_name="c", subcore_axis_name="s")
    deg_call = pl.kernel(
        _deg_body,
        out_type=jax.ShapeDtypeStruct((2, NP, H), jnp.float32),
        mesh=mesh,
        scratch_types=[
            pltpu.VMEM_SHARED((ACC_ROWS, H), jnp.float32),
            pltpu.VMEM((EROWS_PER_TILE, ECHUNK), jnp.int32),
            pltpu.VMEM((ECHUNK, H), jnp.float32),
            pltpu.SemaphoreType.DMA,
        ],
    )
    prop_call = pl.kernel(
        _prop_body,
        out_type=jax.ShapeDtypeStruct((2, NP, H), jnp.float32),
        mesh=mesh,
        scratch_types=[
            pltpu.VMEM_SHARED((ACC_ROWS, H), jnp.float32),
            pltpu.VMEM((HEAVY_PT // 2, ECHUNK), jnp.int32),
            pltpu.VMEM((HEAVY_PT // 2, ECHUNK), jnp.int32),
            pltpu.VMEM((ECHUNK, H), jnp.float32),
            pltpu.VMEM((ECHUNK, H), jnp.float32),
            pltpu.SemaphoreType.DMA,
            pltpu.SemaphoreType.DMA,
        ],
    )
    return deg_call, prop_call



def _dinv(dp0, dp1):
    return lax.rsqrt(dp0[...][:, 0:1] + dp1[...][:, 0:1] + 1.0)


def _tca_body(xc, wc, benc, w0, dp0, dp1, u_ref):
    h = jnp.dot(xc[...], wc[...], preferred_element_type=jnp.float32, precision=lax.Precision.HIGHEST) + benc[...]
    z = jnp.dot(h, w0[...], preferred_element_type=jnp.float32, precision=lax.Precision.HIGHEST)
    u_ref[...] = _dinv(dp0, dp1) * z


def _tcb_body(s0, s1, u, dp0, dp1, b, y_ref, cs_ref, cq_ref):
    i = pl.program_id(0)
    y = _dinv(dp0, dp1) * (s0[...] + s1[...] + u[...]) + b[...]
    rows = lax.broadcasted_iota(jnp.int32, (BM, 1), 0) + i * BM
    y = jnp.where(rows < N, y, 0.0)
    y_ref[...] = y

    @pl.when(i == 0)
    def _init():
        cs_ref[...] = jnp.zeros_like(cs_ref)
        cq_ref[...] = jnp.zeros_like(cq_ref)

    cs_ref[...] += jnp.sum(y, axis=0, keepdims=True)
    cq_ref[...] += jnp.sum(y * y, axis=0, keepdims=True)


def _tcc_body(y, cs, cq, g, be, w, dp0, dp1, u_ref):
    mu = cs[...] * (1.0 / N)
    var = cq[...] * (1.0 / N) - mu * mu
    rstd = lax.rsqrt(var + 1e-5)
    h = jnp.maximum((y[...] - mu) * rstd * g[...] + be[...], 0.0)
    z = jnp.dot(h, w[...], preferred_element_type=jnp.float32, precision=lax.Precision.HIGHEST)
    u_ref[...] = _dinv(dp0, dp1) * z


def _tcd_body(s0, s1, u, dp0, dp1, b2, wdec, bdec, o_ref):
    t = _dinv(dp0, dp1) * (s0[...] + s1[...] + u[...]) + b2[...]
    o_ref[...] = jnp.dot(t, wdec[...], preferred_element_type=jnp.float32, precision=lax.Precision.HIGHEST) + bdec[...]


def _rows_spec():
    return pl.BlockSpec((BM, H), lambda i: (i, 0))


def _col_spec():
    return pl.BlockSpec((BM, H), lambda i: (i, 0))


def _full_spec(shape):
    return pl.BlockSpec(shape, lambda i: tuple(0 for _ in shape))


_tca_call = pl.pallas_call(
    _tca_body,
    grid=(GRID,),
    in_specs=[
        pl.BlockSpec((BM, 256), lambda i: (i, 0)),
        _full_spec((256, H)),
        _full_spec((1, H)),
        _full_spec((H, H)),
        _col_spec(),
        _col_spec(),
    ],
    out_specs=_rows_spec(),
    out_shape=jax.ShapeDtypeStruct((NP, H), jnp.float32),
)

_tcb_call = pl.pallas_call(
    _tcb_body,
    grid=(GRID,),
    in_specs=[
        _rows_spec(),
        _rows_spec(),
        _rows_spec(),
        _col_spec(),
        _col_spec(),
        _full_spec((1, H)),
    ],
    out_specs=[_rows_spec(), _full_spec((1, H)), _full_spec((1, H))],
    out_shape=[
        jax.ShapeDtypeStruct((NP, H), jnp.float32),
        jax.ShapeDtypeStruct((1, H), jnp.float32),
        jax.ShapeDtypeStruct((1, H), jnp.float32),
    ],
)

_tcc_call = pl.pallas_call(
    _tcc_body,
    grid=(GRID,),
    in_specs=[
        _rows_spec(),
        _full_spec((1, H)),
        _full_spec((1, H)),
        _full_spec((1, H)),
        _full_spec((1, H)),
        _full_spec((H, H)),
        _col_spec(),
        _col_spec(),
    ],
    out_specs=_rows_spec(),
    out_shape=jax.ShapeDtypeStruct((NP, H), jnp.float32),
)

_tcd_call = pl.pallas_call(
    _tcd_body,
    grid=(GRID,),
    in_specs=[
        _rows_spec(),
        _rows_spec(),
        _rows_spec(),
        _col_spec(),
        _col_spec(),
        _full_spec((1, H)),
        _full_spec((H, H)),
        _full_spec((1, H)),
    ],
    out_specs=_rows_spec(),
    out_shape=jax.ShapeDtypeStruct((NP, H), jnp.float32),
)



def kernel(x, pe, edge_index, W_enc, b_enc, W0, b0, g0, be0, W1, b1, g1, be1,
           W2, b2, W_dec, b_dec):
    f32 = jnp.float32
    src = edge_index[0]
    dst = edge_index[1]

    pad_e = EP_ROWS * ECHUNK - E
    pad_dst = N + (jnp.arange(pad_e, dtype=jnp.int32) % (ACC_ROWS - N))
    src_p = jnp.concatenate(
        [src, jnp.zeros((pad_e,), jnp.int32)]).reshape(EP_ROWS, ECHUNK)
    dst_p = jnp.concatenate([dst, pad_dst]).reshape(EP_ROWS, ECHUNK)

    xc = jnp.zeros((NP, 256), f32).at[:N, :128].set(x).at[:N, 128:132].set(pe)
    wc = jnp.zeros((256, H), f32).at[:132, :].set(W_enc)

    zdeg = jnp.zeros((ACC_RPT, H), f32)
    zacc = jnp.zeros((ACC_RPT, H), f32)

    r1 = lambda v: v.reshape(1, H)

    _deg_call, _prop_call = _sc_calls()
    degp = _deg_call(dst_p, zdeg)
    dp0 = degp[0]
    dp1 = degp[1]

    u0 = _tca_call(xc, wc, r1(b_enc), W0, dp0, dp1)
    s = _prop_call(u0, src_p, dst_p, zacc)
    y0, cs0, cq0 = _tcb_call(s[0], s[1], u0, dp0, dp1, r1(b0))

    u1 = _tcc_call(y0, cs0, cq0, r1(g0), r1(be0), W1, dp0, dp1)
    s = _prop_call(u1, src_p, dst_p, zacc)
    y1, cs1, cq1 = _tcb_call(s[0], s[1], u1, dp0, dp1, r1(b1))

    u2 = _tcc_call(y1, cs1, cq1, r1(g1), r1(be1), W2, dp0, dp1)
    s = _prop_call(u2, src_p, dst_p, zacc)
    out = _tcd_call(s[0], s[1], u2, dp0, dp1, r1(b2), W_dec, r1(b_dec))

    return out[:N]

# --- scband reference (transcript-rebuilt; emitter-appended) ---
"""Pipeline reference for scband-custom-gnn-16630113370948 (READ-ONLY COPY).

The authoritative reference and input builder live on the scoring server;
editing this copy changes nothing except your own understanding.
"""

import jax, jax.numpy as jnp
import numpy as np

N = 10000
E = 320000
DIN = 128
DPE = 4
H = 128
DOUT = 128


def setup_inputs(seed: int = 0) -> dict:
    key = jax.random.key(seed)
    ks = jax.random.split(key, 16)
    x = jax.random.normal(ks[0], (N, DIN), dtype=jnp.float32)
    pe = jax.random.normal(ks[1], (N, DPE), dtype=jnp.float32)
    edge_index = jax.random.randint(ks[2], (2, E), 0, N, dtype=jnp.int32)
    def lin(k, fin, fout):
        return jax.random.normal(k, (fin, fout), dtype=jnp.float32) / np.sqrt(fin)
    inp = {
        'x': x,
        'pe': pe,
        'edge_index': edge_index,
        'W_enc': lin(ks[3], DIN + DPE, H),
        'b_enc': jnp.zeros((H,), dtype=jnp.float32),
        'W0': lin(ks[4], H, H),
        'b0': jnp.zeros((H,), dtype=jnp.float32),
        'g0': jnp.ones((H,), dtype=jnp.float32),
        'be0': jnp.zeros((H,), dtype=jnp.float32),
        'W1': lin(ks[5], H, H),
        'b1': jnp.zeros((H,), dtype=jnp.float32),
        'g1': jnp.ones((H,), dtype=jnp.float32),
        'be1': jnp.zeros((H,), dtype=jnp.float32),
        'W2': lin(ks[6], H, H),
        'b2': jnp.zeros((H,), dtype=jnp.float32),
        'W_dec': lin(ks[7], H, DOUT),
        'b_dec': jnp.zeros((DOUT,), dtype=jnp.float32),
    }
    return inp


def _gcn_conv(h, src, dst, W, b):
    # PyG GCNConv: x' = D^{-1/2} (A + I) D^{-1/2} X W + b
    hw = h @ W
    loop = jnp.arange(N, dtype=src.dtype)
    src2 = jnp.concatenate([src, loop])
    dst2 = jnp.concatenate([dst, loop])
    deg = jax.ops.segment_sum(jnp.ones((E + N,), dtype=jnp.float32), dst2, num_segments=N)
    dinv = jnp.where(deg > 0, 1.0 / jnp.sqrt(deg), 0.0)
    norm = dinv[src2] * dinv[dst2]
    msg = hw[src2] * norm[:, None]
    out = jax.ops.segment_sum(msg, dst2, num_segments=N)
    return out + b


def _batchnorm(h, gamma, beta, eps=1e-5):
    mu = jnp.mean(h, axis=0)
    var = jnp.var(h, axis=0)
    return (h - mu) / jnp.sqrt(var + eps) * gamma + beta


def reference(x, pe, edge_index, W_enc, b_enc, W0, b0, g0, be0, W1, b1, g1, be1, W2, b2, W_dec, b_dec):
    src = edge_index[0]
    dst = edge_index[1]
    h = jnp.concatenate([x, pe], axis=-1) @ W_enc + b_enc
    h = _gcn_conv(h, src, dst, W0, b0)
    h = jax.nn.relu(_batchnorm(h, g0, be0))
    h = _gcn_conv(h, src, dst, W1, b1)
    h = jax.nn.relu(_batchnorm(h, g1, be1))
    h = _gcn_conv(h, src, dst, W2, b2)
    return h @ W_dec + b_dec

if __name__ == "__main__":
    import jax
    _d = setup_inputs()
    print(jax.jit(kernel)(*tuple(_d.values())))

</pallas_src>

<mosaic_0001>
#map = affine_map<(d0, d1) -> (0, 0)>
#map1 = affine_map<(d0, d1) -> (0, 0, 0)>
module attributes {stable_mosaic.version = 14 : i64} {
  func.func @_deg_body(%arg0: i32, %arg1: i32, %arg2: memref<2560x128xi32, #tpu.memory_space<hbm>>, %arg3: memref<632x128xf32, #tpu.memory_space<hbm>>, %arg4: memref<2x10240x128xf32, #tpu.memory_space<hbm>>, %arg5: memref<10112x128xf32, #tpu.memory_space<vmem_shared>>, %arg6: memref<80x128xi32, #tpu.memory_space<vmem>>, %arg7: memref<128x128xf32, #tpu.memory_space<vmem>>, %arg8: memref<!tpu.dma_semaphore, #tpu.memory_space<semaphore_mem>>) attributes {dimension_semantics = [#tpu.dimension_semantics<core_parallel>, #tpu.dimension_semantics<subcore_parallel>], iteration_bounds = array<i64: 2, 16>, scalar_prefetch = 0 : i64, scratch_operands = 4 : i64, tpu.core_type = #tpu.core_type<sc_vector_subcore>, window_params = [{transform_indices = #map}, {transform_indices = #map}, {transform_indices = #map1}]} {
    %mul3A = arith.constant 16 : i32
    %mul3A_0 = arith.muli %arg0, %mul3A : i32
    %add3A = arith.addi %mul3A_0, %arg1 : i32
    %mul3A_1 = arith.constant 80 : i32
    %mul3A_2 = arith.muli %add3A, %mul3A_1 : i32
    %mul3A_3 = arith.constant 632 : i32
    %mul3A_4 = arith.muli %arg1, %mul3A_3 : i32
    "tpu.region"() ({
      %run_scoped3A = tpu.sem_alloc : memref<!tpu.dma_semaphore, #tpu.memory_space<semaphore_mem>>
      %dma_start3A = arith.constant 0 : i32
      %dma_start3A_27 = tpu.memref_slice %arg5[%mul3A_4, %dma_start3A] : memref<10112x128xf32, #tpu.memory_space<vmem_shared>> -> memref<632x128xf32, #tpu.memory_space<vmem_shared>>
      tpu.enqueue_dma source(%arg3 : memref<632x128xf32, #tpu.memory_space<hbm>>) target(%dma_start3A_27 : memref<632x128xf32, #tpu.memory_space<vmem_shared>>) target_semaphore(%run_scoped3A : memref<!tpu.dma_semaphore, #tpu.memory_space<semaphore_mem>>)
      %dma_wait3A = arith.constant 0 : i32
      %dma_wait3A_28 = tpu.memref_slice %arg5[%mul3A_4, %dma_wait3A] : memref<10112x128xf32, #tpu.memory_space<vmem_shared>> -> memref<632x128xf32, #tpu.memory_space<vmem_shared>>
      tpu.wait_dma2 semaphore(%run_scoped3A : memref<!tpu.dma_semaphore, #tpu.memory_space<semaphore_mem>>) src(%arg3 : memref<632x128xf32, #tpu.memory_space<hbm>>) dst(%dma_wait3A_28 : memref<632x128xf32, #tpu.memory_space<vmem_shared>>)
      tpu.yield
    }) : () -> ()
    %iota3A = tpu.iota {dimensions = array<i32: 0>} : vector<16xi32>
    %eq3A = arith.constant 0 : i32
    %eq3A_5 = vector.broadcast %eq3A : i32 to vector<16xi32>
    %eq3A_6 = arith.cmpi eq, %iota3A, %eq3A_5 : vector<16xi32>
    %jit3A = arith.constant 1.000000e+00 : f32
    %jit3A_7 = arith.constant 0.000000e+00 : f32
    %broadcast_in_dim3A = vector.broadcast %jit3A : f32 to vector<16xf32>
    %broadcast_in_dim3A_8 = vector.broadcast %jit3A_7 : f32 to vector<16xf32>
    %select_n3A = arith.select %eq3A_6, %broadcast_in_dim3A, %broadcast_in_dim3A_8 : vector<16xi1>, vector<16xf32>
    %broadcast_in_dim3A_9 = arith.constant 0.000000e+00 : f32
    %broadcast_in_dim3A_10 = vector.broadcast %broadcast_in_dim3A_9 : f32 to vector<16xf32>
    %scan3A = arith.constant 0 : i32
    %scan3A_11 = arith.constant 0 : i32
    %scan3A_12 = arith.constant 128 : i32
    %scan3A_13 = arith.addi %scan3A_11, %scan3A_12 : i32
    %scan3A_14 = arith.constant 1 : i32
    scf.for %scan3A_27 = %scan3A_11 to %scan3A_13 step %scan3A_14  : i32 {
      %scan3A_28 = arith.constant 0 : i32
      %scan3A_29 = arith.constant 0 : i32
      %scan3A_30 = arith.constant 8 : i32
      %scan3A_31 = arith.addi %scan3A_29, %scan3A_30 : i32
      %scan3A_32 = arith.constant 1 : i32
      scf.for %scan3A_34 = %scan3A_29 to %scan3A_31 step %scan3A_32  : i32 {
        %eq3A_35 = arith.constant 0 : i32
        %eq3A_36 = arith.cmpi eq, %scan3A_34, %eq3A_35 : i32
        %select_n3A_37 = arith.select %eq3A_36, %select_n3A, %broadcast_in_dim3A_10 : vector<16xf32>
        %mul3A_38 = arith.constant 16 : i32
        %mul3A_39 = arith.muli %scan3A_34, %mul3A_38 : i32
        %swap3A = arith.index_cast %scan3A_27 : i32 to index
        %swap3A_40 = arith.index_cast %mul3A_39 : i32 to index
        %swap3A_41 = tpu.vector_load %arg7[%swap3A, %swap3A_40] {strides = array<i32>} : memref<128x128xf32, #tpu.memory_space<vmem>>, vector<1x16xf32>,
        %swap3A_42 = vector.shape_cast %swap3A_41 : vector<1x16xf32> to vector<16xf32>
        %swap3A_43 = vector.shape_cast %select_n3A_37 : vector<16xf32> to vector<1x16xf32>
        tpu.vector_store %arg7[%swap3A, %swap3A_40], %swap3A_43 {strides = array<i32>} : memref<128x128xf32, #tpu.memory_space<vmem>>, vector<1x16xf32>,
      }
      %scan3A_33 = arith.constant 8 : i32
    }
    %scan3A_15 = arith.constant 128 : i32
    "tpu.region"() ({
      %run_scoped3A = tpu.sem_alloc : memref<!tpu.dma_semaphore, #tpu.memory_space<semaphore_mem>>
      %dma_start3A = arith.constant 0 : i32
      %dma_start3A_27 = tpu.memref_slice %arg2[%mul3A_2, %dma_start3A] : memref<2560x128xi32, #tpu.memory_space<hbm>> -> memref<80x128xi32, #tpu.memory_space<hbm>>
      %dma_start3A_28 = arith.constant 0 : i32
      %dma_start3A_29 = tpu.memref_slice %arg2[%mul3A_2, %dma_start3A_28] : memref<2560x128xi32, #tpu.memory_space<hbm>> -> memref<80x128xi32, #tpu.memory_space<hbm>>
      tpu.enqueue_dma source(%dma_start3A_29 : memref<80x128xi32, #tpu.memory_space<hbm>>) target(%arg6 : memref<80x128xi32, #tpu.memory_space<vmem>>) target_semaphore(%run_scoped3A : memref<!tpu.dma_semaphore, #tpu.memory_space<semaphore_mem>>)
      %dma_wait3A = arith.constant 0 : i32
      %dma_wait3A_30 = tpu.memref_slice %arg2[%mul3A_2, %dma_wait3A] : memref<2560x128xi32, #tpu.memory_space<hbm>> -> memref<80x128xi32, #tpu.memory_space<hbm>>
      %dma_wait3A_31 = arith.constant 0 : i32
      %dma_wait3A_32 = tpu.memref_slice %arg2[%mul3A_2, %dma_wait3A_31] : memref<2560x128xi32, #tpu.memory_space<hbm>> -> memref<80x128xi32, #tpu.memory_space<hbm>>
      tpu.wait_dma2 semaphore(%run_scoped3A : memref<!tpu.dma_semaphore, #tpu.memory_space<semaphore_mem>>) src(%dma_wait3A_32 : memref<80x128xi32, #tpu.memory_space<hbm>>) dst(%arg6 : memref<80x128xi32, #tpu.memory_space<vmem>>)
      tpu.yield
    }) : () -> ()
    %barrier3A = arith.constant 0 : index
    tpu.barrier barrier_id(%barrier3A)
    %scan3A_16 = arith.constant 0 : i32
    %scan3A_17 = arith.constant 0 : i32
    %scan3A_18 = arith.constant 80 : i32
    %scan3A_19 = arith.addi %scan3A_17, %scan3A_18 : i32
    %scan3A_20 = arith.constant 1 : i32
    scf.for %scan3A_27 = %scan3A_17 to %scan3A_19 step %scan3A_20  : i32 {
      "tpu.region"() ({
        %run_scoped3A = tpu.sem_alloc : memref<!tpu.dma_semaphore, #tpu.memory_space<semaphore_mem>>
        %dma_start3A = arith.constant 0 : i32
        %dma_start3A_28 = tpu.memref_slice %arg6[%scan3A_27, %dma_start3A] : memref<80x128xi32, #tpu.memory_space<vmem>> -> memref<1x128xi32, #tpu.memory_space<vmem>>
        %dma_start3A_29 = tpu.memref_squeeze %dma_start3A_28 : memref<1x128xi32, #tpu.memory_space<vmem>> -> memref<128xi32, #tpu.memory_space<vmem>>
        %dma_start3A_30 = arith.constant 0 : i32
        %dma_start3A_31 = arith.constant 0 : i32
        %dma_start3A_32 = tpu.memref_slice %arg5[%dma_start3A_30, %dma_start3A_31] : memref<10112x128xf32, #tpu.memory_space<vmem_shared>> -> memref<10112x128xf32, #tpu.memory_space<vmem_shared>>
        tpu.enqueue_indirect_dma source(%arg7 : memref<128x128xf32, #tpu.memory_space<vmem>>) target(%dma_start3A_32 : memref<10112x128xf32, #tpu.memory_space<vmem_shared>>) offsets(%dma_start3A_29 : memref<128xi32, #tpu.memory_space<vmem>>) semaphore(%run_scoped3A : memref<!tpu.dma_semaphore, #tpu.memory_space<semaphore_mem>>) {add = true}
        %dma_wait3A = arith.constant 0 : i32
        %dma_wait3A_33 = tpu.memref_slice %arg6[%scan3A_27, %dma_wait3A] : memref<80x128xi32, #tpu.memory_space<vmem>> -> memref<1x128xi32, #tpu.memory_space<vmem>>
        %dma_wait3A_34 = tpu.memref_squeeze %dma_wait3A_33 : memref<1x128xi32, #tpu.memory_space<vmem>> -> memref<128xi32, #tpu.memory_space<vmem>>
        %dma_wait3A_35 = arith.constant 0 : i32
        %dma_wait3A_36 = arith.constant 0 : i32
        %dma_wait3A_37 = tpu.memref_slice %arg5[%dma_wait3A_35, %dma_wait3A_36] : memref<10112x128xf32, #tpu.memory_space<vmem_shared>> -> memref<10112x128xf32, #tpu.memory_space<vmem_shared>>
        tpu.wait_indirect_dma semaphore(%run_scoped3A : memref<!tpu.dma_semaphore, #tpu.memory_space<semaphore_mem>>) src(%arg7 : memref<128x128xf32, #tpu.memory_space<vmem>>) dst(%dma_wait3A_37 : memref<10112x128xf32, #tpu.memory_space<vmem_shared>>)
        tpu.yield
      }) : () -> ()
    }
    %scan3A_21 = arith.constant 80 : i32
    %barrier3A_22 = arith.constant 0 : index
    tpu.barrier barrier_id(%barrier3A_22)
    %mul3A_23 = arith.constant 632 : i32
    %mul3A_24 = arith.muli %arg1, %mul3A_23 : i32
    %mul3A_25 = arith.constant 632 : i32
    %mul3A_26 = arith.muli %arg1, %mul3A_25 : i32
    "tpu.region"() ({
      %run_scoped3A = tpu.sem_alloc : memref<!tpu.dma_semaphore, #tpu.memory_space<semaphore_mem>>
      %dma_start3A = arith.constant 0 : i32
      %dma_start3A_27 = tpu.memref_slice %arg4[%arg0, %mul3A_26, %dma_start3A] : memref<2x10240x128xf32, #tpu.memory_space<hbm>> -> memref<1x632x128xf32, #tpu.memory_space<hbm>>
      %dma_start3A_28 = tpu.memref_squeeze %dma_start3A_27 : memref<1x632x128xf32, #tpu.memory_space<hbm>> -> memref<632x128xf32, #tpu.memory_space<hbm>>
      %dma_start3A_29 = arith.constant 0 : i32
      %dma_start3A_30 = tpu.memref_slice %arg5[%mul3A_24, %dma_start3A_29] : memref<10112x128xf32, #tpu.memory_space<vmem_shared>> -> memref<632x128xf32, #tpu.memory_space<vmem_shared>>
      tpu.enqueue_dma source(%dma_start3A_30 : memref<632x128xf32, #tpu.memory_space<vmem_shared>>) target(%dma_start3A_28 : memref<632x128xf32, #tpu.memory_space<hbm>>) target_semaphore(%run_scoped3A : memref<!tpu.dma_semaphore, #tpu.memory_space<semaphore_mem>>)
      %dma_wait3A = arith.constant 0 : i32
      %dma_wait3A_31 = tpu.memref_slice %arg4[%arg0, %mul3A_26, %dma_wait3A] : memref<2x10240x128xf32, #tpu.memory_space<hbm>> -> memref<1x632x128xf32, #tpu.memory_space<hbm>>
      %dma_wait3A_32 = tpu.memref_squeeze %dma_wait3A_31 : memref<1x632x128xf32, #tpu.memory_space<hbm>> -> memref<632x128xf32, #tpu.memory_space<hbm>>
      %dma_wait3A_33 = arith.constant 0 : i32
      %dma_wait3A_34 = tpu.memref_slice %arg5[%mul3A_24, %dma_wait3A_33] : memref<10112x128xf32, #tpu.memory_space<vmem_shared>> -> memref<632x128xf32, #tpu.memory_space<vmem_shared>>
      tpu.wait_dma2 semaphore(%run_scoped3A : memref<!tpu.dma_semaphore, #tpu.memory_space<semaphore_mem>>) src(%dma_wait3A_34 : memref<632x128xf32, #tpu.memory_space<vmem_shared>>) dst(%dma_wait3A_32 : memref<632x128xf32, #tpu.memory_space<hbm>>)
      tpu.yield
    }) : () -> ()
    return
  }
}

#map = affine_map<(d0, d1) -> (0, 0)>
#map1 = affine_map<(d0, d1) -> (0, 0, 0)>
module attributes {stable_mosaic.version = 14 : i64} {
  func.func @_prop_body(%arg0: i32, %arg1: i32, %arg2: memref<10240x128xf32, #tpu.memory_space<hbm>>, %arg3: memref<2560x128xi32, #tpu.memory_space<hbm>>, %arg4: memref<2560x128xi32, #tpu.memory_space<hbm>>, %arg5: memref<632x128xf32, #tpu.memory_space<hbm>>, %arg6: memref<2x10240x128xf32, #tpu.memory_space<hbm>>, %arg7: memref<10112x128xf32, #tpu.memory_space<vmem_shared>>, %arg8: memref<64x128xi32, #tpu.memory_space<vmem>>, %arg9: memref<64x128xi32, #tpu.memory_space<vmem>>, %arg10: memref<128x128xf32, #tpu.memory_space<vmem>>, %arg11: memref<128x128xf32, #tpu.memory_space<vmem>>, %arg12: memref<!tpu.dma_semaphore, #tpu.memory_space<semaphore_mem>>, %arg13: memref<!tpu.dma_semaphore, #tpu.memory_space<semaphore_mem>>) attributes {dimension_semantics = [#tpu.dimension_semantics<core_parallel>, #tpu.dimension_semantics<subcore_parallel>], iteration_bounds = array<i64: 2, 16>, scalar_prefetch = 0 : i64, scratch_operands = 7 : i64, tpu.core_type = #tpu.core_type<sc_vector_subcore>, window_params = [{transform_indices = #map}, {transform_indices = #map}, {transform_indices = #map}, {transform_indices = #map}, {transform_indices = #map1}]} {
    %mul3A = arith.constant 632 : i32
    %mul3A_0 = arith.muli %arg1, %mul3A : i32
    "tpu.region"() ({
      %run_scoped3A = tpu.sem_alloc : memref<!tpu.dma_semaphore, #tpu.memory_space<semaphore_mem>>
      %dma_start3A = arith.constant 0 : i32
      %dma_start3A_13 = tpu.memref_slice %arg7[%mul3A_0, %dma_start3A] : memref<10112x128xf32, #tpu.memory_space<vmem_shared>> -> memref<632x128xf32, #tpu.memory_space<vmem_shared>>
      tpu.enqueue_dma source(%arg5 : memref<632x128xf32, #tpu.memory_space<hbm>>) target(%dma_start3A_13 : memref<632x128xf32, #tpu.memory_space<vmem_shared>>) target_semaphore(%run_scoped3A : memref<!tpu.dma_semaphore, #tpu.memory_space<semaphore_mem>>)
      %dma_wait3A = arith.constant 0 : i32
      %dma_wait3A_14 = tpu.memref_slice %arg7[%mul3A_0, %dma_wait3A] : memref<10112x128xf32, #tpu.memory_space<vmem_shared>> -> memref<632x128xf32, #tpu.memory_space<vmem_shared>>
      tpu.wait_dma2 semaphore(%run_scoped3A : memref<!tpu.dma_semaphore, #tpu.memory_space<semaphore_mem>>) src(%arg5 : memref<632x128xf32, #tpu.memory_space<hbm>>) dst(%dma_wait3A_14 : memref<632x128xf32, #tpu.memory_space<vmem_shared>>)
      tpu.yield
    }) : () -> ()
    %barrier3A = arith.constant 0 : index
    tpu.barrier barrier_id(%barrier3A)
    %eq3A = arith.constant 0 : i32
    %eq3A_1 = arith.cmpi eq, %arg0, %eq3A : i32
    %convert_element_type3A = arith.extui %eq3A_1 : i1 to i32
    %cond3A = arith.constant 0 : i32
    %cond3A_2 = arith.cmpi ne, %convert_element_type3A, %cond3A : i32
    scf.if %cond3A_2 {
      %mul3A_13 = arith.constant 128 : i32
      %mul3A_14 = arith.muli %arg1, %mul3A_13 : i32
      %scan3A = arith.constant 0 : i32
      %scan3A_15 = arith.constant 0 : i32
      %scan3A_16 = arith.constant 2 : i32
      %scan3A_17 = arith.addi %scan3A_15, %scan3A_16 : i32
      %scan3A_18 = arith.constant 1 : i32
      scf.for %scan3A_20 = %scan3A_15 to %scan3A_17 step %scan3A_18  : i32 {
        %mul3A_21 = arith.constant 64 : i32
        %mul3A_22 = arith.muli %scan3A_20, %mul3A_21 : i32
        %add3A = arith.addi %mul3A_14, %mul3A_22 : i32
        "tpu.region"() ({
          %run_scoped3A_56 = tpu.sem_alloc : memref<!tpu.dma_semaphore, #tpu.memory_space<semaphore_mem>>
          %dma_start3A_57 = arith.constant 0 : i32
          %dma_start3A_58 = arith.constant 0 : i32
          %dma_start3A_59 = tpu.memref_slice %arg8[%dma_start3A_57, %dma_start3A_58] : memref<64x128xi32, #tpu.memory_space<vmem>> -> memref<64x128xi32, #tpu.memory_space<vmem>>
          %dma_start3A_60 = arith.constant 0 : i32
          %dma_start3A_61 = tpu.memref_slice %arg3[%add3A, %dma_start3A_60] : memref<2560x128xi32, #tpu.memory_space<hbm>> -> memref<64x128xi32, #tpu.memory_space<hbm>>
          %dma_start3A_62 = arith.constant 0 : i32
          %dma_start3A_63 = arith.constant 0 : i32
          %dma_start3A_64 = tpu.memref_slice %arg8[%dma_start3A_62, %dma_start3A_63] : memref<64x128xi32, #tpu.memory_space<vmem>> -> memref<64x128xi32, #tpu.memory_space<vmem>>
          %dma_start3A_65 = arith.constant 0 : i32
          %dma_start3A_66 = tpu.memref_slice %arg3[%add3A, %dma_start3A_65] : memref<2560x128xi32, #tpu.memory_space<hbm>> -> memref<64x128xi32, #tpu.memory_space<hbm>>
          tpu.enqueue_dma source(%dma_start3A_66 : memref<64x128xi32, #tpu.memory_space<hbm>>) target(%dma_start3A_64 : memref<64x128xi32, #tpu.memory_space<vmem>>) target_semaphore(%run_scoped3A_56 : memref<!tpu.dma_semaphore, #tpu.memory_space<semaphore_mem>>)
          %dma_wait3A_67 = arith.constant 0 : i32
          %dma_wait3A_68 = arith.constant 0 : i32
          %dma_wait3A_69 = tpu.memref_slice %arg8[%dma_wait3A_67, %dma_wait3A_68] : memref<64x128xi32, #tpu.memory_space<vmem>> -> memref<64x128xi32, #tpu.memory_space<vmem>>
          %dma_wait3A_70 = arith.constant 0 : i32
          %dma_wait3A_71 = tpu.memref_slice %arg3[%add3A, %dma_wait3A_70] : memref<2560x128xi32, #tpu.memory_space<hbm>> -> memref<64x128xi32, #tpu.memory_space<hbm>>
          %dma_wait3A_72 = arith.constant 0 : i32
          %dma_wait3A_73 = arith.constant 0 : i32
          %dma_wait3A_74 = tpu.memref_slice %arg8[%dma_wait3A_72, %dma_wait3A_73] : memref<64x128xi32, #tpu.memory_space<vmem>> -> memref<64x128xi32, #tpu.memory_space<vmem>>
          %dma_wait3A_75 = arith.constant 0 : i32
          %dma_wait3A_76 = tpu.memref_slice %arg3[%add3A, %dma_wait3A_75] : memref<2560x128xi32, #tpu.memory_space<hbm>> -> memref<64x128xi32, #tpu.memory_space<hbm>>
          tpu.wait_dma2 semaphore(%run_scoped3A_56 : memref<!tpu.dma_semaphore, #tpu.memory_space<semaphore_mem>>) src(%dma_wait3A_76 : memref<64x128xi32, #tpu.memory_space<hbm>>) dst(%dma_wait3A_74 : memref<64x128xi32, #tpu.memory_space<vmem>>)
          tpu.yield
        }) : () -> ()
        "tpu.region"() ({
          %run_scoped3A_56 = tpu.sem_alloc : memref<!tpu.dma_semaphore, #tpu.memory_space<semaphore_mem>>
          %dma_start3A_57 = arith.constant 0 : i32
          %dma_start3A_58 = arith.constant 0 : i32
          %dma_start3A_59 = tpu.memref_slice %arg9[%dma_start3A_57, %dma_start3A_58] : memref<64x128xi32, #tpu.memory_space<vmem>> -> memref<64x128xi32, #tpu.memory_space<vmem>>
          %dma_start3A_60 = arith.constant 0 : i32
          %dma_start3A_61 = tpu.memref_slice %arg4[%add3A, %dma_start3A_60] : memref<2560x128xi32, #tpu.memory_space<hbm>> -> memref<64x128xi32, #tpu.memory_space<hbm>>
          %dma_start3A_62 = arith.constant 0 : i32
          %dma_start3A_63 = arith.constant 0 : i32
          %dma_start3A_64 = tpu.memref_slice %arg9[%dma_start3A_62, %dma_start3A_63] : memref<64x128xi32, #tpu.memory_space<vmem>> -> memref<64x128xi32, #tpu.memory_space<vmem>>
          %dma_start3A_65 = arith.constant 0 : i32
          %dma_start3A_66 = tpu.memref_slice %arg4[%add3A, %dma_start3A_65] : memref<2560x128xi32, #tpu.memory_space<hbm>> -> memref<64x128xi32, #tpu.memory_space<hbm>>
          tpu.enqueue_dma source(%dma_start3A_66 : memref<64x128xi32, #tpu.memory_space<hbm>>) target(%dma_start3A_64 : memref<64x128xi32, #tpu.memory_space<vmem>>) target_semaphore(%run_scoped3A_56 : memref<!tpu.dma_semaphore, #tpu.memory_space<semaphore_mem>>)
          %dma_wait3A_67 = arith.constant 0 : i32
          %dma_wait3A_68 = arith.constant 0 : i32
          %dma_wait3A_69 = tpu.memref_slice %arg9[%dma_wait3A_67, %dma_wait3A_68] : memref<64x128xi32, #tpu.memory_space<vmem>> -> memref<64x128xi32, #tpu.memory_space<vmem>>
          %dma_wait3A_70 = arith.constant 0 : i32
          %dma_wait3A_71 = tpu.memref_slice %arg4[%add3A, %dma_wait3A_70] : memref<2560x128xi32, #tpu.memory_space<hbm>> -> memref<64x128xi32, #tpu.memory_space<hbm>>
          %dma_wait3A_72 = arith.constant 0 : i32
          %dma_wait3A_73 = arith.constant 0 : i32
          %dma_wait3A_74 = tpu.memref_slice %arg9[%dma_wait3A_72, %dma_wait3A_73] : memref<64x128xi32, #tpu.memory_space<vmem>> -> memref<64x128xi32, #tpu.memory_space<vmem>>
          %dma_wait3A_75 = arith.constant 0 : i32
          %dma_wait3A_76 = tpu.memref_slice %arg4[%add3A, %dma_wait3A_75] : memref<2560x128xi32, #tpu.memory_space<hbm>> -> memref<64x128xi32, #tpu.memory_space<hbm>>
          tpu.wait_dma2 semaphore(%run_scoped3A_56 : memref<!tpu.dma_semaphore, #tpu.memory_space<semaphore_mem>>) src(%dma_wait3A_76 : memref<64x128xi32, #tpu.memory_space<hbm>>) dst(%dma_wait3A_74 : memref<64x128xi32, #tpu.memory_space<vmem>>)
          tpu.yield
        }) : () -> ()
        %dma_start3A = arith.constant 0 : i32
        %dma_start3A_23 = arith.constant 0 : i32
        %dma_start3A_24 = tpu.memref_slice %arg8[%dma_start3A, %dma_start3A_23] : memref<64x128xi32, #tpu.memory_space<vmem>> -> memref<1x128xi32, #tpu.memory_space<vmem>>
        %dma_start3A_25 = tpu.memref_squeeze %dma_start3A_24 : memref<1x128xi32, #tpu.memory_space<vmem>> -> memref<128xi32, #tpu.memory_space<vmem>>
        %dma_start3A_26 = arith.constant 0 : i32
        %dma_start3A_27 = arith.constant 0 : i32
        %dma_start3A_28 = tpu.memref_slice %arg2[%dma_start3A_26, %dma_start3A_27] : memref<10240x128xf32, #tpu.memory_space<hbm>> -> memref<10240x128xf32, #tpu.memory_space<hbm>>
        tpu.enqueue_indirect_dma source(%dma_start3A_28 : memref<10240x128xf32, #tpu.memory_space<hbm>>) target(%arg10 : memref<128x128xf32, #tpu.memory_space<vmem>>) offsets(%dma_start3A_25 : memref<128xi32, #tpu.memory_space<vmem>>) semaphore(%arg12 : memref<!tpu.dma_semaphore, #tpu.memory_space<semaphore_mem>>)
        %scan3A_29 = arith.constant 0 : i32
        %scan3A_30 = arith.constant 0 : i32
        %scan3A_31 = arith.constant 31 : i32
        %scan3A_32 = arith.addi %scan3A_30, %scan3A_31 : i32
        %scan3A_33 = arith.constant 1 : i32
        scf.for %scan3A_56 = %scan3A_30 to %scan3A_32 step %scan3A_33  : i32 {
          %mul3A_57 = arith.constant 2 : i32
          %mul3A_58 = arith.muli %mul3A_57, %scan3A_56 : i32
          %add3A_59 = arith.constant 1 : i32
          %add3A_60 = arith.addi %mul3A_58, %add3A_59 : i32
          %dma_start3A_61 = arith.constant 0 : i32
          %dma_start3A_62 = tpu.memref_slice %arg8[%add3A_60, %dma_start3A_61] : memref<64x128xi32, #tpu.memory_space<vmem>> -> memref<1x128xi32, #tpu.memory_space<vmem>>
          %dma_start3A_63 = tpu.memref_squeeze %dma_start3A_62 : memref<1x128xi32, #tpu.memory_space<vmem>> -> memref<128xi32, #tpu.memory_space<vmem>>
          %dma_start3A_64 = arith.constant 0 : i32
          %dma_start3A_65 = arith.constant 0 : i32
          %dma_start3A_66 = tpu.memref_slice %arg2[%dma_start3A_64, %dma_start3A_65] : memref<10240x128xf32, #tpu.memory_space<hbm>> -> memref<10240x128xf32, #tpu.memory_space<hbm>>
          tpu.enqueue_indirect_dma source(%dma_start3A_66 : memref<10240x128xf32, #tpu.memory_space<hbm>>) target(%arg11 : memref<128x128xf32, #tpu.memory_space<vmem>>) offsets(%dma_start3A_63 : memref<128xi32, #tpu.memory_space<vmem>>) semaphore(%arg13 : memref<!tpu.dma_semaphore, #tpu.memory_space<semaphore_mem>>)
          %dma_wait3A_67 = arith.constant 0 : i32
          %dma_wait3A_68 = tpu.memref_slice %arg8[%mul3A_58, %dma_wait3A_67] : memref<64x128xi32, #tpu.memory_space<vmem>> -> memref<1x128xi32, #tpu.memory_space<vmem>>
          %dma_wait3A_69 = tpu.memref_squeeze %dma_wait3A_68 : memref<1x128xi32, #tpu.memory_space<vmem>> -> memref<128xi32, #tpu.memory_space<vmem>>
          %dma_wait3A_70 = arith.constant 0 : i32
          %dma_wait3A_71 = arith.constant 0 : i32
          %dma_wait3A_72 = tpu.memref_slice %arg2[%dma_wait3A_70, %dma_wait3A_71] : memref<10240x128xf32, #tpu.memory_space<hbm>> -> memref<10240x128xf32, #tpu.memory_space<hbm>>
          tpu.wait_indirect_dma semaphore(%arg12 : memref<!tpu.dma_semaphore, #tpu.memory_space<semaphore_mem>>) src(%dma_wait3A_72 : memref<10240x128xf32, #tpu.memory_space<hbm>>) dst(%arg10 : memref<128x128xf32, #tpu.memory_space<vmem>>)
          "tpu.region"() ({
            %run_scoped3A_91 = tpu.sem_alloc : memref<!tpu.dma_semaphore, #tpu.memory_space<semaphore_mem>>
            %dma_start3A_92 = arith.constant 0 : i32
            %dma_start3A_93 = tpu.memref_slice %arg9[%mul3A_58, %dma_start3A_92] : memref<64x128xi32, #tpu.memory_space<vmem>> -> memref<1x128xi32, #tpu.memory_space<vmem>>
            %dma_start3A_94 = tpu.memref_squeeze %dma_start3A_93 : memref<1x128xi32, #tpu.memory_space<vmem>> -> memref<128xi32, #tpu.memory_space<vmem>>
            %dma_start3A_95 = arith.constant 0 : i32
            %dma_start3A_96 = arith.constant 0 : i32
            %dma_start3A_97 = tpu.memref_slice %arg7[%dma_start3A_95, %dma_start3A_96] : memref<10112x128xf32, #tpu.memory_space<vmem_shared>> -> memref<10112x128xf32, #tpu.memory_space<vmem_shared>>
            tpu.enqueue_indirect_dma source(%arg10 : memref<128x128xf32, #tpu.memory_space<vmem>>) target(%dma_start3A_97 : memref<10112x128xf32, #tpu.memory_space<vmem_shared>>) offsets(%dma_start3A_94 : memref<128xi32, #tpu.memory_space<vmem>>) semaphore(%run_scoped3A_91 : memref<!tpu.dma_semaphore, #tpu.memory_space<semaphore_mem>>) {add = true}
            %dma_wait3A_98 = arith.constant 0 : i32
            %dma_wait3A_99 = tpu.memref_slice %arg9[%mul3A_58, %dma_wait3A_98] : memref<64x128xi32, #tpu.memory_space<vmem>> -> memref<1x128xi32, #tpu.memory_space<vmem>>
            %dma_wait3A_100 = tpu.memref_squeeze %dma_wait3A_99 : memref<1x128xi32, #tpu.memory_space<vmem>> -> memref<128xi32, #tpu.memory_space<vmem>>
            %dma_wait3A_101 = arith.constant 0 : i32
            %dma_wait3A_102 = arith.constant 0 : i32
            %dma_wait3A_103 = tpu.memref_slice %arg7[%dma_wait3A_101, %dma_wait3A_102] : memref<10112x128xf32, #tpu.memory_space<vmem_shared>> -> memref<10112x128xf32, #tpu.memory_space<vmem_shared>>
            tpu.wait_indirect_dma semaphore(%run_scoped3A_91 : memref<!tpu.dma_semaphore, #tpu.memory_space<semaphore_mem>>) src(%arg10 : memref<128x128xf32, #tpu.memory_space<vmem>>) dst(%dma_wait3A_103 : memref<10112x128xf32, #tpu.memory_space<vmem_shared>>)
            tpu.yield
          }) : () -> ()
          %add3A_73 = arith.constant 2 : i32
          %add3A_74 = arith.addi %mul3A_58, %add3A_73 : i32
          %dma_start3A_75 = arith.constant 0 : i32
          %dma_start3A_76 = tpu.memref_slice %arg8[%add3A_74, %dma_start3A_75] : memref<64x128xi32, #tpu.memory_space<vmem>> -> memref<1x128xi32, #tpu.memory_space<vmem>>
          %dma_start3A_77 = tpu.memref_squeeze %dma_start3A_76 : memref<1x128xi32, #tpu.memory_space<vmem>> -> memref<128xi32, #tpu.memory_space<vmem>>
          %dma_start3A_78 = arith.constant 0 : i32
          %dma_start3A_79 = arith.constant 0 : i32
          %dma_start3A_80 = tpu.memref_slice %arg2[%dma_start3A_78, %dma_start3A_79] : memref<10240x128xf32, #tpu.memory_space<hbm>> -> memref<10240x128xf32, #tpu.memory_space<hbm>>
          tpu.enqueue_indirect_dma source(%dma_start3A_80 : memref<10240x128xf32, #tpu.memory_space<hbm>>) target(%arg10 : memref<128x128xf32, #tpu.memory_space<vmem>>) offsets(%dma_start3A_77 : memref<128xi32, #tpu.memory_space<vmem>>) semaphore(%arg12 : memref<!tpu.dma_semaphore, #tpu.memory_space<semaphore_mem>>)
          %add3A_81 = arith.constant 1 : i32
          %add3A_82 = arith.addi %mul3A_58, %add3A_81 : i32
          %dma_wait3A_83 = arith.constant 0 : i32
          %dma_wait3A_84 = tpu.memref_slice %arg8[%add3A_82, %dma_wait3A_83] : memref<64x128xi32, #tpu.memory_space<vmem>> -> memref<1x128xi32, #tpu.memory_space<vmem>>
          %dma_wait3A_85 = tpu.memref_squeeze %dma_wait3A_84 : memref<1x128xi32, #tpu.memory_space<vmem>> -> memref<128xi32, #tpu.memory_space<vmem>>
          %dma_wait3A_86 = arith.constant 0 : i32
          %dma_wait3A_87 = arith.constant 0 : i32
          %dma_wait3A_88 = tpu.memref_slice %arg2[%dma_wait3A_86, %dma_wait3A_87] : memref<10240x128xf32, #tpu.memory_space<hbm>> -> memref<10240x128xf32, #tpu.memory_space<hbm>>
          tpu.wait_indirect_dma semaphore(%arg13 : memref<!tpu.dma_semaphore, #tpu.memory_space<semaphore_mem>>) src(%dma_wait3A_88 : memref<10240x128xf32, #tpu.memory_space<hbm>>) dst(%arg11 : memref<128x128xf32, #tpu.memory_space<vmem>>)
          %add3A_89 = arith.constant 1 : i32
          %add3A_90 = arith.addi %mul3A_58, %add3A_89 : i32
          "tpu.region"() ({
            %run_scoped3A_91 = tpu.sem_alloc : memref<!tpu.dma_semaphore, #tpu.memory_space<semaphore_mem>>
            %dma_start3A_92 = arith.constant 0 : i32
            %dma_start3A_93 = tpu.memref_slice %arg9[%add3A_90, %dma_start3A_92] : memref<64x128xi32, #tpu.memory_space<vmem>> -> memref<1x128xi32, #tpu.memory_space<vmem>>
            %dma_start3A_94 = tpu.memref_squeeze %dma_start3A_93 : memref<1x128xi32, #tpu.memory_space<vmem>> -> memref<128xi32, #tpu.memory_space<vmem>>
            %dma_start3A_95 = arith.constant 0 : i32
            %dma_start3A_96 = arith.constant 0 : i32
            %dma_start3A_97 = tpu.memref_slice %arg7[%dma_start3A_95, %dma_start3A_96] : memref<10112x128xf32, #tpu.memory_space<vmem_shared>> -> memref<10112x128xf32, #tpu.memory_space<vmem_shared>>
            tpu.enqueue_indirect_dma source(%arg11 : memref<128x128xf32, #tpu.memory_space<vmem>>) target(%dma_start3A_97 : memref<10112x128xf32, #tpu.memory_space<vmem_shared>>) offsets(%dma_start3A_94 : memref<128xi32, #tpu.memory_space<vmem>>) semaphore(%run_scoped3A_91 : memref<!tpu.dma_semaphore, #tpu.memory_space<semaphore_mem>>) {add = true}
            %dma_wait3A_98 = arith.constant 0 : i32
            %dma_wait3A_99 = tpu.memref_slice %arg9[%add3A_90, %dma_wait3A_98] : memref<64x128xi32, #tpu.memory_space<vmem>> -> memref<1x128xi32, #tpu.memory_space<vmem>>
            %dma_wait3A_100 = tpu.memref_squeeze %dma_wait3A_99 : memref<1x128xi32, #tpu.memory_space<vmem>> -> memref<128xi32, #tpu.memory_space<vmem>>
            %dma_wait3A_101 = arith.constant 0 : i32
            %dma_wait3A_102 = arith.constant 0 : i32
            %dma_wait3A_103 = tpu.memref_slice %arg7[%dma_wait3A_101, %dma_wait3A_102] : memref<10112x128xf32, #tpu.memory_space<vmem_shared>> -> memref<10112x128xf32, #tpu.memory_space<vmem_shared>>
            tpu.wait_indirect_dma semaphore(%run_scoped3A_91 : memref<!tpu.dma_semaphore, #tpu.memory_space<semaphore_mem>>) src(%arg11 : memref<128x128xf32, #tpu.memory_space<vmem>>) dst(%dma_wait3A_103 : memref<10112x128xf32, #tpu.memory_space<vmem_shared>>)
            tpu.yield
          }) : () -> ()
        }
        %scan3A_34 = arith.constant 31 : i32
        %dma_start3A_35 = arith.constant 63 : i32
        %dma_start3A_36 = arith.constant 0 : i32
        %dma_start3A_37 = tpu.memref_slice %arg8[%dma_start3A_35, %dma_start3A_36] : memref<64x128xi32, #tpu.memory_space<vmem>> -> memref<1x128xi32, #tpu.memory_space<vmem>>
        %dma_start3A_38 = tpu.memref_squeeze %dma_start3A_37 : memref<1x128xi32, #tpu.memory_space<vmem>> -> memref<128xi32, #tpu.memory_space<vmem>>
        %dma_start3A_39 = arith.constant 0 : i32
        %dma_start3A_40 = arith.constant 0 : i32
        %dma_start3A_41 = tpu.memref_slice %arg2[%dma_start3A_39, %dma_start3A_40] : memref<10240x128xf32, #tpu.memory_space<hbm>> -> memref<10240x128xf32, #tpu.memory_space<hbm>>
        tpu.enqueue_indirect_dma source(%dma_start3A_41 : memref<10240x128xf32, #tpu.memory_space<hbm>>) target(%arg11 : memref<128x128xf32, #tpu.memory_space<vmem>>) offsets(%dma_start3A_38 : memref<128xi32, #tpu.memory_space<vmem>>) semaphore(%arg13 : memref<!tpu.dma_semaphore, #tpu.memory_space<semaphore_mem>>)
        %dma_wait3A = arith.constant 62 : i32
        %dma_wait3A_42 = arith.constant 0 : i32
        %dma_wait3A_43 = tpu.memref_slice %arg8[%dma_wait3A, %dma_wait3A_42] : memref<64x128xi32, #tpu.memory_space<vmem>> -> memref<1x128xi32, #tpu.memory_space<vmem>>
        %dma_wait3A_44 = tpu.memref_squeeze %dma_wait3A_43 : memref<1x128xi32, #tpu.memory_space<vmem>> -> memref<128xi32, #tpu.memory_space<vmem>>
        %dma_wait3A_45 = arith.constant 0 : i32
        %dma_wait3A_46 = arith.constant 0 : i32
        %dma_wait3A_47 = tpu.memref_slice %arg2[%dma_wait3A_45, %dma_wait3A_46] : memref<10240x128xf32, #tpu.memory_space<hbm>> -> memref<10240x128xf32, #tpu.memory_space<hbm>>
        tpu.wait_indirect_dma semaphore(%arg12 : memref<!tpu.dma_semaphore, #tpu.memory_space<semaphore_mem>>) src(%dma_wait3A_47 : memref<10240x128xf32, #tpu.memory_space<hbm>>) dst(%arg10 : memref<128x128xf32, #tpu.memory_space<vmem>>)
        %run_scoped3A = arith.constant 62 : i32
        "tpu.region"() ({
          %run_scoped3A_56 = tpu.sem_alloc : memref<!tpu.dma_semaphore, #tpu.memory_space<semaphore_mem>>
          %dma_start3A_57 = arith.constant 0 : i32
          %dma_start3A_58 = tpu.memref_slice %arg9[%run_scoped3A, %dma_start3A_57] : memref<64x128xi32, #tpu.memory_space<vmem>> -> memref<1x128xi32, #tpu.memory_space<vmem>>
          %dma_start3A_59 = tpu.memref_squeeze %dma_start3A_58 : memref<1x128xi32, #tpu.memory_space<vmem>> -> memref<128xi32, #tpu.memory_space<vmem>>
          %dma_start3A_60 = arith.constant 0 : i32
          %dma_start3A_61 = arith.constant 0 : i32
          %dma_start3A_62 = tpu.memref_slice %arg7[%dma_start3A_60, %dma_start3A_61] : memref<10112x128xf32, #tpu.memory_space<vmem_shared>> -> memref<10112x128xf32, #tpu.memory_space<vmem_shared>>
          tpu.enqueue_indirect_dma source(%arg10 : memref<128x128xf32, #tpu.memory_space<vmem>>) target(%dma_start3A_62 : memref<10112x128xf32, #tpu.memory_space<vmem_shared>>) offsets(%dma_start3A_59 : memref<128xi32, #tpu.memory_space<vmem>>) semaphore(%run_scoped3A_56 : memref<!tpu.dma_semaphore, #tpu.memory_space<semaphore_mem>>) {add = true}
          %dma_wait3A_63 = arith.constant 0 : i32
          %dma_wait3A_64 = tpu.memref_slice %arg9[%run_scoped3A, %dma_wait3A_63] : memref<64x128xi32, #tpu.memory_space<vmem>> -> memref<1x128xi32, #tpu.memory_space<vmem>>
          %dma_wait3A_65 = tpu.memref_squeeze %dma_wait3A_64 : memref<1x128xi32, #tpu.memory_space<vmem>> -> memref<128xi32, #tpu.memory_space<vmem>>
          %dma_wait3A_66 = arith.constant 0 : i32
          %dma_wait3A_67 = arith.constant 0 : i32
          %dma_wait3A_68 = tpu.memref_slice %arg7[%dma_wait3A_66, %dma_wait3A_67] : memref<10112x128xf32, #tpu.memory_space<vmem_shared>> -> memref<10112x128xf32, #tpu.memory_space<vmem_shared>>
          tpu.wait_indirect_dma semaphore(%run_scoped3A_56 : memref<!tpu.dma_semaphore, #tpu.memory_space<semaphore_mem>>) src(%arg10 : memref<128x128xf32, #tpu.memory_space<vmem>>) dst(%dma_wait3A_68 : memref<10112x128xf32, #tpu.memory_space<vmem_shared>>)
          tpu.yield
        }) : () -> ()
        %dma_wait3A_48 = arith.constant 63 : i32
        %dma_wait3A_49 = arith.constant 0 : i32
        %dma_wait3A_50 = tpu.memref_slice %arg8[%dma_wait3A_48, %dma_wait3A_49] : memref<64x128xi32, #tpu.memory_space<vmem>> -> memref<1x128xi32, #tpu.memory_space<vmem>>
        %dma_wait3A_51 = tpu.memref_squeeze %dma_wait3A_50 : memref<1x128xi32, #tpu.memory_space<vmem>> -> memref<128xi32, #tpu.memory_space<vmem>>
        %dma_wait3A_52 = arith.constant 0 : i32
        %dma_wait3A_53 = arith.constant 0 : i32
        %dma_wait3A_54 = tpu.memref_slice %arg2[%dma_wait3A_52, %dma_wait3A_53] : memref<10240x128xf32, #tpu.memory_space<hbm>> -> memref<10240x128xf32, #tpu.memory_space<hbm>>
        tpu.wait_indirect_dma semaphore(%arg13 : memref<!tpu.dma_semaphore, #tpu.memory_space<semaphore_mem>>) src(%dma_wait3A_54 : memref<10240x128xf32, #tpu.memory_space<hbm>>) dst(%arg11 : memref<128x128xf32, #tpu.memory_space<vmem>>)
        %run_scoped3A_55 = arith.constant 63 : i32
        "tpu.region"() ({
          %run_scoped3A_56 = tpu.sem_alloc : memref<!tpu.dma_semaphore, #tpu.memory_space<semaphore_mem>>
          %dma_start3A_57 = arith.constant 0 : i32
          %dma_start3A_58 = tpu.memref_slice %arg9[%run_scoped3A_55, %dma_start3A_57] : memref<64x128xi32, #tpu.memory_space<vmem>> -> memref<1x128xi32, #tpu.memory_space<vmem>>
          %dma_start3A_59 = tpu.memref_squeeze %dma_start3A_58 : memref<1x128xi32, #tpu.memory_space<vmem>> -> memref<128xi32, #tpu.memory_space<vmem>>
          %dma_start3A_60 = arith.constant 0 : i32
          %dma_start3A_61 = arith.constant 0 : i32
          %dma_start3A_62 = tpu.memref_slice %arg7[%dma_start3A_60, %dma_start3A_61] : memref<10112x128xf32, #tpu.memory_space<vmem_shared>> -> memref<10112x128xf32, #tpu.memory_space<vmem_shared>>
          tpu.enqueue_indirect_dma source(%arg11 : memref<128x128xf32, #tpu.memory_space<vmem>>) target(%dma_start3A_62 : memref<10112x128xf32, #tpu.memory_space<vmem_shared>>) offsets(%dma_start3A_59 : memref<128xi32, #tpu.memory_space<vmem>>) semaphore(%run_scoped3A_56 : memref<!tpu.dma_semaphore, #tpu.memory_space<semaphore_mem>>) {add = true}
          %dma_wait3A_63 = arith.constant 0 : i32
          %dma_wait3A_64 = tpu.memref_slice %arg9[%run_scoped3A_55, %dma_wait3A_63] : memref<64x128xi32, #tpu.memory_space<vmem>> -> memref<1x128xi32, #tpu.memory_space<vmem>>
          %dma_wait3A_65 = tpu.memref_squeeze %dma_wait3A_64 : memref<1x128xi32, #tpu.memory_space<vmem>> -> memref<128xi32, #tpu.memory_space<vmem>>
          %dma_wait3A_66 = arith.constant 0 : i32
          %dma_wait3A_67 = arith.constant 0 : i32
          %dma_wait3A_68 = tpu.memref_slice %arg7[%dma_wait3A_66, %dma_wait3A_67] : memref<10112x128xf32, #tpu.memory_space<vmem_shared>> -> memref<10112x128xf32, #tpu.memory_space<vmem_shared>>
          tpu.wait_indirect_dma semaphore(%run_scoped3A_56 : memref<!tpu.dma_semaphore, #tpu.memory_space<semaphore_mem>>) src(%arg11 : memref<128x128xf32, #tpu.memory_space<vmem>>) dst(%dma_wait3A_68 : memref<10112x128xf32, #tpu.memory_space<vmem_shared>>)
          tpu.yield
        }) : () -> ()
      }
      %scan3A_19 = arith.constant 2 : i32
    } else {
    }
    %eq3A_3 = arith.constant 1 : i32
    %eq3A_4 = arith.cmpi eq, %arg0, %eq3A_3 : i32
    %convert_element_type3A_5 = arith.extui %eq3A_4 : i1 to i32
    %cond3A_6 = arith.constant 0 : i32
    %cond3A_7 = arith.cmpi ne, %convert_element_type3A_5, %cond3A_6 : i32
    scf.if %cond3A_7 {
      %mul3A_13 = arith.constant 32 : i32
      %mul3A_14 = arith.muli %arg1, %mul3A_13 : i32
      %add3A = arith.constant 2048 : i32
      %add3A_15 = arith.addi %add3A, %mul3A_14 : i32
      %scan3A = arith.constant 0 : i32
      %scan3A_16 = arith.constant 0 : i32
      %scan3A_17 = arith.constant 2 : i32
      %scan3A_18 = arith.addi %scan3A_16, %scan3A_17 : i32
      %scan3A_19 = arith.constant 1 : i32
      scf.for %scan3A_21 = %scan3A_16 to %scan3A_18 step %scan3A_19  : i32 {
        %mul3A_22 = arith.constant 16 : i32
        %mul3A_23 = arith.muli %scan3A_21, %mul3A_22 : i32
        %add3A_24 = arith.addi %add3A_15, %mul3A_23 : i32
        "tpu.region"() ({
          %run_scoped3A_58 = tpu.sem_alloc : memref<!tpu.dma_semaphore, #tpu.memory_space<semaphore_mem>>
          %dma_start3A_59 = arith.constant 0 : i32
          %dma_start3A_60 = arith.constant 0 : i32
          %dma_start3A_61 = tpu.memref_slice %arg8[%dma_start3A_59, %dma_start3A_60] : memref<64x128xi32, #tpu.memory_space<vmem>> -> memref<16x128xi32, #tpu.memory_space<vmem>>
          %dma_start3A_62 = arith.constant 0 : i32
          %dma_start3A_63 = tpu.memref_slice %arg3[%add3A_24, %dma_start3A_62] : memref<2560x128xi32, #tpu.memory_space<hbm>> -> memref<16x128xi32, #tpu.memory_space<hbm>>
          %dma_start3A_64 = arith.constant 0 : i32
          %dma_start3A_65 = arith.constant 0 : i32
          %dma_start3A_66 = tpu.memref_slice %arg8[%dma_start3A_64, %dma_start3A_65] : memref<64x128xi32, #tpu.memory_space<vmem>> -> memref<16x128xi32, #tpu.memory_space<vmem>>
          %dma_start3A_67 = arith.constant 0 : i32
          %dma_start3A_68 = tpu.memref_slice %arg3[%add3A_24, %dma_start3A_67] : memref<2560x128xi32, #tpu.memory_space<hbm>> -> memref<16x128xi32, #tpu.memory_space<hbm>>
          tpu.enqueue_dma source(%dma_start3A_68 : memref<16x128xi32, #tpu.memory_space<hbm>>) target(%dma_start3A_66 : memref<16x128xi32, #tpu.memory_space<vmem>>) target_semaphore(%run_scoped3A_58 : memref<!tpu.dma_semaphore, #tpu.memory_space<semaphore_mem>>)
          %dma_wait3A_69 = arith.constant 0 : i32
          %dma_wait3A_70 = arith.constant 0 : i32
          %dma_wait3A_71 = tpu.memref_slice %arg8[%dma_wait3A_69, %dma_wait3A_70] : memref<64x128xi32, #tpu.memory_space<vmem>> -> memref<16x128xi32, #tpu.memory_space<vmem>>
          %dma_wait3A_72 = arith.constant 0 : i32
          %dma_wait3A_73 = tpu.memref_slice %arg3[%add3A_24, %dma_wait3A_72] : memref<2560x128xi32, #tpu.memory_space<hbm>> -> memref<16x128xi32, #tpu.memory_space<hbm>>
          %dma_wait3A_74 = arith.constant 0 : i32
          %dma_wait3A_75 = arith.constant 0 : i32
          %dma_wait3A_76 = tpu.memref_slice %arg8[%dma_wait3A_74, %dma_wait3A_75] : memref<64x128xi32, #tpu.memory_space<vmem>> -> memref<16x128xi32, #tpu.memory_space<vmem>>
          %dma_wait3A_77 = arith.constant 0 : i32
          %dma_wait3A_78 = tpu.memref_slice %arg3[%add3A_24, %dma_wait3A_77] : memref<2560x128xi32, #tpu.memory_space<hbm>> -> memref<16x128xi32, #tpu.memory_space<hbm>>
          tpu.wait_dma2 semaphore(%run_scoped3A_58 : memref<!tpu.dma_semaphore, #tpu.memory_space<semaphore_mem>>) src(%dma_wait3A_78 : memref<16x128xi32, #tpu.memory_space<hbm>>) dst(%dma_wait3A_76 : memref<16x128xi32, #tpu.memory_space<vmem>>)
          tpu.yield
        }) : () -> ()
        "tpu.region"() ({
          %run_scoped3A_58 = tpu.sem_alloc : memref<!tpu.dma_semaphore, #tpu.memory_space<semaphore_mem>>
          %dma_start3A_59 = arith.constant 0 : i32
          %dma_start3A_60 = arith.constant 0 : i32
          %dma_start3A_61 = tpu.memref_slice %arg9[%dma_start3A_59, %dma_start3A_60] : memref<64x128xi32, #tpu.memory_space<vmem>> -> memref<16x128xi32, #tpu.memory_space<vmem>>
          %dma_start3A_62 = arith.constant 0 : i32
          %dma_start3A_63 = tpu.memref_slice %arg4[%add3A_24, %dma_start3A_62] : memref<2560x128xi32, #tpu.memory_space<hbm>> -> memref<16x128xi32, #tpu.memory_space<hbm>>
          %dma_start3A_64 = arith.constant 0 : i32
          %dma_start3A_65 = arith.constant 0 : i32
          %dma_start3A_66 = tpu.memref_slice %arg9[%dma_start3A_64, %dma_start3A_65] : memref<64x128xi32, #tpu.memory_space<vmem>> -> memref<16x128xi32, #tpu.memory_space<vmem>>
          %dma_start3A_67 = arith.constant 0 : i32
          %dma_start3A_68 = tpu.memref_slice %arg4[%add3A_24, %dma_start3A_67] : memref<2560x128xi32, #tpu.memory_space<hbm>> -> memref<16x128xi32, #tpu.memory_space<hbm>>
          tpu.enqueue_dma source(%dma_start3A_68 : memref<16x128xi32, #tpu.memory_space<hbm>>) target(%dma_start3A_66 : memref<16x128xi32, #tpu.memory_space<vmem>>) target_semaphore(%run_scoped3A_58 : memref<!tpu.dma_semaphore, #tpu.memory_space<semaphore_mem>>)
          %dma_wait3A_69 = arith.constant 0 : i32
          %dma_wait3A_70 = arith.constant 0 : i32
          %dma_wait3A_71 = tpu.memref_slice %arg9[%dma_wait3A_69, %dma_wait3A_70] : memref<64x128xi32, #tpu.memory_space<vmem>> -> memref<16x128xi32, #tpu.memory_space<vmem>>
          %dma_wait3A_72 = arith.constant 0 : i32
          %dma_wait3A_73 = tpu.memref_slice %arg4[%add3A_24, %dma_wait3A_72] : memref<2560x128xi32, #tpu.memory_space<hbm>> -> memref<16x128xi32, #tpu.memory_space<hbm>>
          %dma_wait3A_74 = arith.constant 0 : i32
          %dma_wait3A_75 = arith.constant 0 : i32
          %dma_wait3A_76 = tpu.memref_slice %arg9[%dma_wait3A_74, %dma_wait3A_75] : memref<64x128xi32, #tpu.memory_space<vmem>> -> memref<16x128xi32, #tpu.memory_space<vmem>>
          %dma_wait3A_77 = arith.constant 0 : i32
          %dma_wait3A_78 = tpu.memref_slice %arg4[%add3A_24, %dma_wait3A_77] : memref<2560x128xi32, #tpu.memory_space<hbm>> -> memref<16x128xi32, #tpu.memory_space<hbm>>
          tpu.wait_dma2 semaphore(%run_scoped3A_58 : memref<!tpu.dma_semaphore, #tpu.memory_space<semaphore_mem>>) src(%dma_wait3A_78 : memref<16x128xi32, #tpu.memory_space<hbm>>) dst(%dma_wait3A_76 : memref<16x128xi32, #tpu.memory_space<vmem>>)
          tpu.yield
        }) : () -> ()
        %dma_start3A = arith.constant 0 : i32
        %dma_start3A_25 = arith.constant 0 : i32
        %dma_start3A_26 = tpu.memref_slice %arg8[%dma_start3A, %dma_start3A_25] : memref<64x128xi32, #tpu.memory_space<vmem>> -> memref<1x128xi32, #tpu.memory_space<vmem>>
        %dma_start3A_27 = tpu.memref_squeeze %dma_start3A_26 : memref<1x128xi32, #tpu.memory_space<vmem>> -> memref<128xi32, #tpu.memory_space<vmem>>
        %dma_start3A_28 = arith.constant 0 : i32
        %dma_start3A_29 = arith.constant 0 : i32
        %dma_start3A_30 = tpu.memref_slice %arg2[%dma_start3A_28, %dma_start3A_29] : memref<10240x128xf32, #tpu.memory_space<hbm>> -> memref<10240x128xf32, #tpu.memory_space<hbm>>
        tpu.enqueue_indirect_dma source(%dma_start3A_30 : memref<10240x128xf32, #tpu.memory_space<hbm>>) target(%arg10 : memref<128x128xf32, #tpu.memory_space<vmem>>) offsets(%dma_start3A_27 : memref<128xi32, #tpu.memory_space<vmem>>) semaphore(%arg12 : memref<!tpu.dma_semaphore, #tpu.memory_space<semaphore_mem>>)
        %scan3A_31 = arith.constant 0 : i32
        %scan3A_32 = arith.constant 0 : i32
        %scan3A_33 = arith.constant 7 : i32
        %scan3A_34 = arith.addi %scan3A_32, %scan3A_33 : i32
        %scan3A_35 = arith.constant 1 : i32
        scf.for %scan3A_58 = %scan3A_32 to %scan3A_34 step %scan3A_35  : i32 {
          %mul3A_59 = arith.constant 2 : i32
          %mul3A_60 = arith.muli %mul3A_59, %scan3A_58 : i32
          %add3A_61 = arith.constant 1 : i32
          %add3A_62 = arith.addi %mul3A_60, %add3A_61 : i32
          %dma_start3A_63 = arith.constant 0 : i32
          %dma_start3A_64 = tpu.memref_slice %arg8[%add3A_62, %dma_start3A_63] : memref<64x128xi32, #tpu.memory_space<vmem>> -> memref<1x128xi32, #tpu.memory_space<vmem>>
          %dma_start3A_65 = tpu.memref_squeeze %dma_start3A_64 : memref<1x128xi32, #tpu.memory_space<vmem>> -> memref<128xi32, #tpu.memory_space<vmem>>
          %dma_start3A_66 = arith.constant 0 : i32
          %dma_start3A_67 = arith.constant 0 : i32
          %dma_start3A_68 = tpu.memref_slice %arg2[%dma_start3A_66, %dma_start3A_67] : memref<10240x128xf32, #tpu.memory_space<hbm>> -> memref<10240x128xf32, #tpu.memory_space<hbm>>
          tpu.enqueue_indirect_dma source(%dma_start3A_68 : memref<10240x128xf32, #tpu.memory_space<hbm>>) target(%arg11 : memref<128x128xf32, #tpu.memory_space<vmem>>) offsets(%dma_start3A_65 : memref<128xi32, #tpu.memory_space<vmem>>) semaphore(%arg13 : memref<!tpu.dma_semaphore, #tpu.memory_space<semaphore_mem>>)
          %dma_wait3A_69 = arith.constant 0 : i32
          %dma_wait3A_70 = tpu.memref_slice %arg8[%mul3A_60, %dma_wait3A_69] : memref<64x128xi32, #tpu.memory_space<vmem>> -> memref<1x128xi32, #tpu.memory_space<vmem>>
          %dma_wait3A_71 = tpu.memref_squeeze %dma_wait3A_70 : memref<1x128xi32, #tpu.memory_space<vmem>> -> memref<128xi32, #tpu.memory_space<vmem>>
          %dma_wait3A_72 = arith.constant 0 : i32
          %dma_wait3A_73 = arith.constant 0 : i32
          %dma_wait3A_74 = tpu.memref_slice %arg2[%dma_wait3A_72, %dma_wait3A_73] : memref<10240x128xf32, #tpu.memory_space<hbm>> -> memref<10240x128xf32, #tpu.memory_space<hbm>>
          tpu.wait_indirect_dma semaphore(%arg12 : memref<!tpu.dma_semaphore, #tpu.memory_space<semaphore_mem>>) src(%dma_wait3A_74 : memref<10240x128xf32, #tpu.memory_space<hbm>>) dst(%arg10 : memref<128x128xf32, #tpu.memory_space<vmem>>)
          "tpu.region"() ({
            %run_scoped3A_93 = tpu.sem_alloc : memref<!tpu.dma_semaphore, #tpu.memory_space<semaphore_mem>>
            %dma_start3A_94 = arith.constant 0 : i32
            %dma_start3A_95 = tpu.memref_slice %arg9[%mul3A_60, %dma_start3A_94] : memref<64x128xi32, #tpu.memory_space<vmem>> -> memref<1x128xi32, #tpu.memory_space<vmem>>
            %dma_start3A_96 = tpu.memref_squeeze %dma_start3A_95 : memref<1x128xi32, #tpu.memory_space<vmem>> -> memref<128xi32, #tpu.memory_space<vmem>>
            %dma_start3A_97 = arith.constant 0 : i32
            %dma_start3A_98 = arith.constant 0 : i32
            %dma_start3A_99 = tpu.memref_slice %arg7[%dma_start3A_97, %dma_start3A_98] : memref<10112x128xf32, #tpu.memory_space<vmem_shared>> -> memref<10112x128xf32, #tpu.memory_space<vmem_shared>>
            tpu.enqueue_indirect_dma source(%arg10 : memref<128x128xf32, #tpu.memory_space<vmem>>) target(%dma_start3A_99 : memref<10112x128xf32, #tpu.memory_space<vmem_shared>>) offsets(%dma_start3A_96 : memref<128xi32, #tpu.memory_space<vmem>>) semaphore(%run_scoped3A_93 : memref<!tpu.dma_semaphore, #tpu.memory_space<semaphore_mem>>) {add = true}
            %dma_wait3A_100 = arith.constant 0 : i32
            %dma_wait3A_101 = tpu.memref_slice %arg9[%mul3A_60, %dma_wait3A_100] : memref<64x128xi32, #tpu.memory_space<vmem>> -> memref<1x128xi32, #tpu.memory_space<vmem>>
            %dma_wait3A_102 = tpu.memref_squeeze %dma_wait3A_101 : memref<1x128xi32, #tpu.memory_space<vmem>> -> memref<128xi32, #tpu.memory_space<vmem>>
            %dma_wait3A_103 = arith.constant 0 : i32
            %dma_wait3A_104 = arith.constant 0 : i32
            %dma_wait3A_105 = tpu.memref_slice %arg7[%dma_wait3A_103, %dma_wait3A_104] : memref<10112x128xf32, #tpu.memory_space<vmem_shared>> -> memref<10112x128xf32, #tpu.memory_space<vmem_shared>>
            tpu.wait_indirect_dma semaphore(%run_scoped3A_93 : memref<!tpu.dma_semaphore, #tpu.memory_space<semaphore_mem>>) src(%arg10 : memref<128x128xf32, #tpu.memory_space<vmem>>) dst(%dma_wait3A_105 : memref<10112x128xf32, #tpu.memory_space<vmem_shared>>)
            tpu.yield
          }) : () -> ()
          %add3A_75 = arith.constant 2 : i32
          %add3A_76 = arith.addi %mul3A_60, %add3A_75 : i32
          %dma_start3A_77 = arith.constant 0 : i32
          %dma_start3A_78 = tpu.memref_slice %arg8[%add3A_76, %dma_start3A_77] : memref<64x128xi32, #tpu.memory_space<vmem>> -> memref<1x128xi32, #tpu.memory_space<vmem>>
          %dma_start3A_79 = tpu.memref_squeeze %dma_start3A_78 : memref<1x128xi32, #tpu.memory_space<vmem>> -> memref<128xi32, #tpu.memory_space<vmem>>
          %dma_start3A_80 = arith.constant 0 : i32
          %dma_start3A_81 = arith.constant 0 : i32
          %dma_start3A_82 = tpu.memref_slice %arg2[%dma_start3A_80, %dma_start3A_81] : memref<10240x128xf32, #tpu.memory_space<hbm>> -> memref<10240x128xf32, #tpu.memory_space<hbm>>
          tpu.enqueue_indirect_dma source(%dma_start3A_82 : memref<10240x128xf32, #tpu.memory_space<hbm>>) target(%arg10 : memref<128x128xf32, #tpu.memory_space<vmem>>) offsets(%dma_start3A_79 : memref<128xi32, #tpu.memory_space<vmem>>) semaphore(%arg12 : memref<!tpu.dma_semaphore, #tpu.memory_space<semaphore_mem>>)
          %add3A_83 = arith.constant 1 : i32
          %add3A_84 = arith.addi %mul3A_60, %add3A_83 : i32
          %dma_wait3A_85 = arith.constant 0 : i32
          %dma_wait3A_86 = tpu.memref_slice %arg8[%add3A_84, %dma_wait3A_85] : memref<64x128xi32, #tpu.memory_space<vmem>> -> memref<1x128xi32, #tpu.memory_space<vmem>>
          %dma_wait3A_87 = tpu.memref_squeeze %dma_wait3A_86 : memref<1x128xi32, #tpu.memory_space<vmem>> -> memref<128xi32, #tpu.memory_space<vmem>>
          %dma_wait3A_88 = arith.constant 0 : i32
          %dma_wait3A_89 = arith.constant 0 : i32
          %dma_wait3A_90 = tpu.memref_slice %arg2[%dma_wait3A_88, %dma_wait3A_89] : memref<10240x128xf32, #tpu.memory_space<hbm>> -> memref<10240x128xf32, #tpu.memory_space<hbm>>
          tpu.wait_indirect_dma semaphore(%arg13 : memref<!tpu.dma_semaphore, #tpu.memory_space<semaphore_mem>>) src(%dma_wait3A_90 : memref<10240x128xf32, #tpu.memory_space<hbm>>) dst(%arg11 : memref<128x128xf32, #tpu.memory_space<vmem>>)
          %add3A_91 = arith.constant 1 : i32
          %add3A_92 = arith.addi %mul3A_60, %add3A_91 : i32
          "tpu.region"() ({
            %run_scoped3A_93 = tpu.sem_alloc : memref<!tpu.dma_semaphore, #tpu.memory_space<semaphore_mem>>
            %dma_start3A_94 = arith.constant 0 : i32
            %dma_start3A_95 = tpu.memref_slice %arg9[%add3A_92, %dma_start3A_94] : memref<64x128xi32, #tpu.memory_space<vmem>> -> memref<1x128xi32, #tpu.memory_space<vmem>>
            %dma_start3A_96 = tpu.memref_squeeze %dma_start3A_95 : memref<1x128xi32, #tpu.memory_space<vmem>> -> memref<128xi32, #tpu.memory_space<vmem>>
            %dma_start3A_97 = arith.constant 0 : i32
            %dma_start3A_98 = arith.constant 0 : i32
            %dma_start3A_99 = tpu.memref_slice %arg7[%dma_start3A_97, %dma_start3A_98] : memref<10112x128xf32, #tpu.memory_space<vmem_shared>> -> memref<10112x128xf32, #tpu.memory_space<vmem_shared>>
            tpu.enqueue_indirect_dma source(%arg11 : memref<128x128xf32, #tpu.memory_space<vmem>>) target(%dma_start3A_99 : memref<10112x128xf32, #tpu.memory_space<vmem_shared>>) offsets(%dma_start3A_96 : memref<128xi32, #tpu.memory_space<vmem>>) semaphore(%run_scoped3A_93 : memref<!tpu.dma_semaphore, #tpu.memory_space<semaphore_mem>>) {add = true}
            %dma_wait3A_100 = arith.constant 0 : i32
            %dma_wait3A_101 = tpu.memref_slice %arg9[%add3A_92, %dma_wait3A_100] : memref<64x128xi32, #tpu.memory_space<vmem>> -> memref<1x128xi32, #tpu.memory_space<vmem>>
            %dma_wait3A_102 = tpu.memref_squeeze %dma_wait3A_101 : memref<1x128xi32, #tpu.memory_space<vmem>> -> memref<128xi32, #tpu.memory_space<vmem>>
            %dma_wait3A_103 = arith.constant 0 : i32
            %dma_wait3A_104 = arith.constant 0 : i32
            %dma_wait3A_105 = tpu.memref_slice %arg7[%dma_wait3A_103, %dma_wait3A_104] : memref<10112x128xf32, #tpu.memory_space<vmem_shared>> -> memref<10112x128xf32, #tpu.memory_space<vmem_shared>>
            tpu.wait_indirect_dma semaphore(%run_scoped3A_93 : memref<!tpu.dma_semaphore, #tpu.memory_space<semaphore_mem>>) src(%arg11 : memref<128x128xf32, #tpu.memory_space<vmem>>) dst(%dma_wait3A_105 : memref<10112x128xf32, #tpu.memory_space<vmem_shared>>)
            tpu.yield
          }) : () -> ()
        }
        %scan3A_36 = arith.constant 7 : i32
        %dma_start3A_37 = arith.constant 15 : i32
        %dma_start3A_38 = arith.constant 0 : i32
        %dma_start3A_39 = tpu.memref_slice %arg8[%dma_start3A_37, %dma_start3A_38] : memref<64x128xi32, #tpu.memory_space<vmem>> -> memref<1x128xi32, #tpu.memory_space<vmem>>
        %dma_start3A_40 = tpu.memref_squeeze %dma_start3A_39 : memref<1x128xi32, #tpu.memory_space<vmem>> -> memref<128xi32, #tpu.memory_space<vmem>>
        %dma_start3A_41 = arith.constant 0 : i32
        %dma_start3A_42 = arith.constant 0 : i32
        %dma_start3A_43 = tpu.memref_slice %arg2[%dma_start3A_41, %dma_start3A_42] : memref<10240x128xf32, #tpu.memory_space<hbm>> -> memref<10240x128xf32, #tpu.memory_space<hbm>>
        tpu.enqueue_indirect_dma source(%dma_start3A_43 : memref<10240x128xf32, #tpu.memory_space<hbm>>) target(%arg11 : memref<128x128xf32, #tpu.memory_space<vmem>>) offsets(%dma_start3A_40 : memref<128xi32, #tpu.memory_space<vmem>>) semaphore(%arg13 : memref<!tpu.dma_semaphore, #tpu.memory_space<semaphore_mem>>)
        %dma_wait3A = arith.constant 14 : i32
        %dma_wait3A_44 = arith.constant 0 : i32
        %dma_wait3A_45 = tpu.memref_slice %arg8[%dma_wait3A, %dma_wait3A_44] : memref<64x128xi32, #tpu.memory_space<vmem>> -> memref<1x128xi32, #tpu.memory_space<vmem>>
        %dma_wait3A_46 = tpu.memref_squeeze %dma_wait3A_45 : memref<1x128xi32, #tpu.memory_space<vmem>> -> memref<128xi32, #tpu.memory_space<vmem>>
        %dma_wait3A_47 = arith.constant 0 : i32
        %dma_wait3A_48 = arith.constant 0 : i32
        %dma_wait3A_49 = tpu.memref_slice %arg2[%dma_wait3A_47, %dma_wait3A_48] : memref<10240x128xf32, #tpu.memory_space<hbm>> -> memref<10240x128xf32, #tpu.memory_space<hbm>>
        tpu.wait_indirect_dma semaphore(%arg12 : memref<!tpu.dma_semaphore, #tpu.memory_space<semaphore_mem>>) src(%dma_wait3A_49 : memref<10240x128xf32, #tpu.memory_space<hbm>>) dst(%arg10 : memref<128x128xf32, #tpu.memory_space<vmem>>)
        %run_scoped3A = arith.constant 14 : i32
        "tpu.region"() ({
          %run_scoped3A_58 = tpu.sem_alloc : memref<!tpu.dma_semaphore, #tpu.memory_space<semaphore_mem>>
          %dma_start3A_59 = arith.constant 0 : i32
          %dma_start3A_60 = tpu.memref_slice %arg9[%run_scoped3A, %dma_start3A_59] : memref<64x128xi32, #tpu.memory_space<vmem>> -> memref<1x128xi32, #tpu.memory_space<vmem>>
          %dma_start3A_61 = tpu.memref_squeeze %dma_start3A_60 : memref<1x128xi32, #tpu.memory_space<vmem>> -> memref<128xi32, #tpu.memory_space<vmem>>
          %dma_start3A_62 = arith.constant 0 : i32
          %dma_start3A_63 = arith.constant 0 : i32
          %dma_start3A_64 = tpu.memref_slice %arg7[%dma_start3A_62, %dma_start3A_63] : memref<10112x128xf32, #tpu.memory_space<vmem_shared>> -> memref<10112x128xf32, #tpu.memory_space<vmem_shared>>
          tpu.enqueue_indirect_dma source(%arg10 : memref<128x128xf32, #tpu.memory_space<vmem>>) target(%dma_start3A_64 : memref<10112x128xf32, #tpu.memory_space<vmem_shared>>) offsets(%dma_start3A_61 : memref<128xi32, #tpu.memory_space<vmem>>) semaphore(%run_scoped3A_58 : memref<!tpu.dma_semaphore, #tpu.memory_space<semaphore_mem>>) {add = true}
          %dma_wait3A_65 = arith.constant 0 : i32
          %dma_wait3A_66 = tpu.memref_slice %arg9[%run_scoped3A, %dma_wait3A_65] : memref<64x128xi32, #tpu.memory_space<vmem>> -> memref<1x128xi32, #tpu.memory_space<vmem>>
          %dma_wait3A_67 = tpu.memref_squeeze %dma_wait3A_66 : memref<1x128xi32, #tpu.memory_space<vmem>> -> memref<128xi32, #tpu.memory_space<vmem>>
          %dma_wait3A_68 = arith.constant 0 : i32
          %dma_wait3A_69 = arith.constant 0 : i32
          %dma_wait3A_70 = tpu.memref_slice %arg7[%dma_wait3A_68, %dma_wait3A_69] : memref<10112x128xf32, #tpu.memory_space<vmem_shared>> -> memref<10112x128xf32, #tpu.memory_space<vmem_shared>>
          tpu.wait_indirect_dma semaphore(%run_scoped3A_58 : memref<!tpu.dma_semaphore, #tpu.memory_space<semaphore_mem>>) src(%arg10 : memref<128x128xf32, #tpu.memory_space<vmem>>) dst(%dma_wait3A_70 : memref<10112x128xf32, #tpu.memory_space<vmem_shared>>)
          tpu.yield
        }) : () -> ()
        %dma_wait3A_50 = arith.constant 15 : i32
        %dma_wait3A_51 = arith.constant 0 : i32
        %dma_wait3A_52 = tpu.memref_slice %arg8[%dma_wait3A_50, %dma_wait3A_51] : memref<64x128xi32, #tpu.memory_space<vmem>> -> memref<1x128xi32, #tpu.memory_space<vmem>>
        %dma_wait3A_53 = tpu.memref_squeeze %dma_wait3A_52 : memref<1x128xi32, #tpu.memory_space<vmem>> -> memref<128xi32, #tpu.memory_space<vmem>>
        %dma_wait3A_54 = arith.constant 0 : i32
        %dma_wait3A_55 = arith.constant 0 : i32
        %dma_wait3A_56 = tpu.memref_slice %arg2[%dma_wait3A_54, %dma_wait3A_55] : memref<10240x128xf32, #tpu.memory_space<hbm>> -> memref<10240x128xf32, #tpu.memory_space<hbm>>
        tpu.wait_indirect_dma semaphore(%arg13 : memref<!tpu.dma_semaphore, #tpu.memory_space<semaphore_mem>>) src(%dma_wait3A_56 : memref<10240x128xf32, #tpu.memory_space<hbm>>) dst(%arg11 : memref<128x128xf32, #tpu.memory_space<vmem>>)
        %run_scoped3A_57 = arith.constant 15 : i32
        "tpu.region"() ({
          %run_scoped3A_58 = tpu.sem_alloc : memref<!tpu.dma_semaphore, #tpu.memory_space<semaphore_mem>>
          %dma_start3A_59 = arith.constant 0 : i32
          %dma_start3A_60 = tpu.memref_slice %arg9[%run_scoped3A_57, %dma_start3A_59] : memref<64x128xi32, #tpu.memory_space<vmem>> -> memref<1x128xi32, #tpu.memory_space<vmem>>
          %dma_start3A_61 = tpu.memref_squeeze %dma_start3A_60 : memref<1x128xi32, #tpu.memory_space<vmem>> -> memref<128xi32, #tpu.memory_space<vmem>>
          %dma_start3A_62 = arith.constant 0 : i32
          %dma_start3A_63 = arith.constant 0 : i32
          %dma_start3A_64 = tpu.memref_slice %arg7[%dma_start3A_62, %dma_start3A_63] : memref<10112x128xf32, #tpu.memory_space<vmem_shared>> -> memref<10112x128xf32, #tpu.memory_space<vmem_shared>>
          tpu.enqueue_indirect_dma source(%arg11 : memref<128x128xf32, #tpu.memory_space<vmem>>) target(%dma_start3A_64 : memref<10112x128xf32, #tpu.memory_space<vmem_shared>>) offsets(%dma_start3A_61 : memref<128xi32, #tpu.memory_space<vmem>>) semaphore(%run_scoped3A_58 : memref<!tpu.dma_semaphore, #tpu.memory_space<semaphore_mem>>) {add = true}
          %dma_wait3A_65 = arith.constant 0 : i32
          %dma_wait3A_66 = tpu.memref_slice %arg9[%run_scoped3A_57, %dma_wait3A_65] : memref<64x128xi32, #tpu.memory_space<vmem>> -> memref<1x128xi32, #tpu.memory_space<vmem>>
          %dma_wait3A_67 = tpu.memref_squeeze %dma_wait3A_66 : memref<1x128xi32, #tpu.memory_space<vmem>> -> memref<128xi32, #tpu.memory_space<vmem>>
          %dma_wait3A_68 = arith.constant 0 : i32
          %dma_wait3A_69 = arith.constant 0 : i32
          %dma_wait3A_70 = tpu.memref_slice %arg7[%dma_wait3A_68, %dma_wait3A_69] : memref<10112x128xf32, #tpu.memory_space<vmem_shared>> -> memref<10112x128xf32, #tpu.memory_space<vmem_shared>>
          tpu.wait_indirect_dma semaphore(%run_scoped3A_58 : memref<!tpu.dma_semaphore, #tpu.memory_space<semaphore_mem>>) src(%arg11 : memref<128x128xf32, #tpu.memory_space<vmem>>) dst(%dma_wait3A_70 : memref<10112x128xf32, #tpu.memory_space<vmem_shared>>)
          tpu.yield
        }) : () -> ()
      }
      %scan3A_20 = arith.constant 2 : i32
    } else {
    }
    %barrier3A_8 = arith.constant 0 : index
    tpu.barrier barrier_id(%barrier3A_8)
    %mul3A_9 = arith.constant 632 : i32
    %mul3A_10 = arith.muli %arg1, %mul3A_9 : i32
    %mul3A_11 = arith.constant 632 : i32
    %mul3A_12 = arith.muli %arg1, %mul3A_11 : i32
    "tpu.region"() ({
      %run_scoped3A = tpu.sem_alloc : memref<!tpu.dma_semaphore, #tpu.memory_space<semaphore_mem>>
      %dma_start3A = arith.constant 0 : i32
      %dma_start3A_13 = tpu.memref_slice %arg6[%arg0, %mul3A_12, %dma_start3A] : memref<2x10240x128xf32, #tpu.memory_space<hbm>> -> memref<1x632x128xf32, #tpu.memory_space<hbm>>
      %dma_start3A_14 = tpu.memref_squeeze %dma_start3A_13 : memref<1x632x128xf32, #tpu.memory_space<hbm>> -> memref<632x128xf32, #tpu.memory_space<hbm>>
      %dma_start3A_15 = arith.constant 0 : i32
      %dma_start3A_16 = tpu.memref_slice %arg7[%mul3A_10, %dma_start3A_15] : memref<10112x128xf32, #tpu.memory_space<vmem_shared>> -> memref<632x128xf32, #tpu.memory_space<vmem_shared>>
      tpu.enqueue_dma source(%dma_start3A_16 : memref<632x128xf32, #tpu.memory_space<vmem_shared>>) target(%dma_start3A_14 : memref<632x128xf32, #tpu.memory_space<hbm>>) target_semaphore(%run_scoped3A : memref<!tpu.dma_semaphore, #tpu.memory_space<semaphore_mem>>)
      %dma_wait3A = arith.constant 0 : i32
      %dma_wait3A_17 = tpu.memref_slice %arg6[%arg0, %mul3A_12, %dma_wait3A] : memref<2x10240x128xf32, #tpu.memory_space<hbm>> -> memref<1x632x128xf32, #tpu.memory_space<hbm>>
      %dma_wait3A_18 = tpu.memref_squeeze %dma_wait3A_17 : memref<1x632x128xf32, #tpu.memory_space<hbm>> -> memref<632x128xf32, #tpu.memory_space<hbm>>
      %dma_wait3A_19 = arith.constant 0 : i32
      %dma_wait3A_20 = tpu.memref_slice %arg7[%mul3A_10, %dma_wait3A_19] : memref<10112x128xf32, #tpu.memory_space<vmem_shared>> -> memref<632x128xf32, #tpu.memory_space<vmem_shared>>
      tpu.wait_dma2 semaphore(%run_scoped3A : memref<!tpu.dma_semaphore, #tpu.memory_space<semaphore_mem>>) src(%dma_wait3A_20 : memref<632x128xf32, #tpu.memory_space<vmem_shared>>) dst(%dma_wait3A_18 : memref<632x128xf32, #tpu.memory_space<hbm>>)
      tpu.yield
    }) : () -> ()
    return
  }
}

#map = affine_map<(d0, d1) -> (0, 0)>
#map1 = affine_map<(d0, d1) -> (0, 0, 0)>
module attributes {stable_mosaic.version = 14 : i64} {
  func.func @_prop_body(%arg0: i32, %arg1: i32, %arg2: memref<10240x128xf32, #tpu.memory_space<hbm>>, %arg3: memref<2560x128xi32, #tpu.memory_space<hbm>>, %arg4: memref<2560x128xi32, #tpu.memory_space<hbm>>, %arg5: memref<632x128xf32, #tpu.memory_space<hbm>>, %arg6: memref<2x10240x128xf32, #tpu.memory_space<hbm>>, %arg7: memref<10112x128xf32, #tpu.memory_space<vmem_shared>>, %arg8: memref<64x128xi32, #tpu.memory_space<vmem>>, %arg9: memref<64x128xi32, #tpu.memory_space<vmem>>, %arg10: memref<128x128xf32, #tpu.memory_space<vmem>>, %arg11: memref<128x128xf32, #tpu.memory_space<vmem>>, %arg12: memref<!tpu.dma_semaphore, #tpu.memory_space<semaphore_mem>>, %arg13: memref<!tpu.dma_semaphore, #tpu.memory_space<semaphore_mem>>) attributes {dimension_semantics = [#tpu.dimension_semantics<core_parallel>, #tpu.dimension_semantics<subcore_parallel>], iteration_bounds = array<i64: 2, 16>, scalar_prefetch = 0 : i64, scratch_operands = 7 : i64, tpu.core_type = #tpu.core_type<sc_vector_subcore>, window_params = [{transform_indices = #map}, {transform_indices = #map}, {transform_indices = #map}, {transform_indices = #map}, {transform_indices = #map1}]} {
    %mul3A = arith.constant 632 : i32
    %mul3A_0 = arith.muli %arg1, %mul3A : i32
    "tpu.region"() ({
      %run_scoped3A = tpu.sem_alloc : memref<!tpu.dma_semaphore, #tpu.memory_space<semaphore_mem>>
      %dma_start3A = arith.constant 0 : i32
      %dma_start3A_13 = tpu.memref_slice %arg7[%mul3A_0, %dma_start3A] : memref<10112x128xf32, #tpu.memory_space<vmem_shared>> -> memref<632x128xf32, #tpu.memory_space<vmem_shared>>
      tpu.enqueue_dma source(%arg5 : memref<632x128xf32, #tpu.memory_space<hbm>>) target(%dma_start3A_13 : memref<632x128xf32, #tpu.memory_space<vmem_shared>>) target_semaphore(%run_scoped3A : memref<!tpu.dma_semaphore, #tpu.memory_space<semaphore_mem>>)
      %dma_wait3A = arith.constant 0 : i32
      %dma_wait3A_14 = tpu.memref_slice %arg7[%mul3A_0, %dma_wait3A] : memref<10112x128xf32, #tpu.memory_space<vmem_shared>> -> memref<632x128xf32, #tpu.memory_space<vmem_shared>>
      tpu.wait_dma2 semaphore(%run_scoped3A : memref<!tpu.dma_semaphore, #tpu.memory_space<semaphore_mem>>) src(%arg5 : memref<632x128xf32, #tpu.memory_space<hbm>>) dst(%dma_wait3A_14 : memref<632x128xf32, #tpu.memory_space<vmem_shared>>)
      tpu.yield
    }) : () -> ()
    %barrier3A = arith.constant 0 : index
    tpu.barrier barrier_id(%barrier3A)
    %eq3A = arith.constant 0 : i32
    %eq3A_1 = arith.cmpi eq, %arg0, %eq3A : i32
    %convert_element_type3A = arith.extui %eq3A_1 : i1 to i32
    %cond3A = arith.constant 0 : i32
    %cond3A_2 = arith.cmpi ne, %convert_element_type3A, %cond3A : i32
    scf.if %cond3A_2 {
      %mul3A_13 = arith.constant 128 : i32
      %mul3A_14 = arith.muli %arg1, %mul3A_13 : i32
      %scan3A = arith.constant 0 : i32
      %scan3A_15 = arith.constant 0 : i32
      %scan3A_16 = arith.constant 2 : i32
      %scan3A_17 = arith.addi %scan3A_15, %scan3A_16 : i32
      %scan3A_18 = arith.constant 1 : i32
      scf.for %scan3A_20 = %scan3A_15 to %scan3A_17 step %scan3A_18  : i32 {
        %mul3A_21 = arith.constant 64 : i32
        %mul3A_22 = arith.muli %scan3A_20, %mul3A_21 : i32
        %add3A = arith.addi %mul3A_14, %mul3A_22 : i32
        "tpu.region"() ({
          %run_scoped3A_56 = tpu.sem_alloc : memref<!tpu.dma_semaphore, #tpu.memory_space<semaphore_mem>>
          %dma_start3A_57 = arith.constant 0 : i32
          %dma_start3A_58 = arith.constant 0 : i32
          %dma_start3A_59 = tpu.memref_slice %arg8[%dma_start3A_57, %dma_start3A_58] : memref<64x128xi32, #tpu.memory_space<vmem>> -> memref<64x128xi32, #tpu.memory_space<vmem>>
          %dma_start3A_60 = arith.constant 0 : i32
          %dma_start3A_61 = tpu.memref_slice %arg3[%add3A, %dma_start3A_60] : memref<2560x128xi32, #tpu.memory_space<hbm>> -> memref<64x128xi32, #tpu.memory_space<hbm>>
          %dma_start3A_62 = arith.constant 0 : i32
          %dma_start3A_63 = arith.constant 0 : i32
          %dma_start3A_64 = tpu.memref_slice %arg8[%dma_start3A_62, %dma_start3A_63] : memref<64x128xi32, #tpu.memory_space<vmem>> -> memref<64x128xi32, #tpu.memory_space<vmem>>
          %dma_start3A_65 = arith.constant 0 : i32
          %dma_start3A_66 = tpu.memref_slice %arg3[%add3A, %dma_start3A_65] : memref<2560x128xi32, #tpu.memory_space<hbm>> -> memref<64x128xi32, #tpu.memory_space<hbm>>
          tpu.enqueue_dma source(%dma_start3A_66 : memref<64x128xi32, #tpu.memory_space<hbm>>) target(%dma_start3A_64 : memref<64x128xi32, #tpu.memory_space<vmem>>) target_semaphore(%run_scoped3A_56 : memref<!tpu.dma_semaphore, #tpu.memory_space<semaphore_mem>>)
          %dma_wait3A_67 = arith.constant 0 : i32
          %dma_wait3A_68 = arith.constant 0 : i32
          %dma_wait3A_69 = tpu.memref_slice %arg8[%dma_wait3A_67, %dma_wait3A_68] : memref<64x128xi32, #tpu.memory_space<vmem>> -> memref<64x128xi32, #tpu.memory_space<vmem>>
          %dma_wait3A_70 = arith.constant 0 : i32
          %dma_wait3A_71 = tpu.memref_slice %arg3[%add3A, %dma_wait3A_70] : memref<2560x128xi32, #tpu.memory_space<hbm>> -> memref<64x128xi32, #tpu.memory_space<hbm>>
          %dma_wait3A_72 = arith.constant 0 : i32
          %dma_wait3A_73 = arith.constant 0 : i32
          %dma_wait3A_74 = tpu.memref_slice %arg8[%dma_wait3A_72, %dma_wait3A_73] : memref<64x128xi32, #tpu.memory_space<vmem>> -> memref<64x128xi32, #tpu.memory_space<vmem>>
          %dma_wait3A_75 = arith.constant 0 : i32
          %dma_wait3A_76 = tpu.memref_slice %arg3[%add3A, %dma_wait3A_75] : memref<2560x128xi32, #tpu.memory_space<hbm>> -> memref<64x128xi32, #tpu.memory_space<hbm>>
          tpu.wait_dma2 semaphore(%run_scoped3A_56 : memref<!tpu.dma_semaphore, #tpu.memory_space<semaphore_mem>>) src(%dma_wait3A_76 : memref<64x128xi32, #tpu.memory_space<hbm>>) dst(%dma_wait3A_74 : memref<64x128xi32, #tpu.memory_space<vmem>>)
          tpu.yield
        }) : () -> ()
        "tpu.region"() ({
          %run_scoped3A_56 = tpu.sem_alloc : memref<!tpu.dma_semaphore, #tpu.memory_space<semaphore_mem>>
          %dma_start3A_57 = arith.constant 0 : i32
          %dma_start3A_58 = arith.constant 0 : i32
          %dma_start3A_59 = tpu.memref_slice %arg9[%dma_start3A_57, %dma_start3A_58] : memref<64x128xi32, #tpu.memory_space<vmem>> -> memref<64x128xi32, #tpu.memory_space<vmem>>
          %dma_start3A_60 = arith.constant 0 : i32
          %dma_start3A_61 = tpu.memref_slice %arg4[%add3A, %dma_start3A_60] : memref<2560x128xi32, #tpu.memory_space<hbm>> -> memref<64x128xi32, #tpu.memory_space<hbm>>
          %dma_start3A_62 = arith.constant 0 : i32
          %dma_start3A_63 = arith.constant 0 : i32
          %dma_start3A_64 = tpu.memref_slice %arg9[%dma_start3A_62, %dma_start3A_63] : memref<64x128xi32, #tpu.memory_space<vmem>> -> memref<64x128xi32, #tpu.memory_space<vmem>>
          %dma_start3A_65 = arith.constant 0 : i32
          %dma_start3A_66 = tpu.memref_slice %arg4[%add3A, %dma_start3A_65] : memref<2560x128xi32, #tpu.memory_space<hbm>> -> memref<64x128xi32, #tpu.memory_space<hbm>>
          tpu.enqueue_dma source(%dma_start3A_66 : memref<64x128xi32, #tpu.memory_space<hbm>>) target(%dma_start3A_64 : memref<64x128xi32, #tpu.memory_space<vmem>>) target_semaphore(%run_scoped3A_56 : memref<!tpu.dma_semaphore, #tpu.memory_space<semaphore_mem>>)
          %dma_wait3A_67 = arith.constant 0 : i32
          %dma_wait3A_68 = arith.constant 0 : i32
          %dma_wait3A_69 = tpu.memref_slice %arg9[%dma_wait3A_67, %dma_wait3A_68] : memref<64x128xi32, #tpu.memory_space<vmem>> -> memref<64x128xi32, #tpu.memory_space<vmem>>
          %dma_wait3A_70 = arith.constant 0 : i32
          %dma_wait3A_71 = tpu.memref_slice %arg4[%add3A, %dma_wait3A_70] : memref<2560x128xi32, #tpu.memory_space<hbm>> -> memref<64x128xi32, #tpu.memory_space<hbm>>
          %dma_wait3A_72 = arith.constant 0 : i32
          %dma_wait3A_73 = arith.constant 0 : i32
          %dma_wait3A_74 = tpu.memref_slice %arg9[%dma_wait3A_72, %dma_wait3A_73] : memref<64x128xi32, #tpu.memory_space<vmem>> -> memref<64x128xi32, #tpu.memory_space<vmem>>
          %dma_wait3A_75 = arith.constant 0 : i32
          %dma_wait3A_76 = tpu.memref_slice %arg4[%add3A, %dma_wait3A_75] : memref<2560x128xi32, #tpu.memory_space<hbm>> -> memref<64x128xi32, #tpu.memory_space<hbm>>
          tpu.wait_dma2 semaphore(%run_scoped3A_56 : memref<!tpu.dma_semaphore, #tpu.memory_space<semaphore_mem>>) src(%dma_wait3A_76 : memref<64x128xi32, #tpu.memory_space<hbm>>) dst(%dma_wait3A_74 : memref<64x128xi32, #tpu.memory_space<vmem>>)
          tpu.yield
        }) : () -> ()
        %dma_start3A = arith.constant 0 : i32
        %dma_start3A_23 = arith.constant 0 : i32
        %dma_start3A_24 = tpu.memref_slice %arg8[%dma_start3A, %dma_start3A_23] : memref<64x128xi32, #tpu.memory_space<vmem>> -> memref<1x128xi32, #tpu.memory_space<vmem>>
        %dma_start3A_25 = tpu.memref_squeeze %dma_start3A_24 : memref<1x128xi32, #tpu.memory_space<vmem>> -> memref<128xi32, #tpu.memory_space<vmem>>
        %dma_start3A_26 = arith.constant 0 : i32
        %dma_start3A_27 = arith.constant 0 : i32
        %dma_start3A_28 = tpu.memref_slice %arg2[%dma_start3A_26, %dma_start3A_27] : memref<10240x128xf32, #tpu.memory_space<hbm>> -> memref<10240x128xf32, #tpu.memory_space<hbm>>
        tpu.enqueue_indirect_dma source(%dma_start3A_28 : memref<10240x128xf32, #tpu.memory_space<hbm>>) target(%arg10 : memref<128x128xf32, #tpu.memory_space<vmem>>) offsets(%dma_start3A_25 : memref<128xi32, #tpu.memory_space<vmem>>) semaphore(%arg12 : memref<!tpu.dma_semaphore, #tpu.memory_space<semaphore_mem>>)
        %scan3A_29 = arith.constant 0 : i32
        %scan3A_30 = arith.constant 0 : i32
        %scan3A_31 = arith.constant 31 : i32
        %scan3A_32 = arith.addi %scan3A_30, %scan3A_31 : i32
        %scan3A_33 = arith.constant 1 : i32
        scf.for %scan3A_56 = %scan3A_30 to %scan3A_32 step %scan3A_33  : i32 {
          %mul3A_57 = arith.constant 2 : i32
          %mul3A_58 = arith.muli %mul3A_57, %scan3A_56 : i32
          %add3A_59 = arith.constant 1 : i32
          %add3A_60 = arith.addi %mul3A_58, %add3A_59 : i32
          %dma_start3A_61 = arith.constant 0 : i32
          %dma_start3A_62 = tpu.memref_slice %arg8[%add3A_60, %dma_start3A_61] : memref<64x128xi32, #tpu.memory_space<vmem>> -> memref<1x128xi32, #tpu.memory_space<vmem>>
          %dma_start3A_63 = tpu.memref_squeeze %dma_start3A_62 : memref<1x128xi32, #tpu.memory_space<vmem>> -> memref<128xi32, #tpu.memory_space<vmem>>
          %dma_start3A_64 = arith.constant 0 : i32
          %dma_start3A_65 = arith.constant 0 : i32
          %dma_start3A_66 = tpu.memref_slice %arg2[%dma_start3A_64, %dma_start3A_65] : memref<10240x128xf32, #tpu.memory_space<hbm>> -> memref<10240x128xf32, #tpu.memory_space<hbm>>
          tpu.enqueue_indirect_dma source(%dma_start3A_66 : memref<10240x128xf32, #tpu.memory_space<hbm>>) target(%arg11 : memref<128x128xf32, #tpu.memory_space<vmem>>) offsets(%dma_start3A_63 : memref<128xi32, #tpu.memory_space<vmem>>) semaphore(%arg13 : memref<!tpu.dma_semaphore, #tpu.memory_space<semaphore_mem>>)
          %dma_wait3A_67 = arith.constant 0 : i32
          %dma_wait3A_68 = tpu.memref_slice %arg8[%mul3A_58, %dma_wait3A_67] : memref<64x128xi32, #tpu.memory_space<vmem>> -> memref<1x128xi32, #tpu.memory_space<vmem>>
          %dma_wait3A_69 = tpu.memref_squeeze %dma_wait3A_68 : memref<1x128xi32, #tpu.memory_space<vmem>> -> memref<128xi32, #tpu.memory_space<vmem>>
          %dma_wait3A_70 = arith.constant 0 : i32
          %dma_wait3A_71 = arith.constant 0 : i32
          %dma_wait3A_72 = tpu.memref_slice %arg2[%dma_wait3A_70, %dma_wait3A_71] : memref<10240x128xf32, #tpu.memory_space<hbm>> -> memref<10240x128xf32, #tpu.memory_space<hbm>>
          tpu.wait_indirect_dma semaphore(%arg12 : memref<!tpu.dma_semaphore, #tpu.memory_space<semaphore_mem>>) src(%dma_wait3A_72 : memref<10240x128xf32, #tpu.memory_space<hbm>>) dst(%arg10 : memref<128x128xf32, #tpu.memory_space<vmem>>)
          "tpu.region"() ({
            %run_scoped3A_91 = tpu.sem_alloc : memref<!tpu.dma_semaphore, #tpu.memory_space<semaphore_mem>>
            %dma_start3A_92 = arith.constant 0 : i32
            %dma_start3A_93 = tpu.memref_slice %arg9[%mul3A_58, %dma_start3A_92] : memref<64x128xi32, #tpu.memory_space<vmem>> -> memref<1x128xi32, #tpu.memory_space<vmem>>
            %dma_start3A_94 = tpu.memref_squeeze %dma_start3A_93 : memref<1x128xi32, #tpu.memory_space<vmem>> -> memref<128xi32, #tpu.memory_space<vmem>>
            %dma_start3A_95 = arith.constant 0 : i32
            %dma_start3A_96 = arith.constant 0 : i32
            %dma_start3A_97 = tpu.memref_slice %arg7[%dma_start3A_95, %dma_start3A_96] : memref<10112x128xf32, #tpu.memory_space<vmem_shared>> -> memref<10112x128xf32, #tpu.memory_space<vmem_shared>>
            tpu.enqueue_indirect_dma source(%arg10 : memref<128x128xf32, #tpu.memory_space<vmem>>) target(%dma_start3A_97 : memref<10112x128xf32, #tpu.memory_space<vmem_shared>>) offsets(%dma_start3A_94 : memref<128xi32, #tpu.memory_space<vmem>>) semaphore(%run_scoped3A_91 : memref<!tpu.dma_semaphore, #tpu.memory_space<semaphore_mem>>) {add = true}
            %dma_wait3A_98 = arith.constant 0 : i32
            %dma_wait3A_99 = tpu.memref_slice %arg9[%mul3A_58, %dma_wait3A_98] : memref<64x128xi32, #tpu.memory_space<vmem>> -> memref<1x128xi32, #tpu.memory_space<vmem>>
            %dma_wait3A_100 = tpu.memref_squeeze %dma_wait3A_99 : memref<1x128xi32, #tpu.memory_space<vmem>> -> memref<128xi32, #tpu.memory_space<vmem>>
            %dma_wait3A_101 = arith.constant 0 : i32
            %dma_wait3A_102 = arith.constant 0 : i32
            %dma_wait3A_103 = tpu.memref_slice %arg7[%dma_wait3A_101, %dma_wait3A_102] : memref<10112x128xf32, #tpu.memory_space<vmem_shared>> -> memref<10112x128xf32, #tpu.memory_space<vmem_shared>>
            tpu.wait_indirect_dma semaphore(%run_scoped3A_91 : memref<!tpu.dma_semaphore, #tpu.memory_space<semaphore_mem>>) src(%arg10 : memref<128x128xf32, #tpu.memory_space<vmem>>) dst(%dma_wait3A_103 : memref<10112x128xf32, #tpu.memory_space<vmem_shared>>)
            tpu.yield
          }) : () -> ()
          %add3A_73 = arith.constant 2 : i32
          %add3A_74 = arith.addi %mul3A_58, %add3A_73 : i32
          %dma_start3A_75 = arith.constant 0 : i32
          %dma_start3A_76 = tpu.memref_slice %arg8[%add3A_74, %dma_start3A_75] : memref<64x128xi32, #tpu.memory_space<vmem>> -> memref<1x128xi32, #tpu.memory_space<vmem>>
          %dma_start3A_77 = tpu.memref_squeeze %dma_start3A_76 : memref<1x128xi32, #tpu.memory_space<vmem>> -> memref<128xi32, #tpu.memory_space<vmem>>
          %dma_start3A_78 = arith.constant 0 : i32
          %dma_start3A_79 = arith.constant 0 : i32
          %dma_start3A_80 = tpu.memref_slice %arg2[%dma_start3A_78, %dma_start3A_79] : memref<10240x128xf32, #tpu.memory_space<hbm>> -> memref<10240x128xf32, #tpu.memory_space<hbm>>
          tpu.enqueue_indirect_dma source(%dma_start3A_80 : memref<10240x128xf32, #tpu.memory_space<hbm>>) target(%arg10 : memref<128x128xf32, #tpu.memory_space<vmem>>) offsets(%dma_start3A_77 : memref<128xi32, #tpu.memory_space<vmem>>) semaphore(%arg12 : memref<!tpu.dma_semaphore, #tpu.memory_space<semaphore_mem>>)
          %add3A_81 = arith.constant 1 : i32
          %add3A_82 = arith.addi %mul3A_58, %add3A_81 : i32
          %dma_wait3A_83 = arith.constant 0 : i32
          %dma_wait3A_84 = tpu.memref_slice %arg8[%add3A_82, %dma_wait3A_83] : memref<64x128xi32, #tpu.memory_space<vmem>> -> memref<1x128xi32, #tpu.memory_space<vmem>>
          %dma_wait3A_85 = tpu.memref_squeeze %dma_wait3A_84 : memref<1x128xi32, #tpu.memory_space<vmem>> -> memref<128xi32, #tpu.memory_space<vmem>>
          %dma_wait3A_86 = arith.constant 0 : i32
          %dma_wait3A_87 = arith.constant 0 : i32
          %dma_wait3A_88 = tpu.memref_slice %arg2[%dma_wait3A_86, %dma_wait3A_87] : memref<10240x128xf32, #tpu.memory_space<hbm>> -> memref<10240x128xf32, #tpu.memory_space<hbm>>
          tpu.wait_indirect_dma semaphore(%arg13 : memref<!tpu.dma_semaphore, #tpu.memory_space<semaphore_mem>>) src(%dma_wait3A_88 : memref<10240x128xf32, #tpu.memory_space<hbm>>) dst(%arg11 : memref<128x128xf32, #tpu.memory_space<vmem>>)
          %add3A_89 = arith.constant 1 : i32
          %add3A_90 = arith.addi %mul3A_58, %add3A_89 : i32
          "tpu.region"() ({
            %run_scoped3A_91 = tpu.sem_alloc : memref<!tpu.dma_semaphore, #tpu.memory_space<semaphore_mem>>
            %dma_start3A_92 = arith.constant 0 : i32
            %dma_start3A_93 = tpu.memref_slice %arg9[%add3A_90, %dma_start3A_92] : memref<64x128xi32, #tpu.memory_space<vmem>> -> memref<1x128xi32, #tpu.memory_space<vmem>>
            %dma_start3A_94 = tpu.memref_squeeze %dma_start3A_93 : memref<1x128xi32, #tpu.memory_space<vmem>> -> memref<128xi32, #tpu.memory_space<vmem>>
            %dma_start3A_95 = arith.constant 0 : i32
            %dma_start3A_96 = arith.constant 0 : i32
            %dma_start3A_97 = tpu.memref_slice %arg7[%dma_start3A_95, %dma_start3A_96] : memref<10112x128xf32, #tpu.memory_space<vmem_shared>> -> memref<10112x128xf32, #tpu.memory_space<vmem_shared>>
            tpu.enqueue_indirect_dma source(%arg11 : memref<128x128xf32, #tpu.memory_space<vmem>>) target(%dma_start3A_97 : memref<10112x128xf32, #tpu.memory_space<vmem_shared>>) offsets(%dma_start3A_94 : memref<128xi32, #tpu.memory_space<vmem>>) semaphore(%run_scoped3A_91 : memref<!tpu.dma_semaphore, #tpu.memory_space<semaphore_mem>>) {add = true}
            %dma_wait3A_98 = arith.constant 0 : i32
            %dma_wait3A_99 = tpu.memref_slice %arg9[%add3A_90, %dma_wait3A_98] : memref<64x128xi32, #tpu.memory_space<vmem>> -> memref<1x128xi32, #tpu.memory_space<vmem>>
            %dma_wait3A_100 = tpu.memref_squeeze %dma_wait3A_99 : memref<1x128xi32, #tpu.memory_space<vmem>> -> memref<128xi32, #tpu.memory_space<vmem>>
            %dma_wait3A_101 = arith.constant 0 : i32
            %dma_wait3A_102 = arith.constant 0 : i32
            %dma_wait3A_103 = tpu.memref_slice %arg7[%dma_wait3A_101, %dma_wait3A_102] : memref<10112x128xf32, #tpu.memory_space<vmem_shared>> -> memref<10112x128xf32, #tpu.memory_space<vmem_shared>>
            tpu.wait_indirect_dma semaphore(%run_scoped3A_91 : memref<!tpu.dma_semaphore, #tpu.memory_space<semaphore_mem>>) src(%arg11 : memref<128x128xf32, #tpu.memory_space<vmem>>) dst(%dma_wait3A_103 : memref<10112x128xf32, #tpu.memory_space<vmem_shared>>)
            tpu.yield
          }) : () -> ()
        }
        %scan3A_34 = arith.constant 31 : i32
        %dma_start3A_35 = arith.constant 63 : i32
        %dma_start3A_36 = arith.constant 0 : i32
        %dma_start3A_37 = tpu.memref_slice %arg8[%dma_start3A_35, %dma_start3A_36] : memref<64x128xi32, #tpu.memory_space<vmem>> -> memref<1x128xi32, #tpu.memory_space<vmem>>
        %dma_start3A_38 = tpu.memref_squeeze %dma_start3A_37 : memref<1x128xi32, #tpu.memory_space<vmem>> -> memref<128xi32, #tpu.memory_space<vmem>>
        %dma_start3A_39 = arith.constant 0 : i32
        %dma_start3A_40 = arith.constant 0 : i32
        %dma_start3A_41 = tpu.memref_slice %arg2[%dma_start3A_39, %dma_start3A_40] : memref<10240x128xf32, #tpu.memory_space<hbm>> -> memref<10240x128xf32, #tpu.memory_space<hbm>>
        tpu.enqueue_indirect_dma source(%dma_start3A_41 : memref<10240x128xf32, #tpu.memory_space<hbm>>) target(%arg11 : memref<128x128xf32, #tpu.memory_space<vmem>>) offsets(%dma_start3A_38 : memref<128xi32, #tpu.memory_space<vmem>>) semaphore(%arg13 : memref<!tpu.dma_semaphore, #tpu.memory_space<semaphore_mem>>)
        %dma_wait3A = arith.constant 62 : i32
        %dma_wait3A_42 = arith.constant 0 : i32
        %dma_wait3A_43 = tpu.memref_slice %arg8[%dma_wait3A, %dma_wait3A_42] : memref<64x128xi32, #tpu.memory_space<vmem>> -> memref<1x128xi32, #tpu.memory_space<vmem>>
        %dma_wait3A_44 = tpu.memref_squeeze %dma_wait3A_43 : memref<1x128xi32, #tpu.memory_space<vmem>> -> memref<128xi32, #tpu.memory_space<vmem>>
        %dma_wait3A_45 = arith.constant 0 : i32
        %dma_wait3A_46 = arith.constant 0 : i32
        %dma_wait3A_47 = tpu.memref_slice %arg2[%dma_wait3A_45, %dma_wait3A_46] : memref<10240x128xf32, #tpu.memory_space<hbm>> -> memref<10240x128xf32, #tpu.memory_space<hbm>>
        tpu.wait_indirect_dma semaphore(%arg12 : memref<!tpu.dma_semaphore, #tpu.memory_space<semaphore_mem>>) src(%dma_wait3A_47 : memref<10240x128xf32, #tpu.memory_space<hbm>>) dst(%arg10 : memref<128x128xf32, #tpu.memory_space<vmem>>)
        %run_scoped3A = arith.constant 62 : i32
        "tpu.region"() ({
          %run_scoped3A_56 = tpu.sem_alloc : memref<!tpu.dma_semaphore, #tpu.memory_space<semaphore_mem>>
          %dma_start3A_57 = arith.constant 0 : i32
          %dma_start3A_58 = tpu.memref_slice %arg9[%run_scoped3A, %dma_start3A_57] : memref<64x128xi32, #tpu.memory_space<vmem>> -> memref<1x128xi32, #tpu.memory_space<vmem>>
          %dma_start3A_59 = tpu.memref_squeeze %dma_start3A_58 : memref<1x128xi32, #tpu.memory_space<vmem>> -> memref<128xi32, #tpu.memory_space<vmem>>
          %dma_start3A_60 = arith.constant 0 : i32
          %dma_start3A_61 = arith.constant 0 : i32
          %dma_start3A_62 = tpu.memref_slice %arg7[%dma_start3A_60, %dma_start3A_61] : memref<10112x128xf32, #tpu.memory_space<vmem_shared>> -> memref<10112x128xf32, #tpu.memory_space<vmem_shared>>
          tpu.enqueue_indirect_dma source(%arg10 : memref<128x128xf32, #tpu.memory_space<vmem>>) target(%dma_start3A_62 : memref<10112x128xf32, #tpu.memory_space<vmem_shared>>) offsets(%dma_start3A_59 : memref<128xi32, #tpu.memory_space<vmem>>) semaphore(%run_scoped3A_56 : memref<!tpu.dma_semaphore, #tpu.memory_space<semaphore_mem>>) {add = true}
          %dma_wait3A_63 = arith.constant 0 : i32
          %dma_wait3A_64 = tpu.memref_slice %arg9[%run_scoped3A, %dma_wait3A_63] : memref<64x128xi32, #tpu.memory_space<vmem>> -> memref<1x128xi32, #tpu.memory_space<vmem>>
          %dma_wait3A_65 = tpu.memref_squeeze %dma_wait3A_64 : memref<1x128xi32, #tpu.memory_space<vmem>> -> memref<128xi32, #tpu.memory_space<vmem>>
          %dma_wait3A_66 = arith.constant 0 : i32
          %dma_wait3A_67 = arith.constant 0 : i32
          %dma_wait3A_68 = tpu.memref_slice %arg7[%dma_wait3A_66, %dma_wait3A_67] : memref<10112x128xf32, #tpu.memory_space<vmem_shared>> -> memref<10112x128xf32, #tpu.memory_space<vmem_shared>>
          tpu.wait_indirect_dma semaphore(%run_scoped3A_56 : memref<!tpu.dma_semaphore, #tpu.memory_space<semaphore_mem>>) src(%arg10 : memref<128x128xf32, #tpu.memory_space<vmem>>) dst(%dma_wait3A_68 : memref<10112x128xf32, #tpu.memory_space<vmem_shared>>)
          tpu.yield
        }) : () -> ()
        %dma_wait3A_48 = arith.constant 63 : i32
        %dma_wait3A_49 = arith.constant 0 : i32
        %dma_wait3A_50 = tpu.memref_slice %arg8[%dma_wait3A_48, %dma_wait3A_49] : memref<64x128xi32, #tpu.memory_space<vmem>> -> memref<1x128xi32, #tpu.memory_space<vmem>>
        %dma_wait3A_51 = tpu.memref_squeeze %dma_wait3A_50 : memref<1x128xi32, #tpu.memory_space<vmem>> -> memref<128xi32, #tpu.memory_space<vmem>>
        %dma_wait3A_52 = arith.constant 0 : i32
        %dma_wait3A_53 = arith.constant 0 : i32
        %dma_wait3A_54 = tpu.memref_slice %arg2[%dma_wait3A_52, %dma_wait3A_53] : memref<10240x128xf32, #tpu.memory_space<hbm>> -> memref<10240x128xf32, #tpu.memory_space<hbm>>
        tpu.wait_indirect_dma semaphore(%arg13 : memref<!tpu.dma_semaphore, #tpu.memory_space<semaphore_mem>>) src(%dma_wait3A_54 : memref<10240x128xf32, #tpu.memory_space<hbm>>) dst(%arg11 : memref<128x128xf32, #tpu.memory_space<vmem>>)
        %run_scoped3A_55 = arith.constant 63 : i32
        "tpu.region"() ({
          %run_scoped3A_56 = tpu.sem_alloc : memref<!tpu.dma_semaphore, #tpu.memory_space<semaphore_mem>>
          %dma_start3A_57 = arith.constant 0 : i32
          %dma_start3A_58 = tpu.memref_slice %arg9[%run_scoped3A_55, %dma_start3A_57] : memref<64x128xi32, #tpu.memory_space<vmem>> -> memref<1x128xi32, #tpu.memory_space<vmem>>
          %dma_start3A_59 = tpu.memref_squeeze %dma_start3A_58 : memref<1x128xi32, #tpu.memory_space<vmem>> -> memref<128xi32, #tpu.memory_space<vmem>>
          %dma_start3A_60 = arith.constant 0 : i32
          %dma_start3A_61 = arith.constant 0 : i32
          %dma_start3A_62 = tpu.memref_slice %arg7[%dma_start3A_60, %dma_start3A_61] : memref<10112x128xf32, #tpu.memory_space<vmem_shared>> -> memref<10112x128xf32, #tpu.memory_space<vmem_shared>>
          tpu.enqueue_indirect_dma source(%arg11 : memref<128x128xf32, #tpu.memory_space<vmem>>) target(%dma_start3A_62 : memref<10112x128xf32, #tpu.memory_space<vmem_shared>>) offsets(%dma_start3A_59 : memref<128xi32, #tpu.memory_space<vmem>>) semaphore(%run_scoped3A_56 : memref<!tpu.dma_semaphore, #tpu.memory_space<semaphore_mem>>) {add = true}
          %dma_wait3A_63 = arith.constant 0 : i32
          %dma_wait3A_64 = tpu.memref_slice %arg9[%run_scoped3A_55, %dma_wait3A_63] : memref<64x128xi32, #tpu.memory_space<vmem>> -> memref<1x128xi32, #tpu.memory_space<vmem>>
          %dma_wait3A_65 = tpu.memref_squeeze %dma_wait3A_64 : memref<1x128xi32, #tpu.memory_space<vmem>> -> memref<128xi32, #tpu.memory_space<vmem>>
          %dma_wait3A_66 = arith.constant 0 : i32
          %dma_wait3A_67 = arith.constant 0 : i32
          %dma_wait3A_68 = tpu.memref_slice %arg7[%dma_wait3A_66, %dma_wait3A_67] : memref<10112x128xf32, #tpu.memory_space<vmem_shared>> -> memref<10112x128xf32, #tpu.memory_space<vmem_shared>>
          tpu.wait_indirect_dma semaphore(%run_scoped3A_56 : memref<!tpu.dma_semaphore, #tpu.memory_space<semaphore_mem>>) src(%arg11 : memref<128x128xf32, #tpu.memory_space<vmem>>) dst(%dma_wait3A_68 : memref<10112x128xf32, #tpu.memory_space<vmem_shared>>)
          tpu.yield
        }) : () -> ()
      }
      %scan3A_19 = arith.constant 2 : i32
    } else {
    }
    %eq3A_3 = arith.constant 1 : i32
    %eq3A_4 = arith.cmpi eq, %arg0, %eq3A_3 : i32
    %convert_element_type3A_5 = arith.extui %eq3A_4 : i1 to i32
    %cond3A_6 = arith.constant 0 : i32
    %cond3A_7 = arith.cmpi ne, %convert_element_type3A_5, %cond3A_6 : i32
    scf.if %cond3A_7 {
      %mul3A_13 = arith.constant 32 : i32
      %mul3A_14 = arith.muli %arg1, %mul3A_13 : i32
      %add3A = arith.constant 2048 : i32
      %add3A_15 = arith.addi %add3A, %mul3A_14 : i32
      %scan3A = arith.constant 0 : i32
      %scan3A_16 = arith.constant 0 : i32
      %scan3A_17 = arith.constant 2 : i32
      %scan3A_18 = arith.addi %scan3A_16, %scan3A_17 : i32
      %scan3A_19 = arith.constant 1 : i32
      scf.for %scan3A_21 = %scan3A_16 to %scan3A_18 step %scan3A_19  : i32 {
        %mul3A_22 = arith.constant 16 : i32
        %mul3A_23 = arith.muli %scan3A_21, %mul3A_22 : i32
        %add3A_24 = arith.addi %add3A_15, %mul3A_23 : i32
        "tpu.region"() ({
          %run_scoped3A_58 = tpu.sem_alloc : memref<!tpu.dma_semaphore, #tpu.memory_space<semaphore_mem>>
          %dma_start3A_59 = arith.constant 0 : i32
          %dma_start3A_60 = arith.constant 0 : i32
          %dma_start3A_61 = tpu.memref_slice %arg8[%dma_start3A_59, %dma_start3A_60] : memref<64x128xi32, #tpu.memory_space<vmem>> -> memref<16x128xi32, #tpu.memory_space<vmem>>
          %dma_start3A_62 = arith.constant 0 : i32
          %dma_start3A_63 = tpu.memref_slice %arg3[%add3A_24, %dma_start3A_62] : memref<2560x128xi32, #tpu.memory_space<hbm>> -> memref<16x128xi32, #tpu.memory_space<hbm>>
          %dma_start3A_64 = arith.constant 0 : i32
          %dma_start3A_65 = arith.constant 0 : i32
          %dma_start3A_66 = tpu.memref_slice %arg8[%dma_start3A_64, %dma_start3A_65] : memref<64x128xi32, #tpu.memory_space<vmem>> -> memref<16x128xi32, #tpu.memory_space<vmem>>
          %dma_start3A_67 = arith.constant 0 : i32
          %dma_start3A_68 = tpu.memref_slice %arg3[%add3A_24, %dma_start3A_67] : memref<2560x128xi32, #tpu.memory_space<hbm>> -> memref<16x128xi32, #tpu.memory_space<hbm>>
          tpu.enqueue_dma source(%dma_start3A_68 : memref<16x128xi32, #tpu.memory_space<hbm>>) target(%dma_start3A_66 : memref<16x128xi32, #tpu.memory_space<vmem>>) target_semaphore(%run_scoped3A_58 : memref<!tpu.dma_semaphore, #tpu.memory_space<semaphore_mem>>)
          %dma_wait3A_69 = arith.constant 0 : i32
          %dma_wait3A_70 = arith.constant 0 : i32
          %dma_wait3A_71 = tpu.memref_slice %arg8[%dma_wait3A_69, %dma_wait3A_70] : memref<64x128xi32, #tpu.memory_space<vmem>> -> memref<16x128xi32, #tpu.memory_space<vmem>>
          %dma_wait3A_72 = arith.constant 0 : i32
          %dma_wait3A_73 = tpu.memref_slice %arg3[%add3A_24, %dma_wait3A_72] : memref<2560x128xi32, #tpu.memory_space<hbm>> -> memref<16x128xi32, #tpu.memory_space<hbm>>
          %dma_wait3A_74 = arith.constant 0 : i32
          %dma_wait3A_75 = arith.constant 0 : i32
          %dma_wait3A_76 = tpu.memref_slice %arg8[%dma_wait3A_74, %dma_wait3A_75] : memref<64x128xi32, #tpu.memory_space<vmem>> -> memref<16x128xi32, #tpu.memory_space<vmem>>
          %dma_wait3A_77 = arith.constant 0 : i32
          %dma_wait3A_78 = tpu.memref_slice %arg3[%add3A_24, %dma_wait3A_77] : memref<2560x128xi32, #tpu.memory_space<hbm>> -> memref<16x128xi32, #tpu.memory_space<hbm>>
          tpu.wait_dma2 semaphore(%run_scoped3A_58 : memref<!tpu.dma_semaphore, #tpu.memory_space<semaphore_mem>>) src(%dma_wait3A_78 : memref<16x128xi32, #tpu.memory_space<hbm>>) dst(%dma_wait3A_76 : memref<16x128xi32, #tpu.memory_space<vmem>>)
          tpu.yield
        }) : () -> ()
        "tpu.region"() ({
          %run_scoped3A_58 = tpu.sem_alloc : memref<!tpu.dma_semaphore, #tpu.memory_space<semaphore_mem>>
          %dma_start3A_59 = arith.constant 0 : i32
          %dma_start3A_60 = arith.constant 0 : i32
          %dma_start3A_61 = tpu.memref_slice %arg9[%dma_start3A_59, %dma_start3A_60] : memref<64x128xi32, #tpu.memory_space<vmem>> -> memref<16x128xi32, #tpu.memory_space<vmem>>
          %dma_start3A_62 = arith.constant 0 : i32
          %dma_start3A_63 = tpu.memref_slice %arg4[%add3A_24, %dma_start3A_62] : memref<2560x128xi32, #tpu.memory_space<hbm>> -> memref<16x128xi32, #tpu.memory_space<hbm>>
          %dma_start3A_64 = arith.constant 0 : i32
          %dma_start3A_65 = arith.constant 0 : i32
          %dma_start3A_66 = tpu.memref_slice %arg9[%dma_start3A_64, %dma_start3A_65] : memref<64x128xi32, #tpu.memory_space<vmem>> -> memref<16x128xi32, #tpu.memory_space<vmem>>
          %dma_start3A_67 = arith.constant 0 : i32
          %dma_start3A_68 = tpu.memref_slice %arg4[%add3A_24, %dma_start3A_67] : memref<2560x128xi32, #tpu.memory_space<hbm>> -> memref<16x128xi32, #tpu.memory_space<hbm>>
          tpu.enqueue_dma source(%dma_start3A_68 : memref<16x128xi32, #tpu.memory_space<hbm>>) target(%dma_start3A_66 : memref<16x128xi32, #tpu.memory_space<vmem>>) target_semaphore(%run_scoped3A_58 : memref<!tpu.dma_semaphore, #tpu.memory_space<semaphore_mem>>)
          %dma_wait3A_69 = arith.constant 0 : i32
          %dma_wait3A_70 = arith.constant 0 : i32
          %dma_wait3A_71 = tpu.memref_slice %arg9[%dma_wait3A_69, %dma_wait3A_70] : memref<64x128xi32, #tpu.memory_space<vmem>> -> memref<16x128xi32, #tpu.memory_space<vmem>>
          %dma_wait3A_72 = arith.constant 0 : i32
          %dma_wait3A_73 = tpu.memref_slice %arg4[%add3A_24, %dma_wait3A_72] : memref<2560x128xi32, #tpu.memory_space<hbm>> -> memref<16x128xi32, #tpu.memory_space<hbm>>
          %dma_wait3A_74 = arith.constant 0 : i32
          %dma_wait3A_75 = arith.constant 0 : i32
          %dma_wait3A_76 = tpu.memref_slice %arg9[%dma_wait3A_74, %dma_wait3A_75] : memref<64x128xi32, #tpu.memory_space<vmem>> -> memref<16x128xi32, #tpu.memory_space<vmem>>
          %dma_wait3A_77 = arith.constant 0 : i32
          %dma_wait3A_78 = tpu.memref_slice %arg4[%add3A_24, %dma_wait3A_77] : memref<2560x128xi32, #tpu.memory_space<hbm>> -> memref<16x128xi32, #tpu.memory_space<hbm>>
          tpu.wait_dma2 semaphore(%run_scoped3A_58 : memref<!tpu.dma_semaphore, #tpu.memory_space<semaphore_mem>>) src(%dma_wait3A_78 : memref<16x128xi32, #tpu.memory_space<hbm>>) dst(%dma_wait3A_76 : memref<16x128xi32, #tpu.memory_space<vmem>>)
          tpu.yield
        }) : () -> ()
        %dma_start3A = arith.constant 0 : i32
        %dma_start3A_25 = arith.constant 0 : i32
        %dma_start3A_26 = tpu.memref_slice %arg8[%dma_start3A, %dma_start3A_25] : memref<64x128xi32, #tpu.memory_space<vmem>> -> memref<1x128xi32, #tpu.memory_space<vmem>>
        %dma_start3A_27 = tpu.memref_squeeze %dma_start3A_26 : memref<1x128xi32, #tpu.memory_space<vmem>> -> memref<128xi32, #tpu.memory_space<vmem>>
        %dma_start3A_28 = arith.constant 0 : i32
        %dma_start3A_29 = arith.constant 0 : i32
        %dma_start3A_30 = tpu.memref_slice %arg2[%dma_start3A_28, %dma_start3A_29] : memref<10240x128xf32, #tpu.memory_space<hbm>> -> memref<10240x128xf32, #tpu.memory_space<hbm>>
        tpu.enqueue_indirect_dma source(%dma_start3A_30 : memref<10240x128xf32, #tpu.memory_space<hbm>>) target(%arg10 : memref<128x128xf32, #tpu.memory_space<vmem>>) offsets(%dma_start3A_27 : memref<128xi32, #tpu.memory_space<vmem>>) semaphore(%arg12 : memref<!tpu.dma_semaphore, #tpu.memory_space<semaphore_mem>>)
        %scan3A_31 = arith.constant 0 : i32
        %scan3A_32 = arith.constant 0 : i32
        %scan3A_33 = arith.constant 7 : i32
        %scan3A_34 = arith.addi %scan3A_32, %scan3A_33 : i32
        %scan3A_35 = arith.constant 1 : i32
        scf.for %scan3A_58 = %scan3A_32 to %scan3A_34 step %scan3A_35  : i32 {
          %mul3A_59 = arith.constant 2 : i32
          %mul3A_60 = arith.muli %mul3A_59, %scan3A_58 : i32
          %add3A_61 = arith.constant 1 : i32
          %add3A_62 = arith.addi %mul3A_60, %add3A_61 : i32
          %dma_start3A_63 = arith.constant 0 : i32
          %dma_start3A_64 = tpu.memref_slice %arg8[%add3A_62, %dma_start3A_63] : memref<64x128xi32, #tpu.memory_space<vmem>> -> memref<1x128xi32, #tpu.memory_space<vmem>>
          %dma_start3A_65 = tpu.memref_squeeze %dma_start3A_64 : memref<1x128xi32, #tpu.memory_space<vmem>> -> memref<128xi32, #tpu.memory_space<vmem>>
          %dma_start3A_66 = arith.constant 0 : i32
          %dma_start3A_67 = arith.constant 0 : i32
          %dma_start3A_68 = tpu.memref_slice %arg2[%dma_start3A_66, %dma_start3A_67] : memref<10240x128xf32, #tpu.memory_space<hbm>> -> memref<10240x128xf32, #tpu.memory_space<hbm>>
          tpu.enqueue_indirect_dma source(%dma_start3A_68 : memref<10240x128xf32, #tpu.memory_space<hbm>>) target(%arg11 : memref<128x128xf32, #tpu.memory_space<vmem>>) offsets(%dma_start3A_65 : memref<128xi32, #tpu.memory_space<vmem>>) semaphore(%arg13 : memref<!tpu.dma_semaphore, #tpu.memory_space<semaphore_mem>>)
          %dma_wait3A_69 = arith.constant 0 : i32
          %dma_wait3A_70 = tpu.memref_slice %arg8[%mul3A_60, %dma_wait3A_69] : memref<64x128xi32, #tpu.memory_space<vmem>> -> memref<1x128xi32, #tpu.memory_space<vmem>>
          %dma_wait3A_71 = tpu.memref_squeeze %dma_wait3A_70 : memref<1x128xi32, #tpu.memory_space<vmem>> -> memref<128xi32, #tpu.memory_space<vmem>>
          %dma_wait3A_72 = arith.constant 0 : i32
          %dma_wait3A_73 = arith.constant 0 : i32
          %dma_wait3A_74 = tpu.memref_slice %arg2[%dma_wait3A_72, %dma_wait3A_73] : memref<10240x128xf32, #tpu.memory_space<hbm>> -> memref<10240x128xf32, #tpu.memory_space<hbm>>
          tpu.wait_indirect_dma semaphore(%arg12 : memref<!tpu.dma_semaphore, #tpu.memory_space<semaphore_mem>>) src(%dma_wait3A_74 : memref<10240x128xf32, #tpu.memory_space<hbm>>) dst(%arg10 : memref<128x128xf32, #tpu.memory_space<vmem>>)
          "tpu.region"() ({
            %run_scoped3A_93 = tpu.sem_alloc : memref<!tpu.dma_semaphore, #tpu.memory_space<semaphore_mem>>
            %dma_start3A_94 = arith.constant 0 : i32
            %dma_start3A_95 = tpu.memref_slice %arg9[%mul3A_60, %dma_start3A_94] : memref<64x128xi32, #tpu.memory_space<vmem>> -> memref<1x128xi32, #tpu.memory_space<vmem>>
            %dma_start3A_96 = tpu.memref_squeeze %dma_start3A_95 : memref<1x128xi32, #tpu.memory_space<vmem>> -> memref<128xi32, #tpu.memory_space<vmem>>
            %dma_start3A_97 = arith.constant 0 : i32
            %dma_start3A_98 = arith.constant 0 : i32
            %dma_start3A_99 = tpu.memref_slice %arg7[%dma_start3A_97, %dma_start3A_98] : memref<10112x128xf32, #tpu.memory_space<vmem_shared>> -> memref<10112x128xf32, #tpu.memory_space<vmem_shared>>
            tpu.enqueue_indirect_dma source(%arg10 : memref<128x128xf32, #tpu.memory_space<vmem>>) target(%dma_start3A_99 : memref<10112x128xf32, #tpu.memory_space<vmem_shared>>) offsets(%dma_start3A_96 : memref<128xi32, #tpu.memory_space<vmem>>) semaphore(%run_scoped3A_93 : memref<!tpu.dma_semaphore, #tpu.memory_space<semaphore_mem>>) {add = true}
            %dma_wait3A_100 = arith.constant 0 : i32
            %dma_wait3A_101 = tpu.memref_slice %arg9[%mul3A_60, %dma_wait3A_100] : memref<64x128xi32, #tpu.memory_space<vmem>> -> memref<1x128xi32, #tpu.memory_space<vmem>>
            %dma_wait3A_102 = tpu.memref_squeeze %dma_wait3A_101 : memref<1x128xi32, #tpu.memory_space<vmem>> -> memref<128xi32, #tpu.memory_space<vmem>>
            %dma_wait3A_103 = arith.constant 0 : i32
            %dma_wait3A_104 = arith.constant 0 : i32
            %dma_wait3A_105 = tpu.memref_slice %arg7[%dma_wait3A_103, %dma_wait3A_104] : memref<10112x128xf32, #tpu.memory_space<vmem_shared>> -> memref<10112x128xf32, #tpu.memory_space<vmem_shared>>
            tpu.wait_indirect_dma semaphore(%run_scoped3A_93 : memref<!tpu.dma_semaphore, #tpu.memory_space<semaphore_mem>>) src(%arg10 : memref<128x128xf32, #tpu.memory_space<vmem>>) dst(%dma_wait3A_105 : memref<10112x128xf32, #tpu.memory_space<vmem_shared>>)
            tpu.yield
          }) : () -> ()
          %add3A_75 = arith.constant 2 : i32
          %add3A_76 = arith.addi %mul3A_60, %add3A_75 : i32
          %dma_start3A_77 = arith.constant 0 : i32
          %dma_start3A_78 = tpu.memref_slice %arg8[%add3A_76, %dma_start3A_77] : memref<64x128xi32, #tpu.memory_space<vmem>> -> memref<1x128xi32, #tpu.memory_space<vmem>>
          %dma_start3A_79 = tpu.memref_squeeze %dma_start3A_78 : memref<1x128xi32, #tpu.memory_space<vmem>> -> memref<128xi32, #tpu.memory_space<vmem>>
          %dma_start3A_80 = arith.constant 0 : i32
          %dma_start3A_81 = arith.constant 0 : i32
          %dma_start3A_82 = tpu.memref_slice %arg2[%dma_start3A_80, %dma_start3A_81] : memref<10240x128xf32, #tpu.memory_space<hbm>> -> memref<10240x128xf32, #tpu.memory_space<hbm>>
          tpu.enqueue_indirect_dma source(%dma_start3A_82 : memref<10240x128xf32, #tpu.memory_space<hbm>>) target(%arg10 : memref<128x128xf32, #tpu.memory_space<vmem>>) offsets(%dma_start3A_79 : memref<128xi32, #tpu.memory_space<vmem>>) semaphore(%arg12 : memref<!tpu.dma_semaphore, #tpu.memory_space<semaphore_mem>>)
          %add3A_83 = arith.constant 1 : i32
          %add3A_84 = arith.addi %mul3A_60, %add3A_83 : i32
          %dma_wait3A_85 = arith.constant 0 : i32
          %dma_wait3A_86 = tpu.memref_slice %arg8[%add3A_84, %dma_wait3A_85] : memref<64x128xi32, #tpu.memory_space<vmem>> -> memref<1x128xi32, #tpu.memory_space<vmem>>
          %dma_wait3A_87 = tpu.memref_squeeze %dma_wait3A_86 : memref<1x128xi32, #tpu.memory_space<vmem>> -> memref<128xi32, #tpu.memory_space<vmem>>
          %dma_wait3A_88 = arith.constant 0 : i32
          %dma_wait3A_89 = arith.constant 0 : i32
          %dma_wait3A_90 = tpu.memref_slice %arg2[%dma_wait3A_88, %dma_wait3A_89] : memref<10240x128xf32, #tpu.memory_space<hbm>> -> memref<10240x128xf32, #tpu.memory_space<hbm>>
          tpu.wait_indirect_dma semaphore(%arg13 : memref<!tpu.dma_semaphore, #tpu.memory_space<semaphore_mem>>) src(%dma_wait3A_90 : memref<10240x128xf32, #tpu.memory_space<hbm>>) dst(%arg11 : memref<128x128xf32, #tpu.memory_space<vmem>>)
          %add3A_91 = arith.constant 1 : i32
          %add3A_92 = arith.addi %mul3A_60, %add3A_91 : i32
          "tpu.region"() ({
            %run_scoped3A_93 = tpu.sem_alloc : memref<!tpu.dma_semaphore, #tpu.memory_space<semaphore_mem>>
            %dma_start3A_94 = arith.constant 0 : i32
            %dma_start3A_95 = tpu.memref_slice %arg9[%add3A_92, %dma_start3A_94] : memref<64x128xi32, #tpu.memory_space<vmem>> -> memref<1x128xi32, #tpu.memory_space<vmem>>
            %dma_start3A_96 = tpu.memref_squeeze %dma_start3A_95 : memref<1x128xi32, #tpu.memory_space<vmem>> -> memref<128xi32, #tpu.memory_space<vmem>>
            %dma_start3A_97 = arith.constant 0 : i32
            %dma_start3A_98 = arith.constant 0 : i32
            %dma_start3A_99 = tpu.memref_slice %arg7[%dma_start3A_97, %dma_start3A_98] : memref<10112x128xf32, #tpu.memory_space<vmem_shared>> -> memref<10112x128xf32, #tpu.memory_space<vmem_shared>>
            tpu.enqueue_indirect_dma source(%arg11 : memref<128x128xf32, #tpu.memory_space<vmem>>) target(%dma_start3A_99 : memref<10112x128xf32, #tpu.memory_space<vmem_shared>>) offsets(%dma_start3A_96 : memref<128xi32, #tpu.memory_space<vmem>>) semaphore(%run_scoped3A_93 : memref<!tpu.dma_semaphore, #tpu.memory_space<semaphore_mem>>) {add = true}
            %dma_wait3A_100 = arith.constant 0 : i32
            %dma_wait3A_101 = tpu.memref_slice %arg9[%add3A_92, %dma_wait3A_100] : memref<64x128xi32, #tpu.memory_space<vmem>> -> memref<1x128xi32, #tpu.memory_space<vmem>>
            %dma_wait3A_102 = tpu.memref_squeeze %dma_wait3A_101 : memref<1x128xi32, #tpu.memory_space<vmem>> -> memref<128xi32, #tpu.memory_space<vmem>>
            %dma_wait3A_103 = arith.constant 0 : i32
            %dma_wait3A_104 = arith.constant 0 : i32
            %dma_wait3A_105 = tpu.memref_slice %arg7[%dma_wait3A_103, %dma_wait3A_104] : memref<10112x128xf32, #tpu.memory_space<vmem_shared>> -> memref<10112x128xf32, #tpu.memory_space<vmem_shared>>
            tpu.wait_indirect_dma semaphore(%run_scoped3A_93 : memref<!tpu.dma_semaphore, #tpu.memory_space<semaphore_mem>>) src(%arg11 : memref<128x128xf32, #tpu.memory_space<vmem>>) dst(%dma_wait3A_105 : memref<10112x128xf32, #tpu.memory_space<vmem_shared>>)
            tpu.yield
          }) : () -> ()
        }
        %scan3A_36 = arith.constant 7 : i32
        %dma_start3A_37 = arith.constant 15 : i32
        %dma_start3A_38 = arith.constant 0 : i32
        %dma_start3A_39 = tpu.memref_slice %arg8[%dma_start3A_37, %dma_start3A_38] : memref<64x128xi32, #tpu.memory_space<vmem>> -> memref<1x128xi32, #tpu.memory_space<vmem>>
        %dma_start3A_40 = tpu.memref_squeeze %dma_start3A_39 : memref<1x128xi32, #tpu.memory_space<vmem>> -> memref<128xi32, #tpu.memory_space<vmem>>
        %dma_start3A_41 = arith.constant 0 : i32
        %dma_start3A_42 = arith.constant 0 : i32
        %dma_start3A_43 = tpu.memref_slice %arg2[%dma_start3A_41, %dma_start3A_42] : memref<10240x128xf32, #tpu.memory_space<hbm>> -> memref<10240x128xf32, #tpu.memory_space<hbm>>
        tpu.enqueue_indirect_dma source(%dma_start3A_43 : memref<10240x128xf32, #tpu.memory_space<hbm>>) target(%arg11 : memref<128x128xf32, #tpu.memory_space<vmem>>) offsets(%dma_start3A_40 : memref<128xi32, #tpu.memory_space<vmem>>) semaphore(%arg13 : memref<!tpu.dma_semaphore, #tpu.memory_space<semaphore_mem>>)
        %dma_wait3A = arith.constant 14 : i32
        %dma_wait3A_44 = arith.constant 0 : i32
        %dma_wait3A_45 = tpu.memref_slice %arg8[%dma_wait3A, %dma_wait3A_44] : memref<64x128xi32, #tpu.memory_space<vmem>> -> memref<1x128xi32, #tpu.memory_space<vmem>>
        %dma_wait3A_46 = tpu.memref_squeeze %dma_wait3A_45 : memref<1x128xi32, #tpu.memory_space<vmem>> -> memref<128xi32, #tpu.memory_space<vmem>>
        %dma_wait3A_47 = arith.constant 0 : i32
        %dma_wait3A_48 = arith.constant 0 : i32
        %dma_wait3A_49 = tpu.memref_slice %arg2[%dma_wait3A_47, %dma_wait3A_48] : memref<10240x128xf32, #tpu.memory_space<hbm>> -> memref<10240x128xf32, #tpu.memory_space<hbm>>
        tpu.wait_indirect_dma semaphore(%arg12 : memref<!tpu.dma_semaphore, #tpu.memory_space<semaphore_mem>>) src(%dma_wait3A_49 : memref<10240x128xf32, #tpu.memory_space<hbm>>) dst(%arg10 : memref<128x128xf32, #tpu.memory_space<vmem>>)
        %run_scoped3A = arith.constant 14 : i32
        "tpu.region"() ({
          %run_scoped3A_58 = tpu.sem_alloc : memref<!tpu.dma_semaphore, #tpu.memory_space<semaphore_mem>>
          %dma_start3A_59 = arith.constant 0 : i32
          %dma_start3A_60 = tpu.memref_slice %arg9[%run_scoped3A, %dma_start3A_59] : memref<64x128xi32, #tpu.memory_space<vmem>> -> memref<1x128xi32, #tpu.memory_space<vmem>>
          %dma_start3A_61 = tpu.memref_squeeze %dma_start3A_60 : memref<1x128xi32, #tpu.memory_space<vmem>> -> memref<128xi32, #tpu.memory_space<vmem>>
          %dma_start3A_62 = arith.constant 0 : i32
          %dma_start3A_63 = arith.constant 0 : i32
          %dma_start3A_64 = tpu.memref_slice %arg7[%dma_start3A_62, %dma_start3A_63] : memref<10112x128xf32, #tpu.memory_space<vmem_shared>> -> memref<10112x128xf32, #tpu.memory_space<vmem_shared>>
          tpu.enqueue_indirect_dma source(%arg10 : memref<128x128xf32, #tpu.memory_space<vmem>>) target(%dma_start3A_64 : memref<10112x128xf32, #tpu.memory_space<vmem_shared>>) offsets(%dma_start3A_61 : memref<128xi32, #tpu.memory_space<vmem>>) semaphore(%run_scoped3A_58 : memref<!tpu.dma_semaphore, #tpu.memory_space<semaphore_mem>>) {add = true}
          %dma_wait3A_65 = arith.constant 0 : i32
          %dma_wait3A_66 = tpu.memref_slice %arg9[%run_scoped3A, %dma_wait3A_65] : memref<64x128xi32, #tpu.memory_space<vmem>> -> memref<1x128xi32, #tpu.memory_space<vmem>>
          %dma_wait3A_67 = tpu.memref_squeeze %dma_wait3A_66 : memref<1x128xi32, #tpu.memory_space<vmem>> -> memref<128xi32, #tpu.memory_space<vmem>>
          %dma_wait3A_68 = arith.constant 0 : i32
          %dma_wait3A_69 = arith.constant 0 : i32
          %dma_wait3A_70 = tpu.memref_slice %arg7[%dma_wait3A_68, %dma_wait3A_69] : memref<10112x128xf32, #tpu.memory_space<vmem_shared>> -> memref<10112x128xf32, #tpu.memory_space<vmem_shared>>
          tpu.wait_indirect_dma semaphore(%run_scoped3A_58 : memref<!tpu.dma_semaphore, #tpu.memory_space<semaphore_mem>>) src(%arg10 : memref<128x128xf32, #tpu.memory_space<vmem>>) dst(%dma_wait3A_70 : memref<10112x128xf32, #tpu.memory_space<vmem_shared>>)
          tpu.yield
        }) : () -> ()
        %dma_wait3A_50 = arith.constant 15 : i32
        %dma_wait3A_51 = arith.constant 0 : i32
        %dma_wait3A_52 = tpu.memref_slice %arg8[%dma_wait3A_50, %dma_wait3A_51] : memref<64x128xi32, #tpu.memory_space<vmem>> -> memref<1x128xi32, #tpu.memory_space<vmem>>
        %dma_wait3A_53 = tpu.memref_squeeze %dma_wait3A_52 : memref<1x128xi32, #tpu.memory_space<vmem>> -> memref<128xi32, #tpu.memory_space<vmem>>
        %dma_wait3A_54 = arith.constant 0 : i32
        %dma_wait3A_55 = arith.constant 0 : i32
        %dma_wait3A_56 = tpu.memref_slice %arg2[%dma_wait3A_54, %dma_wait3A_55] : memref<10240x128xf32, #tpu.memory_space<hbm>> -> memref<10240x128xf32, #tpu.memory_space<hbm>>
        tpu.wait_indirect_dma semaphore(%arg13 : memref<!tpu.dma_semaphore, #tpu.memory_space<semaphore_mem>>) src(%dma_wait3A_56 : memref<10240x128xf32, #tpu.memory_space<hbm>>) dst(%arg11 : memref<128x128xf32, #tpu.memory_space<vmem>>)
        %run_scoped3A_57 = arith.constant 15 : i32
        "tpu.region"() ({
          %run_scoped3A_58 = tpu.sem_alloc : memref<!tpu.dma_semaphore, #tpu.memory_space<semaphore_mem>>
          %dma_start3A_59 = arith.constant 0 : i32
          %dma_start3A_60 = tpu.memref_slice %arg9[%run_scoped3A_57, %dma_start3A_59] : memref<64x128xi32, #tpu.memory_space<vmem>> -> memref<1x128xi32, #tpu.memory_space<vmem>>
          %dma_start3A_61 = tpu.memref_squeeze %dma_start3A_60 : memref<1x128xi32, #tpu.memory_space<vmem>> -> memref<128xi32, #tpu.memory_space<vmem>>
          %dma_start3A_62 = arith.constant 0 : i32
          %dma_start3A_63 = arith.constant 0 : i32
          %dma_start3A_64 = tpu.memref_slice %arg7[%dma_start3A_62, %dma_start3A_63] : memref<10112x128xf32, #tpu.memory_space<vmem_shared>> -> memref<10112x128xf32, #tpu.memory_space<vmem_shared>>
          tpu.enqueue_indirect_dma source(%arg11 : memref<128x128xf32, #tpu.memory_space<vmem>>) target(%dma_start3A_64 : memref<10112x128xf32, #tpu.memory_space<vmem_shared>>) offsets(%dma_start3A_61 : memref<128xi32, #tpu.memory_space<vmem>>) semaphore(%run_scoped3A_58 : memref<!tpu.dma_semaphore, #tpu.memory_space<semaphore_mem>>) {add = true}
          %dma_wait3A_65 = arith.constant 0 : i32
          %dma_wait3A_66 = tpu.memref_slice %arg9[%run_scoped3A_57, %dma_wait3A_65] : memref<64x128xi32, #tpu.memory_space<vmem>> -> memref<1x128xi32, #tpu.memory_space<vmem>>
          %dma_wait3A_67 = tpu.memref_squeeze %dma_wait3A_66 : memref<1x128xi32, #tpu.memory_space<vmem>> -> memref<128xi32, #tpu.memory_space<vmem>>
          %dma_wait3A_68 = arith.constant 0 : i32
          %dma_wait3A_69 = arith.constant 0 : i32
          %dma_wait3A_70 = tpu.memref_slice %arg7[%dma_wait3A_68, %dma_wait3A_69] : memref<10112x128xf32, #tpu.memory_space<vmem_shared>> -> memref<10112x128xf32, #tpu.memory_space<vmem_shared>>
          tpu.wait_indirect_dma semaphore(%run_scoped3A_58 : memref<!tpu.dma_semaphore, #tpu.memory_space<semaphore_mem>>) src(%arg11 : memref<128x128xf32, #tpu.memory_space<vmem>>) dst(%dma_wait3A_70 : memref<10112x128xf32, #tpu.memory_space<vmem_shared>>)
          tpu.yield
        }) : () -> ()
      }
      %scan3A_20 = arith.constant 2 : i32
    } else {
    }
    %barrier3A_8 = arith.constant 0 : index
    tpu.barrier barrier_id(%barrier3A_8)
    %mul3A_9 = arith.constant 632 : i32
    %mul3A_10 = arith.muli %arg1, %mul3A_9 : i32
    %mul3A_11 = arith.constant 632 : i32
    %mul3A_12 = arith.muli %arg1, %mul3A_11 : i32
    "tpu.region"() ({
      %run_scoped3A = tpu.sem_alloc : memref<!tpu.dma_semaphore, #tpu.memory_space<semaphore_mem>>
      %dma_start3A = arith.constant 0 : i32
      %dma_start3A_13 = tpu.memref_slice %arg6[%arg0, %mul3A_12, %dma_start3A] : memref<2x10240x128xf32, #tpu.memory_space<hbm>> -> memref<1x632x128xf32, #tpu.memory_space<hbm>>
      %dma_start3A_14 = tpu.memref_squeeze %dma_start3A_13 : memref<1x632x128xf32, #tpu.memory_space<hbm>> -> memref<632x128xf32, #tpu.memory_space<hbm>>
      %dma_start3A_15 = arith.constant 0 : i32
      %dma_start3A_16 = tpu.memref_slice %arg7[%mul3A_10, %dma_start3A_15] : memref<10112x128xf32, #tpu.memory_space<vmem_shared>> -> memref<632x128xf32, #tpu.memory_space<vmem_shared>>
      tpu.enqueue_dma source(%dma_start3A_16 : memref<632x128xf32, #tpu.memory_space<vmem_shared>>) target(%dma_start3A_14 : memref<632x128xf32, #tpu.memory_space<hbm>>) target_semaphore(%run_scoped3A : memref<!tpu.dma_semaphore, #tpu.memory_space<semaphore_mem>>)
      %dma_wait3A = arith.constant 0 : i32
      %dma_wait3A_17 = tpu.memref_slice %arg6[%arg0, %mul3A_12, %dma_wait3A] : memref<2x10240x128xf32, #tpu.memory_space<hbm>> -> memref<1x632x128xf32, #tpu.memory_space<hbm>>
      %dma_wait3A_18 = tpu.memref_squeeze %dma_wait3A_17 : memref<1x632x128xf32, #tpu.memory_space<hbm>> -> memref<632x128xf32, #tpu.memory_space<hbm>>
      %dma_wait3A_19 = arith.constant 0 : i32
      %dma_wait3A_20 = tpu.memref_slice %arg7[%mul3A_10, %dma_wait3A_19] : memref<10112x128xf32, #tpu.memory_space<vmem_shared>> -> memref<632x128xf32, #tpu.memory_space<vmem_shared>>
      tpu.wait_dma2 semaphore(%run_scoped3A : memref<!tpu.dma_semaphore, #tpu.memory_space<semaphore_mem>>) src(%dma_wait3A_20 : memref<632x128xf32, #tpu.memory_space<vmem_shared>>) dst(%dma_wait3A_18 : memref<632x128xf32, #tpu.memory_space<hbm>>)
      tpu.yield
    }) : () -> ()
    return
  }
}

#map = affine_map<(d0, d1) -> (0, 0)>
#map1 = affine_map<(d0, d1) -> (0, 0, 0)>
module attributes {stable_mosaic.version = 14 : i64} {
  func.func @_prop_body(%arg0: i32, %arg1: i32, %arg2: memref<10240x128xf32, #tpu.memory_space<hbm>>, %arg3: memref<2560x128xi32, #tpu.memory_space<hbm>>, %arg4: memref<2560x128xi32, #tpu.memory_space<hbm>>, %arg5: memref<632x128xf32, #tpu.memory_space<hbm>>, %arg6: memref<2x10240x128xf32, #tpu.memory_space<hbm>>, %arg7: memref<10112x128xf32, #tpu.memory_space<vmem_shared>>, %arg8: memref<64x128xi32, #tpu.memory_space<vmem>>, %arg9: memref<64x128xi32, #tpu.memory_space<vmem>>, %arg10: memref<128x128xf32, #tpu.memory_space<vmem>>, %arg11: memref<128x128xf32, #tpu.memory_space<vmem>>, %arg12: memref<!tpu.dma_semaphore, #tpu.memory_space<semaphore_mem>>, %arg13: memref<!tpu.dma_semaphore, #tpu.memory_space<semaphore_mem>>) attributes {dimension_semantics = [#tpu.dimension_semantics<core_parallel>, #tpu.dimension_semantics<subcore_parallel>], iteration_bounds = array<i64: 2, 16>, scalar_prefetch = 0 : i64, scratch_operands = 7 : i64, tpu.core_type = #tpu.core_type<sc_vector_subcore>, window_params = [{transform_indices = #map}, {transform_indices = #map}, {transform_indices = #map}, {transform_indices = #map}, {transform_indices = #map1}]} {
    %mul3A = arith.constant 632 : i32
    %mul3A_0 = arith.muli %arg1, %mul3A : i32
    "tpu.region"() ({
      %run_scoped3A = tpu.sem_alloc : memref<!tpu.dma_semaphore, #tpu.memory_space<semaphore_mem>>
      %dma_start3A = arith.constant 0 : i32
      %dma_start3A_13 = tpu.memref_slice %arg7[%mul3A_0, %dma_start3A] : memref<10112x128xf32, #tpu.memory_space<vmem_shared>> -> memref<632x128xf32, #tpu.memory_space<vmem_shared>>
      tpu.enqueue_dma source(%arg5 : memref<632x128xf32, #tpu.memory_space<hbm>>) target(%dma_start3A_13 : memref<632x128xf32, #tpu.memory_space<vmem_shared>>) target_semaphore(%run_scoped3A : memref<!tpu.dma_semaphore, #tpu.memory_space<semaphore_mem>>)
      %dma_wait3A = arith.constant 0 : i32
      %dma_wait3A_14 = tpu.memref_slice %arg7[%mul3A_0, %dma_wait3A] : memref<10112x128xf32, #tpu.memory_space<vmem_shared>> -> memref<632x128xf32, #tpu.memory_space<vmem_shared>>
      tpu.wait_dma2 semaphore(%run_scoped3A : memref<!tpu.dma_semaphore, #tpu.memory_space<semaphore_mem>>) src(%arg5 : memref<632x128xf32, #tpu.memory_space<hbm>>) dst(%dma_wait3A_14 : memref<632x128xf32, #tpu.memory_space<vmem_shared>>)
      tpu.yield
    }) : () -> ()
    %barrier3A = arith.constant 0 : index
    tpu.barrier barrier_id(%barrier3A)
    %eq3A = arith.constant 0 : i32
    %eq3A_1 = arith.cmpi eq, %arg0, %eq3A : i32
    %convert_element_type3A = arith.extui %eq3A_1 : i1 to i32
    %cond3A = arith.constant 0 : i32
    %cond3A_2 = arith.cmpi ne, %convert_element_type3A, %cond3A : i32
    scf.if %cond3A_2 {
      %mul3A_13 = arith.constant 128 : i32
      %mul3A_14 = arith.muli %arg1, %mul3A_13 : i32
      %scan3A = arith.constant 0 : i32
      %scan3A_15 = arith.constant 0 : i32
      %scan3A_16 = arith.constant 2 : i32
      %scan3A_17 = arith.addi %scan3A_15, %scan3A_16 : i32
      %scan3A_18 = arith.constant 1 : i32
      scf.for %scan3A_20 = %scan3A_15 to %scan3A_17 step %scan3A_18  : i32 {
        %mul3A_21 = arith.constant 64 : i32
        %mul3A_22 = arith.muli %scan3A_20, %mul3A_21 : i32
        %add3A = arith.addi %mul3A_14, %mul3A_22 : i32
        "tpu.region"() ({
          %run_scoped3A_56 = tpu.sem_alloc : memref<!tpu.dma_semaphore, #tpu.memory_space<semaphore_mem>>
          %dma_start3A_57 = arith.constant 0 : i32
          %dma_start3A_58 = arith.constant 0 : i32
          %dma_start3A_59 = tpu.memref_slice %arg8[%dma_start3A_57, %dma_start3A_58] : memref<64x128xi32, #tpu.memory_space<vmem>> -> memref<64x128xi32, #tpu.memory_space<vmem>>
          %dma_start3A_60 = arith.constant 0 : i32
          %dma_start3A_61 = tpu.memref_slice %arg3[%add3A, %dma_start3A_60] : memref<2560x128xi32, #tpu.memory_space<hbm>> -> memref<64x128xi32, #tpu.memory_space<hbm>>
          %dma_start3A_62 = arith.constant 0 : i32
          %dma_start3A_63 = arith.constant 0 : i32
          %dma_start3A_64 = tpu.memref_slice %arg8[%dma_start3A_62, %dma_start3A_63] : memref<64x128xi32, #tpu.memory_space<vmem>> -> memref<64x128xi32, #tpu.memory_space<vmem>>
          %dma_start3A_65 = arith.constant 0 : i32
          %dma_start3A_66 = tpu.memref_slice %arg3[%add3A, %dma_start3A_65] : memref<2560x128xi32, #tpu.memory_space<hbm>> -> memref<64x128xi32, #tpu.memory_space<hbm>>
          tpu.enqueue_dma source(%dma_start3A_66 : memref<64x128xi32, #tpu.memory_space<hbm>>) target(%dma_start3A_64 : memref<64x128xi32, #tpu.memory_space<vmem>>) target_semaphore(%run_scoped3A_56 : memref<!tpu.dma_semaphore, #tpu.memory_space<semaphore_mem>>)
          %dma_wait3A_67 = arith.constant 0 : i32
          %dma_wait3A_68 = arith.constant 0 : i32
          %dma_wait3A_69 = tpu.memref_slice %arg8[%dma_wait3A_67, %dma_wait3A_68] : memref<64x128xi32, #tpu.memory_space<vmem>> -> memref<64x128xi32, #tpu.memory_space<vmem>>
          %dma_wait3A_70 = arith.constant 0 : i32
          %dma_wait3A_71 = tpu.memref_slice %arg3[%add3A, %dma_wait3A_70] : memref<2560x128xi32, #tpu.memory_space<hbm>> -> memref<64x128xi32, #tpu.memory_space<hbm>>
          %dma_wait3A_72 = arith.constant 0 : i32
          %dma_wait3A_73 = arith.constant 0 : i32
          %dma_wait3A_74 = tpu.memref_slice %arg8[%dma_wait3A_72, %dma_wait3A_73] : memref<64x128xi32, #tpu.memory_space<vmem>> -> memref<64x128xi32, #tpu.memory_space<vmem>>
          %dma_wait3A_75 = arith.constant 0 : i32
          %dma_wait3A_76 = tpu.memref_slice %arg3[%add3A, %dma_wait3A_75] : memref<2560x128xi32, #tpu.memory_space<hbm>> -> memref<64x128xi32, #tpu.memory_space<hbm>>
          tpu.wait_dma2 semaphore(%run_scoped3A_56 : memref<!tpu.dma_semaphore, #tpu.memory_space<semaphore_mem>>) src(%dma_wait3A_76 : memref<64x128xi32, #tpu.memory_space<hbm>>) dst(%dma_wait3A_74 : memref<64x128xi32, #tpu.memory_space<vmem>>)
          tpu.yield
        }) : () -> ()
        "tpu.region"() ({
          %run_scoped3A_56 = tpu.sem_alloc : memref<!tpu.dma_semaphore, #tpu.memory_space<semaphore_mem>>
          %dma_start3A_57 = arith.constant 0 : i32
          %dma_start3A_58 = arith.constant 0 : i32
          %dma_start3A_59 = tpu.memref_slice %arg9[%dma_start3A_57, %dma_start3A_58] : memref<64x128xi32, #tpu.memory_space<vmem>> -> memref<64x128xi32, #tpu.memory_space<vmem>>
          %dma_start3A_60 = arith.constant 0 : i32
          %dma_start3A_61 = tpu.memref_slice %arg4[%add3A, %dma_start3A_60] : memref<2560x128xi32, #tpu.memory_space<hbm>> -> memref<64x128xi32, #tpu.memory_space<hbm>>
          %dma_start3A_62 = arith.constant 0 : i32
          %dma_start3A_63 = arith.constant 0 : i32
          %dma_start3A_64 = tpu.memref_slice %arg9[%dma_start3A_62, %dma_start3A_63] : memref<64x128xi32, #tpu.memory_space<vmem>> -> memref<64x128xi32, #tpu.memory_space<vmem>>
          %dma_start3A_65 = arith.constant 0 : i32
          %dma_start3A_66 = tpu.memref_slice %arg4[%add3A, %dma_start3A_65] : memref<2560x128xi32, #tpu.memory_space<hbm>> -> memref<64x128xi32, #tpu.memory_space<hbm>>
          tpu.enqueue_dma source(%dma_start3A_66 : memref<64x128xi32, #tpu.memory_space<hbm>>) target(%dma_start3A_64 : memref<64x128xi32, #tpu.memory_space<vmem>>) target_semaphore(%run_scoped3A_56 : memref<!tpu.dma_semaphore, #tpu.memory_space<semaphore_mem>>)
          %dma_wait3A_67 = arith.constant 0 : i32
          %dma_wait3A_68 = arith.constant 0 : i32
          %dma_wait3A_69 = tpu.memref_slice %arg9[%dma_wait3A_67, %dma_wait3A_68] : memref<64x128xi32, #tpu.memory_space<vmem>> -> memref<64x128xi32, #tpu.memory_space<vmem>>
          %dma_wait3A_70 = arith.constant 0 : i32
          %dma_wait3A_71 = tpu.memref_slice %arg4[%add3A, %dma_wait3A_70] : memref<2560x128xi32, #tpu.memory_space<hbm>> -> memref<64x128xi32, #tpu.memory_space<hbm>>
          %dma_wait3A_72 = arith.constant 0 : i32
          %dma_wait3A_73 = arith.constant 0 : i32
          %dma_wait3A_74 = tpu.memref_slice %arg9[%dma_wait3A_72, %dma_wait3A_73] : memref<64x128xi32, #tpu.memory_space<vmem>> -> memref<64x128xi32, #tpu.memory_space<vmem>>
          %dma_wait3A_75 = arith.constant 0 : i32
          %dma_wait3A_76 = tpu.memref_slice %arg4[%add3A, %dma_wait3A_75] : memref<2560x128xi32, #tpu.memory_space<hbm>> -> memref<64x128xi32, #tpu.memory_space<hbm>>
          tpu.wait_dma2 semaphore(%run_scoped3A_56 : memref<!tpu.dma_semaphore, #tpu.memory_space<semaphore_mem>>) src(%dma_wait3A_76 : memref<64x128xi32, #tpu.memory_space<hbm>>) dst(%dma_wait3A_74 : memref<64x128xi32, #tpu.memory_space<vmem>>)
          tpu.yield
        }) : () -> ()
        %dma_start3A = arith.constant 0 : i32
        %dma_start3A_23 = arith.constant 0 : i32
        %dma_start3A_24 = tpu.memref_slice %arg8[%dma_start3A, %dma_start3A_23] : memref<64x128xi32, #tpu.memory_space<vmem>> -> memref<1x128xi32, #tpu.memory_space<vmem>>
        %dma_start3A_25 = tpu.memref_squeeze %dma_start3A_24 : memref<1x128xi32, #tpu.memory_space<vmem>> -> memref<128xi32, #tpu.memory_space<vmem>>
        %dma_start3A_26 = arith.constant 0 : i32
        %dma_start3A_27 = arith.constant 0 : i32
        %dma_start3A_28 = tpu.memref_slice %arg2[%dma_start3A_26, %dma_start3A_27] : memref<10240x128xf32, #tpu.memory_space<hbm>> -> memref<10240x128xf32, #tpu.memory_space<hbm>>
        tpu.enqueue_indirect_dma source(%dma_start3A_28 : memref<10240x128xf32, #tpu.memory_space<hbm>>) target(%arg10 : memref<128x128xf32, #tpu.memory_space<vmem>>) offsets(%dma_start3A_25 : memref<128xi32, #tpu.memory_space<vmem>>) semaphore(%arg12 : memref<!tpu.dma_semaphore, #tpu.memory_space<semaphore_mem>>)
        %scan3A_29 = arith.constant 0 : i32
        %scan3A_30 = arith.constant 0 : i32
        %scan3A_31 = arith.constant 31 : i32
        %scan3A_32 = arith.addi %scan3A_30, %scan3A_31 : i32
        %scan3A_33 = arith.constant 1 : i32
        scf.for %scan3A_56 = %scan3A_30 to %scan3A_32 step %scan3A_33  : i32 {
          %mul3A_57 = arith.constant 2 : i32
          %mul3A_58 = arith.muli %mul3A_57, %scan3A_56 : i32
          %add3A_59 = arith.constant 1 : i32
          %add3A_60 = arith.addi %mul3A_58, %add3A_59 : i32
          %dma_start3A_61 = arith.constant 0 : i32
          %dma_start3A_62 = tpu.memref_slice %arg8[%add3A_60, %dma_start3A_61] : memref<64x128xi32, #tpu.memory_space<vmem>> -> memref<1x128xi32, #tpu.memory_space<vmem>>
          %dma_start3A_63 = tpu.memref_squeeze %dma_start3A_62 : memref<1x128xi32, #tpu.memory_space<vmem>> -> memref<128xi32, #tpu.memory_space<vmem>>
          %dma_start3A_64 = arith.constant 0 : i32
          %dma_start3A_65 = arith.constant 0 : i32
          %dma_start3A_66 = tpu.memref_slice %arg2[%dma_start3A_64, %dma_start3A_65] : memref<10240x128xf32, #tpu.memory_space<hbm>> -> memref<10240x128xf32, #tpu.memory_space<hbm>>
          tpu.enqueue_indirect_dma source(%dma_start3A_66 : memref<10240x128xf32, #tpu.memory_space<hbm>>) target(%arg11 : memref<128x128xf32, #tpu.memory_space<vmem>>) offsets(%dma_start3A_63 : memref<128xi32, #tpu.memory_space<vmem>>) semaphore(%arg13 : memref<!tpu.dma_semaphore, #tpu.memory_space<semaphore_mem>>)
          %dma_wait3A_67 = arith.constant 0 : i32
          %dma_wait3A_68 = tpu.memref_slice %arg8[%mul3A_58, %dma_wait3A_67] : memref<64x128xi32, #tpu.memory_space<vmem>> -> memref<1x128xi32, #tpu.memory_space<vmem>>
          %dma_wait3A_69 = tpu.memref_squeeze %dma_wait3A_68 : memref<1x128xi32, #tpu.memory_space<vmem>> -> memref<128xi32, #tpu.memory_space<vmem>>
          %dma_wait3A_70 = arith.constant 0 : i32
          %dma_wait3A_71 = arith.constant 0 : i32
          %dma_wait3A_72 = tpu.memref_slice %arg2[%dma_wait3A_70, %dma_wait3A_71] : memref<10240x128xf32, #tpu.memory_space<hbm>> -> memref<10240x128xf32, #tpu.memory_space<hbm>>
          tpu.wait_indirect_dma semaphore(%arg12 : memref<!tpu.dma_semaphore, #tpu.memory_space<semaphore_mem>>) src(%dma_wait3A_72 : memref<10240x128xf32, #tpu.memory_space<hbm>>) dst(%arg10 : memref<128x128xf32, #tpu.memory_space<vmem>>)
          "tpu.region"() ({
            %run_scoped3A_91 = tpu.sem_alloc : memref<!tpu.dma_semaphore, #tpu.memory_space<semaphore_mem>>
            %dma_start3A_92 = arith.constant 0 : i32
            %dma_start3A_93 = tpu.memref_slice %arg9[%mul3A_58, %dma_start3A_92] : memref<64x128xi32, #tpu.memory_space<vmem>> -> memref<1x128xi32, #tpu.memory_space<vmem>>
            %dma_start3A_94 = tpu.memref_squeeze %dma_start3A_93 : memref<1x128xi32, #tpu.memory_space<vmem>> -> memref<128xi32, #tpu.memory_space<vmem>>
            %dma_start3A_95 = arith.constant 0 : i32
            %dma_start3A_96 = arith.constant 0 : i32
            %dma_start3A_97 = tpu.memref_slice %arg7[%dma_start3A_95, %dma_start3A_96] : memref<10112x128xf32, #tpu.memory_space<vmem_shared>> -> memref<10112x128xf32, #tpu.memory_space<vmem_shared>>
            tpu.enqueue_indirect_dma source(%arg10 : memref<128x128xf32, #tpu.memory_space<vmem>>) target(%dma_start3A_97 : memref<10112x128xf32, #tpu.memory_space<vmem_shared>>) offsets(%dma_start3A_94 : memref<128xi32, #tpu.memory_space<vmem>>) semaphore(%run_scoped3A_91 : memref<!tpu.dma_semaphore, #tpu.memory_space<semaphore_mem>>) {add = true}
            %dma_wait3A_98 = arith.constant 0 : i32
            %dma_wait3A_99 = tpu.memref_slice %arg9[%mul3A_58, %dma_wait3A_98] : memref<64x128xi32, #tpu.memory_space<vmem>> -> memref<1x128xi32, #tpu.memory_space<vmem>>
            %dma_wait3A_100 = tpu.memref_squeeze %dma_wait3A_99 : memref<1x128xi32, #tpu.memory_space<vmem>> -> memref<128xi32, #tpu.memory_space<vmem>>
            %dma_wait3A_101 = arith.constant 0 : i32
            %dma_wait3A_102 = arith.constant 0 : i32
            %dma_wait3A_103 = tpu.memref_slice %arg7[%dma_wait3A_101, %dma_wait3A_102] : memref<10112x128xf32, #tpu.memory_space<vmem_shared>> -> memref<10112x128xf32, #tpu.memory_space<vmem_shared>>
            tpu.wait_indirect_dma semaphore(%run_scoped3A_91 : memref<!tpu.dma_semaphore, #tpu.memory_space<semaphore_mem>>) src(%arg10 : memref<128x128xf32, #tpu.memory_space<vmem>>) dst(%dma_wait3A_103 : memref<10112x128xf32, #tpu.memory_space<vmem_shared>>)
            tpu.yield
          }) : () -> ()
          %add3A_73 = arith.constant 2 : i32
          %add3A_74 = arith.addi %mul3A_58, %add3A_73 : i32
          %dma_start3A_75 = arith.constant 0 : i32
          %dma_start3A_76 = tpu.memref_slice %arg8[%add3A_74, %dma_start3A_75] : memref<64x128xi32, #tpu.memory_space<vmem>> -> memref<1x128xi32, #tpu.memory_space<vmem>>
          %dma_start3A_77 = tpu.memref_squeeze %dma_start3A_76 : memref<1x128xi32, #tpu.memory_space<vmem>> -> memref<128xi32, #tpu.memory_space<vmem>>
          %dma_start3A_78 = arith.constant 0 : i32
          %dma_start3A_79 = arith.constant 0 : i32
          %dma_start3A_80 = tpu.memref_slice %arg2[%dma_start3A_78, %dma_start3A_79] : memref<10240x128xf32, #tpu.memory_space<hbm>> -> memref<10240x128xf32, #tpu.memory_space<hbm>>
          tpu.enqueue_indirect_dma source(%dma_start3A_80 : memref<10240x128xf32, #tpu.memory_space<hbm>>) target(%arg10 : memref<128x128xf32, #tpu.memory_space<vmem>>) offsets(%dma_start3A_77 : memref<128xi32, #tpu.memory_space<vmem>>) semaphore(%arg12 : memref<!tpu.dma_semaphore, #tpu.memory_space<semaphore_mem>>)
          %add3A_81 = arith.constant 1 : i32
          %add3A_82 = arith.addi %mul3A_58, %add3A_81 : i32
          %dma_wait3A_83 = arith.constant 0 : i32
          %dma_wait3A_84 = tpu.memref_slice %arg8[%add3A_82, %dma_wait3A_83] : memref<64x128xi32, #tpu.memory_space<vmem>> -> memref<1x128xi32, #tpu.memory_space<vmem>>
          %dma_wait3A_85 = tpu.memref_squeeze %dma_wait3A_84 : memref<1x128xi32, #tpu.memory_space<vmem>> -> memref<128xi32, #tpu.memory_space<vmem>>
          %dma_wait3A_86 = arith.constant 0 : i32
          %dma_wait3A_87 = arith.constant 0 : i32
          %dma_wait3A_88 = tpu.memref_slice %arg2[%dma_wait3A_86, %dma_wait3A_87] : memref<10240x128xf32, #tpu.memory_space<hbm>> -> memref<10240x128xf32, #tpu.memory_space<hbm>>
          tpu.wait_indirect_dma semaphore(%arg13 : memref<!tpu.dma_semaphore, #tpu.memory_space<semaphore_mem>>) src(%dma_wait3A_88 : memref<10240x128xf32, #tpu.memory_space<hbm>>) dst(%arg11 : memref<128x128xf32, #tpu.memory_space<vmem>>)
          %add3A_89 = arith.constant 1 : i32
          %add3A_90 = arith.addi %mul3A_58, %add3A_89 : i32
          "tpu.region"() ({
            %run_scoped3A_91 = tpu.sem_alloc : memref<!tpu.dma_semaphore, #tpu.memory_space<semaphore_mem>>
            %dma_start3A_92 = arith.constant 0 : i32
            %dma_start3A_93 = tpu.memref_slice %arg9[%add3A_90, %dma_start3A_92] : memref<64x128xi32, #tpu.memory_space<vmem>> -> memref<1x128xi32, #tpu.memory_space<vmem>>
            %dma_start3A_94 = tpu.memref_squeeze %dma_start3A_93 : memref<1x128xi32, #tpu.memory_space<vmem>> -> memref<128xi32, #tpu.memory_space<vmem>>
            %dma_start3A_95 = arith.constant 0 : i32
            %dma_start3A_96 = arith.constant 0 : i32
            %dma_start3A_97 = tpu.memref_slice %arg7[%dma_start3A_95, %dma_start3A_96] : memref<10112x128xf32, #tpu.memory_space<vmem_shared>> -> memref<10112x128xf32, #tpu.memory_space<vmem_shared>>
            tpu.enqueue_indirect_dma source(%arg11 : memref<128x128xf32, #tpu.memory_space<vmem>>) target(%dma_start3A_97 : memref<10112x128xf32, #tpu.memory_space<vmem_shared>>) offsets(%dma_start3A_94 : memref<128xi32, #tpu.memory_space<vmem>>) semaphore(%run_scoped3A_91 : memref<!tpu.dma_semaphore, #tpu.memory_space<semaphore_mem>>) {add = true}
            %dma_wait3A_98 = arith.constant 0 : i32
            %dma_wait3A_99 = tpu.memref_slice %arg9[%add3A_90, %dma_wait3A_98] : memref<64x128xi32, #tpu.memory_space<vmem>> -> memref<1x128xi32, #tpu.memory_space<vmem>>
            %dma_wait3A_100 = tpu.memref_squeeze %dma_wait3A_99 : memref<1x128xi32, #tpu.memory_space<vmem>> -> memref<128xi32, #tpu.memory_space<vmem>>
            %dma_wait3A_101 = arith.constant 0 : i32
            %dma_wait3A_102 = arith.constant 0 : i32
            %dma_wait3A_103 = tpu.memref_slice %arg7[%dma_wait3A_101, %dma_wait3A_102] : memref<10112x128xf32, #tpu.memory_space<vmem_shared>> -> memref<10112x128xf32, #tpu.memory_space<vmem_shared>>
            tpu.wait_indirect_dma semaphore(%run_scoped3A_91 : memref<!tpu.dma_semaphore, #tpu.memory_space<semaphore_mem>>) src(%arg11 : memref<128x128xf32, #tpu.memory_space<vmem>>) dst(%dma_wait3A_103 : memref<10112x128xf32, #tpu.memory_space<vmem_shared>>)
            tpu.yield
          }) : () -> ()
        }
        %scan3A_34 = arith.constant 31 : i32
        %dma_start3A_35 = arith.constant 63 : i32
        %dma_start3A_36 = arith.constant 0 : i32
        %dma_start3A_37 = tpu.memref_slice %arg8[%dma_start3A_35, %dma_start3A_36] : memref<64x128xi32, #tpu.memory_space<vmem>> -> memref<1x128xi32, #tpu.memory_space<vmem>>
        %dma_start3A_38 = tpu.memref_squeeze %dma_start3A_37 : memref<1x128xi32, #tpu.memory_space<vmem>> -> memref<128xi32, #tpu.memory_space<vmem>>
        %dma_start3A_39 = arith.constant 0 : i32
        %dma_start3A_40 = arith.constant 0 : i32
        %dma_start3A_41 = tpu.memref_slice %arg2[%dma_start3A_39, %dma_start3A_40] : memref<10240x128xf32, #tpu.memory_space<hbm>> -> memref<10240x128xf32, #tpu.memory_space<hbm>>
        tpu.enqueue_indirect_dma source(%dma_start3A_41 : memref<10240x128xf32, #tpu.memory_space<hbm>>) target(%arg11 : memref<128x128xf32, #tpu.memory_space<vmem>>) offsets(%dma_start3A_38 : memref<128xi32, #tpu.memory_space<vmem>>) semaphore(%arg13 : memref<!tpu.dma_semaphore, #tpu.memory_space<semaphore_mem>>)
        %dma_wait3A = arith.constant 62 : i32
        %dma_wait3A_42 = arith.constant 0 : i32
        %dma_wait3A_43 = tpu.memref_slice %arg8[%dma_wait3A, %dma_wait3A_42] : memref<64x128xi32, #tpu.memory_space<vmem>> -> memref<1x128xi32, #tpu.memory_space<vmem>>
        %dma_wait3A_44 = tpu.memref_squeeze %dma_wait3A_43 : memref<1x128xi32, #tpu.memory_space<vmem>> -> memref<128xi32, #tpu.memory_space<vmem>>
        %dma_wait3A_45 = arith.constant 0 : i32
        %dma_wait3A_46 = arith.constant 0 : i32
        %dma_wait3A_47 = tpu.memref_slice %arg2[%dma_wait3A_45, %dma_wait3A_46] : memref<10240x128xf32, #tpu.memory_space<hbm>> -> memref<10240x128xf32, #tpu.memory_space<hbm>>
        tpu.wait_indirect_dma semaphore(%arg12 : memref<!tpu.dma_semaphore, #tpu.memory_space<semaphore_mem>>) src(%dma_wait3A_47 : memref<10240x128xf32, #tpu.memory_space<hbm>>) dst(%arg10 : memref<128x128xf32, #tpu.memory_space<vmem>>)
        %run_scoped3A = arith.constant 62 : i32
        "tpu.region"() ({
          %run_scoped3A_56 = tpu.sem_alloc : memref<!tpu.dma_semaphore, #tpu.memory_space<semaphore_mem>>
          %dma_start3A_57 = arith.constant 0 : i32
          %dma_start3A_58 = tpu.memref_slice %arg9[%run_scoped3A, %dma_start3A_57] : memref<64x128xi32, #tpu.memory_space<vmem>> -> memref<1x128xi32, #tpu.memory_space<vmem>>
          %dma_start3A_59 = tpu.memref_squeeze %dma_start3A_58 : memref<1x128xi32, #tpu.memory_space<vmem>> -> memref<128xi32, #tpu.memory_space<vmem>>
          %dma_start3A_60 = arith.constant 0 : i32
          %dma_start3A_61 = arith.constant 0 : i32
          %dma_start3A_62 = tpu.memref_slice %arg7[%dma_start3A_60, %dma_start3A_61] : memref<10112x128xf32, #tpu.memory_space<vmem_shared>> -> memref<10112x128xf32, #tpu.memory_space<vmem_shared>>
          tpu.enqueue_indirect_dma source(%arg10 : memref<128x128xf32, #tpu.memory_space<vmem>>) target(%dma_start3A_62 : memref<10112x128xf32, #tpu.memory_space<vmem_shared>>) offsets(%dma_start3A_59 : memref<128xi32, #tpu.memory_space<vmem>>) semaphore(%run_scoped3A_56 : memref<!tpu.dma_semaphore, #tpu.memory_space<semaphore_mem>>) {add = true}
          %dma_wait3A_63 = arith.constant 0 : i32
          %dma_wait3A_64 = tpu.memref_slice %arg9[%run_scoped3A, %dma_wait3A_63] : memref<64x128xi32, #tpu.memory_space<vmem>> -> memref<1x128xi32, #tpu.memory_space<vmem>>
          %dma_wait3A_65 = tpu.memref_squeeze %dma_wait3A_64 : memref<1x128xi32, #tpu.memory_space<vmem>> -> memref<128xi32, #tpu.memory_space<vmem>>
          %dma_wait3A_66 = arith.constant 0 : i32
          %dma_wait3A_67 = arith.constant 0 : i32
          %dma_wait3A_68 = tpu.memref_slice %arg7[%dma_wait3A_66, %dma_wait3A_67] : memref<10112x128xf32, #tpu.memory_space<vmem_shared>> -> memref<10112x128xf32, #tpu.memory_space<vmem_shared>>
          tpu.wait_indirect_dma semaphore(%run_scoped3A_56 : memref<!tpu.dma_semaphore, #tpu.memory_space<semaphore_mem>>) src(%arg10 : memref<128x128xf32, #tpu.memory_space<vmem>>) dst(%dma_wait3A_68 : memref<10112x128xf32, #tpu.memory_space<vmem_shared>>)
          tpu.yield
        }) : () -> ()
        %dma_wait3A_48 = arith.constant 63 : i32
        %dma_wait3A_49 = arith.constant 0 : i32
        %dma_wait3A_50 = tpu.memref_slice %arg8[%dma_wait3A_48, %dma_wait3A_49] : memref<64x128xi32, #tpu.memory_space<vmem>> -> memref<1x128xi32, #tpu.memory_space<vmem>>
        %dma_wait3A_51 = tpu.memref_squeeze %dma_wait3A_50 : memref<1x128xi32, #tpu.memory_space<vmem>> -> memref<128xi32, #tpu.memory_space<vmem>>
        %dma_wait3A_52 = arith.constant 0 : i32
        %dma_wait3A_53 = arith.constant 0 : i32
        %dma_wait3A_54 = tpu.memref_slice %arg2[%dma_wait3A_52, %dma_wait3A_53] : memref<10240x128xf32, #tpu.memory_space<hbm>> -> memref<10240x128xf32, #tpu.memory_space<hbm>>
        tpu.wait_indirect_dma semaphore(%arg13 : memref<!tpu.dma_semaphore, #tpu.memory_space<semaphore_mem>>) src(%dma_wait3A_54 : memref<10240x128xf32, #tpu.memory_space<hbm>>) dst(%arg11 : memref<128x128xf32, #tpu.memory_space<vmem>>)
        %run_scoped3A_55 = arith.constant 63 : i32
        "tpu.region"() ({
          %run_scoped3A_56 = tpu.sem_alloc : memref<!tpu.dma_semaphore, #tpu.memory_space<semaphore_mem>>
          %dma_start3A_57 = arith.constant 0 : i32
          %dma_start3A_58 = tpu.memref_slice %arg9[%run_scoped3A_55, %dma_start3A_57] : memref<64x128xi32, #tpu.memory_space<vmem>> -> memref<1x128xi32, #tpu.memory_space<vmem>>
          %dma_start3A_59 = tpu.memref_squeeze %dma_start3A_58 : memref<1x128xi32, #tpu.memory_space<vmem>> -> memref<128xi32, #tpu.memory_space<vmem>>
          %dma_start3A_60 = arith.constant 0 : i32
          %dma_start3A_61 = arith.constant 0 : i32
          %dma_start3A_62 = tpu.memref_slice %arg7[%dma_start3A_60, %dma_start3A_61] : memref<10112x128xf32, #tpu.memory_space<vmem_shared>> -> memref<10112x128xf32, #tpu.memory_space<vmem_shared>>
          tpu.enqueue_indirect_dma source(%arg11 : memref<128x128xf32, #tpu.memory_space<vmem>>) target(%dma_start3A_62 : memref<10112x128xf32, #tpu.memory_space<vmem_shared>>) offsets(%dma_start3A_59 : memref<128xi32, #tpu.memory_space<vmem>>) semaphore(%run_scoped3A_56 : memref<!tpu.dma_semaphore, #tpu.memory_space<semaphore_mem>>) {add = true}
          %dma_wait3A_63 = arith.constant 0 : i32
          %dma_wait3A_64 = tpu.memref_slice %arg9[%run_scoped3A_55, %dma_wait3A_63] : memref<64x128xi32, #tpu.memory_space<vmem>> -> memref<1x128xi32, #tpu.memory_space<vmem>>
          %dma_wait3A_65 = tpu.memref_squeeze %dma_wait3A_64 : memref<1x128xi32, #tpu.memory_space<vmem>> -> memref<128xi32, #tpu.memory_space<vmem>>
          %dma_wait3A_66 = arith.constant 0 : i32
          %dma_wait3A_67 = arith.constant 0 : i32
          %dma_wait3A_68 = tpu.memref_slice %arg7[%dma_wait3A_66, %dma_wait3A_67] : memref<10112x128xf32, #tpu.memory_space<vmem_shared>> -> memref<10112x128xf32, #tpu.memory_space<vmem_shared>>
          tpu.wait_indirect_dma semaphore(%run_scoped3A_56 : memref<!tpu.dma_semaphore, #tpu.memory_space<semaphore_mem>>) src(%arg11 : memref<128x128xf32, #tpu.memory_space<vmem>>) dst(%dma_wait3A_68 : memref<10112x128xf32, #tpu.memory_space<vmem_shared>>)
          tpu.yield
        }) : () -> ()
      }
      %scan3A_19 = arith.constant 2 : i32
    } else {
    }
    %eq3A_3 = arith.constant 1 : i32
    %eq3A_4 = arith.cmpi eq, %arg0, %eq3A_3 : i32
    %convert_element_type3A_5 = arith.extui %eq3A_4 : i1 to i32
    %cond3A_6 = arith.constant 0 : i32
    %cond3A_7 = arith.cmpi ne, %convert_element_type3A_5, %cond3A_6 : i32
    scf.if %cond3A_7 {
      %mul3A_13 = arith.constant 32 : i32
      %mul3A_14 = arith.muli %arg1, %mul3A_13 : i32
      %add3A = arith.constant 2048 : i32
      %add3A_15 = arith.addi %add3A, %mul3A_14 : i32
      %scan3A = arith.constant 0 : i32
      %scan3A_16 = arith.constant 0 : i32
      %scan3A_17 = arith.constant 2 : i32
      %scan3A_18 = arith.addi %scan3A_16, %scan3A_17 : i32
      %scan3A_19 = arith.constant 1 : i32
      scf.for %scan3A_21 = %scan3A_16 to %scan3A_18 step %scan3A_19  : i32 {
        %mul3A_22 = arith.constant 16 : i32
        %mul3A_23 = arith.muli %scan3A_21, %mul3A_22 : i32
        %add3A_24 = arith.addi %add3A_15, %mul3A_23 : i32
        "tpu.region"() ({
          %run_scoped3A_58 = tpu.sem_alloc : memref<!tpu.dma_semaphore, #tpu.memory_space<semaphore_mem>>
          %dma_start3A_59 = arith.constant 0 : i32
          %dma_start3A_60 = arith.constant 0 : i32
          %dma_start3A_61 = tpu.memref_slice %arg8[%dma_start3A_59, %dma_start3A_60] : memref<64x128xi32, #tpu.memory_space<vmem>> -> memref<16x128xi32, #tpu.memory_space<vmem>>
          %dma_start3A_62 = arith.constant 0 : i32
          %dma_start3A_63 = tpu.memref_slice %arg3[%add3A_24, %dma_start3A_62] : memref<2560x128xi32, #tpu.memory_space<hbm>> -> memref<16x128xi32, #tpu.memory_space<hbm>>
          %dma_start3A_64 = arith.constant 0 : i32
          %dma_start3A_65 = arith.constant 0 : i32
          %dma_start3A_66 = tpu.memref_slice %arg8[%dma_start3A_64, %dma_start3A_65] : memref<64x128xi32, #tpu.memory_space<vmem>> -> memref<16x128xi32, #tpu.memory_space<vmem>>
          %dma_start3A_67 = arith.constant 0 : i32
          %dma_start3A_68 = tpu.memref_slice %arg3[%add3A_24, %dma_start3A_67] : memref<2560x128xi32, #tpu.memory_space<hbm>> -> memref<16x128xi32, #tpu.memory_space<hbm>>
          tpu.enqueue_dma source(%dma_start3A_68 : memref<16x128xi32, #tpu.memory_space<hbm>>) target(%dma_start3A_66 : memref<16x128xi32, #tpu.memory_space<vmem>>) target_semaphore(%run_scoped3A_58 : memref<!tpu.dma_semaphore, #tpu.memory_space<semaphore_mem>>)
          %dma_wait3A_69 = arith.constant 0 : i32
          %dma_wait3A_70 = arith.constant 0 : i32
          %dma_wait3A_71 = tpu.memref_slice %arg8[%dma_wait3A_69, %dma_wait3A_70] : memref<64x128xi32, #tpu.memory_space<vmem>> -> memref<16x128xi32, #tpu.memory_space<vmem>>
          %dma_wait3A_72 = arith.constant 0 : i32
          %dma_wait3A_73 = tpu.memref_slice %arg3[%add3A_24, %dma_wait3A_72] : memref<2560x128xi32, #tpu.memory_space<hbm>> -> memref<16x128xi32, #tpu.memory_space<hbm>>
          %dma_wait3A_74 = arith.constant 0 : i32
          %dma_wait3A_75 = arith.constant 0 : i32
          %dma_wait3A_76 = tpu.memref_slice %arg8[%dma_wait3A_74, %dma_wait3A_75] : memref<64x128xi32, #tpu.memory_space<vmem>> -> memref<16x128xi32, #tpu.memory_space<vmem>>
          %dma_wait3A_77 = arith.constant 0 : i32
          %dma_wait3A_78 = tpu.memref_slice %arg3[%add3A_24, %dma_wait3A_77] : memref<2560x128xi32, #tpu.memory_space<hbm>> -> memref<16x128xi32, #tpu.memory_space<hbm>>
          tpu.wait_dma2 semaphore(%run_scoped3A_58 : memref<!tpu.dma_semaphore, #tpu.memory_space<semaphore_mem>>) src(%dma_wait3A_78 : memref<16x128xi32, #tpu.memory_space<hbm>>) dst(%dma_wait3A_76 : memref<16x128xi32, #tpu.memory_space<vmem>>)
          tpu.yield
        }) : () -> ()
        "tpu.region"() ({
          %run_scoped3A_58 = tpu.sem_alloc : memref<!tpu.dma_semaphore, #tpu.memory_space<semaphore_mem>>
          %dma_start3A_59 = arith.constant 0 : i32
          %dma_start3A_60 = arith.constant 0 : i32
          %dma_start3A_61 = tpu.memref_slice %arg9[%dma_start3A_59, %dma_start3A_60] : memref<64x128xi32, #tpu.memory_space<vmem>> -> memref<16x128xi32, #tpu.memory_space<vmem>>
          %dma_start3A_62 = arith.constant 0 : i32
          %dma_start3A_63 = tpu.memref_slice %arg4[%add3A_24, %dma_start3A_62] : memref<2560x128xi32, #tpu.memory_space<hbm>> -> memref<16x128xi32, #tpu.memory_space<hbm>>
          %dma_start3A_64 = arith.constant 0 : i32
          %dma_start3A_65 = arith.constant 0 : i32
          %dma_start3A_66 = tpu.memref_slice %arg9[%dma_start3A_64, %dma_start3A_65] : memref<64x128xi32, #tpu.memory_space<vmem>> -> memref<16x128xi32, #tpu.memory_space<vmem>>
          %dma_start3A_67 = arith.constant 0 : i32
          %dma_start3A_68 = tpu.memref_slice %arg4[%add3A_24, %dma_start3A_67] : memref<2560x128xi32, #tpu.memory_space<hbm>> -> memref<16x128xi32, #tpu.memory_space<hbm>>
          tpu.enqueue_dma source(%dma_start3A_68 : memref<16x128xi32, #tpu.memory_space<hbm>>) target(%dma_start3A_66 : memref<16x128xi32, #tpu.memory_space<vmem>>) target_semaphore(%run_scoped3A_58 : memref<!tpu.dma_semaphore, #tpu.memory_space<semaphore_mem>>)
          %dma_wait3A_69 = arith.constant 0 : i32
          %dma_wait3A_70 = arith.constant 0 : i32
          %dma_wait3A_71 = tpu.memref_slice %arg9[%dma_wait3A_69, %dma_wait3A_70] : memref<64x128xi32, #tpu.memory_space<vmem>> -> memref<16x128xi32, #tpu.memory_space<vmem>>
          %dma_wait3A_72 = arith.constant 0 : i32
          %dma_wait3A_73 = tpu.memref_slice %arg4[%add3A_24, %dma_wait3A_72] : memref<2560x128xi32, #tpu.memory_space<hbm>> -> memref<16x128xi32, #tpu.memory_space<hbm>>
          %dma_wait3A_74 = arith.constant 0 : i32
          %dma_wait3A_75 = arith.constant 0 : i32
          %dma_wait3A_76 = tpu.memref_slice %arg9[%dma_wait3A_74, %dma_wait3A_75] : memref<64x128xi32, #tpu.memory_space<vmem>> -> memref<16x128xi32, #tpu.memory_space<vmem>>
          %dma_wait3A_77 = arith.constant 0 : i32
          %dma_wait3A_78 = tpu.memref_slice %arg4[%add3A_24, %dma_wait3A_77] : memref<2560x128xi32, #tpu.memory_space<hbm>> -> memref<16x128xi32, #tpu.memory_space<hbm>>
          tpu.wait_dma2 semaphore(%run_scoped3A_58 : memref<!tpu.dma_semaphore, #tpu.memory_space<semaphore_mem>>) src(%dma_wait3A_78 : memref<16x128xi32, #tpu.memory_space<hbm>>) dst(%dma_wait3A_76 : memref<16x128xi32, #tpu.memory_space<vmem>>)
          tpu.yield
        }) : () -> ()
        %dma_start3A = arith.constant 0 : i32
        %dma_start3A_25 = arith.constant 0 : i32
        %dma_start3A_26 = tpu.memref_slice %arg8[%dma_start3A, %dma_start3A_25] : memref<64x128xi32, #tpu.memory_space<vmem>> -> memref<1x128xi32, #tpu.memory_space<vmem>>
        %dma_start3A_27 = tpu.memref_squeeze %dma_start3A_26 : memref<1x128xi32, #tpu.memory_space<vmem>> -> memref<128xi32, #tpu.memory_space<vmem>>
        %dma_start3A_28 = arith.constant 0 : i32
        %dma_start3A_29 = arith.constant 0 : i32
        %dma_start3A_30 = tpu.memref_slice %arg2[%dma_start3A_28, %dma_start3A_29] : memref<10240x128xf32, #tpu.memory_space<hbm>> -> memref<10240x128xf32, #tpu.memory_space<hbm>>
        tpu.enqueue_indirect_dma source(%dma_start3A_30 : memref<10240x128xf32, #tpu.memory_space<hbm>>) target(%arg10 : memref<128x128xf32, #tpu.memory_space<vmem>>) offsets(%dma_start3A_27 : memref<128xi32, #tpu.memory_space<vmem>>) semaphore(%arg12 : memref<!tpu.dma_semaphore, #tpu.memory_space<semaphore_mem>>)
        %scan3A_31 = arith.constant 0 : i32
        %scan3A_32 = arith.constant 0 : i32
        %scan3A_33 = arith.constant 7 : i32
        %scan3A_34 = arith.addi %scan3A_32, %scan3A_33 : i32
        %scan3A_35 = arith.constant 1 : i32
        scf.for %scan3A_58 = %scan3A_32 to %scan3A_34 step %scan3A_35  : i32 {
          %mul3A_59 = arith.constant 2 : i32
          %mul3A_60 = arith.muli %mul3A_59, %scan3A_58 : i32
          %add3A_61 = arith.constant 1 : i32
          %add3A_62 = arith.addi %mul3A_60, %add3A_61 : i32
          %dma_start3A_63 = arith.constant 0 : i32
          %dma_start3A_64 = tpu.memref_slice %arg8[%add3A_62, %dma_start3A_63] : memref<64x128xi32, #tpu.memory_space<vmem>> -> memref<1x128xi32, #tpu.memory_space<vmem>>
          %dma_start3A_65 = tpu.memref_squeeze %dma_start3A_64 : memref<1x128xi32, #tpu.memory_space<vmem>> -> memref<128xi32, #tpu.memory_space<vmem>>
          %dma_start3A_66 = arith.constant 0 : i32
          %dma_start3A_67 = arith.constant 0 : i32
          %dma_start3A_68 = tpu.memref_slice %arg2[%dma_start3A_66, %dma_start3A_67] : memref<10240x128xf32, #tpu.memory_space<hbm>> -> memref<10240x128xf32, #tpu.memory_space<hbm>>
          tpu.enqueue_indirect_dma source(%dma_start3A_68 : memref<10240x128xf32, #tpu.memory_space<hbm>>) target(%arg11 : memref<128x128xf32, #tpu.memory_space<vmem>>) offsets(%dma_start3A_65 : memref<128xi32, #tpu.memory_space<vmem>>) semaphore(%arg13 : memref<!tpu.dma_semaphore, #tpu.memory_space<semaphore_mem>>)
          %dma_wait3A_69 = arith.constant 0 : i32
          %dma_wait3A_70 = tpu.memref_slice %arg8[%mul3A_60, %dma_wait3A_69] : memref<64x128xi32, #tpu.memory_space<vmem>> -> memref<1x128xi32, #tpu.memory_space<vmem>>
          %dma_wait3A_71 = tpu.memref_squeeze %dma_wait3A_70 : memref<1x128xi32, #tpu.memory_space<vmem>> -> memref<128xi32, #tpu.memory_space<vmem>>
          %dma_wait3A_72 = arith.constant 0 : i32
          %dma_wait3A_73 = arith.constant 0 : i32
          %dma_wait3A_74 = tpu.memref_slice %arg2[%dma_wait3A_72, %dma_wait3A_73] : memref<10240x128xf32, #tpu.memory_space<hbm>> -> memref<10240x128xf32, #tpu.memory_space<hbm>>
          tpu.wait_indirect_dma semaphore(%arg12 : memref<!tpu.dma_semaphore, #tpu.memory_space<semaphore_mem>>) src(%dma_wait3A_74 : memref<10240x128xf32, #tpu.memory_space<hbm>>) dst(%arg10 : memref<128x128xf32, #tpu.memory_space<vmem>>)
          "tpu.region"() ({
            %run_scoped3A_93 = tpu.sem_alloc : memref<!tpu.dma_semaphore, #tpu.memory_space<semaphore_mem>>
            %dma_start3A_94 = arith.constant 0 : i32
            %dma_start3A_95 = tpu.memref_slice %arg9[%mul3A_60, %dma_start3A_94] : memref<64x128xi32, #tpu.memory_space<vmem>> -> memref<1x128xi32, #tpu.memory_space<vmem>>
            %dma_start3A_96 = tpu.memref_squeeze %dma_start3A_95 : memref<1x128xi32, #tpu.memory_space<vmem>> -> memref<128xi32, #tpu.memory_space<vmem>>
            %dma_start3A_97 = arith.constant 0 : i32
            %dma_start3A_98 = arith.constant 0 : i32
            %dma_start3A_99 = tpu.memref_slice %arg7[%dma_start3A_97, %dma_start3A_98] : memref<10112x128xf32, #tpu.memory_space<vmem_shared>> -> memref<10112x128xf32, #tpu.memory_space<vmem_shared>>
            tpu.enqueue_indirect_dma source(%arg10 : memref<128x128xf32, #tpu.memory_space<vmem>>) target(%dma_start3A_99 : memref<10112x128xf32, #tpu.memory_space<vmem_shared>>) offsets(%dma_start3A_96 : memref<128xi32, #tpu.memory_space<vmem>>) semaphore(%run_scoped3A_93 : memref<!tpu.dma_semaphore, #tpu.memory_space<semaphore_mem>>) {add = true}
            %dma_wait3A_100 = arith.constant 0 : i32
            %dma_wait3A_101 = tpu.memref_slice %arg9[%mul3A_60, %dma_wait3A_100] : memref<64x128xi32, #tpu.memory_space<vmem>> -> memref<1x128xi32, #tpu.memory_space<vmem>>
            %dma_wait3A_102 = tpu.memref_squeeze %dma_wait3A_101 : memref<1x128xi32, #tpu.memory_space<vmem>> -> memref<128xi32, #tpu.memory_space<vmem>>
            %dma_wait3A_103 = arith.constant 0 : i32
            %dma_wait3A_104 = arith.constant 0 : i32
            %dma_wait3A_105 = tpu.memref_slice %arg7[%dma_wait3A_103, %dma_wait3A_104] : memref<10112x128xf32, #tpu.memory_space<vmem_shared>> -> memref<10112x128xf32, #tpu.memory_space<vmem_shared>>
            tpu.wait_indirect_dma semaphore(%run_scoped3A_93 : memref<!tpu.dma_semaphore, #tpu.memory_space<semaphore_mem>>) src(%arg10 : memref<128x128xf32, #tpu.memory_space<vmem>>) dst(%dma_wait3A_105 : memref<10112x128xf32, #tpu.memory_space<vmem_shared>>)
            tpu.yield
          }) : () -> ()
          %add3A_75 = arith.constant 2 : i32
          %add3A_76 = arith.addi %mul3A_60, %add3A_75 : i32
          %dma_start3A_77 = arith.constant 0 : i32
          %dma_start3A_78 = tpu.memref_slice %arg8[%add3A_76, %dma_start3A_77] : memref<64x128xi32, #tpu.memory_space<vmem>> -> memref<1x128xi32, #tpu.memory_space<vmem>>
          %dma_start3A_79 = tpu.memref_squeeze %dma_start3A_78 : memref<1x128xi32, #tpu.memory_space<vmem>> -> memref<128xi32, #tpu.memory_space<vmem>>
          %dma_start3A_80 = arith.constant 0 : i32
          %dma_start3A_81 = arith.constant 0 : i32
          %dma_start3A_82 = tpu.memref_slice %arg2[%dma_start3A_80, %dma_start3A_81] : memref<10240x128xf32, #tpu.memory_space<hbm>> -> memref<10240x128xf32, #tpu.memory_space<hbm>>
          tpu.enqueue_indirect_dma source(%dma_start3A_82 : memref<10240x128xf32, #tpu.memory_space<hbm>>) target(%arg10 : memref<128x128xf32, #tpu.memory_space<vmem>>) offsets(%dma_start3A_79 : memref<128xi32, #tpu.memory_space<vmem>>) semaphore(%arg12 : memref<!tpu.dma_semaphore, #tpu.memory_space<semaphore_mem>>)
          %add3A_83 = arith.constant 1 : i32
          %add3A_84 = arith.addi %mul3A_60, %add3A_83 : i32
          %dma_wait3A_85 = arith.constant 0 : i32
          %dma_wait3A_86 = tpu.memref_slice %arg8[%add3A_84, %dma_wait3A_85] : memref<64x128xi32, #tpu.memory_space<vmem>> -> memref<1x128xi32, #tpu.memory_space<vmem>>
          %dma_wait3A_87 = tpu.memref_squeeze %dma_wait3A_86 : memref<1x128xi32, #tpu.memory_space<vmem>> -> memref<128xi32, #tpu.memory_space<vmem>>
          %dma_wait3A_88 = arith.constant 0 : i32
          %dma_wait3A_89 = arith.constant 0 : i32
          %dma_wait3A_90 = tpu.memref_slice %arg2[%dma_wait3A_88, %dma_wait3A_89] : memref<10240x128xf32, #tpu.memory_space<hbm>> -> memref<10240x128xf32, #tpu.memory_space<hbm>>
          tpu.wait_indirect_dma semaphore(%arg13 : memref<!tpu.dma_semaphore, #tpu.memory_space<semaphore_mem>>) src(%dma_wait3A_90 : memref<10240x128xf32, #tpu.memory_space<hbm>>) dst(%arg11 : memref<128x128xf32, #tpu.memory_space<vmem>>)
          %add3A_91 = arith.constant 1 : i32
          %add3A_92 = arith.addi %mul3A_60, %add3A_91 : i32
          "tpu.region"() ({
            %run_scoped3A_93 = tpu.sem_alloc : memref<!tpu.dma_semaphore, #tpu.memory_space<semaphore_mem>>
            %dma_start3A_94 = arith.constant 0 : i32
            %dma_start3A_95 = tpu.memref_slice %arg9[%add3A_92, %dma_start3A_94] : memref<64x128xi32, #tpu.memory_space<vmem>> -> memref<1x128xi32, #tpu.memory_space<vmem>>
            %dma_start3A_96 = tpu.memref_squeeze %dma_start3A_95 : memref<1x128xi32, #tpu.memory_space<vmem>> -> memref<128xi32, #tpu.memory_space<vmem>>
            %dma_start3A_97 = arith.constant 0 : i32
            %dma_start3A_98 = arith.constant 0 : i32
            %dma_start3A_99 = tpu.memref_slice %arg7[%dma_start3A_97, %dma_start3A_98] : memref<10112x128xf32, #tpu.memory_space<vmem_shared>> -> memref<10112x128xf32, #tpu.memory_space<vmem_shared>>
            tpu.enqueue_indirect_dma source(%arg11 : memref<128x128xf32, #tpu.memory_space<vmem>>) target(%dma_start3A_99 : memref<10112x128xf32, #tpu.memory_space<vmem_shared>>) offsets(%dma_start3A_96 : memref<128xi32, #tpu.memory_space<vmem>>) semaphore(%run_scoped3A_93 : memref<!tpu.dma_semaphore, #tpu.memory_space<semaphore_mem>>) {add = true}
            %dma_wait3A_100 = arith.constant 0 : i32
            %dma_wait3A_101 = tpu.memref_slice %arg9[%add3A_92, %dma_wait3A_100] : memref<64x128xi32, #tpu.memory_space<vmem>> -> memref<1x128xi32, #tpu.memory_space<vmem>>
            %dma_wait3A_102 = tpu.memref_squeeze %dma_wait3A_101 : memref<1x128xi32, #tpu.memory_space<vmem>> -> memref<128xi32, #tpu.memory_space<vmem>>
            %dma_wait3A_103 = arith.constant 0 : i32
            %dma_wait3A_104 = arith.constant 0 : i32
            %dma_wait3A_105 = tpu.memref_slice %arg7[%dma_wait3A_103, %dma_wait3A_104] : memref<10112x128xf32, #tpu.memory_space<vmem_shared>> -> memref<10112x128xf32, #tpu.memory_space<vmem_shared>>
            tpu.wait_indirect_dma semaphore(%run_scoped3A_93 : memref<!tpu.dma_semaphore, #tpu.memory_space<semaphore_mem>>) src(%arg11 : memref<128x128xf32, #tpu.memory_space<vmem>>) dst(%dma_wait3A_105 : memref<10112x128xf32, #tpu.memory_space<vmem_shared>>)
            tpu.yield
          }) : () -> ()
        }
        %scan3A_36 = arith.constant 7 : i32
        %dma_start3A_37 = arith.constant 15 : i32
        %dma_start3A_38 = arith.constant 0 : i32
        %dma_start3A_39 = tpu.memref_slice %arg8[%dma_start3A_37, %dma_start3A_38] : memref<64x128xi32, #tpu.memory_space<vmem>> -> memref<1x128xi32, #tpu.memory_space<vmem>>
        %dma_start3A_40 = tpu.memref_squeeze %dma_start3A_39 : memref<1x128xi32, #tpu.memory_space<vmem>> -> memref<128xi32, #tpu.memory_space<vmem>>
        %dma_start3A_41 = arith.constant 0 : i32
        %dma_start3A_42 = arith.constant 0 : i32
        %dma_start3A_43 = tpu.memref_slice %arg2[%dma_start3A_41, %dma_start3A_42] : memref<10240x128xf32, #tpu.memory_space<hbm>> -> memref<10240x128xf32, #tpu.memory_space<hbm>>
        tpu.enqueue_indirect_dma source(%dma_start3A_43 : memref<10240x128xf32, #tpu.memory_space<hbm>>) target(%arg11 : memref<128x128xf32, #tpu.memory_space<vmem>>) offsets(%dma_start3A_40 : memref<128xi32, #tpu.memory_space<vmem>>) semaphore(%arg13 : memref<!tpu.dma_semaphore, #tpu.memory_space<semaphore_mem>>)
        %dma_wait3A = arith.constant 14 : i32
        %dma_wait3A_44 = arith.constant 0 : i32
        %dma_wait3A_45 = tpu.memref_slice %arg8[%dma_wait3A, %dma_wait3A_44] : memref<64x128xi32, #tpu.memory_space<vmem>> -> memref<1x128xi32, #tpu.memory_space<vmem>>
        %dma_wait3A_46 = tpu.memref_squeeze %dma_wait3A_45 : memref<1x128xi32, #tpu.memory_space<vmem>> -> memref<128xi32, #tpu.memory_space<vmem>>
        %dma_wait3A_47 = arith.constant 0 : i32
        %dma_wait3A_48 = arith.constant 0 : i32
        %dma_wait3A_49 = tpu.memref_slice %arg2[%dma_wait3A_47, %dma_wait3A_48] : memref<10240x128xf32, #tpu.memory_space<hbm>> -> memref<10240x128xf32, #tpu.memory_space<hbm>>
        tpu.wait_indirect_dma semaphore(%arg12 : memref<!tpu.dma_semaphore, #tpu.memory_space<semaphore_mem>>) src(%dma_wait3A_49 : memref<10240x128xf32, #tpu.memory_space<hbm>>) dst(%arg10 : memref<128x128xf32, #tpu.memory_space<vmem>>)
        %run_scoped3A = arith.constant 14 : i32
        "tpu.region"() ({
          %run_scoped3A_58 = tpu.sem_alloc : memref<!tpu.dma_semaphore, #tpu.memory_space<semaphore_mem>>
          %dma_start3A_59 = arith.constant 0 : i32
          %dma_start3A_60 = tpu.memref_slice %arg9[%run_scoped3A, %dma_start3A_59] : memref<64x128xi32, #tpu.memory_space<vmem>> -> memref<1x128xi32, #tpu.memory_space<vmem>>
          %dma_start3A_61 = tpu.memref_squeeze %dma_start3A_60 : memref<1x128xi32, #tpu.memory_space<vmem>> -> memref<128xi32, #tpu.memory_space<vmem>>
          %dma_start3A_62 = arith.constant 0 : i32
          %dma_start3A_63 = arith.constant 0 : i32
          %dma_start3A_64 = tpu.memref_slice %arg7[%dma_start3A_62, %dma_start3A_63] : memref<10112x128xf32, #tpu.memory_space<vmem_shared>> -> memref<10112x128xf32, #tpu.memory_space<vmem_shared>>
          tpu.enqueue_indirect_dma source(%arg10 : memref<128x128xf32, #tpu.memory_space<vmem>>) target(%dma_start3A_64 : memref<10112x128xf32, #tpu.memory_space<vmem_shared>>) offsets(%dma_start3A_61 : memref<128xi32, #tpu.memory_space<vmem>>) semaphore(%run_scoped3A_58 : memref<!tpu.dma_semaphore, #tpu.memory_space<semaphore_mem>>) {add = true}
          %dma_wait3A_65 = arith.constant 0 : i32
          %dma_wait3A_66 = tpu.memref_slice %arg9[%run_scoped3A, %dma_wait3A_65] : memref<64x128xi32, #tpu.memory_space<vmem>> -> memref<1x128xi32, #tpu.memory_space<vmem>>
          %dma_wait3A_67 = tpu.memref_squeeze %dma_wait3A_66 : memref<1x128xi32, #tpu.memory_space<vmem>> -> memref<128xi32, #tpu.memory_space<vmem>>
          %dma_wait3A_68 = arith.constant 0 : i32
          %dma_wait3A_69 = arith.constant 0 : i32
          %dma_wait3A_70 = tpu.memref_slice %arg7[%dma_wait3A_68, %dma_wait3A_69] : memref<10112x128xf32, #tpu.memory_space<vmem_shared>> -> memref<10112x128xf32, #tpu.memory_space<vmem_shared>>
          tpu.wait_indirect_dma semaphore(%run_scoped3A_58 : memref<!tpu.dma_semaphore, #tpu.memory_space<semaphore_mem>>) src(%arg10 : memref<128x128xf32, #tpu.memory_space<vmem>>) dst(%dma_wait3A_70 : memref<10112x128xf32, #tpu.memory_space<vmem_shared>>)
          tpu.yield
        }) : () -> ()
        %dma_wait3A_50 = arith.constant 15 : i32
        %dma_wait3A_51 = arith.constant 0 : i32
        %dma_wait3A_52 = tpu.memref_slice %arg8[%dma_wait3A_50, %dma_wait3A_51] : memref<64x128xi32, #tpu.memory_space<vmem>> -> memref<1x128xi32, #tpu.memory_space<vmem>>
        %dma_wait3A_53 = tpu.memref_squeeze %dma_wait3A_52 : memref<1x128xi32, #tpu.memory_space<vmem>> -> memref<128xi32, #tpu.memory_space<vmem>>
        %dma_wait3A_54 = arith.constant 0 : i32
        %dma_wait3A_55 = arith.constant 0 : i32
        %dma_wait3A_56 = tpu.memref_slice %arg2[%dma_wait3A_54, %dma_wait3A_55] : memref<10240x128xf32, #tpu.memory_space<hbm>> -> memref<10240x128xf32, #tpu.memory_space<hbm>>
        tpu.wait_indirect_dma semaphore(%arg13 : memref<!tpu.dma_semaphore, #tpu.memory_space<semaphore_mem>>) src(%dma_wait3A_56 : memref<10240x128xf32, #tpu.memory_space<hbm>>) dst(%arg11 : memref<128x128xf32, #tpu.memory_space<vmem>>)
        %run_scoped3A_57 = arith.constant 15 : i32
        "tpu.region"() ({
          %run_scoped3A_58 = tpu.sem_alloc : memref<!tpu.dma_semaphore, #tpu.memory_space<semaphore_mem>>
          %dma_start3A_59 = arith.constant 0 : i32
          %dma_start3A_60 = tpu.memref_slice %arg9[%run_scoped3A_57, %dma_start3A_59] : memref<64x128xi32, #tpu.memory_space<vmem>> -> memref<1x128xi32, #tpu.memory_space<vmem>>
          %dma_start3A_61 = tpu.memref_squeeze %dma_start3A_60 : memref<1x128xi32, #tpu.memory_space<vmem>> -> memref<128xi32, #tpu.memory_space<vmem>>
          %dma_start3A_62 = arith.constant 0 : i32
          %dma_start3A_63 = arith.constant 0 : i32
          %dma_start3A_64 = tpu.memref_slice %arg7[%dma_start3A_62, %dma_start3A_63] : memref<10112x128xf32, #tpu.memory_space<vmem_shared>> -> memref<10112x128xf32, #tpu.memory_space<vmem_shared>>
          tpu.enqueue_indirect_dma source(%arg11 : memref<128x128xf32, #tpu.memory_space<vmem>>) target(%dma_start3A_64 : memref<10112x128xf32, #tpu.memory_space<vmem_shared>>) offsets(%dma_start3A_61 : memref<128xi32, #tpu.memory_space<vmem>>) semaphore(%run_scoped3A_58 : memref<!tpu.dma_semaphore, #tpu.memory_space<semaphore_mem>>) {add = true}
          %dma_wait3A_65 = arith.constant 0 : i32
          %dma_wait3A_66 = tpu.memref_slice %arg9[%run_scoped3A_57, %dma_wait3A_65] : memref<64x128xi32, #tpu.memory_space<vmem>> -> memref<1x128xi32, #tpu.memory_space<vmem>>
          %dma_wait3A_67 = tpu.memref_squeeze %dma_wait3A_66 : memref<1x128xi32, #tpu.memory_space<vmem>> -> memref<128xi32, #tpu.memory_space<vmem>>
          %dma_wait3A_68 = arith.constant 0 : i32
          %dma_wait3A_69 = arith.constant 0 : i32
          %dma_wait3A_70 = tpu.memref_slice %arg7[%dma_wait3A_68, %dma_wait3A_69] : memref<10112x128xf32, #tpu.memory_space<vmem_shared>> -> memref<10112x128xf32, #tpu.memory_space<vmem_shared>>
          tpu.wait_indirect_dma semaphore(%run_scoped3A_58 : memref<!tpu.dma_semaphore, #tpu.memory_space<semaphore_mem>>) src(%arg11 : memref<128x128xf32, #tpu.memory_space<vmem>>) dst(%dma_wait3A_70 : memref<10112x128xf32, #tpu.memory_space<vmem_shared>>)
          tpu.yield
        }) : () -> ()
      }
      %scan3A_20 = arith.constant 2 : i32
    } else {
    }
    %barrier3A_8 = arith.constant 0 : index
    tpu.barrier barrier_id(%barrier3A_8)
    %mul3A_9 = arith.constant 632 : i32
    %mul3A_10 = arith.muli %arg1, %mul3A_9 : i32
    %mul3A_11 = arith.constant 632 : i32
    %mul3A_12 = arith.muli %arg1, %mul3A_11 : i32
    "tpu.region"() ({
      %run_scoped3A = tpu.sem_alloc : memref<!tpu.dma_semaphore, #tpu.memory_space<semaphore_mem>>
      %dma_start3A = arith.constant 0 : i32
      %dma_start3A_13 = tpu.memref_slice %arg6[%arg0, %mul3A_12, %dma_start3A] : memref<2x10240x128xf32, #tpu.memory_space<hbm>> -> memref<1x632x128xf32, #tpu.memory_space<hbm>>
      %dma_start3A_14 = tpu.memref_squeeze %dma_start3A_13 : memref<1x632x128xf32, #tpu.memory_space<hbm>> -> memref<632x128xf32, #tpu.memory_space<hbm>>
      %dma_start3A_15 = arith.constant 0 : i32
      %dma_start3A_16 = tpu.memref_slice %arg7[%mul3A_10, %dma_start3A_15] : memref<10112x128xf32, #tpu.memory_space<vmem_shared>> -> memref<632x128xf32, #tpu.memory_space<vmem_shared>>
      tpu.enqueue_dma source(%dma_start3A_16 : memref<632x128xf32, #tpu.memory_space<vmem_shared>>) target(%dma_start3A_14 : memref<632x128xf32, #tpu.memory_space<hbm>>) target_semaphore(%run_scoped3A : memref<!tpu.dma_semaphore, #tpu.memory_space<semaphore_mem>>)
      %dma_wait3A = arith.constant 0 : i32
      %dma_wait3A_17 = tpu.memref_slice %arg6[%arg0, %mul3A_12, %dma_wait3A] : memref<2x10240x128xf32, #tpu.memory_space<hbm>> -> memref<1x632x128xf32, #tpu.memory_space<hbm>>
      %dma_wait3A_18 = tpu.memref_squeeze %dma_wait3A_17 : memref<1x632x128xf32, #tpu.memory_space<hbm>> -> memref<632x128xf32, #tpu.memory_space<hbm>>
      %dma_wait3A_19 = arith.constant 0 : i32
      %dma_wait3A_20 = tpu.memref_slice %arg7[%mul3A_10, %dma_wait3A_19] : memref<10112x128xf32, #tpu.memory_space<vmem_shared>> -> memref<632x128xf32, #tpu.memory_space<vmem_shared>>
      tpu.wait_dma2 semaphore(%run_scoped3A : memref<!tpu.dma_semaphore, #tpu.memory_space<semaphore_mem>>) src(%dma_wait3A_20 : memref<632x128xf32, #tpu.memory_space<vmem_shared>>) dst(%dma_wait3A_18 : memref<632x128xf32, #tpu.memory_space<hbm>>)
      tpu.yield
    }) : () -> ()
    return
  }
}

module attributes {stable_mosaic.version = 14 : i64} {
  func.func @_tca_body(%arg0: i32, %arg1: memref<512x256xf32, #tpu.memory_space<vmem>>, %arg2: memref<256x128xf32, #tpu.memory_space<vmem>>, %arg3: memref<1x128xf32, #tpu.memory_space<vmem>>, %arg4: memref<128x128xf32, #tpu.memory_space<vmem>>, %arg5: memref<512x128xf32, #tpu.memory_space<vmem>>, %arg6: memref<512x128xf32, #tpu.memory_space<vmem>>, %arg7: memref<512x128xf32, #tpu.memory_space<vmem>>) attributes {dimension_semantics = [#tpu.dimension_semantics<arbitrary>], iteration_bounds = array<i64: 20>, scalar_prefetch = 0 : i64, scratch_operands = 0 : i64, tpu.core_type = #tpu.core_type<tc>, window_params = [{transform_indices = @transform_0, window_bounds = array<i64: 512, 256>}, {pipeline_mode = #tpu.pipeline_mode<synchronous>, transform_indices = @transform_1, window_bounds = array<i64: 256, 128>}, {pipeline_mode = #tpu.pipeline_mode<synchronous>, transform_indices = @transform_2, window_bounds = array<i64: 1, 128>}, {pipeline_mode = #tpu.pipeline_mode<synchronous>, transform_indices = @transform_3, window_bounds = array<i64: 128, 128>}, {transform_indices = @transform_4, window_bounds = array<i64: 512, 128>}, {transform_indices = @transform_5, window_bounds = array<i64: 512, 128>}, {transform_indices = @transform_6, window_bounds = array<i64: 512, 128>}]} {
    %get3A = arith.constant 0 : index
    %get3A_0 = arith.constant 0 : index
    %get3A_1 = vector.load %arg1[%get3A, %get3A_0] : memref<512x256xf32, #tpu.memory_space<vmem>>, vector<512x256xf32>
    %get3A_2 = arith.constant 0 : index
    %get3A_3 = arith.constant 0 : index
    %get3A_4 = vector.load %arg2[%get3A_2, %get3A_3] : memref<256x128xf32, #tpu.memory_space<vmem>>, vector<256x128xf32>
    %dot_general3A = arith.constant dense<0.000000e+00> : vector<512x128xf32>
    %dot_general3A_5 = tpu.matmul %get3A_1, %get3A_4, %dot_general3A {dimension_numbers = #tpu.dot_dimension_numbers<[1], [0], [0], [1], [0, 0, 1, 1], [], []>, precision = #tpu.contract_precision<fp32>, transpose_lhs_hint = false} : vector<512x256xf32>, vector<256x128xf32>, vector<512x128xf32> -> vector<512x128xf32>
    %get3A_6 = arith.constant 0 : index
    %get3A_7 = arith.constant 0 : index
    %get3A_8 = vector.load %arg3[%get3A_6, %get3A_7] : memref<1x128xf32, #tpu.memory_space<vmem>>, vector<1x128xf32>
    %add3A = vector.broadcast %get3A_8 : vector<1x128xf32> to vector<512x128xf32>
    %add3A_9 = arith.addf %dot_general3A_5, %add3A : vector<512x128xf32>
    %get3A_10 = arith.constant 0 : index
    %get3A_11 = arith.constant 0 : index
    %get3A_12 = vector.load %arg4[%get3A_10, %get3A_11] : memref<128x128xf32, #tpu.memory_space<vmem>>, vector<128x128xf32>
    %dot_general3A_13 = arith.constant dense<0.000000e+00> : vector<512x128xf32>
    %dot_general3A_14 = tpu.matmul %add3A_9, %get3A_12, %dot_general3A_13 {dimension_numbers = #tpu.dot_dimension_numbers<[1], [0], [0], [1], [0, 0, 1, 1], [], []>, precision = #tpu.contract_precision<fp32>, transpose_lhs_hint = false} : vector<512x128xf32>, vector<128x128xf32>, vector<512x128xf32> -> vector<512x128xf32>
    %get3A_15 = arith.constant 0 : index
    %get3A_16 = arith.constant 0 : index
    %get3A_17 = vector.load %arg5[%get3A_15, %get3A_16] : memref<512x128xf32, #tpu.memory_space<vmem>>, vector<512x128xf32>
    %slice3A = vector.extract_strided_slice %get3A_17 {offsets = [0, 0], sizes = [512, 1], strides = [1, 1]} : vector<512x128xf32> to vector<512x1xf32>
    %get3A_18 = arith.constant 0 : index
    %get3A_19 = arith.constant 0 : index
    %get3A_20 = vector.load %arg6[%get3A_18, %get3A_19] : memref<512x128xf32, #tpu.memory_space<vmem>>, vector<512x128xf32>
    %slice3A_21 = vector.extract_strided_slice %get3A_20 {offsets = [0, 0], sizes = [512, 1], strides = [1, 1]} : vector<512x128xf32> to vector<512x1xf32>
    %add3A_22 = arith.addf %slice3A, %slice3A_21 : vector<512x1xf32>
    %add3A_23 = arith.constant 1.000000e+00 : f32
    %add3A_24 = vector.broadcast %add3A_23 : f32 to vector<512x1xf32>
    %add3A_25 = arith.addf %add3A_22, %add3A_24 : vector<512x1xf32>
    %rsqrt3A = math.rsqrt %add3A_25 : vector<512x1xf32>
    %mul3A = vector.broadcast %rsqrt3A : vector<512x1xf32> to vector<512x128xf32>
    %mul3A_26 = arith.mulf %mul3A, %dot_general3A_14 : vector<512x128xf32>
    %swap3A = arith.constant 0 : index
    %swap3A_27 = arith.constant 0 : index
    %swap3A_28 = vector.load %arg7[%swap3A, %swap3A_27] : memref<512x128xf32, #tpu.memory_space<vmem>>, vector<512x128xf32>
    tpu.vector_store %arg7[%swap3A, %swap3A_27], %mul3A_26 {strides = array<i32>} : memref<512x128xf32, #tpu.memory_space<vmem>>, vector<512x128xf32>,
    return
  }
  func.func @transform_0(%arg0: i32) -> (i32, i32) {
    %c0_i32 = arith.constant 0 : i32
    %c0_i32_0 = arith.constant 0 : i32
    return %arg0, %c0_i32 : i32, i32
  }
  func.func @transform_1(%arg0: i32) -> (i32, i32) {
    %c0_i32 = arith.constant 0 : i32
    %c0_i32_0 = arith.constant 0 : i32
    %c0_i32_1 = arith.constant 0 : i32
    return %c0_i32, %c0_i32_0 : i32, i32
  }
  func.func @transform_2(%arg0: i32) -> (i32, i32) {
    %c0_i32 = arith.constant 0 : i32
    %c0_i32_0 = arith.constant 0 : i32
    %c0_i32_1 = arith.constant 0 : i32
    return %c0_i32, %c0_i32_0 : i32, i32
  }
  func.func @transform_3(%arg0: i32) -> (i32, i32) {
    %c0_i32 = arith.constant 0 : i32
    %c0_i32_0 = arith.constant 0 : i32
    %c0_i32_1 = arith.constant 0 : i32
    return %c0_i32, %c0_i32_0 : i32, i32
  }
  func.func @transform_4(%arg0: i32) -> (i32, i32) {
    %c0_i32 = arith.constant 0 : i32
    %c0_i32_0 = arith.constant 0 : i32
    return %arg0, %c0_i32 : i32, i32
  }
  func.func @transform_5(%arg0: i32) -> (i32, i32) {
    %c0_i32 = arith.constant 0 : i32
    %c0_i32_0 = arith.constant 0 : i32
    return %arg0, %c0_i32 : i32, i32
  }
  func.func @transform_6(%arg0: i32) -> (i32, i32) {
    %c0_i32 = arith.constant 0 : i32
    %c0_i32_0 = arith.constant 0 : i32
    return %arg0, %c0_i32 : i32, i32
  }
}

module attributes {stable_mosaic.version = 14 : i64} {
  func.func @_tcb_body(%arg0: i32, %arg1: memref<512x128xf32, #tpu.memory_space<vmem>>, %arg2: memref<512x128xf32, #tpu.memory_space<vmem>>, %arg3: memref<512x128xf32, #tpu.memory_space<vmem>>, %arg4: memref<512x128xf32, #tpu.memory_space<vmem>>, %arg5: memref<512x128xf32, #tpu.memory_space<vmem>>, %arg6: memref<1x128xf32, #tpu.memory_space<vmem>>, %arg7: memref<512x128xf32, #tpu.memory_space<vmem>>, %arg8: memref<1x128xf32, #tpu.memory_space<vmem>>, %arg9: memref<1x128xf32, #tpu.memory_space<vmem>>) attributes {dimension_semantics = [#tpu.dimension_semantics<arbitrary>], iteration_bounds = array<i64: 20>, scalar_prefetch = 0 : i64, scratch_operands = 0 : i64, tpu.core_type = #tpu.core_type<tc>, window_params = [{transform_indices = @transform_0, window_bounds = array<i64: 512, 128>}, {transform_indices = @transform_1, window_bounds = array<i64: 512, 128>}, {transform_indices = @transform_2, window_bounds = array<i64: 512, 128>}, {transform_indices = @transform_3, window_bounds = array<i64: 512, 128>}, {transform_indices = @transform_4, window_bounds = array<i64: 512, 128>}, {pipeline_mode = #tpu.pipeline_mode<synchronous>, transform_indices = @transform_5, window_bounds = array<i64: 1, 128>}, {transform_indices = @transform_6, window_bounds = array<i64: 512, 128>}, {pipeline_mode = #tpu.pipeline_mode<synchronous>, transform_indices = @transform_7, window_bounds = array<i64: 1, 128>}, {pipeline_mode = #tpu.pipeline_mode<synchronous>, transform_indices = @transform_8, window_bounds = array<i64: 1, 128>}]} {
    %get3A = arith.constant 0 : index
    %get3A_0 = arith.constant 0 : index
    %get3A_1 = vector.load %arg4[%get3A, %get3A_0] : memref<512x128xf32, #tpu.memory_space<vmem>>, vector<512x128xf32>
    %slice3A = vector.extract_strided_slice %get3A_1 {offsets = [0, 0], sizes = [512, 1], strides = [1, 1]} : vector<512x128xf32> to vector<512x1xf32>
    %get3A_2 = arith.constant 0 : index
    %get3A_3 = arith.constant 0 : index
    %get3A_4 = vector.load %arg5[%get3A_2, %get3A_3] : memref<512x128xf32, #tpu.memory_space<vmem>>, vector<512x128xf32>
    %slice3A_5 = vector.extract_strided_slice %get3A_4 {offsets = [0, 0], sizes = [512, 1], strides = [1, 1]} : vector<512x128xf32> to vector<512x1xf32>
    %add3A = arith.addf %slice3A, %slice3A_5 : vector<512x1xf32>
    %add3A_6 = arith.constant 1.000000e+00 : f32
    %add3A_7 = vector.broadcast %add3A_6 : f32 to vector<512x1xf32>
    %add3A_8 = arith.addf %add3A, %add3A_7 : vector<512x1xf32>
    %rsqrt3A = math.rsqrt %add3A_8 : vector<512x1xf32>
    %get3A_9 = arith.constant 0 : index
    %get3A_10 = arith.constant 0 : index
    %get3A_11 = vector.load %arg1[%get3A_9, %get3A_10] : memref<512x128xf32, #tpu.memory_space<vmem>>, vector<512x128xf32>
    %get3A_12 = arith.constant 0 : index
    %get3A_13 = arith.constant 0 : index
    %get3A_14 = vector.load %arg2[%get3A_12, %get3A_13] : memref<512x128xf32, #tpu.memory_space<vmem>>, vector<512x128xf32>
    %add3A_15 = arith.addf %get3A_11, %get3A_14 : vector<512x128xf32>
    %get3A_16 = arith.constant 0 : index
    %get3A_17 = arith.constant 0 : index
    %get3A_18 = vector.load %arg3[%get3A_16, %get3A_17] : memref<512x128xf32, #tpu.memory_space<vmem>>, vector<512x128xf32>
    %add3A_19 = arith.addf %add3A_15, %get3A_18 : vector<512x128xf32>
    %mul3A = vector.broadcast %rsqrt3A : vector<512x1xf32> to vector<512x128xf32>
    %mul3A_20 = arith.mulf %mul3A, %add3A_19 : vector<512x128xf32>
    %get3A_21 = arith.constant 0 : index
    %get3A_22 = arith.constant 0 : index
    %get3A_23 = vector.load %arg6[%get3A_21, %get3A_22] : memref<1x128xf32, #tpu.memory_space<vmem>>, vector<1x128xf32>
    %add3A_24 = vector.broadcast %get3A_23 : vector<1x128xf32> to vector<512x128xf32>
    %add3A_25 = arith.addf %mul3A_20, %add3A_24 : vector<512x128xf32>
    %iota3A = tpu.iota {dimensions = array<i32: 0>} : vector<512x1xi32>
    %mul3A_26 = arith.constant 512 : i32
    %mul3A_27 = arith.muli %arg0, %mul3A_26 : i32
    %add3A_28 = vector.broadcast %mul3A_27 : i32 to vector<512x1xi32>
    %add3A_29 = arith.addi %iota3A, %add3A_28 : vector<512x1xi32>
    %lt3A = arith.constant 10000 : i32
    %lt3A_30 = vector.broadcast %lt3A : i32 to vector<512x1xi32>
    %lt3A_31 = arith.cmpi slt, %add3A_29, %lt3A_30 : vector<512x1xi32>
    %jit3A = arith.constant 0.000000e+00 : f32
    %broadcast_in_dim3A = vector.shape_cast %lt3A_31 : vector<512x1xi1> to vector<512x1xi1>
    %broadcast_in_dim3A_32 = vector.broadcast %broadcast_in_dim3A : vector<512x1xi1> to vector<512x128xi1>
    %broadcast_in_dim3A_33 = vector.broadcast %jit3A : f32 to vector<512x128xf32>
    %select_n3A = arith.select %broadcast_in_dim3A_32, %add3A_25, %broadcast_in_dim3A_33 : vector<512x128xi1>, vector<512x128xf32>
    %swap3A = arith.constant 0 : index
    %swap3A_34 = arith.constant 0 : index
    %swap3A_35 = vector.load %arg7[%swap3A, %swap3A_34] : memref<512x128xf32, #tpu.memory_space<vmem>>, vector<512x128xf32>
    tpu.vector_store %arg7[%swap3A, %swap3A_34], %select_n3A {strides = array<i32>} : memref<512x128xf32, #tpu.memory_space<vmem>>, vector<512x128xf32>,
    %eq3A = arith.constant 0 : i32
    %eq3A_36 = arith.cmpi eq, %arg0, %eq3A : i32
    %convert_element_type3A = arith.extui %eq3A_36 : i1 to i32
    %cond3A = arith.constant 0 : i32
    %cond3A_37 = arith.cmpi ne, %convert_element_type3A, %cond3A : i32
    scf.if %cond3A_37 {
      %broadcast_in_dim3A_58 = arith.constant 0.000000e+00 : f32
      %broadcast_in_dim3A_59 = vector.broadcast %broadcast_in_dim3A_58 : f32 to vector<1x128xf32>
      %swap3A_60 = arith.constant 0 : index
      %swap3A_61 = arith.constant 0 : index
      %swap3A_62 = vector.load %arg8[%swap3A_60, %swap3A_61] : memref<1x128xf32, #tpu.memory_space<vmem>>, vector<1x128xf32>
      tpu.vector_store %arg8[%swap3A_60, %swap3A_61], %broadcast_in_dim3A_59 {strides = array<i32>} : memref<1x128xf32, #tpu.memory_space<vmem>>, vector<1x128xf32>,
      %broadcast_in_dim3A_63 = arith.constant 0.000000e+00 : f32
      %broadcast_in_dim3A_64 = vector.broadcast %broadcast_in_dim3A_63 : f32 to vector<1x128xf32>
      %swap3A_65 = arith.constant 0 : index
      %swap3A_66 = arith.constant 0 : index
      %swap3A_67 = vector.load %arg9[%swap3A_65, %swap3A_66] : memref<1x128xf32, #tpu.memory_space<vmem>>, vector<1x128xf32>
      tpu.vector_store %arg9[%swap3A_65, %swap3A_66], %broadcast_in_dim3A_64 {strides = array<i32>} : memref<1x128xf32, #tpu.memory_space<vmem>>, vector<1x128xf32>,
    } else {
    }
    %get3A_38 = arith.constant 0 : index
    %get3A_39 = arith.constant 0 : index
    %get3A_40 = vector.load %arg8[%get3A_38, %get3A_39] : memref<1x128xf32, #tpu.memory_space<vmem>>, vector<1x128xf32>
    %reduce_sum3A = arith.constant dense<0.000000e+00> : vector<128xf32>
    %reduce_sum3A_41 = vector.multi_reduction <add>, %select_n3A, %reduce_sum3A [0] : vector<512x128xf32> to vector<128xf32>
    %broadcast_in_dim3A_42 = vector.shape_cast %reduce_sum3A_41 : vector<128xf32> to vector<1x128xf32>
    %add3A_43 = arith.addf %get3A_40, %broadcast_in_dim3A_42 : vector<1x128xf32>
    %swap3A_44 = arith.constant 0 : index
    %swap3A_45 = arith.constant 0 : index
    %swap3A_46 = vector.load %arg8[%swap3A_44, %swap3A_45] : memref<1x128xf32, #tpu.memory_space<vmem>>, vector<1x128xf32>
    tpu.vector_store %arg8[%swap3A_44, %swap3A_45], %add3A_43 {strides = array<i32>} : memref<1x128xf32, #tpu.memory_space<vmem>>, vector<1x128xf32>,
    %get3A_47 = arith.constant 0 : index
    %get3A_48 = arith.constant 0 : index
    %get3A_49 = vector.load %arg9[%get3A_47, %get3A_48] : memref<1x128xf32, #tpu.memory_space<vmem>>, vector<1x128xf32>
    %mul3A_50 = arith.mulf %select_n3A, %select_n3A : vector<512x128xf32>
    %reduce_sum3A_51 = arith.constant dense<0.000000e+00> : vector<128xf32>
    %reduce_sum3A_52 = vector.multi_reduction <add>, %mul3A_50, %reduce_sum3A_51 [0] : vector<512x128xf32> to vector<128xf32>
    %broadcast_in_dim3A_53 = vector.shape_cast %reduce_sum3A_52 : vector<128xf32> to vector<1x128xf32>
    %add3A_54 = arith.addf %get3A_49, %broadcast_in_dim3A_53 : vector<1x128xf32>
    %swap3A_55 = arith.constant 0 : index
    %swap3A_56 = arith.constant 0 : index
    %swap3A_57 = vector.load %arg9[%swap3A_55, %swap3A_56] : memref<1x128xf32, #tpu.memory_space<vmem>>, vector<1x128xf32>
    tpu.vector_store %arg9[%swap3A_55, %swap3A_56], %add3A_54 {strides = array<i32>} : memref<1x128xf32, #tpu.memory_space<vmem>>, vector<1x128xf32>,
    return
  }
  func.func @transform_0(%arg0: i32) -> (i32, i32) {
    %c0_i32 = arith.constant 0 : i32
    %c0_i32_0 = arith.constant 0 : i32
    return %arg0, %c0_i32 : i32, i32
  }
  func.func @transform_1(%arg0: i32) -> (i32, i32) {
    %c0_i32 = arith.constant 0 : i32
    %c0_i32_0 = arith.constant 0 : i32
    return %arg0, %c0_i32 : i32, i32
  }
  func.func @transform_2(%arg0: i32) -> (i32, i32) {
    %c0_i32 = arith.constant 0 : i32
    %c0_i32_0 = arith.constant 0 : i32
    return %arg0, %c0_i32 : i32, i32
  }
  func.func @transform_3(%arg0: i32) -> (i32, i32) {
    %c0_i32 = arith.constant 0 : i32
    %c0_i32_0 = arith.constant 0 : i32
    return %arg0, %c0_i32 : i32, i32
  }
  func.func @transform_4(%arg0: i32) -> (i32, i32) {
    %c0_i32 = arith.constant 0 : i32
    %c0_i32_0 = arith.constant 0 : i32
    return %arg0, %c0_i32 : i32, i32
  }
  func.func @transform_5(%arg0: i32) -> (i32, i32) {
    %c0_i32 = arith.constant 0 : i32
    %c0_i32_0 = arith.constant 0 : i32
    %c0_i32_1 = arith.constant 0 : i32
    return %c0_i32, %c0_i32_0 : i32, i32
  }
  func.func @transform_6(%arg0: i32) -> (i32, i32) {
    %c0_i32 = arith.constant 0 : i32
    %c0_i32_0 = arith.constant 0 : i32
    return %arg0, %c0_i32 : i32, i32
  }
  func.func @transform_7(%arg0: i32) -> (i32, i32) {
    %c0_i32 = arith.constant 0 : i32
    %c0_i32_0 = arith.constant 0 : i32
    %c0_i32_1 = arith.constant 0 : i32
    return %c0_i32, %c0_i32_0 : i32, i32
  }
  func.func @transform_8(%arg0: i32) -> (i32, i32) {
    %c0_i32 = arith.constant 0 : i32
    %c0_i32_0 = arith.constant 0 : i32
    %c0_i32_1 = arith.constant 0 : i32
    return %c0_i32, %c0_i32_0 : i32, i32
  }
}

module attributes {stable_mosaic.version = 14 : i64} {
  func.func @_tcc_body(%arg0: i32, %arg1: memref<512x128xf32, #tpu.memory_space<vmem>>, %arg2: memref<1x128xf32, #tpu.memory_space<vmem>>, %arg3: memref<1x128xf32, #tpu.memory_space<vmem>>, %arg4: memref<1x128xf32, #tpu.memory_space<vmem>>, %arg5: memref<1x128xf32, #tpu.memory_space<vmem>>, %arg6: memref<128x128xf32, #tpu.memory_space<vmem>>, %arg7: memref<512x128xf32, #tpu.memory_space<vmem>>, %arg8: memref<512x128xf32, #tpu.memory_space<vmem>>, %arg9: memref<512x128xf32, #tpu.memory_space<vmem>>) attributes {dimension_semantics = [#tpu.dimension_semantics<arbitrary>], iteration_bounds = array<i64: 20>, scalar_prefetch = 0 : i64, scratch_operands = 0 : i64, tpu.core_type = #tpu.core_type<tc>, window_params = [{transform_indices = @transform_0, window_bounds = array<i64: 512, 128>}, {pipeline_mode = #tpu.pipeline_mode<synchronous>, transform_indices = @transform_1, window_bounds = array<i64: 1, 128>}, {pipeline_mode = #tpu.pipeline_mode<synchronous>, transform_indices = @transform_2, window_bounds = array<i64: 1, 128>}, {pipeline_mode = #tpu.pipeline_mode<synchronous>, transform_indices = @transform_3, window_bounds = array<i64: 1, 128>}, {pipeline_mode = #tpu.pipeline_mode<synchronous>, transform_indices = @transform_4, window_bounds = array<i64: 1, 128>}, {pipeline_mode = #tpu.pipeline_mode<synchronous>, transform_indices = @transform_5, window_bounds = array<i64: 128, 128>}, {transform_indices = @transform_6, window_bounds = array<i64: 512, 128>}, {transform_indices = @transform_7, window_bounds = array<i64: 512, 128>}, {transform_indices = @transform_8, window_bounds = array<i64: 512, 128>}]} {
    %get3A = arith.constant 0 : index
    %get3A_0 = arith.constant 0 : index
    %get3A_1 = vector.load %arg2[%get3A, %get3A_0] : memref<1x128xf32, #tpu.memory_space<vmem>>, vector<1x128xf32>
    %mul3A = arith.constant 9.99999974E-5 : f32
    %mul3A_2 = vector.broadcast %mul3A : f32 to vector<1x128xf32>
    %mul3A_3 = arith.mulf %get3A_1, %mul3A_2 : vector<1x128xf32>
    %get3A_4 = arith.constant 0 : index
    %get3A_5 = arith.constant 0 : index
    %get3A_6 = vector.load %arg3[%get3A_4, %get3A_5] : memref<1x128xf32, #tpu.memory_space<vmem>>, vector<1x128xf32>
    %mul3A_7 = arith.constant 9.99999974E-5 : f32
    %mul3A_8 = vector.broadcast %mul3A_7 : f32 to vector<1x128xf32>
    %mul3A_9 = arith.mulf %get3A_6, %mul3A_8 : vector<1x128xf32>
    %mul3A_10 = arith.mulf %mul3A_3, %mul3A_3 : vector<1x128xf32>
    %sub3A = arith.subf %mul3A_9, %mul3A_10 : vector<1x128xf32>
    %add3A = arith.constant 9.99999974E-6 : f32
    %add3A_11 = vector.broadcast %add3A : f32 to vector<1x128xf32>
    %add3A_12 = arith.addf %sub3A, %add3A_11 : vector<1x128xf32>
    %rsqrt3A = math.rsqrt %add3A_12 : vector<1x128xf32>
    %get3A_13 = arith.constant 0 : index
    %get3A_14 = arith.constant 0 : index
    %get3A_15 = vector.load %arg1[%get3A_13, %get3A_14] : memref<512x128xf32, #tpu.memory_space<vmem>>, vector<512x128xf32>
    %sub3A_16 = vector.broadcast %mul3A_3 : vector<1x128xf32> to vector<512x128xf32>
    %sub3A_17 = arith.subf %get3A_15, %sub3A_16 : vector<512x128xf32>
    %mul3A_18 = vector.broadcast %rsqrt3A : vector<1x128xf32> to vector<512x128xf32>
    %mul3A_19 = arith.mulf %sub3A_17, %mul3A_18 : vector<512x128xf32>
    %get3A_20 = arith.constant 0 : index
    %get3A_21 = arith.constant 0 : index
    %get3A_22 = vector.load %arg4[%get3A_20, %get3A_21] : memref<1x128xf32, #tpu.memory_space<vmem>>, vector<1x128xf32>
    %mul3A_23 = vector.broadcast %get3A_22 : vector<1x128xf32> to vector<512x128xf32>
    %mul3A_24 = arith.mulf %mul3A_19, %mul3A_23 : vector<512x128xf32>
    %get3A_25 = arith.constant 0 : index
    %get3A_26 = arith.constant 0 : index
    %get3A_27 = vector.load %arg5[%get3A_25, %get3A_26] : memref<1x128xf32, #tpu.memory_space<vmem>>, vector<1x128xf32>
    %add3A_28 = vector.broadcast %get3A_27 : vector<1x128xf32> to vector<512x128xf32>
    %add3A_29 = arith.addf %mul3A_24, %add3A_28 : vector<512x128xf32>
    %max3A = arith.constant 0.000000e+00 : f32
    %max3A_30 = vector.broadcast %max3A : f32 to vector<512x128xf32>
    %max3A_31 = arith.maximumf %add3A_29, %max3A_30 : vector<512x128xf32>
    %get3A_32 = arith.constant 0 : index
    %get3A_33 = arith.constant 0 : index
    %get3A_34 = vector.load %arg6[%get3A_32, %get3A_33] : memref<128x128xf32, #tpu.memory_space<vmem>>, vector<128x128xf32>
    %dot_general3A = arith.constant dense<0.000000e+00> : vector<512x128xf32>
    %dot_general3A_35 = tpu.matmul %max3A_31, %get3A_34, %dot_general3A {dimension_numbers = #tpu.dot_dimension_numbers<[1], [0], [0], [1], [0, 0, 1, 1], [], []>, precision = #tpu.contract_precision<fp32>, transpose_lhs_hint = false} : vector<512x128xf32>, vector<128x128xf32>, vector<512x128xf32> -> vector<512x128xf32>
    %get3A_36 = arith.constant 0 : index
    %get3A_37 = arith.constant 0 : index
    %get3A_38 = vector.load %arg7[%get3A_36, %get3A_37] : memref<512x128xf32, #tpu.memory_space<vmem>>, vector<512x128xf32>
    %slice3A = vector.extract_strided_slice %get3A_38 {offsets = [0, 0], sizes = [512, 1], strides = [1, 1]} : vector<512x128xf32> to vector<512x1xf32>
    %get3A_39 = arith.constant 0 : index
    %get3A_40 = arith.constant 0 : index
    %get3A_41 = vector.load %arg8[%get3A_39, %get3A_40] : memref<512x128xf32, #tpu.memory_space<vmem>>, vector<512x128xf32>
    %slice3A_42 = vector.extract_strided_slice %get3A_41 {offsets = [0, 0], sizes = [512, 1], strides = [1, 1]} : vector<512x128xf32> to vector<512x1xf32>
    %add3A_43 = arith.addf %slice3A, %slice3A_42 : vector<512x1xf32>
    %add3A_44 = arith.constant 1.000000e+00 : f32
    %add3A_45 = vector.broadcast %add3A_44 : f32 to vector<512x1xf32>
    %add3A_46 = arith.addf %add3A_43, %add3A_45 : vector<512x1xf32>
    %rsqrt3A_47 = math.rsqrt %add3A_46 : vector<512x1xf32>
    %mul3A_48 = vector.broadcast %rsqrt3A_47 : vector<512x1xf32> to vector<512x128xf32>
    %mul3A_49 = arith.mulf %mul3A_48, %dot_general3A_35 : vector<512x128xf32>
    %swap3A = arith.constant 0 : index
    %swap3A_50 = arith.constant 0 : index
    %swap3A_51 = vector.load %arg9[%swap3A, %swap3A_50] : memref<512x128xf32, #tpu.memory_space<vmem>>, vector<512x128xf32>
    tpu.vector_store %arg9[%swap3A, %swap3A_50], %mul3A_49 {strides = array<i32>} : memref<512x128xf32, #tpu.memory_space<vmem>>, vector<512x128xf32>,
    return
  }
  func.func @transform_0(%arg0: i32) -> (i32, i32) {
    %c0_i32 = arith.constant 0 : i32
    %c0_i32_0 = arith.constant 0 : i32
    return %arg0, %c0_i32 : i32, i32
  }
  func.func @transform_1(%arg0: i32) -> (i32, i32) {
    %c0_i32 = arith.constant 0 : i32
    %c0_i32_0 = arith.constant 0 : i32
    %c0_i32_1 = arith.constant 0 : i32
    return %c0_i32, %c0_i32_0 : i32, i32
  }
  func.func @transform_2(%arg0: i32) -> (i32, i32) {
    %c0_i32 = arith.constant 0 : i32
    %c0_i32_0 = arith.constant 0 : i32
    %c0_i32_1 = arith.constant 0 : i32
    return %c0_i32, %c0_i32_0 : i32, i32
  }
  func.func @transform_3(%arg0: i32) -> (i32, i32) {
    %c0_i32 = arith.constant 0 : i32
    %c0_i32_0 = arith.constant 0 : i32
    %c0_i32_1 = arith.constant 0 : i32
    return %c0_i32, %c0_i32_0 : i32, i32
  }
  func.func @transform_4(%arg0: i32) -> (i32, i32) {
    %c0_i32 = arith.constant 0 : i32
    %c0_i32_0 = arith.constant 0 : i32
    %c0_i32_1 = arith.constant 0 : i32
    return %c0_i32, %c0_i32_0 : i32, i32
  }
  func.func @transform_5(%arg0: i32) -> (i32, i32) {
    %c0_i32 = arith.constant 0 : i32
    %c0_i32_0 = arith.constant 0 : i32
    %c0_i32_1 = arith.constant 0 : i32
    return %c0_i32, %c0_i32_0 : i32, i32
  }
  func.func @transform_6(%arg0: i32) -> (i32, i32) {
    %c0_i32 = arith.constant 0 : i32
    %c0_i32_0 = arith.constant 0 : i32
    return %arg0, %c0_i32 : i32, i32
  }
  func.func @transform_7(%arg0: i32) -> (i32, i32) {
    %c0_i32 = arith.constant 0 : i32
    %c0_i32_0 = arith.constant 0 : i32
    return %arg0, %c0_i32 : i32, i32
  }
  func.func @transform_8(%arg0: i32) -> (i32, i32) {
    %c0_i32 = arith.constant 0 : i32
    %c0_i32_0 = arith.constant 0 : i32
    return %arg0, %c0_i32 : i32, i32
  }
}

module attributes {stable_mosaic.version = 14 : i64} {
  func.func @_tcd_body(%arg0: i32, %arg1: memref<512x128xf32, #tpu.memory_space<vmem>>, %arg2: memref<512x128xf32, #tpu.memory_space<vmem>>, %arg3: memref<512x128xf32, #tpu.memory_space<vmem>>, %arg4: memref<512x128xf32, #tpu.memory_space<vmem>>, %arg5: memref<512x128xf32, #tpu.memory_space<vmem>>, %arg6: memref<1x128xf32, #tpu.memory_space<vmem>>, %arg7: memref<128x128xf32, #tpu.memory_space<vmem>>, %arg8: memref<1x128xf32, #tpu.memory_space<vmem>>, %arg9: memref<512x128xf32, #tpu.memory_space<vmem>>) attributes {dimension_semantics = [#tpu.dimension_semantics<arbitrary>], iteration_bounds = array<i64: 20>, scalar_prefetch = 0 : i64, scratch_operands = 0 : i64, tpu.core_type = #tpu.core_type<tc>, window_params = [{transform_indices = @transform_0, window_bounds = array<i64: 512, 128>}, {transform_indices = @transform_1, window_bounds = array<i64: 512, 128>}, {transform_indices = @transform_2, window_bounds = array<i64: 512, 128>}, {transform_indices = @transform_3, window_bounds = array<i64: 512, 128>}, {transform_indices = @transform_4, window_bounds = array<i64: 512, 128>}, {pipeline_mode = #tpu.pipeline_mode<synchronous>, transform_indices = @transform_5, window_bounds = array<i64: 1, 128>}, {pipeline_mode = #tpu.pipeline_mode<synchronous>, transform_indices = @transform_6, window_bounds = array<i64: 128, 128>}, {pipeline_mode = #tpu.pipeline_mode<synchronous>, transform_indices = @transform_7, window_bounds = array<i64: 1, 128>}, {transform_indices = @transform_8, window_bounds = array<i64: 512, 128>}]} {
    %get3A = arith.constant 0 : index
    %get3A_0 = arith.constant 0 : index
    %get3A_1 = vector.load %arg4[%get3A, %get3A_0] : memref<512x128xf32, #tpu.memory_space<vmem>>, vector<512x128xf32>
    %slice3A = vector.extract_strided_slice %get3A_1 {offsets = [0, 0], sizes = [512, 1], strides = [1, 1]} : vector<512x128xf32> to vector<512x1xf32>
    %get3A_2 = arith.constant 0 : index
    %get3A_3 = arith.constant 0 : index
    %get3A_4 = vector.load %arg5[%get3A_2, %get3A_3] : memref<512x128xf32, #tpu.memory_space<vmem>>, vector<512x128xf32>
    %slice3A_5 = vector.extract_strided_slice %get3A_4 {offsets = [0, 0], sizes = [512, 1], strides = [1, 1]} : vector<512x128xf32> to vector<512x1xf32>
    %add3A = arith.addf %slice3A, %slice3A_5 : vector<512x1xf32>
    %add3A_6 = arith.constant 1.000000e+00 : f32
    %add3A_7 = vector.broadcast %add3A_6 : f32 to vector<512x1xf32>
    %add3A_8 = arith.addf %add3A, %add3A_7 : vector<512x1xf32>
    %rsqrt3A = math.rsqrt %add3A_8 : vector<512x1xf32>
    %get3A_9 = arith.constant 0 : index
    %get3A_10 = arith.constant 0 : index
    %get3A_11 = vector.load %arg1[%get3A_9, %get3A_10] : memref<512x128xf32, #tpu.memory_space<vmem>>, vector<512x128xf32>
    %get3A_12 = arith.constant 0 : index
    %get3A_13 = arith.constant 0 : index
    %get3A_14 = vector.load %arg2[%get3A_12, %get3A_13] : memref<512x128xf32, #tpu.memory_space<vmem>>, vector<512x128xf32>
    %add3A_15 = arith.addf %get3A_11, %get3A_14 : vector<512x128xf32>
    %get3A_16 = arith.constant 0 : index
    %get3A_17 = arith.constant 0 : index
    %get3A_18 = vector.load %arg3[%get3A_16, %get3A_17] : memref<512x128xf32, #tpu.memory_space<vmem>>, vector<512x128xf32>
    %add3A_19 = arith.addf %add3A_15, %get3A_18 : vector<512x128xf32>
    %mul3A = vector.broadcast %rsqrt3A : vector<512x1xf32> to vector<512x128xf32>
    %mul3A_20 = arith.mulf %mul3A, %add3A_19 : vector<512x128xf32>
    %get3A_21 = arith.constant 0 : index
    %get3A_22 = arith.constant 0 : index
    %get3A_23 = vector.load %arg6[%get3A_21, %get3A_22] : memref<1x128xf32, #tpu.memory_space<vmem>>, vector<1x128xf32>
    %add3A_24 = vector.broadcast %get3A_23 : vector<1x128xf32> to vector<512x128xf32>
    %add3A_25 = arith.addf %mul3A_20, %add3A_24 : vector<512x128xf32>
    %get3A_26 = arith.constant 0 : index
    %get3A_27 = arith.constant 0 : index
    %get3A_28 = vector.load %arg7[%get3A_26, %get3A_27] : memref<128x128xf32, #tpu.memory_space<vmem>>, vector<128x128xf32>
    %dot_general3A = arith.constant dense<0.000000e+00> : vector<512x128xf32>
    %dot_general3A_29 = tpu.matmul %add3A_25, %get3A_28, %dot_general3A {dimension_numbers = #tpu.dot_dimension_numbers<[1], [0], [0], [1], [0, 0, 1, 1], [], []>, precision = #tpu.contract_precision<fp32>, transpose_lhs_hint = false} : vector<512x128xf32>, vector<128x128xf32>, vector<512x128xf32> -> vector<512x128xf32>
    %get3A_30 = arith.constant 0 : index
    %get3A_31 = arith.constant 0 : index
    %get3A_32 = vector.load %arg8[%get3A_30, %get3A_31] : memref<1x128xf32, #tpu.memory_space<vmem>>, vector<1x128xf32>
    %add3A_33 = vector.broadcast %get3A_32 : vector<1x128xf32> to vector<512x128xf32>
    %add3A_34 = arith.addf %dot_general3A_29, %add3A_33 : vector<512x128xf32>
    %swap3A = arith.constant 0 : index
    %swap3A_35 = arith.constant 0 : index
    %swap3A_36 = vector.load %arg9[%swap3A, %swap3A_35] : memref<512x128xf32, #tpu.memory_space<vmem>>, vector<512x128xf32>
    tpu.vector_store %arg9[%swap3A, %swap3A_35], %add3A_34 {strides = array<i32>} : memref<512x128xf32, #tpu.memory_space<vmem>>, vector<512x128xf32>,
    return
  }
  func.func @transform_0(%arg0: i32) -> (i32, i32) {
    %c0_i32 = arith.constant 0 : i32
    %c0_i32_0 = arith.constant 0 : i32
    return %arg0, %c0_i32 : i32, i32
  }
  func.func @transform_1(%arg0: i32) -> (i32, i32) {
    %c0_i32 = arith.constant 0 : i32
    %c0_i32_0 = arith.constant 0 : i32
    return %arg0, %c0_i32 : i32, i32
  }
  func.func @transform_2(%arg0: i32) -> (i32, i32) {
    %c0_i32 = arith.constant 0 : i32
    %c0_i32_0 = arith.constant 0 : i32
    return %arg0, %c0_i32 : i32, i32
  }
  func.func @transform_3(%arg0: i32) -> (i32, i32) {
    %c0_i32 = arith.constant 0 : i32
    %c0_i32_0 = arith.constant 0 : i32
    return %arg0, %c0_i32 : i32, i32
  }
  func.func @transform_4(%arg0: i32) -> (i32, i32) {
    %c0_i32 = arith.constant 0 : i32
    %c0_i32_0 = arith.constant 0 : i32
    return %arg0, %c0_i32 : i32, i32
  }
  func.func @transform_5(%arg0: i32) -> (i32, i32) {
    %c0_i32 = arith.constant 0 : i32
    %c0_i32_0 = arith.constant 0 : i32
    %c0_i32_1 = arith.constant 0 : i32
    return %c0_i32, %c0_i32_0 : i32, i32
  }
  func.func @transform_6(%arg0: i32) -> (i32, i32) {
    %c0_i32 = arith.constant 0 : i32
    %c0_i32_0 = arith.constant 0 : i32
    %c0_i32_1 = arith.constant 0 : i32
    return %c0_i32, %c0_i32_0 : i32, i32
  }
  func.func @transform_7(%arg0: i32) -> (i32, i32) {
    %c0_i32 = arith.constant 0 : i32
    %c0_i32_0 = arith.constant 0 : i32
    %c0_i32_1 = arith.constant 0 : i32
    return %c0_i32, %c0_i32_0 : i32, i32
  }
  func.func @transform_8(%arg0: i32) -> (i32, i32) {
    %c0_i32 = arith.constant 0 : i32
    %c0_i32_0 = arith.constant 0 : i32
    return %arg0, %c0_i32 : i32, i32
  }
}

</mosaic_0001>

<sc_bundles>
// kernel: kernel.12.cloned.1.call-start
scs
__scs_entry_jumppad:
0x0: {  	(pc) =	sbr.rel $0x88, $3  }
0x1: {  	(tag) =	ssettag $0x0;
	lr =	simm.s32 $0x1  }
0x2: {  	[smem:$0x3F90] =	sst lr;
	_ =	strace $0xD0000000  }
0x3: {  	_ = 	snop  }
0x4: {  	_ = 	snop  }
0x5: {  	_ = 	snop  }
0x6: {  	_ = 	snop  }
0x7: {  	_ = 	snop  }
__scs_overlays_trampoline_lowered:
0x8: {  	[smem:$0x3F9F] =	sst s0  }
0x9: {  	[smem:$0x3FA0] =	sst s1  }
0xa: {  	[smem:$0x3FA1] =	sst s2  }
0xb: {  	[smem:$0x3FA2] =	sst s3  }
0xc: {  	[smem:$0x3FA3] =	sst s4  }
0xd: {  	[smem:$0x3FA4] =	sst s5  }
0xe: {  	[smem:$0x3FA5] =	sst s6  }
0xf: {  	[smem:$0x3FA6] =	sst s7  }
0x10: {  	[smem:$0x3FA7] =	sst s8  }
0x11: {  	[smem:$0x3FA8] =	sst s9;
	s0 =	simm.s32 @!p0 $0x0  }
0x12: {  	s1 =	sld [smem:$0x3F8E];
	s0 =	simm.s32 @p0 $0x1  }
0x13: {  	[smem:$0x3FA9] =	sst s0;
	s0 =	simm.s32 @!p1 $0x0  }
0x14: {  	s2 =	sld [smem:$0x3F8D];
	s0 =	simm.s32 @p1 $0x1  }
0x15: {  	[smem:$0x3FAA] =	sst s0;
	s0 =	simm.s32 @!p2 $0x0  }
0x16: {  	s3 =	sld [smem:$0x3FDB];
	s0 =	simm.s32 @p2 $0x1  }
0x17: {  	s4 =	simm.s32 $0x1BF5;
	[smem:$0x3FAC] =	sst s0  }
0x18: {  	s0 =	sld [smem:$0x3F8F];
	_ =	swait.ge [sflag:s4], $0x0  }
0x19: {  	s7 =	sld [smem:$0x3F90]  }
0x1a: {  	s8 =	sadd.s32 $0xFFFFE003, lr  }
0x1b: {  	s9 =	sadd.s32 $0xFFFFFEF7, lr;
	s5 =	simm.s32 $0xFFFFFFFF;
	p2 =	slt.u32 s8, $0xFFFFF086  }
0x1c: {  	p1 =	slt.u32 s9, $0xF7A;
	s5 =	simm.s32 @!p2 $0x0  }
0x1d: {  	s5 =	simm.s32 @p1 $0x1;
	p0 =	seq.s32 s7, s2  }
0x1e: {  	s7 =	smul.u32 @!p0 $0xF7A, s2;
	p2 =	seq.s32 @!p0 s5, $0x0  }
0x1f: {  	s9 =	smul.u32 $0xF7A, s1;
	s8 =	simm.s32 @!p0 $0x1BF5;
	p2 =	por !p2, p0  }
0x20: {  	[sflag:s8] =	ssyncset.s32 @!p0 $0xFFFFF086;
	s6 =	sadd.s32 @!p0 s3, s7;
	s7 =	simm.s32 @!p0 $0x108  }
0x21: {  	s3 =	sadd.s32 s3, s9;
	s6 =	sadd.s32 @!p0 $0x88, s6;
	s7 =	simm.s32 @p2 $0x1082  }
0x22: {  	[simem:s7], [sflag:s8] =	dma.local @!p0 [hbm:s6], $0xF7A  }
0x23: {  	s9 =	sor.u32 $0xD0000000, s2;
	s6 =	simm.s32 $0x108;
	_ =	swait.ge @!p0 [sflag:s8], $0x0  }
0x24: {  	s3 =	sadd.s32 $0x88, s3;
	s6 =	simm.s32 @!p1 $0x1082;
	[sflag:s4] =	ssyncset.s32 $0xFFFFF086  }
0x25: {  	[simem:s6], [sflag:s4] =	dma.local [hbm:s3], $0xF7A  }
0x26: {  	[smem:$0x3F90] =	sst s1;
	(tag) =	ssettag s2;
	_ =	strace s9  }
0x27: {  	s1 =	sld [smem:$0x3FA0]  }
0x28: {  	s2 =	sld [smem:$0x3FA1]  }
0x29: {  	s4 =	sld [smem:$0x3FA3]  }
0x2a: {  	p0 =	seq.s32 s5, $0x0;
	s5 =	sld [smem:$0x3FA4]  }
0x2b: {  	s6 =	sld [smem:$0x3FA5]  }
0x2c: {  	s7 =	sld [smem:$0x3FA6]  }
0x2d: {  	s3 =	simm.s32 $0x108;
	s8 =	sld [smem:$0x3FA7]  }
0x2e: {  	s3 =	simm.s32 @!p0 $0x1082;
	s9 =	sld [smem:$0x3FA8]  }
0x2f: {  	lr =	sadd.s32 s0, s3;
	s0 =	sld [smem:$0x3F9F]  }
0x30: {  	s3 =	sld [smem:$0x3FA2]  }
0x31: {  	[smem:$0x3FAB] =	sst s10  }
0x32: {  	s10 =	sld [smem:$0x3FA9];
	_ =	sdelay $0x3  }
0x33: {  	p0 =	seq.s32 s10, $0x1;
	s10 =	sld [smem:$0x3FAB];
	_ =	sdelay $0x3  }
0x34: {  	[smem:$0x3FAB] =	sst s10  }
0x35: {  	s10 =	sld [smem:$0x3FAA];
	_ =	sdelay $0x3  }
0x36: {  	p1 =	seq.s32 s10, $0x1;
	s10 =	sld [smem:$0x3FAB];
	_ =	sdelay $0x3  }
0x37: {  	[smem:$0x3FAB] =	sst s10  }
0x38: {  	s10 =	sld [smem:$0x3FAC]  }
0x39: {  	_ = 	snop;
	(pc) =	sbr.ind lr, $3  }
0x3a: {  	_ = 	snop  }
0x3b: {  	_ = 	snop  }
0x3c: {  	p2 =	seq.s32 s10, $0x1;
	s10 =	sld [smem:$0x3FAB]  }
0x3d: {  	_ =	shalt  }
0x3e: {  	_ =	shalt  }
0x3f: {  	_ =	shalt  }
0x40: {  	_ =	shalt  }
0x41: {  	_ =	shalt  }
0x42: {  	_ =	shalt  }
0x43: {  	_ =	shalt  }
0x44: {  	_ =	shalt  }
0x45: {  	_ =	shalt  }
0x46: {  	_ =	shalt  }
0x47: {  	_ =	shalt  }
0x48: {  	_ =	shalt  }
0x49: {  	_ =	shalt  }
0x4a: {  	_ =	shalt  }
0x4b: {  	_ =	shalt  }
0x4c: {  	_ =	shalt  }
0x4d: {  	_ =	shalt  }
0x4e: {  	_ =	shalt  }
0x4f: {  	_ =	shalt  }
0x50: {  	_ =	shalt  }
0x51: {  	_ =	shalt  }
0x52: {  	_ =	shalt  }
0x53: {  	_ =	shalt  }
0x54: {  	_ =	shalt  }
0x55: {  	_ =	shalt  }
0x56: {  	_ =	shalt  }
0x57: {  	_ =	shalt  }
0x58: {  	_ =	shalt  }
0x59: {  	_ =	shalt  }
0x5a: {  	_ =	shalt  }
0x5b: {  	_ =	shalt  }
0x5c: {  	_ =	shalt  }
0x5d: {  	_ =	shalt  }
0x5e: {  	_ =	shalt  }
0x5f: {  	_ =	shalt  }
0x60: {  	_ =	shalt  }
0x61: {  	_ =	shalt  }
0x62: {  	_ =	shalt  }
0x63: {  	_ =	shalt  }
0x64: {  	_ =	shalt  }
0x65: {  	_ =	shalt  }
0x66: {  	_ =	shalt  }
0x67: {  	_ =	shalt  }
0x68: {  	_ =	shalt  }
0x69: {  	_ =	shalt  }
0x6a: {  	_ =	shalt  }
0x6b: {  	_ =	shalt  }
0x6c: {  	_ =	shalt  }
0x6d: {  	_ =	shalt  }
0x6e: {  	_ =	shalt  }
0x6f: {  	_ =	shalt  }
0x70: {  	_ =	shalt  }
0x71: {  	_ =	shalt  }
0x72: {  	_ =	shalt  }
0x73: {  	_ =	shalt  }
0x74: {  	_ =	shalt  }
0x75: {  	_ =	shalt  }
0x76: {  	_ =	shalt  }
0x77: {  	_ =	shalt  }
0x78: {  	_ =	shalt  }
0x79: {  	_ =	shalt  }
0x7a: {  	_ =	shalt  }
0x7b: {  	_ =	shalt  }
0x7c: {  	_ =	shalt  }
0x7d: {  	_ =	shalt  }
0x7e: {  	_ =	shalt  }
0x7f: {  	_ =	shalt  }
0x80: {  	_ =	shalt  }
0x81: {  	_ =	shalt  }
0x82: {  	_ =	shalt  }
0x83: {  	_ =	shalt  }
0x84: {  	_ =	shalt  }
0x85: {  	_ =	shalt  }
0x86: {  	_ =	shalt  }
0x87: {  	_ =	shalt  }
.Lfunc_end0:
.L_simem_size_0:
called_computation_lowered:
.L_overlay_start_0:
0x88: {  	s2 =	sld [smem:$0x3FD9]  }
0x89: {  	s3 =	sld [smem:$0x3FFE];
	_ =	sdelay $0x1  }
0x8a: {  	s1 =	srdreg.scid  }
0x8b: {  	s0 =	sand.u32 $0x1, s1  }
0x8c: {  	s17 =	sshll.u32 s0, $0xA;
	s2 =	sadd.s32 s3, s2  }
0x8d: {  	s2 =	sadd.s32 s2, s17  }
0x8e: {  	[smem:$0x3FB7] =	sst s2  }
0x8f: {  	_ = 	snop  }
0x90: {  	s2 =	sld [smem:$0x3FD0];
	(tm) =	ssettm $0x1  }
0x91: {  	s18 =	sld [smem:$0x3FFB];
	_ =	sdelay $0x3  }
0x92: {  	_ =	strace s18  }
0x93: {  	s3 =	sld [smem:$0x3FFC];
	_ =	sdelay $0x3  }
0x94: {  	_ =	strace s3  }
0x95: {  	s3 =	sld [smem:$0x3FFD];
	_ =	sdelay $0x3  }
0x96: {  	_ =	strace s3  }
0x97: {  	_ =	strace $0x8FFFFFFF  }
0x98: {  	s19 =	sld [smem:$0x3FDB];
	_ =	sdelay $0x1  }
0x99: {  	s4 =	simm.s32 $_scs_section_size  }
0x9a: {  	s5 =	simm.s32 $_size__tile_overlayer_lowered;
	s6 =	simm.s32 $_tile_overlayer_lowered  }
0x9b: {  	s22 =	simm.s32 $0x1BFF;
	s21 =	sshll.u32 s6, $0x1;
	s3 =	sadd.s32 s4, s19  }
0x9c: {  	s7 =	simm.s32 $0x0;
	s20 =	sshll.u32 s5, $0x1;
	s5 =	sadd.s32 s21, s3  }
0x9d: {  	[timem:s7], [sflag:s22] =	dma.local [hbm:s5], s20  }
0x9e: {  	_ =	swait.ge [sflag:s22], s20  }
0x9f: {  	s4 =	ssub.s32 $0x0, s20;
	[sflag:s22] =	ssyncset.done $0x0  }
0xa0: {  	[sflag:s22] =	ssyncadd.s32 s4;
	_ =	sdelay $0x1  }
0xa1: {  	s23 =	simm.s32 $0x1B8B  }
0xa2: {  	_ =	swait.ge [sflag:s23], $0x1  }
0xa3: {  	[sflag:s23] =	ssyncset.done $0x0  }
0xa4: {  	s25 =	simm.s32 $0x1B8E;
	s24 =	sld [smem:$0x3FFE];
	[sflag:s23] =	ssyncadd.s32 $0xFFFFFFFF  }
0xa5: {  	s26 =	simm.s32 $execute0_lowered;
	[smem:$0x3FD2] =	sst s25  }
0xa6: {  	s5 =	sshll.u32 s26, $0x1;
	_ =	strace $0x80000046;
	[dreg:$0x1] =	wrdreg $0xFFFFFFFF  }
0xa7: {  	s28 =	simm.s32 $_size_execute0_lowered;
	s3 =	sadd.s32 s3, s5;
	[dreg:$0x0] =	wrdreg $0x0  }
0xa8: {  	s5 =	sshll.u32 s28, $0x1;
	[dreg:$0x2] =	wrdreg s3  }
0xa9: {  	[dreg:$0x3] =	wrdreg s5  }
0xaa: {  	[dreg:$0x4] =	wrdreg $0xC0  }
0xab: {  	_ =	task [dreg:s7], $0x5FFFF  }
0xac: {  	[dreg:$0x1] =	wrdreg $0xFFFFFFFF  }
0xad: {  	[dreg:$0x0] =	wrdreg $0x60  }
0xae: {  	[dreg:$0x2] =	wrdreg s2  }
0xaf: {  	[dreg:$0x3] =	wrdreg s24  }
0xb0: {  	[dreg:$0x4] =	wrdreg $0x0  }
0xb1: {  	[dreg:$0x5] =	wrdreg $0x9  }
0xb2: {  	_ =	task.clear_ibuf [dreg:s7], $0x6FFFF;
	_ =	strace $0x90000046  }
0xb3: {  	s29 =	simm.s32 $0x9;
	_ =	strace $0x80000048  }
0xb4: {  	_ =	swait.ge [sflag:s29], $0x1  }
0xb5: {  	[sflag:s29] =	ssyncadd.s32 $0xFFFFFFFF  }
0xb6: {  	_ =	strace $0x90000048  }
0xb7: {  	_ =	sfence  }
0xb8: {  	s30 =	sld [smem:$0x0];
	_ =	sdelay $0x2  }
0xb9: {  	s31 =	sshll.u32 s1, $0xD;
	s1 =	sshrl.u32 s1, $0x2  }
0xba: {  	s3 =	sand.u32 $0x4000, s31;
	s1 =	sadd.s32 s1, s30  }
0xbb: {  	s0 =	sor.u32 s3, s0;
	s1 =	sshll.u32 s1, $0x11  }
0xbc: {  	s0 =	sor.u32 s1, s0  }
0xbd: {  	s0 =	sadd.s32 $0x8F2B, s0  }
0xbe: {  	[sflag:s0] =	ssyncadd.remote.s32 $0x1  }
0xbf: {  	_ =	sfence.sel $0xFFFF  }
0xc0: {  	[dreg:$0x0] =	wrdreg $0xFFFFFFFF;
	(pc) =	sbr.abs _section_cstart, $3  }
0xc1: {  	[dreg:$0x1] =	wrdreg $0xFFFFFFFF  }
0xc2: {  	_ =	task.clear_ibuf [dreg:s7], $0x2FFFF;
	_ =	strace $0x9FFFFFFF  }
0xc3: {  	(tm) =	ssettm $0x7FFFFFFF  }
tec
execute0_lowered:
.L_overlay_start_1:
0x0: {  	(tag) =	ssettag $0x1  }
0x1: {  	s6 =	rddreg [dreg:$0x0]  }
0x2: {  	s5 =	rddreg [dreg:$0x1];
	s0 =	srdreg.scid  }
0x3: {  	s2 =	rddreg [dreg:$0x2];
	s1 =	stileid.u32  }
0x4: {  	s3 =	simm.s32 $0x0;
	s11 =	simm.s32 $0x13C00;
	s12 =	simm.s32 $0x80  }
0x5: {  	s7 =	sand.u32 $0x1, s0;
	s0 =	rddreg [dreg:$0x3];
	s9 =	smul.u32 $0x13C00, s1  }
0x6: {  	s13 =	simm.s32 $0x16400;
	[smem:$0x7FF] =	sst s3;
	s10 =	smul.u32 $0x4F000, s1  }
0x7: {  	s4 =	sadd.s32 $0x12000, s5;
	s31 =	sshll.u32 s1, $0x6;
	s8 =	smul.u32 $0x140000, s7  }
0x8: {  	_ =	strace $0x80000047;
	s26 =	sshll.u32 s7, $0x4;
	s28 =	ssub.s32 $0x2, s7  }
0x9: {  	s29 =	sor.u32 s1, s26;
	s30 =	sshrl.u32 s28, $0x1;
	s8 =	sadd.s32 s9, s8  }
0xa: {  	s10 =	sshrl.u32 s10, $0x2;
	s7 =	smul.u32 $0x500, s29;
	s8 =	sshrl.u32 s8, $0x3  }
0xb: {  	s9 =	ssub.s32 s28, s30;
	s10 =	sadd.s32 s10, s2;
	s8 =	sadd.s32 s8, s5  }
0xc: {  	vm0 =	vcmask $0x300;
	v0 =	vimm.f32 $0.0e+00;
	s5 =	sor.u32 $0x1C01, s31;
	s6 =	sadd.s32 s6, s7;
	s7 =	sadd.s32 $0x14800, s8  }
0xd: {  	v1 =	vsel vm0, $0x3F800000, v0;
	s8 =	smax.u32 s9, $0x1;
	s9 =	sshrl.u32 s10, $0x3;
	s10 =	simm.s32 $0x1  }
.LBB2_1:
0xe: {  	[spmem:s9], [sflag:s5] =	dma.local [hbm:s4], $0x2780  }
0xf: {  	_ =	swait.ge [sflag:s10], $0x2780  }
0x10: {  	[sflag:s10] =	ssyncset.done $0x0  }
0x11: {  	s14 =	simm.s32 $0x0;
	s15 =	simm.s32 $0x200;
	[sflag:s10] =	ssyncadd.s32 $0xFFFFD880  }
.LBB2_2:
0x12: {  	p0 =	sne.s32 s15, $0xFE00;
	[tilespmem:s14+$0x16470] =	vst v0  }
0x13: {  	[tilespmem:s14+$0x16400] =	vst v1  }
0x14: {  	[tilespmem:s14+$0x16410] =	vst v0  }
.Ltmp0:
0x15: {  	[tilespmem:s14+$0x16420] =	vst v0;
	(pc) =	sbr.rel @p0 .LBB2_2-.Ltmp0, $4  }
0x16: {  	[tilespmem:s14+$0x16430] =	vst v0  }
0x17: {  	[tilespmem:s14+$0x16440] =	vst v0  }
0x18: {  	[tilespmem:s14+$0x16450] =	vst v0  }
0x19: {  	[tilespmem:s14+$0x16460] =	vst v0;
	s14 =	sshra.s32 s15, $0x2;
	s15 =	sadd.s32 $0x200, s15  }
0x1a: {  	[tilespmem:s14+$0x16470] =	vst v0  }
0x1b: {  	[tilespmem:s14+$0x16400] =	vst v1  }
0x1c: {  	[tilespmem:s14+$0x16410] =	vst v0  }
0x1d: {  	[tilespmem:s14+$0x16420] =	vst v0  }
0x1e: {  	[tilespmem:s14+$0x16430] =	vst v0  }
0x1f: {  	[tilespmem:s14+$0x16440] =	vst v0  }
0x20: {  	[tilespmem:s14+$0x16450] =	vst v0  }
0x21: {  	[tilespmem:s14+$0x16460] =	vst v0;
	s30 =	simm.s32 $0x0  }
0x22: {  	[tilespmem:s11], [sflag:$0x1] =	stream.linear.gather [hbm4b:s6+s30], $0x2800, $0x38;
	[tilespmem:$0x1A400] =	vst v63  }
0x23: {  	_ =	swait.ge [sflag:s10], $0x2800  }
0x24: {  	[sflag:s10] =	ssyncset.done $0x0  }
0x25: {  	[sflag:s10] =	ssyncadd.s32 $0xFFFFD800  }
0x26: {  	s31 =	simm.s32 $0x13C00;
	[bflag:$0x0] =	sbarrier.arrive $0xFFFF  }
0x27: {  	[spmem:s2] =	stream.indirect.scatter.add.f32 [tilespmem:s13], [sflag:$0x1], $0x80, s31, s12, $0xb8;
	[tilespmem:$0x1A400] =	vst v63  }
0x28: {  	s14 =	simm.s32 $0x200;
	_ =	swait.ge [sflag:s10], $0x4000  }
.LBB2_4:
0x29: {  	s15 =	sshra.s32 s14, $0x2;
	[sflag:s10] =	ssyncset.done $0x0;
	p0 =	sne.s32 s14, $0x9E00  }
.Ltmp1:
0x2a: {  	s15 =	sadd.s32 $0x13C00, s15;
	[sflag:s10] =	ssyncadd.s32 $0xFFFFC000;
	(pc) =	sbr.rel @p0 .LBB2_4-.Ltmp1, $3  }
0x2b: {  	[spmem:s2] =	stream.indirect.scatter.add.f32 [tilespmem:s13], [sflag:$0x1], $0x80, s15, s12, $0xb8;
	[tilespmem:$0x1A400] =	vst v63  }
0x2c: {  	s14 =	sadd.s32 $0x200, s14;
	_ =	sdelay $0x1  }
0x2d: {  	_ =	swait.ge [sflag:s10], $0x4000  }
0x2e: {  	[sflag:s10] =	ssyncset.done $0x0;
	s3 =	sadd.s32 $0x1, s3  }
0x2f: {  	[sflag:s10] =	ssyncadd.s32 $0xFFFFC000;
	p0 =	sne.s32 s3, s8  }
.Ltmp2:
0x30: {  	[bflag:$0x0] =	sbarrier.arrive $0xFFFF;
	(pc) =	sbr.rel @p0 .LBB2_1-.Ltmp2, $4  }
0x31: {  	[hbm:s7], [sflag:s5] =	dma.local [spmem:s9], $0x2780  }
0x32: {  	_ =	swait.ge [sflag:s10], $0x2780  }
0x33: {  	[sflag:s10] =	ssyncset.done $0x0  }
0x34: {  	[sflag:s10] =	ssyncadd.s32 $0xFFFFD880  }
0x35: {  	_ =	sfence.sel $0x180000  }
0x36: {  	[bflag:$0x0] =	sbarrier.arrive $0xFFFF  }
0x37: {  	p0 =	sne.s32 s1, $0x0;
	_ =	strace $0x90000047  }
0x38: {  	s0 =	sadd.s32 @!p0 $0x100000, s0;
	[bflag:$0x2] =	sbarrier.arrive $0xFFFF  }
0x39: {  	[sflag:s0] =	ssyncadd.tile.s32 @!p0 $0x1;
	_ =	shalt  }
.Lfunc_end2:
_tile_overlayer_lowered:
.L_overlay_start_2:
0x3a: {  	(tag) =	ssettag $0x2  }
0x3b: {  	s0 =	rddreg [dreg:$0x0];
	s2 =	stileid.u32  }
0x3c: {  	s1 =	rddreg [dreg:$0x1];
	p0 =	sne.s32 s2, $0x0  }
0x3d: {  	s3 =	rddreg [dreg:$0x2];
	[bflag:$0x3] =	sbarrier.arrive $0xFFFF;
	s2 =	simm.s32 @!p0 $0x1C01  }
0x3e: {  	[timem:s3], [sflag:s2] =	dma.local @!p0 [hbm:s0], s1  }
0x3f: {  	s0 =	simm.s32 @!p0 $0x1  }
0x40: {  	_ =	swait.ge @!p0 [sflag:s0], s1  }
0x41: {  	s1 =	ssub.s32 @!p0 $0x0, s1;
	[sflag:s0] =	ssyncset.done @!p0 $0x0  }
0x42: {  	[sflag:s0] =	ssyncadd.s32 @!p0 s1  }
0x43: {  	[bflag:$0x3] =	sbarrier.arrive $0xFFFF  }
0x44: {  	_ =	shalt  }

// kernel: kernel.15.cloned.1.call-start
scs
__scs_entry_jumppad:
0x0: {  	(pc) =	sbr.rel $0x88, $3  }
0x1: {  	(tag) =	ssettag $0x0;
	lr =	simm.s32 $0x1  }
0x2: {  	[smem:$0x3F90] =	sst lr;
	_ =	strace $0xD0000000  }
0x3: {  	_ = 	snop  }
0x4: {  	_ = 	snop  }
0x5: {  	_ = 	snop  }
0x6: {  	_ = 	snop  }
0x7: {  	_ = 	snop  }
__scs_overlays_trampoline_lowered:
0x8: {  	[smem:$0x3F9F] =	sst s0  }
0x9: {  	[smem:$0x3FA0] =	sst s1  }
0xa: {  	[smem:$0x3FA1] =	sst s2  }
0xb: {  	[smem:$0x3FA2] =	sst s3  }
0xc: {  	[smem:$0x3FA3] =	sst s4  }
0xd: {  	[smem:$0x3FA4] =	sst s5  }
0xe: {  	[smem:$0x3FA5] =	sst s6  }
0xf: {  	[smem:$0x3FA6] =	sst s7  }
0x10: {  	[smem:$0x3FA7] =	sst s8  }
0x11: {  	[smem:$0x3FA8] =	sst s9;
	s0 =	simm.s32 @!p0 $0x0  }
0x12: {  	s1 =	sld [smem:$0x3F8E];
	s0 =	simm.s32 @p0 $0x1  }
0x13: {  	[smem:$0x3FA9] =	sst s0;
	s0 =	simm.s32 @!p1 $0x0  }
0x14: {  	s2 =	sld [smem:$0x3F8D];
	s0 =	simm.s32 @p1 $0x1  }
0x15: {  	[smem:$0x3FAA] =	sst s0;
	s0 =	simm.s32 @!p2 $0x0  }
0x16: {  	s3 =	sld [smem:$0x3FDB];
	s0 =	simm.s32 @p2 $0x1  }
0x17: {  	s4 =	simm.s32 $0x1BF5;
	[smem:$0x3FAC] =	sst s0  }
0x18: {  	s0 =	sld [smem:$0x3F8F];
	_ =	swait.ge [sflag:s4], $0x0  }
0x19: {  	s7 =	sld [smem:$0x3F90]  }
0x1a: {  	s8 =	sadd.s32 $0xFFFFE003, lr  }
0x1b: {  	s9 =	sadd.s32 $0xFFFFFEF7, lr;
	s5 =	simm.s32 $0xFFFFFFFF;
	p2 =	slt.u32 s8, $0xFFFFF086  }
0x1c: {  	p1 =	slt.u32 s9, $0xF7A;
	s5 =	simm.s32 @!p2 $0x0  }
0x1d: {  	s5 =	simm.s32 @p1 $0x1;
	p0 =	seq.s32 s7, s2  }
0x1e: {  	s7 =	smul.u32 @!p0 $0xF7A, s2;
	p2 =	seq.s32 @!p0 s5, $0x0  }
0x1f: {  	s9 =	smul.u32 $0xF7A, s1;
	s8 =	simm.s32 @!p0 $0x1BF5;
	p2 =	por !p2, p0  }
0x20: {  	[sflag:s8] =	ssyncset.s32 @!p0 $0xFFFFF086;
	s6 =	sadd.s32 @!p0 s3, s7;
	s7 =	simm.s32 @!p0 $0x108  }
0x21: {  	s3 =	sadd.s32 s3, s9;
	s6 =	sadd.s32 @!p0 $0x88, s6;
	s7 =	simm.s32 @p2 $0x1082  }
0x22: {  	[simem:s7], [sflag:s8] =	dma.local @!p0 [hbm:s6], $0xF7A  }
0x23: {  	s9 =	sor.u32 $0xD0000000, s2;
	s6 =	simm.s32 $0x108;
	_ =	swait.ge @!p0 [sflag:s8], $0x0  }
0x24: {  	s3 =	sadd.s32 $0x88, s3;
	s6 =	simm.s32 @!p1 $0x1082;
	[sflag:s4] =	ssyncset.s32 $0xFFFFF086  }
0x25: {  	[simem:s6], [sflag:s4] =	dma.local [hbm:s3], $0xF7A  }
0x26: {  	[smem:$0x3F90] =	sst s1;
	(tag) =	ssettag s2;
	_ =	strace s9  }
0x27: {  	s1 =	sld [smem:$0x3FA0]  }
0x28: {  	s2 =	sld [smem:$0x3FA1]  }
0x29: {  	s4 =	sld [smem:$0x3FA3]  }
0x2a: {  	p0 =	seq.s32 s5, $0x0;
	s5 =	sld [smem:$0x3FA4]  }
0x2b: {  	s6 =	sld [smem:$0x3FA5]  }
0x2c: {  	s7 =	sld [smem:$0x3FA6]  }
0x2d: {  	s3 =	simm.s32 $0x108;
	s8 =	sld [smem:$0x3FA7]  }
0x2e: {  	s3 =	simm.s32 @!p0 $0x1082;
	s9 =	sld [smem:$0x3FA8]  }
0x2f: {  	lr =	sadd.s32 s0, s3;
	s0 =	sld [smem:$0x3F9F]  }
0x30: {  	s3 =	sld [smem:$0x3FA2]  }
0x31: {  	[smem:$0x3FAB] =	sst s10  }
0x32: {  	s10 =	sld [smem:$0x3FA9];
	_ =	sdelay $0x3  }
0x33: {  	p0 =	seq.s32 s10, $0x1;
	s10 =	sld [smem:$0x3FAB];
	_ =	sdelay $0x3  }
0x34: {  	[smem:$0x3FAB] =	sst s10  }
0x35: {  	s10 =	sld [smem:$0x3FAA];
	_ =	sdelay $0x3  }
0x36: {  	p1 =	seq.s32 s10, $0x1;
	s10 =	sld [smem:$0x3FAB];
	_ =	sdelay $0x3  }
0x37: {  	[smem:$0x3FAB] =	sst s10  }
0x38: {  	s10 =	sld [smem:$0x3FAC]  }
0x39: {  	_ = 	snop;
	(pc) =	sbr.ind lr, $3  }
0x3a: {  	_ = 	snop  }
0x3b: {  	_ = 	snop  }
0x3c: {  	p2 =	seq.s32 s10, $0x1;
	s10 =	sld [smem:$0x3FAB]  }
0x3d: {  	_ =	shalt  }
0x3e: {  	_ =	shalt  }
0x3f: {  	_ =	shalt  }
0x40: {  	_ =	shalt  }
0x41: {  	_ =	shalt  }
0x42: {  	_ =	shalt  }
0x43: {  	_ =	shalt  }
0x44: {  	_ =	shalt  }
0x45: {  	_ =	shalt  }
0x46: {  	_ =	shalt  }
0x47: {  	_ =	shalt  }
0x48: {  	_ =	shalt  }
0x49: {  	_ =	shalt  }
0x4a: {  	_ =	shalt  }
0x4b: {  	_ =	shalt  }
0x4c: {  	_ =	shalt  }
0x4d: {  	_ =	shalt  }
0x4e: {  	_ =	shalt  }
0x4f: {  	_ =	shalt  }
0x50: {  	_ =	shalt  }
0x51: {  	_ =	shalt  }
0x52: {  	_ =	shalt  }
0x53: {  	_ =	shalt  }
0x54: {  	_ =	shalt  }
0x55: {  	_ =	shalt  }
0x56: {  	_ =	shalt  }
0x57: {  	_ =	shalt  }
0x58: {  	_ =	shalt  }
0x59: {  	_ =	shalt  }
0x5a: {  	_ =	shalt  }
0x5b: {  	_ =	shalt  }
0x5c: {  	_ =	shalt  }
0x5d: {  	_ =	shalt  }
0x5e: {  	_ =	shalt  }
0x5f: {  	_ =	shalt  }
0x60: {  	_ =	shalt  }
0x61: {  	_ =	shalt  }
0x62: {  	_ =	shalt  }
0x63: {  	_ =	shalt  }
0x64: {  	_ =	shalt  }
0x65: {  	_ =	shalt  }
0x66: {  	_ =	shalt  }
0x67: {  	_ =	shalt  }
0x68: {  	_ =	shalt  }
0x69: {  	_ =	shalt  }
0x6a: {  	_ =	shalt  }
0x6b: {  	_ =	shalt  }
0x6c: {  	_ =	shalt  }
0x6d: {  	_ =	shalt  }
0x6e: {  	_ =	shalt  }
0x6f: {  	_ =	shalt  }
0x70: {  	_ =	shalt  }
0x71: {  	_ =	shalt  }
0x72: {  	_ =	shalt  }
0x73: {  	_ =	shalt  }
0x74: {  	_ =	shalt  }
0x75: {  	_ =	shalt  }
0x76: {  	_ =	shalt  }
0x77: {  	_ =	shalt  }
0x78: {  	_ =	shalt  }
0x79: {  	_ =	shalt  }
0x7a: {  	_ =	shalt  }
0x7b: {  	_ =	shalt  }
0x7c: {  	_ =	shalt  }
0x7d: {  	_ =	shalt  }
0x7e: {  	_ =	shalt  }
0x7f: {  	_ =	shalt  }
0x80: {  	_ =	shalt  }
0x81: {  	_ =	shalt  }
0x82: {  	_ =	shalt  }
0x83: {  	_ =	shalt  }
0x84: {  	_ =	shalt  }
0x85: {  	_ =	shalt  }
0x86: {  	_ =	shalt  }
0x87: {  	_ =	shalt  }
.Lfunc_end0:
.L_simem_size_0:
called_computation.1_lowered:
.L_overlay_start_0:
0x88: {  	s2 =	sld [smem:$0x3FD9]  }
0x89: {  	s3 =	sld [smem:$0x3FFE];
	_ =	sdelay $0x1  }
0x8a: {  	s1 =	srdreg.scid  }
0x8b: {  	s0 =	sand.u32 $0x1, s1  }
0x8c: {  	s17 =	sshll.u32 s0, $0xA;
	s2 =	sadd.s32 s3, s2  }
0x8d: {  	s2 =	sadd.s32 s2, s17  }
0x8e: {  	[smem:$0x3FB7] =	sst s2  }
0x8f: {  	_ = 	snop  }
0x90: {  	s2 =	sld [smem:$0x3FD0];
	(tm) =	ssettm $0x1  }
0x91: {  	s18 =	sld [smem:$0x3FFB];
	_ =	sdelay $0x3  }
0x92: {  	_ =	strace s18  }
0x93: {  	s3 =	sld [smem:$0x3FFC];
	_ =	sdelay $0x3  }
0x94: {  	_ =	strace s3  }
0x95: {  	s3 =	sld [smem:$0x3FFD];
	_ =	sdelay $0x3  }
0x96: {  	_ =	strace s3  }
0x97: {  	_ =	strace $0x8FFFFFFF  }
0x98: {  	s19 =	sld [smem:$0x3FDB];
	_ =	sdelay $0x1  }
0x99: {  	s4 =	simm.s32 $_scs_section_size  }
0x9a: {  	s5 =	simm.s32 $_size__tile_overlayer_lowered;
	s6 =	simm.s32 $_tile_overlayer_lowered  }
0x9b: {  	s22 =	simm.s32 $0x1BFF;
	s21 =	sshll.u32 s6, $0x1;
	s3 =	sadd.s32 s4, s19  }
0x9c: {  	s7 =	simm.s32 $0x0;
	s20 =	sshll.u32 s5, $0x1;
	s5 =	sadd.s32 s21, s3  }
0x9d: {  	[timem:s7], [sflag:s22] =	dma.local [hbm:s5], s20  }
0x9e: {  	_ =	swait.ge [sflag:s22], s20  }
0x9f: {  	s4 =	ssub.s32 $0x0, s20;
	[sflag:s22] =	ssyncset.done $0x0  }
0xa0: {  	[sflag:s22] =	ssyncadd.s32 s4;
	_ =	sdelay $0x1  }
0xa1: {  	s23 =	simm.s32 $0x1B8B  }
0xa2: {  	_ =	swait.ge [sflag:s23], $0x1  }
0xa3: {  	[sflag:s23] =	ssyncset.done $0x0  }
0xa4: {  	s25 =	simm.s32 $0x1B8E;
	s24 =	sld [smem:$0x3FFE];
	[sflag:s23] =	ssyncadd.s32 $0xFFFFFFFF  }
0xa5: {  	s26 =	simm.s32 $execute0_lowered;
	[smem:$0x3FD2] =	sst s25  }
0xa6: {  	s5 =	sshll.u32 s26, $0x1;
	_ =	strace $0x80000049;
	[dreg:$0x1] =	wrdreg $0xFFFFFFFF  }
0xa7: {  	s28 =	simm.s32 $_size_execute0_lowered;
	s3 =	sadd.s32 s3, s5;
	[dreg:$0x0] =	wrdreg $0x0  }
0xa8: {  	s5 =	sshll.u32 s28, $0x1;
	[dreg:$0x2] =	wrdreg s3  }
0xa9: {  	[dreg:$0x3] =	wrdreg s5  }
0xaa: {  	[dreg:$0x4] =	wrdreg $0xC0  }
0xab: {  	_ =	task [dreg:s7], $0x5FFFF  }
0xac: {  	[dreg:$0x1] =	wrdreg $0xFFFFFFFF  }
0xad: {  	[dreg:$0x0] =	wrdreg $0x60  }
0xae: {  	[dreg:$0x2] =	wrdreg s24  }
0xaf: {  	[dreg:$0x3] =	wrdreg s2  }
0xb0: {  	[dreg:$0x4] =	wrdreg $0x0  }
0xb1: {  	[dreg:$0x5] =	wrdreg $0x9  }
0xb2: {  	_ =	task.clear_ibuf [dreg:s7], $0x6FFFF;
	_ =	strace $0x90000049  }
0xb3: {  	s29 =	simm.s32 $0x9;
	_ =	strace $0x8000004B  }
0xb4: {  	_ =	swait.ge [sflag:s29], $0x1  }
0xb5: {  	[sflag:s29] =	ssyncadd.s32 $0xFFFFFFFF  }
0xb6: {  	_ =	strace $0x9000004B  }
0xb7: {  	_ =	sfence  }
0xb8: {  	s30 =	sld [smem:$0x0];
	_ =	sdelay $0x2  }
0xb9: {  	s31 =	sshll.u32 s1, $0xD;
	s1 =	sshrl.u32 s1, $0x2  }
0xba: {  	s3 =	sand.u32 $0x4000, s31;
	s1 =	sadd.s32 s1, s30  }
0xbb: {  	s0 =	sor.u32 s3, s0;
	s1 =	sshll.u32 s1, $0x11  }
0xbc: {  	s0 =	sor.u32 s1, s0  }
0xbd: {  	s0 =	sadd.s32 $0x8F2B, s0  }
0xbe: {  	[sflag:s0] =	ssyncadd.remote.s32 $0x1  }
0xbf: {  	_ =	sfence.sel $0xFFFF  }
0xc0: {  	[dreg:$0x0] =	wrdreg $0xFFFFFFFF;
	(pc) =	sbr.abs _section_cstart, $3  }
0xc1: {  	[dreg:$0x1] =	wrdreg $0xFFFFFFFF  }
0xc2: {  	_ =	task.clear_ibuf [dreg:s7], $0x2FFFF;
	_ =	strace $0x9FFFFFFF  }
0xc3: {  	(tm) =	ssettm $0x7FFFFFFF  }
tec
execute0_lowered:
.L_overlay_start_1:
0x0: {  	(tag) =	ssettag $0x1  }
0x1: {  	s0 =	rddreg [dreg:$0x0]  }
0x2: {  	s11 =	rddreg [dreg:$0x1];
	s1 =	srdreg.scid  }
0x3: {  	s3 =	rddreg [dreg:$0x2];
	s10 =	stileid.u32;
	s4 =	simm.s32 $0x0  }
0x4: {  	s29 =	simm.s32 $0x16100;
	s28 =	simm.s32 $0x14200;
	s31 =	simm.s32 $0x16180  }
0x5: {  	s30 =	simm.s32 $0x14280;
	s13 =	simm.s32 $0x16280;
	s12 =	simm.s32 $0x14380  }
0x6: {  	s15 =	simm.s32 $0x16300;
	s14 =	simm.s32 $0x16380;
	s1 =	sand.u32 $0x1, s1  }
0x7: {  	s6 =	smul.u32 $0x13C00, s10;
	[smem:$0x7FF] =	sst s4;
	s5 =	sadd.s32 $0x64800, s0  }
0x8: {  	s17 =	sadd.s32 $0x8000, s0;
	s7 =	smul.u32 $0x4F000, s10;
	s18 =	sadd.s32 $0x12000, s0  }
0x9: {  	s9 =	sshll.u32 s10, $0x6;
	s20 =	sshll.u32 s10, $0xB;
	s21 =	sshll.u32 s10, $0x9  }
0xa: {  	s4 =	simm.s32 $0x14080;
	s2 =	smul.u32 $0x140000, s1;
	_ =	strace $0x8000004A  }
0xb: {  	[dreg:$0x4] =	wrdreg s18;
	s19 =	ssub.s32 $0x2, s1;
	s9 =	sor.u32 $0x1C03, s9  }
0xc: {  	p0 =	seq.s32 s1, $0x1;
	s22 =	sor.u32 $0x8000, s21;
	s24 =	sadd.s32 s17, s20  }
0xd: {  	s25 =	sadd.s32 s11, s20;
	s26 =	sor.u32 $0x400, s20;
	[dreg:$0xd] =	wrdreg s17  }
0xe: {  	s20 =	simm.s32 $0x80;
	s21 =	simm.s32 $0x17C00;
	[dreg:$0xe] =	wrdreg s22  }
0xf: {  	s18 =	simm.s32 $0x15C00;
	s8 =	sshrl.u32 s19, $0x1;
	[dreg:$0x8] =	wrdreg s24  }
0x10: {  	s7 =	sshrl.u32 s7, $0x2;
	[dreg:$0x9] =	wrdreg s25;
	s1 =	sadd.s32 s17, s26  }
0x11: {  	s17 =	simm.s32 $0x3;
	s24 =	simm.s32 $0x1;
	s2 =	sadd.s32 s6, s2  }
0x12: {  	[dreg:$0x5] =	wrdreg s9;
	s22 =	simm.s32 $0x16080;
	s2 =	sshrl.u32 s2, $0x3  }
0x13: {  	s7 =	sadd.s32 s7, s3;
	[dreg:$0xa] =	wrdreg s1;
	s0 =	sadd.s32 s2, s0  }
.Ltmp0:
0x14: {  	s2 =	ssub.s32 s19, s8;
	s8 =	sshrl.u32 s7, $0x3;
	(pc) =	sbr.rel .LBB2_1-.Ltmp0, $4  }
0x15: {  	s25 =	simm.s32 $0x14180;
	s0 =	sadd.s32 $0x8C800, s0;
	[dreg:$0xc] =	wrdreg s8  }
0x16: {  	s6 =	simm.s32 $0x0;
	s23 =	smax.u32 s2, $0x1;
	[dreg:$0x6] =	wrdreg s0  }
0x17: {  	[dreg:$0x7] =	wrdreg s23;
	s0 =	sadd.s32 s11, s26;
	s23 =	simm.s32 $0x1BC00  }
0x18: {  	s26 =	simm.s32 $0x2;
	[dreg:$0xb] =	wrdreg s0;
	s0 =	simm.s32 $0x0  }
.LBB2_6:
0x19: {  	s8 =	sadd.s32 $0x13C80, s7;
	[sflag:s17] =	ssyncadd.s32 $0xFFFFC000  }
0x1a: {  	[tilespmem:s23], [sflag:$0x2] =	stream.indirect.gather [hbm4b:s5+s20], $0x80, s8, s20, $0xb8;
	[tilespmem:$0x1FC00] =	vst v63  }
0x1b: {  	_ =	swait.ge [sflag:s24], $0x4000  }
0x1c: {  	[sflag:s24] =	ssyncset.done $0x0  }
0x1d: {  	s9 =	sadd.s32 $0x15C00, s7;
	[sflag:s24] =	ssyncadd.s32 $0xFFFFC000  }
0x1e: {  	[spmem:s3] =	stream.indirect.scatter.add.f32 [tilespmem:s21], [sflag:$0x3], $0x80, s9, s20, $0xb8;
	[tilespmem:$0x1FC00] =	vst v63  }
0x1f: {  	_ =	swait.ge [sflag:s17], $0x4000  }
0x20: {  	[sflag:s17] =	ssyncset.done $0x0  }
0x21: {  	s10 =	sadd.s32 $0x13D00, s7;
	[sflag:s17] =	ssyncadd.s32 $0xFFFFC000  }
0x22: {  	[tilespmem:s21], [sflag:$0x1] =	stream.indirect.gather [hbm4b:s5+s20], $0x80, s10, s20, $0xb8;
	[tilespmem:$0x1FC00] =	vst v63  }
0x23: {  	_ =	swait.ge [sflag:s26], $0x4000  }
0x24: {  	[sflag:s26] =	ssyncset.done $0x0  }
0x25: {  	s11 =	sadd.s32 $0x15C80, s7;
	[sflag:s26] =	ssyncadd.s32 $0xFFFFC000  }
0x26: {  	[spmem:s3] =	stream.indirect.scatter.add.f32 [tilespmem:s23], [sflag:$0x3], $0x80, s11, s20, $0xb8;
	[tilespmem:$0x1FC00] =	vst v63  }
0x27: {  	_ =	swait.ge [sflag:s17], $0x4000  }
0x28: {  	[sflag:s17] =	ssyncset.done $0x0  }
0x29: {  	s0 =	simm.s32 $0x15B80;
	[sflag:s17] =	ssyncadd.s32 $0xFFFFC000  }
0x2a: {  	[tilespmem:s23], [sflag:$0x2] =	stream.indirect.gather [hbm4b:s5+s20], $0x80, s0, s20, $0xb8;
	[tilespmem:$0x1FC00] =	vst v63  }
0x2b: {  	_ =	swait.ge [sflag:s24], $0x4000  }
0x2c: {  	[sflag:s24] =	ssyncset.done $0x0  }
0x2d: {  	s16 =	simm.s32 $0x17B00;
	[sflag:s24] =	ssyncadd.s32 $0xFFFFC000  }
0x2e: {  	[spmem:s3] =	stream.indirect.scatter.add.f32 [tilespmem:s21], [sflag:$0x3], $0x80, s16, s20, $0xb8;
	[tilespmem:$0x1FC00] =	vst v63  }
0x2f: {  	_ =	swait.ge [sflag:s17], $0x4000  }
0x30: {  	[sflag:s17] =	ssyncset.done $0x0  }
0x31: {  	[sflag:s17] =	ssyncadd.s32 $0xFFFFC000  }
0x32: {  	_ =	swait.ge [sflag:s26], $0x4000  }
0x33: {  	[sflag:s26] =	ssyncset.done $0x0  }
0x34: {  	s19 =	simm.s32 $0x17B80;
	[sflag:s26] =	ssyncadd.s32 $0xFFFFC000  }
0x35: {  	[spmem:s3] =	stream.indirect.scatter.add.f32 [tilespmem:s23], [sflag:$0x3], $0x80, s19, s20, $0xb8;
	[tilespmem:$0x1FC00] =	vst v63  }
0x36: {  	_ =	swait.ge [sflag:s17], $0x4000  }
0x37: {  	[sflag:s17] =	ssyncset.done $0x0  }
0x38: {  	[sflag:s17] =	ssyncadd.s32 $0xFFFFC000  }
0x39: {  	s11 =	rddreg [dreg:$0x1]  }
.LBB2_8:
0x3a: {  	[bflag:$0x0] =	sbarrier.arrive $0xFFFF  }
0x3b: {  	s7 =	rddreg [dreg:$0x6]  }
0x3c: {  	s8 =	rddreg [dreg:$0xc]  }
0x3d: {  	s9 =	rddreg [dreg:$0x5]  }
0x3e: {  	[hbm:s7], [sflag:s9] =	dma.local [spmem:s8], $0x2780  }
0x3f: {  	_ =	swait.ge [sflag:s17], $0x2780  }
0x40: {  	s0 =	rddreg [dreg:$0xf]  }
0x41: {  	s19 =	rddreg [dreg:$0x7];
	s0 =	sadd.s32 $0x1, s0  }
0x42: {  	p1 =	sne.s32 s0, s19  }
.Ltmp1:
0x43: {  	_ = 	snop;
	(pc) =	sbr.rel @!p1 .LBB2_9-.Ltmp1, $3  }
0x44: {  	_ =	sdelay $0x1  }
0x45: {  	[sflag:s17] =	ssyncset.done $0x0  }
0x46: {  	[sflag:s17] =	ssyncadd.s32 $0xFFFFD880  }
.LBB2_1:
0x47: {  	[dreg:$0xf] =	wrdreg s0  }
0x48: {  	s19 =	rddreg [dreg:$0x4]  }
0x49: {  	[spmem:s8], [sflag:s9] =	dma.local [hbm:s19], $0x2780  }
0x4a: {  	_ =	swait.ge [sflag:s17], $0x2780  }
.Ltmp2:
0x4b: {  	[sflag:s17] =	ssyncset.done $0x0;
	(pc) =	sbr.rel @!p0 .LBB2_2-.Ltmp2, $4  }
0x4c: {  	p1 =	por $0x1, $0x1;
	[sflag:s17] =	ssyncadd.s32 $0xFFFFD880  }
0x4d: {  	s7 =	simm.s32 $0x0;
	s16 =	simm.s32 $0x13C00;
	[bflag:$0x0] =	sbarrier.arrive $0xFFFF  }
0x4e: {  	s10 =	simm.s32 $0x16000;
	s2 =	simm.s32 $0x14100;
	s9 =	rddreg [dreg:$0xd]  }
0x4f: {  	s1 =	simm.s32 $0x16200;
	s0 =	simm.s32 $0x14300;
	s19 =	rddreg [dreg:$0xe]  }
.LBB2_7:
0x50: {  	s7 =	sor.u32 s19, s7  }
0x51: {  	s8 =	sadd.s32 s9, s7  }
0x52: {  	[tilespmem:s16], [sflag:$0x3] =	stream.linear.gather [hbm4b:s8+s6], $0x800, $0x38;
	[tilespmem:$0x1FC00] =	vst v63  }
0x53: {  	_ =	swait.ge [sflag:s17], $0x800  }
0x54: {  	[sflag:s17] =	ssyncset.done $0x0  }
0x55: {  	s7 =	sadd.s32 s11, s7;
	[sflag:s17] =	ssyncadd.s32 $0xFFFFF800  }
0x56: {  	[tilespmem:s18], [sflag:$0x3] =	stream.linear.gather [hbm4b:s7+s6], $0x800, $0x38;
	[tilespmem:$0x1FC00] =	vst v63  }
0x57: {  	_ =	swait.ge [sflag:s17], $0x800  }
0x58: {  	[sflag:s17] =	ssyncset.done $0x0  }
0x59: {  	[sflag:s17] =	ssyncadd.s32 $0xFFFFF800  }
0x5a: {  	[tilespmem:s21], [sflag:$0x1] =	stream.indirect.gather [hbm4b:s5+s20], $0x80, s16, s20, $0xb8;
	[tilespmem:$0x1FC00] =	vst v63  }
0x5b: {  	s8 =	simm.s32 $0x13C80  }
0x5c: {  	[tilespmem:s23], [sflag:$0x2] =	stream.indirect.gather [hbm4b:s5+s20], $0x80, s8, s20, $0xb8;
	[tilespmem:$0x1FC00] =	vst v63  }
0x5d: {  	_ =	swait.ge [sflag:s24], $0x4000  }
0x5e: {  	[sflag:s24] =	ssyncset.done $0x0  }
0x5f: {  	[sflag:s24] =	ssyncadd.s32 $0xFFFFC000  }
0x60: {  	[spmem:s3] =	stream.indirect.scatter.add.f32 [tilespmem:s21], [sflag:$0x3], $0x80, s18, s20, $0xb8;
	[tilespmem:$0x1FC00] =	vst v63  }
0x61: {  	_ =	swait.ge [sflag:s17], $0x4000  }
0x62: {  	[sflag:s17] =	ssyncset.done $0x0  }
0x63: {  	s8 =	simm.s32 $0x13D00;
	[sflag:s17] =	ssyncadd.s32 $0xFFFFC000  }
0x64: {  	[tilespmem:s21], [sflag:$0x1] =	stream.indirect.gather [hbm4b:s5+s20], $0x80, s8, s20, $0xb8;
	[tilespmem:$0x1FC00] =	vst v63  }
0x65: {  	_ =	swait.ge [sflag:s26], $0x4000  }
0x66: {  	[sflag:s26] =	ssyncset.done $0x0  }
0x67: {  	s8 =	simm.s32 $0x15C80;
	[sflag:s26] =	ssyncadd.s32 $0xFFFFC000  }
0x68: {  	[spmem:s3] =	stream.indirect.scatter.add.f32 [tilespmem:s23], [sflag:$0x3], $0x80, s8, s20, $0xb8;
	[tilespmem:$0x1FC00] =	vst v63  }
0x69: {  	_ =	swait.ge [sflag:s17], $0x4000  }
0x6a: {  	[sflag:s17] =	ssyncset.done $0x0  }
0x6b: {  	s8 =	simm.s32 $0x13D80;
	[sflag:s17] =	ssyncadd.s32 $0xFFFFC000  }
0x6c: {  	[tilespmem:s23], [sflag:$0x2] =	stream.indirect.gather [hbm4b:s5+s20], $0x80, s8, s20, $0xb8;
	[tilespmem:$0x1FC00] =	vst v63  }
0x6d: {  	_ =	swait.ge [sflag:s24], $0x4000  }
0x6e: {  	[sflag:s24] =	ssyncset.done $0x0  }
0x6f: {  	s8 =	simm.s32 $0x15D00;
	[sflag:s24] =	ssyncadd.s32 $0xFFFFC000  }
0x70: {  	[spmem:s3] =	stream.indirect.scatter.add.f32 [tilespmem:s21], [sflag:$0x3], $0x80, s8, s20, $0xb8;
	[tilespmem:$0x1FC00] =	vst v63  }
0x71: {  	_ =	swait.ge [sflag:s17], $0x4000  }
0x72: {  	[sflag:s17] =	ssyncset.done $0x0  }
0x73: {  	s8 =	simm.s32 $0x13E00;
	[sflag:s17] =	ssyncadd.s32 $0xFFFFC000  }
0x74: {  	[tilespmem:s21], [sflag:$0x1] =	stream.indirect.gather [hbm4b:s5+s20], $0x80, s8, s20, $0xb8;
	[tilespmem:$0x1FC00] =	vst v63  }
0x75: {  	_ =	swait.ge [sflag:s26], $0x4000  }
0x76: {  	[sflag:s26] =	ssyncset.done $0x0  }
0x77: {  	s8 =	simm.s32 $0x15D80;
	[sflag:s26] =	ssyncadd.s32 $0xFFFFC000  }
0x78: {  	[spmem:s3] =	stream.indirect.scatter.add.f32 [tilespmem:s23], [sflag:$0x3], $0x80, s8, s20, $0xb8;
	[tilespmem:$0x1FC00] =	vst v63  }
0x79: {  	_ =	swait.ge [sflag:s17], $0x4000  }
0x7a: {  	[sflag:s17] =	ssyncset.done $0x0  }
0x7b: {  	s8 =	simm.s32 $0x13E80;
	[sflag:s17] =	ssyncadd.s32 $0xFFFFC000  }
0x7c: {  	[tilespmem:s23], [sflag:$0x2] =	stream.indirect.gather [hbm4b:s5+s20], $0x80, s8, s20, $0xb8;
	[tilespmem:$0x1FC00] =	vst v63  }
0x7d: {  	_ =	swait.ge [sflag:s24], $0x4000  }
0x7e: {  	[sflag:s24] =	ssyncset.done $0x0  }
0x7f: {  	s8 =	simm.s32 $0x15E00;
	[sflag:s24] =	ssyncadd.s32 $0xFFFFC000  }
0x80: {  	[spmem:s3] =	stream.indirect.scatter.add.f32 [tilespmem:s21], [sflag:$0x3], $0x80, s8, s20, $0xb8;
	[tilespmem:$0x1FC00] =	vst v63  }
0x81: {  	_ =	swait.ge [sflag:s17], $0x4000  }
0x82: {  	[sflag:s17] =	ssyncset.done $0x0  }
0x83: {  	s8 =	simm.s32 $0x13F00;
	[sflag:s17] =	ssyncadd.s32 $0xFFFFC000  }
0x84: {  	[tilespmem:s21], [sflag:$0x1] =	stream.indirect.gather [hbm4b:s5+s20], $0x80, s8, s20, $0xb8;
	[tilespmem:$0x1FC00] =	vst v63  }
0x85: {  	_ =	swait.ge [sflag:s26], $0x4000  }
0x86: {  	[sflag:s26] =	ssyncset.done $0x0  }
0x87: {  	s8 =	simm.s32 $0x15E80;
	[sflag:s26] =	ssyncadd.s32 $0xFFFFC000  }
0x88: {  	[spmem:s3] =	stream.indirect.scatter.add.f32 [tilespmem:s23], [sflag:$0x3], $0x80, s8, s20, $0xb8;
	[tilespmem:$0x1FC00] =	vst v63  }
0x89: {  	_ =	swait.ge [sflag:s17], $0x4000  }
0x8a: {  	[sflag:s17] =	ssyncset.done $0x0  }
0x8b: {  	s8 =	simm.s32 $0x13F80;
	[sflag:s17] =	ssyncadd.s32 $0xFFFFC000  }
0x8c: {  	[tilespmem:s23], [sflag:$0x2] =	stream.indirect.gather [hbm4b:s5+s20], $0x80, s8, s20, $0xb8;
	[tilespmem:$0x1FC00] =	vst v63  }
0x8d: {  	_ =	swait.ge [sflag:s24], $0x4000  }
0x8e: {  	[sflag:s24] =	ssyncset.done $0x0  }
0x8f: {  	s8 =	simm.s32 $0x15F00;
	[sflag:s24] =	ssyncadd.s32 $0xFFFFC000  }
0x90: {  	[spmem:s3] =	stream.indirect.scatter.add.f32 [tilespmem:s21], [sflag:$0x3], $0x80, s8, s20, $0xb8;
	[tilespmem:$0x1FC00] =	vst v63  }
0x91: {  	_ =	swait.ge [sflag:s17], $0x4000  }
0x92: {  	[sflag:s17] =	ssyncset.done $0x0  }
0x93: {  	s8 =	simm.s32 $0x14000;
	[sflag:s17] =	ssyncadd.s32 $0xFFFFC000  }
0x94: {  	[tilespmem:s21], [sflag:$0x1] =	stream.indirect.gather [hbm4b:s5+s20], $0x80, s8, s20, $0xb8;
	[tilespmem:$0x1FC00] =	vst v63  }
0x95: {  	_ =	swait.ge [sflag:s26], $0x4000  }
0x96: {  	[sflag:s26] =	ssyncset.done $0x0  }
0x97: {  	s8 =	simm.s32 $0x15F80;
	[sflag:s26] =	ssyncadd.s32 $0xFFFFC000  }
0x98: {  	[spmem:s3] =	stream.indirect.scatter.add.f32 [tilespmem:s23], [sflag:$0x3], $0x80, s8, s20, $0xb8;
	[tilespmem:$0x1FC00] =	vst v63  }
0x99: {  	_ =	swait.ge [sflag:s17], $0x4000  }
0x9a: {  	[sflag:s17] =	ssyncset.done $0x0  }
0x9b: {  	[sflag:s17] =	ssyncadd.s32 $0xFFFFC000  }
0x9c: {  	[tilespmem:s23], [sflag:$0x2] =	stream.indirect.gather [hbm4b:s5+s20], $0x80, s4, s20, $0xb8;
	[tilespmem:$0x1FC00] =	vst v63  }
0x9d: {  	_ =	swait.ge [sflag:s24], $0x4000  }
0x9e: {  	[sflag:s24] =	ssyncset.done $0x0  }
0x9f: {  	[sflag:s24] =	ssyncadd.s32 $0xFFFFC000  }
0xa0: {  	[spmem:s3] =	stream.indirect.scatter.add.f32 [tilespmem:s21], [sflag:$0x3], $0x80, s10, s20, $0xb8;
	[tilespmem:$0x1FC00] =	vst v63  }
0xa1: {  	_ =	swait.ge [sflag:s17], $0x4000  }
0xa2: {  	[sflag:s17] =	ssyncset.done $0x0  }
0xa3: {  	[sflag:s17] =	ssyncadd.s32 $0xFFFFC000  }
0xa4: {  	[tilespmem:s21], [sflag:$0x1] =	stream.indirect.gather [hbm4b:s5+s20], $0x80, s2, s20, $0xb8;
	[tilespmem:$0x1FC00] =	vst v63  }
0xa5: {  	_ =	swait.ge [sflag:s26], $0x4000  }
0xa6: {  	[sflag:s26] =	ssyncset.done $0x0  }
0xa7: {  	[sflag:s26] =	ssyncadd.s32 $0xFFFFC000  }
0xa8: {  	[spmem:s3] =	stream.indirect.scatter.add.f32 [tilespmem:s23], [sflag:$0x3], $0x80, s22, s20, $0xb8;
	[tilespmem:$0x1FC00] =	vst v63  }
0xa9: {  	_ =	swait.ge [sflag:s17], $0x4000  }
0xaa: {  	[sflag:s17] =	ssyncset.done $0x0  }
0xab: {  	[sflag:s17] =	ssyncadd.s32 $0xFFFFC000  }
0xac: {  	[tilespmem:s23], [sflag:$0x2] =	stream.indirect.gather [hbm4b:s5+s20], $0x80, s25, s20, $0xb8;
	[tilespmem:$0x1FC00] =	vst v63  }
0xad: {  	_ =	swait.ge [sflag:s24], $0x4000  }
0xae: {  	[sflag:s24] =	ssyncset.done $0x0  }
0xaf: {  	[sflag:s24] =	ssyncadd.s32 $0xFFFFC000  }
0xb0: {  	[spmem:s3] =	stream.indirect.scatter.add.f32 [tilespmem:s21], [sflag:$0x3], $0x80, s29, s20, $0xb8;
	[tilespmem:$0x1FC00] =	vst v63  }
0xb1: {  	_ =	swait.ge [sflag:s17], $0x4000  }
0xb2: {  	[sflag:s17] =	ssyncset.done $0x0  }
0xb3: {  	[sflag:s17] =	ssyncadd.s32 $0xFFFFC000  }
0xb4: {  	[tilespmem:s21], [sflag:$0x1] =	stream.indirect.gather [hbm4b:s5+s20], $0x80, s28, s20, $0xb8;
	[tilespmem:$0x1FC00] =	vst v63  }
0xb5: {  	_ =	swait.ge [sflag:s26], $0x4000  }
0xb6: {  	[sflag:s26] =	ssyncset.done $0x0  }
0xb7: {  	[sflag:s26] =	ssyncadd.s32 $0xFFFFC000  }
0xb8: {  	[spmem:s3] =	stream.indirect.scatter.add.f32 [tilespmem:s23], [sflag:$0x3], $0x80, s31, s20, $0xb8;
	[tilespmem:$0x1FC00] =	vst v63  }
0xb9: {  	_ =	swait.ge [sflag:s17], $0x4000  }
0xba: {  	[sflag:s17] =	ssyncset.done $0x0  }
0xbb: {  	[sflag:s17] =	ssyncadd.s32 $0xFFFFC000  }
0xbc: {  	[tilespmem:s23], [sflag:$0x2] =	stream.indirect.gather [hbm4b:s5+s20], $0x80, s30, s20, $0xb8;
	[tilespmem:$0x1FC00] =	vst v63  }
0xbd: {  	_ =	swait.ge [sflag:s24], $0x4000  }
0xbe: {  	[sflag:s24] =	ssyncset.done $0x0  }
0xbf: {  	[sflag:s24] =	ssyncadd.s32 $0xFFFFC000  }
0xc0: {  	[spmem:s3] =	stream.indirect.scatter.add.f32 [tilespmem:s21], [sflag:$0x3], $0x80, s1, s20, $0xb8;
	[tilespmem:$0x1FC00] =	vst v63  }
0xc1: {  	_ =	swait.ge [sflag:s17], $0x4000  }
0xc2: {  	[sflag:s17] =	ssyncset.done $0x0  }
0xc3: {  	[sflag:s17] =	ssyncadd.s32 $0xFFFFC000  }
0xc4: {  	[tilespmem:s21], [sflag:$0x1] =	stream.indirect.gather [hbm4b:s5+s20], $0x80, s0, s20, $0xb8;
	[tilespmem:$0x1FC00] =	vst v63  }
0xc5: {  	_ =	swait.ge [sflag:s26], $0x4000  }
0xc6: {  	[sflag:s26] =	ssyncset.done $0x0  }
0xc7: {  	[sflag:s26] =	ssyncadd.s32 $0xFFFFC000  }
0xc8: {  	[spmem:s3] =	stream.indirect.scatter.add.f32 [tilespmem:s23], [sflag:$0x3], $0x80, s13, s20, $0xb8;
	[tilespmem:$0x1FC00] =	vst v63  }
0xc9: {  	_ =	swait.ge [sflag:s17], $0x4000  }
0xca: {  	[sflag:s17] =	ssyncset.done $0x0  }
0xcb: {  	[sflag:s17] =	ssyncadd.s32 $0xFFFFC000  }
0xcc: {  	[tilespmem:s23], [sflag:$0x2] =	stream.indirect.gather [hbm4b:s5+s20], $0x80, s12, s20, $0xb8;
	[tilespmem:$0x1FC00] =	vst v63  }
0xcd: {  	_ =	swait.ge [sflag:s24], $0x4000  }
0xce: {  	[sflag:s24] =	ssyncset.done $0x0  }
0xcf: {  	[sflag:s24] =	ssyncadd.s32 $0xFFFFC000  }
0xd0: {  	[spmem:s3] =	stream.indirect.scatter.add.f32 [tilespmem:s21], [sflag:$0x3], $0x80, s15, s20, $0xb8;
	[tilespmem:$0x1FC00] =	vst v63  }
0xd1: {  	_ =	swait.ge [sflag:s17], $0x4000  }
0xd2: {  	[sflag:s17] =	ssyncset.done $0x0  }
0xd3: {  	[sflag:s17] =	ssyncadd.s32 $0xFFFFC000  }
0xd4: {  	_ =	swait.ge [sflag:s26], $0x4000  }
0xd5: {  	p2 =	por p1, p1;
	[sflag:s26] =	ssyncset.done $0x0  }
.Ltmp3:
0xd6: {  	[sflag:s26] =	ssyncadd.s32 $0xFFFFC000;
	(pc) =	sbr.rel @p2 .LBB2_7-.Ltmp3, $4  }
0xd7: {  	[spmem:s3] =	stream.indirect.scatter.add.f32 [tilespmem:s23], [sflag:$0x3], $0x80, s14, s20, $0xb8;
	[tilespmem:$0x1FC00] =	vst v63  }
0xd8: {  	_ =	swait.ge [sflag:s17], $0x4000  }
0xd9: {  	[sflag:s17] =	ssyncset.done $0x0  }
0xda: {  	p1 =	por $0x0, $0x0;
	s7 =	simm.s32 $0x100;
	[sflag:s17] =	ssyncadd.s32 $0xFFFFC000  }
.Ltmp4:
0xdb: {  	_ = 	snop;
	(pc) =	sbr.rel .LBB2_8-.Ltmp4, $1  }
0xdc: {  	_ =	sdelay $0x3  }
.LBB2_2:
0xdd: {  	s7 =	simm.s32 $0x0;
	s8 =	rddreg [dreg:$0x8]  }
0xde: {  	[tilespmem:s16], [sflag:$0x3] =	stream.linear.gather [hbm4b:s8+s7], $0x2000, $0x38;
	[tilespmem:$0x1FC00] =	vst v63  }
0xdf: {  	_ =	swait.ge [sflag:s17], $0x2000  }
0xe0: {  	[sflag:s17] =	ssyncset.done $0x0  }
0xe1: {  	s9 =	rddreg [dreg:$0x9];
	[sflag:s17] =	ssyncadd.s32 $0xFFFFE000  }
0xe2: {  	[tilespmem:s18], [sflag:$0x3] =	stream.linear.gather [hbm4b:s9+s7], $0x2000, $0x38;
	[tilespmem:$0x1FC00] =	vst v63  }
0xe3: {  	_ =	swait.ge [sflag:s17], $0x2000  }
0xe4: {  	[sflag:s17] =	ssyncset.done $0x0  }
0xe5: {  	[sflag:s17] =	ssyncadd.s32 $0xFFFFE000  }
0xe6: {  	[tilespmem:s21], [sflag:$0x1] =	stream.indirect.gather [hbm4b:s5+s20], $0x80, s16, s20, $0xb8;
	[tilespmem:$0x1FC00] =	vst v63  }
0xe7: {  	s10 =	simm.s32 $0x13C80  }
0xe8: {  	[tilespmem:s23], [sflag:$0x2] =	stream.indirect.gather [hbm4b:s5+s20], $0x80, s10, s20, $0xb8;
	[tilespmem:$0x1FC00] =	vst v63  }
0xe9: {  	_ =	swait.ge [sflag:s24], $0x4000  }
0xea: {  	[sflag:s24] =	ssyncset.done $0x0  }
0xeb: {  	s11 =	simm.s32 $0x15C00;
	[sflag:s24] =	ssyncadd.s32 $0xFFFFC000  }
0xec: {  	[spmem:s3] =	stream.indirect.scatter.add.f32 [tilespmem:s21], [sflag:$0x3], $0x80, s11, s20, $0xb8;
	[tilespmem:$0x1FC00] =	vst v63  }
0xed: {  	_ =	swait.ge [sflag:s17], $0x4000  }
0xee: {  	[sflag:s17] =	ssyncset.done $0x0  }
0xef: {  	s16 =	simm.s32 $0x13D00;
	[sflag:s17] =	ssyncadd.s32 $0xFFFFC000  }
0xf0: {  	[tilespmem:s21], [sflag:$0x1] =	stream.indirect.gather [hbm4b:s5+s20], $0x80, s16, s20, $0xb8;
	[tilespmem:$0x1FC00] =	vst v63  }
0xf1: {  	_ =	swait.ge [sflag:s26], $0x4000  }
0xf2: {  	[sflag:s26] =	ssyncset.done $0x0  }
0xf3: {  	s19 =	simm.s32 $0x15C80;
	[sflag:s26] =	ssyncadd.s32 $0xFFFFC000  }
0xf4: {  	[spmem:s3] =	stream.indirect.scatter.add.f32 [tilespmem:s23], [sflag:$0x3], $0x80, s19, s20, $0xb8;
	[tilespmem:$0x1FC00] =	vst v63  }
0xf5: {  	s0 =	simm.s32 $0x15C00;
	s1 =	simm.s32 $0x13C00;
	_ =	swait.ge [sflag:s17], $0x4000  }
0xf6: {  	s7 =	simm.s32 $0x100;
	s10 =	simm.s32 $0x800;
	[sflag:s17] =	ssyncset.done $0x0  }
.LBB2_3:
0xf7: {  	s11 =	sadd.s32 $0x13C80, s7  }
0xf8: {  	[sflag:s17] =	ssyncadd.s32 $0xFFFFC000;
	s8 =	smov.u32 s10;
	s16 =	sadd.s32 $0x400, s10  }
0xf9: {  	[tilespmem:s23], [sflag:$0x2] =	stream.indirect.gather [hbm4b:s5+s20], $0x80, s11, s20, $0xb8;
	[tilespmem:$0x1FC00] =	vst v63  }
0xfa: {  	p1 =	sne.s32 s10, $0x7800;
	_ =	swait.ge [sflag:s24], $0x4000  }
0xfb: {  	[sflag:s24] =	ssyncset.done $0x0  }
0xfc: {  	s10 =	sadd.s32 $0x15C00, s7;
	[sflag:s24] =	ssyncadd.s32 $0xFFFFC000  }
0xfd: {  	[spmem:s3] =	stream.indirect.scatter.add.f32 [tilespmem:s21], [sflag:$0x3], $0x80, s10, s20, $0xb8;
	[tilespmem:$0x1FC00] =	vst v63  }
0xfe: {  	_ =	swait.ge [sflag:s17], $0x4000  }
0xff: {  	[sflag:s17] =	ssyncset.done $0x0  }
0x100: {  	s10 =	sadd.s32 $0x13D00, s7;
	[sflag:s17] =	ssyncadd.s32 $0xFFFFC000  }
0x101: {  	[tilespmem:s21], [sflag:$0x1] =	stream.indirect.gather [hbm4b:s5+s20], $0x80, s10, s20, $0xb8;
	[tilespmem:$0x1FC00] =	vst v63  }
0x102: {  	_ =	swait.ge [sflag:s26], $0x4000  }
.Ltmp5:
0x103: {  	[sflag:s26] =	ssyncset.done $0x0;
	(pc) =	sbr.rel @p1 .LBB2_3-.Ltmp5, $4  }
0x104: {  	s7 =	sadd.s32 $0x15C80, s7;
	[sflag:s26] =	ssyncadd.s32 $0xFFFFC000  }
0x105: {  	[spmem:s3] =	stream.indirect.scatter.add.f32 [tilespmem:s23], [sflag:$0x3], $0x80, s7, s20, $0xb8;
	[tilespmem:$0x1FC00] =	vst v63  }
0x106: {  	_ =	swait.ge [sflag:s17], $0x4000  }
0x107: {  	s10 =	smov.u32 s16;
	s7 =	sshra.s32 s8, $0x2;
	[sflag:s17] =	ssyncset.done $0x0  }
0x108: {  	s8 =	sadd.s32 $0x13C80, s7;
	[sflag:s17] =	ssyncadd.s32 $0xFFFFC000  }
0x109: {  	[tilespmem:s23], [sflag:$0x2] =	stream.indirect.gather [hbm4b:s5+s20], $0x80, s8, s20, $0xb8;
	[tilespmem:$0x1FC00] =	vst v63  }
0x10a: {  	_ =	swait.ge [sflag:s24], $0x4000  }
0x10b: {  	[sflag:s24] =	ssyncset.done $0x0  }
0x10c: {  	s2 =	sadd.s32 $0x15C00, s7;
	[sflag:s24] =	ssyncadd.s32 $0xFFFFC000  }
0x10d: {  	[spmem:s3] =	stream.indirect.scatter.add.f32 [tilespmem:s21], [sflag:$0x3], $0x80, s2, s20, $0xb8;
	[tilespmem:$0x1FC00] =	vst v63  }
0x10e: {  	_ =	swait.ge [sflag:s17], $0x4000  }
0x10f: {  	[sflag:s17] =	ssyncset.done $0x0  }
0x110: {  	s9 =	sadd.s32 $0x13D00, s7;
	[sflag:s17] =	ssyncadd.s32 $0xFFFFC000  }
0x111: {  	[tilespmem:s21], [sflag:$0x1] =	stream.indirect.gather [hbm4b:s5+s20], $0x80, s9, s20, $0xb8;
	[tilespmem:$0x1FC00] =	vst v63  }
0x112: {  	_ =	swait.ge [sflag:s26], $0x4000  }
0x113: {  	[sflag:s26] =	ssyncset.done $0x0  }
0x114: {  	s10 =	sadd.s32 $0x15C80, s7;
	[sflag:s26] =	ssyncadd.s32 $0xFFFFC000  }
0x115: {  	[spmem:s3] =	stream.indirect.scatter.add.f32 [tilespmem:s23], [sflag:$0x3], $0x80, s10, s20, $0xb8;
	[tilespmem:$0x1FC00] =	vst v63  }
0x116: {  	_ =	swait.ge [sflag:s17], $0x4000  }
0x117: {  	[sflag:s17] =	ssyncset.done $0x0  }
0x118: {  	s2 =	simm.s32 $0x15B80;
	[sflag:s17] =	ssyncadd.s32 $0xFFFFC000  }
0x119: {  	[tilespmem:s23], [sflag:$0x2] =	stream.indirect.gather [hbm4b:s5+s20], $0x80, s2, s20, $0xb8;
	[tilespmem:$0x1FC00] =	vst v63  }
0x11a: {  	_ =	swait.ge [sflag:s24], $0x4000  }
0x11b: {  	[sflag:s24] =	ssyncset.done $0x0  }
0x11c: {  	s11 =	simm.s32 $0x17B00;
	[sflag:s24] =	ssyncadd.s32 $0xFFFFC000  }
0x11d: {  	[spmem:s3] =	stream.indirect.scatter.add.f32 [tilespmem:s21], [sflag:$0x3], $0x80, s11, s20, $0xb8;
	[tilespmem:$0x1FC00] =	vst v63  }
0x11e: {  	_ =	swait.ge [sflag:s17], $0x4000  }
0x11f: {  	[sflag:s17] =	ssyncset.done $0x0  }
0x120: {  	[sflag:s17] =	ssyncadd.s32 $0xFFFFC000  }
0x121: {  	_ =	swait.ge [sflag:s26], $0x4000  }
0x122: {  	[sflag:s26] =	ssyncset.done $0x0  }
0x123: {  	s16 =	simm.s32 $0x17B80;
	[sflag:s26] =	ssyncadd.s32 $0xFFFFC000  }
0x124: {  	[spmem:s3] =	stream.indirect.scatter.add.f32 [tilespmem:s23], [sflag:$0x3], $0x80, s16, s20, $0xb8;
	[tilespmem:$0x1FC00] =	vst v63  }
0x125: {  	_ =	swait.ge [sflag:s17], $0x4000  }
0x126: {  	[sflag:s17] =	ssyncset.done $0x0  }
0x127: {  	s19 =	simm.s32 $0x0;
	s2 =	rddreg [dreg:$0xa];
	[sflag:s17] =	ssyncadd.s32 $0xFFFFC000  }
0x128: {  	[tilespmem:s1], [sflag:$0x3] =	stream.linear.gather [hbm4b:s2+s19], $0x2000, $0x38;
	[tilespmem:$0x1FC00] =	vst v63  }
0x129: {  	_ =	swait.ge [sflag:s17], $0x2000  }
0x12a: {  	[sflag:s17] =	ssyncset.done $0x0  }
0x12b: {  	s9 =	rddreg [dreg:$0xb];
	[sflag:s17] =	ssyncadd.s32 $0xFFFFE000  }
0x12c: {  	[tilespmem:s0], [sflag:$0x3] =	stream.linear.gather [hbm4b:s9+s19], $0x2000, $0x38;
	[tilespmem:$0x1FC00] =	vst v63  }
0x12d: {  	_ =	swait.ge [sflag:s17], $0x2000  }
0x12e: {  	[sflag:s17] =	ssyncset.done $0x0  }
0x12f: {  	[sflag:s17] =	ssyncadd.s32 $0xFFFFE000  }
0x130: {  	[tilespmem:s21], [sflag:$0x1] =	stream.indirect.gather [hbm4b:s5+s20], $0x80, s1, s20, $0xb8;
	[tilespmem:$0x1FC00] =	vst v63  }
0x131: {  	s10 =	simm.s32 $0x13C80  }
0x132: {  	[tilespmem:s23], [sflag:$0x2] =	stream.indirect.gather [hbm4b:s5+s20], $0x80, s10, s20, $0xb8;
	[tilespmem:$0x1FC00] =	vst v63  }
0x133: {  	_ =	swait.ge [sflag:s24], $0x4000  }
0x134: {  	[sflag:s24] =	ssyncset.done $0x0  }
0x135: {  	s11 =	simm.s32 $0x15C00;
	[sflag:s24] =	ssyncadd.s32 $0xFFFFC000  }
0x136: {  	[spmem:s3] =	stream.indirect.scatter.add.f32 [tilespmem:s21], [sflag:$0x3], $0x80, s11, s20, $0xb8;
	[tilespmem:$0x1FC00] =	vst v63  }
0x137: {  	_ =	swait.ge [sflag:s17], $0x4000  }
0x138: {  	[sflag:s17] =	ssyncset.done $0x0  }
0x139: {  	s16 =	simm.s32 $0x13D00;
	[sflag:s17] =	ssyncadd.s32 $0xFFFFC000  }
0x13a: {  	[tilespmem:s21], [sflag:$0x1] =	stream.indirect.gather [hbm4b:s5+s20], $0x80, s16, s20, $0xb8;
	[tilespmem:$0x1FC00] =	vst v63  }
0x13b: {  	_ =	swait.ge [sflag:s26], $0x4000  }
0x13c: {  	[sflag:s26] =	ssyncset.done $0x0  }
0x13d: {  	s19 =	simm.s32 $0x15C80;
	[sflag:s26] =	ssyncadd.s32 $0xFFFFC000  }
0x13e: {  	[spmem:s3] =	stream.indirect.scatter.add.f32 [tilespmem:s23], [sflag:$0x3], $0x80, s19, s20, $0xb8;
	[tilespmem:$0x1FC00] =	vst v63  }
0x13f: {  	_ =	swait.ge [sflag:s17], $0x4000  }
0x140: {  	s7 =	simm.s32 $0x100;
	s10 =	simm.s32 $0x800;
	[sflag:s17] =	ssyncset.done $0x0  }
.LBB2_5:
0x141: {  	s8 =	sadd.s32 $0x13C80, s7  }
0x142: {  	[sflag:s17] =	ssyncadd.s32 $0xFFFFC000;
	s11 =	smov.u32 s10;
	s16 =	sadd.s32 $0x400, s10  }
0x143: {  	[tilespmem:s23], [sflag:$0x2] =	stream.indirect.gather [hbm4b:s5+s20], $0x80, s8, s20, $0xb8;
	[tilespmem:$0x1FC00] =	vst v63  }
0x144: {  	p1 =	sne.s32 s10, $0x7800;
	_ =	swait.ge [sflag:s24], $0x4000  }
0x145: {  	[sflag:s24] =	ssyncset.done $0x0  }
0x146: {  	s8 =	sadd.s32 $0x15C00, s7;
	[sflag:s24] =	ssyncadd.s32 $0xFFFFC000  }
0x147: {  	[spmem:s3] =	stream.indirect.scatter.add.f32 [tilespmem:s21], [sflag:$0x3], $0x80, s8, s20, $0xb8;
	[tilespmem:$0x1FC00] =	vst v63  }
0x148: {  	_ =	swait.ge [sflag:s17], $0x4000  }
0x149: {  	[sflag:s17] =	ssyncset.done $0x0  }
0x14a: {  	s8 =	sadd.s32 $0x13D00, s7;
	[sflag:s17] =	ssyncadd.s32 $0xFFFFC000  }
0x14b: {  	[tilespmem:s21], [sflag:$0x1] =	stream.indirect.gather [hbm4b:s5+s20], $0x80, s8, s20, $0xb8;
	[tilespmem:$0x1FC00] =	vst v63  }
0x14c: {  	_ =	swait.ge [sflag:s26], $0x4000  }
.Ltmp6:
0x14d: {  	[sflag:s26] =	ssyncset.done $0x0;
	(pc) =	sbr.rel @p1 .LBB2_5-.Ltmp6, $4  }
0x14e: {  	s7 =	sadd.s32 $0x15C80, s7;
	[sflag:s26] =	ssyncadd.s32 $0xFFFFC000  }
0x14f: {  	[spmem:s3] =	stream.indirect.scatter.add.f32 [tilespmem:s23], [sflag:$0x3], $0x80, s7, s20, $0xb8;
	[tilespmem:$0x1FC00] =	vst v63  }
0x150: {  	_ =	swait.ge [sflag:s17], $0x4000  }
0x151: {  	s10 =	smov.u32 s16;
	s7 =	sshra.s32 s11, $0x2;
	[sflag:s17] =	ssyncset.done $0x0  }
.Ltmp7:
0x152: {  	_ = 	snop;
	(pc) =	sbr.rel .LBB2_6-.Ltmp7, $1  }
0x153: {  	_ =	sdelay $0x3  }
.LBB2_9:
0x154: {  	_ =	sfence.sel $0x180000  }
0x155: {  	[bflag:$0x0] =	sbarrier.arrive $0xFFFF  }
0x156: {  	_ =	strace $0x9000004A  }
0x157: {  	s0 =	stileid.u32;
	[bflag:$0x2] =	sbarrier.arrive $0xFFFF  }
0x158: {  	p0 =	sne.s32 s0, $0x0;
	s0 =	rddreg [dreg:$0x3]  }
0x159: {  	s0 =	sadd.s32 @!p0 $0x100000, s0  }
0x15a: {  	[sflag:s0] =	ssyncadd.tile.s32 @!p0 $0x1;
	_ =	shalt  }
.Lfunc_end2:
_tile_overlayer_lowered:
.L_overlay_start_2:
0x15b: {  	(tag) =	ssettag $0x2  }
0x15c: {  	s0 =	rddreg [dreg:$0x0];
	s2 =	stileid.u32  }
0x15d: {  	s1 =	rddreg [dreg:$0x1];
	p0 =	sne.s32 s2, $0x0  }
0x15e: {  	s3 =	rddreg [dreg:$0x2];
	[bflag:$0x3] =	sbarrier.arrive $0xFFFF;
	s2 =	simm.s32 @!p0 $0x1C03  }
0x15f: {  	[timem:s3], [sflag:s2] =	dma.local @!p0 [hbm:s0], s1  }
0x160: {  	s0 =	simm.s32 @!p0 $0x3  }
0x161: {  	_ =	swait.ge @!p0 [sflag:s0], s1  }
0x162: {  	s1 =	ssub.s32 @!p0 $0x0, s1;
	[sflag:s0] =	ssyncset.done @!p0 $0x0  }
0x163: {  	[sflag:s0] =	ssyncadd.s32 @!p0 s1  }
0x164: {  	[bflag:$0x3] =	sbarrier.arrive $0xFFFF  }
0x165: {  	_ =	shalt  }

// kernel: kernel.18.cloned.1.call-start
scs
__scs_entry_jumppad:
0x0: {  	(pc) =	sbr.rel $0x88, $3  }
0x1: {  	(tag) =	ssettag $0x0;
	lr =	simm.s32 $0x1  }
0x2: {  	[smem:$0x3F90] =	sst lr;
	_ =	strace $0xD0000000  }
0x3: {  	_ = 	snop  }
0x4: {  	_ = 	snop  }
0x5: {  	_ = 	snop  }
0x6: {  	_ = 	snop  }
0x7: {  	_ = 	snop  }
__scs_overlays_trampoline_lowered:
0x8: {  	[smem:$0x3F9F] =	sst s0  }
0x9: {  	[smem:$0x3FA0] =	sst s1  }
0xa: {  	[smem:$0x3FA1] =	sst s2  }
0xb: {  	[smem:$0x3FA2] =	sst s3  }
0xc: {  	[smem:$0x3FA3] =	sst s4  }
0xd: {  	[smem:$0x3FA4] =	sst s5  }
0xe: {  	[smem:$0x3FA5] =	sst s6  }
0xf: {  	[smem:$0x3FA6] =	sst s7  }
0x10: {  	[smem:$0x3FA7] =	sst s8  }
0x11: {  	[smem:$0x3FA8] =	sst s9;
	s0 =	simm.s32 @!p0 $0x0  }
0x12: {  	s1 =	sld [smem:$0x3F8E];
	s0 =	simm.s32 @p0 $0x1  }
0x13: {  	[smem:$0x3FA9] =	sst s0;
	s0 =	simm.s32 @!p1 $0x0  }
0x14: {  	s2 =	sld [smem:$0x3F8D];
	s0 =	simm.s32 @p1 $0x1  }
0x15: {  	[smem:$0x3FAA] =	sst s0;
	s0 =	simm.s32 @!p2 $0x0  }
0x16: {  	s3 =	sld [smem:$0x3FDB];
	s0 =	simm.s32 @p2 $0x1  }
0x17: {  	s4 =	simm.s32 $0x1BF5;
	[smem:$0x3FAC] =	sst s0  }
0x18: {  	s0 =	sld [smem:$0x3F8F];
	_ =	swait.ge [sflag:s4], $0x0  }
0x19: {  	s7 =	sld [smem:$0x3F90]  }
0x1a: {  	s8 =	sadd.s32 $0xFFFFE003, lr  }
0x1b: {  	s9 =	sadd.s32 $0xFFFFFEF7, lr;
	s5 =	simm.s32 $0xFFFFFFFF;
	p2 =	slt.u32 s8, $0xFFFFF086  }
0x1c: {  	p1 =	slt.u32 s9, $0xF7A;
	s5 =	simm.s32 @!p2 $0x0  }
0x1d: {  	s5 =	simm.s32 @p1 $0x1;
	p0 =	seq.s32 s7, s2  }
0x1e: {  	s7 =	smul.u32 @!p0 $0xF7A, s2;
	p2 =	seq.s32 @!p0 s5, $0x0  }
0x1f: {  	s9 =	smul.u32 $0xF7A, s1;
	s8 =	simm.s32 @!p0 $0x1BF5;
	p2 =	por !p2, p0  }
0x20: {  	[sflag:s8] =	ssyncset.s32 @!p0 $0xFFFFF086;
	s6 =	sadd.s32 @!p0 s3, s7;
	s7 =	simm.s32 @!p0 $0x108  }
0x21: {  	s3 =	sadd.s32 s3, s9;
	s6 =	sadd.s32 @!p0 $0x88, s6;
	s7 =	simm.s32 @p2 $0x1082  }
0x22: {  	[simem:s7], [sflag:s8] =	dma.local @!p0 [hbm:s6], $0xF7A  }
0x23: {  	s9 =	sor.u32 $0xD0000000, s2;
	s6 =	simm.s32 $0x108;
	_ =	swait.ge @!p0 [sflag:s8], $0x0  }
0x24: {  	s3 =	sadd.s32 $0x88, s3;
	s6 =	simm.s32 @!p1 $0x1082;
	[sflag:s4] =	ssyncset.s32 $0xFFFFF086  }
0x25: {  	[simem:s6], [sflag:s4] =	dma.local [hbm:s3], $0xF7A  }
0x26: {  	[smem:$0x3F90] =	sst s1;
	(tag) =	ssettag s2;
	_ =	strace s9  }
0x27: {  	s1 =	sld [smem:$0x3FA0]  }
0x28: {  	s2 =	sld [smem:$0x3FA1]  }
0x29: {  	s4 =	sld [smem:$0x3FA3]  }
0x2a: {  	p0 =	seq.s32 s5, $0x0;
	s5 =	sld [smem:$0x3FA4]  }
0x2b: {  	s6 =	sld [smem:$0x3FA5]  }
0x2c: {  	s7 =	sld [smem:$0x3FA6]  }
0x2d: {  	s3 =	simm.s32 $0x108;
	s8 =	sld [smem:$0x3FA7]  }
0x2e: {  	s3 =	simm.s32 @!p0 $0x1082;
	s9 =	sld [smem:$0x3FA8]  }
0x2f: {  	lr =	sadd.s32 s0, s3;
	s0 =	sld [smem:$0x3F9F]  }
0x30: {  	s3 =	sld [smem:$0x3FA2]  }
0x31: {  	[smem:$0x3FAB] =	sst s10  }
0x32: {  	s10 =	sld [smem:$0x3FA9];
	_ =	sdelay $0x3  }
0x33: {  	p0 =	seq.s32 s10, $0x1;
	s10 =	sld [smem:$0x3FAB];
	_ =	sdelay $0x3  }
0x34: {  	[smem:$0x3FAB] =	sst s10  }
0x35: {  	s10 =	sld [smem:$0x3FAA];
	_ =	sdelay $0x3  }
0x36: {  	p1 =	seq.s32 s10, $0x1;
	s10 =	sld [smem:$0x3FAB];
	_ =	sdelay $0x3  }
0x37: {  	[smem:$0x3FAB] =	sst s10  }
0x38: {  	s10 =	sld [smem:$0x3FAC]  }
0x39: {  	_ = 	snop;
	(pc) =	sbr.ind lr, $3  }
0x3a: {  	_ = 	snop  }
0x3b: {  	_ = 	snop  }
0x3c: {  	p2 =	seq.s32 s10, $0x1;
	s10 =	sld [smem:$0x3FAB]  }
0x3d: {  	_ =	shalt  }
0x3e: {  	_ =	shalt  }
0x3f: {  	_ =	shalt  }
0x40: {  	_ =	shalt  }
0x41: {  	_ =	shalt  }
0x42: {  	_ =	shalt  }
0x43: {  	_ =	shalt  }
0x44: {  	_ =	shalt  }
0x45: {  	_ =	shalt  }
0x46: {  	_ =	shalt  }
0x47: {  	_ =	shalt  }
0x48: {  	_ =	shalt  }
0x49: {  	_ =	shalt  }
0x4a: {  	_ =	shalt  }
0x4b: {  	_ =	shalt  }
0x4c: {  	_ =	shalt  }
0x4d: {  	_ =	shalt  }
0x4e: {  	_ =	shalt  }
0x4f: {  	_ =	shalt  }
0x50: {  	_ =	shalt  }
0x51: {  	_ =	shalt  }
0x52: {  	_ =	shalt  }
0x53: {  	_ =	shalt  }
0x54: {  	_ =	shalt  }
0x55: {  	_ =	shalt  }
0x56: {  	_ =	shalt  }
0x57: {  	_ =	shalt  }
0x58: {  	_ =	shalt  }
0x59: {  	_ =	shalt  }
0x5a: {  	_ =	shalt  }
0x5b: {  	_ =	shalt  }
0x5c: {  	_ =	shalt  }
0x5d: {  	_ =	shalt  }
0x5e: {  	_ =	shalt  }
0x5f: {  	_ =	shalt  }
0x60: {  	_ =	shalt  }
0x61: {  	_ =	shalt  }
0x62: {  	_ =	shalt  }
0x63: {  	_ =	shalt  }
0x64: {  	_ =	shalt  }
0x65: {  	_ =	shalt  }
0x66: {  	_ =	shalt  }
0x67: {  	_ =	shalt  }
0x68: {  	_ =	shalt  }
0x69: {  	_ =	shalt  }
0x6a: {  	_ =	shalt  }
0x6b: {  	_ =	shalt  }
0x6c: {  	_ =	shalt  }
0x6d: {  	_ =	shalt  }
0x6e: {  	_ =	shalt  }
0x6f: {  	_ =	shalt  }
0x70: {  	_ =	shalt  }
0x71: {  	_ =	shalt  }
0x72: {  	_ =	shalt  }
0x73: {  	_ =	shalt  }
0x74: {  	_ =	shalt  }
0x75: {  	_ =	shalt  }
0x76: {  	_ =	shalt  }
0x77: {  	_ =	shalt  }
0x78: {  	_ =	shalt  }
0x79: {  	_ =	shalt  }
0x7a: {  	_ =	shalt  }
0x7b: {  	_ =	shalt  }
0x7c: {  	_ =	shalt  }
0x7d: {  	_ =	shalt  }
0x7e: {  	_ =	shalt  }
0x7f: {  	_ =	shalt  }
0x80: {  	_ =	shalt  }
0x81: {  	_ =	shalt  }
0x82: {  	_ =	shalt  }
0x83: {  	_ =	shalt  }
0x84: {  	_ =	shalt  }
0x85: {  	_ =	shalt  }
0x86: {  	_ =	shalt  }
0x87: {  	_ =	shalt  }
.Lfunc_end0:
.L_simem_size_0:
called_computation.2_lowered:
.L_overlay_start_0:
0x88: {  	s2 =	sld [smem:$0x3FD9]  }
0x89: {  	s3 =	sld [smem:$0x3FFE];
	_ =	sdelay $0x1  }
0x8a: {  	s1 =	srdreg.scid  }
0x8b: {  	s0 =	sand.u32 $0x1, s1  }
0x8c: {  	s17 =	sshll.u32 s0, $0xA;
	s2 =	sadd.s32 s3, s2  }
0x8d: {  	s2 =	sadd.s32 s2, s17  }
0x8e: {  	[smem:$0x3FB7] =	sst s2  }
0x8f: {  	_ = 	snop  }
0x90: {  	s2 =	sld [smem:$0x3FD0];
	(tm) =	ssettm $0x1  }
0x91: {  	s18 =	sld [smem:$0x3FFB];
	_ =	sdelay $0x3  }
0x92: {  	_ =	strace s18  }
0x93: {  	s3 =	sld [smem:$0x3FFC];
	_ =	sdelay $0x3  }
0x94: {  	_ =	strace s3  }
0x95: {  	s3 =	sld [smem:$0x3FFD];
	_ =	sdelay $0x3  }
0x96: {  	_ =	strace s3  }
0x97: {  	_ =	strace $0x8FFFFFFF  }
0x98: {  	s19 =	sld [smem:$0x3FDB];
	_ =	sdelay $0x1  }
0x99: {  	s4 =	simm.s32 $_scs_section_size  }
0x9a: {  	s5 =	simm.s32 $_size__tile_overlayer_lowered;
	s6 =	simm.s32 $_tile_overlayer_lowered  }
0x9b: {  	s22 =	simm.s32 $0x1BFF;
	s21 =	sshll.u32 s6, $0x1;
	s3 =	sadd.s32 s4, s19  }
0x9c: {  	s7 =	simm.s32 $0x0;
	s20 =	sshll.u32 s5, $0x1;
	s5 =	sadd.s32 s21, s3  }
0x9d: {  	[timem:s7], [sflag:s22] =	dma.local [hbm:s5], s20  }
0x9e: {  	_ =	swait.ge [sflag:s22], s20  }
0x9f: {  	s4 =	ssub.s32 $0x0, s20;
	[sflag:s22] =	ssyncset.done $0x0  }
0xa0: {  	[sflag:s22] =	ssyncadd.s32 s4;
	_ =	sdelay $0x1  }
0xa1: {  	s23 =	simm.s32 $0x1B8B  }
0xa2: {  	_ =	swait.ge [sflag:s23], $0x1  }
0xa3: {  	[sflag:s23] =	ssyncset.done $0x0  }
0xa4: {  	s25 =	simm.s32 $0x1B8E;
	s24 =	sld [smem:$0x3FFE];
	[sflag:s23] =	ssyncadd.s32 $0xFFFFFFFF  }
0xa5: {  	s26 =	simm.s32 $execute0_lowered;
	[smem:$0x3FD2] =	sst s25  }
0xa6: {  	s5 =	sshll.u32 s26, $0x1;
	_ =	strace $0x8000004C;
	[dreg:$0x1] =	wrdreg $0xFFFFFFFF  }
0xa7: {  	s28 =	simm.s32 $_size_execute0_lowered;
	s3 =	sadd.s32 s3, s5;
	[dreg:$0x0] =	wrdreg $0x0  }
0xa8: {  	s5 =	sshll.u32 s28, $0x1;
	[dreg:$0x2] =	wrdreg s3  }
0xa9: {  	[dreg:$0x3] =	wrdreg s5  }
0xaa: {  	[dreg:$0x4] =	wrdreg $0xC0  }
0xab: {  	_ =	task [dreg:s7], $0x5FFFF  }
0xac: {  	[dreg:$0x1] =	wrdreg $0xFFFFFFFF  }
0xad: {  	[dreg:$0x0] =	wrdreg $0x60  }
0xae: {  	[dreg:$0x2] =	wrdreg s24  }
0xaf: {  	[dreg:$0x3] =	wrdreg s2  }
0xb0: {  	[dreg:$0x4] =	wrdreg $0x0  }
0xb1: {  	[dreg:$0x5] =	wrdreg $0x9  }
0xb2: {  	_ =	task.clear_ibuf [dreg:s7], $0x6FFFF;
	_ =	strace $0x9000004C  }
0xb3: {  	s29 =	simm.s32 $0x9;
	_ =	strace $0x8000004E  }
0xb4: {  	_ =	swait.ge [sflag:s29], $0x1  }
0xb5: {  	[sflag:s29] =	ssyncadd.s32 $0xFFFFFFFF  }
0xb6: {  	_ =	strace $0x9000004E  }
0xb7: {  	_ =	sfence  }
0xb8: {  	s30 =	sld [smem:$0x0];
	_ =	sdelay $0x2  }
0xb9: {  	s31 =	sshll.u32 s1, $0xD;
	s1 =	sshrl.u32 s1, $0x2  }
0xba: {  	s3 =	sand.u32 $0x4000, s31;
	s1 =	sadd.s32 s1, s30  }
0xbb: {  	s0 =	sor.u32 s3, s0;
	s1 =	sshll.u32 s1, $0x11  }
0xbc: {  	s0 =	sor.u32 s1, s0  }
0xbd: {  	s0 =	sadd.s32 $0x8F2B, s0  }
0xbe: {  	[sflag:s0] =	ssyncadd.remote.s32 $0x1  }
0xbf: {  	_ =	sfence.sel $0xFFFF  }
0xc0: {  	[dreg:$0x0] =	wrdreg $0xFFFFFFFF;
	(pc) =	sbr.abs _section_cstart, $3  }
0xc1: {  	[dreg:$0x1] =	wrdreg $0xFFFFFFFF  }
0xc2: {  	_ =	task.clear_ibuf [dreg:s7], $0x2FFFF;
	_ =	strace $0x9FFFFFFF  }
0xc3: {  	(tm) =	ssettm $0x7FFFFFFF  }
tec
execute0_lowered:
.L_overlay_start_1:
0x0: {  	(tag) =	ssettag $0x1  }
0x1: {  	s0 =	rddreg [dreg:$0x0]  }
0x2: {  	s11 =	rddreg [dreg:$0x1];
	s1 =	srdreg.scid  }
0x3: {  	s3 =	rddreg [dreg:$0x2];
	s10 =	stileid.u32;
	s4 =	simm.s32 $0x0  }
0x4: {  	s29 =	simm.s32 $0x16100;
	s28 =	simm.s32 $0x14200;
	s31 =	simm.s32 $0x16180  }
0x5: {  	s30 =	simm.s32 $0x14280;
	s13 =	simm.s32 $0x16280;
	s12 =	simm.s32 $0x14380  }
0x6: {  	s15 =	simm.s32 $0x16300;
	s14 =	simm.s32 $0x16380;
	s1 =	sand.u32 $0x1, s1  }
0x7: {  	s6 =	smul.u32 $0x13C00, s10;
	[smem:$0x7FF] =	sst s4;
	s5 =	sadd.s32 $0x64800, s0  }
0x8: {  	s17 =	sadd.s32 $0x8000, s0;
	s7 =	smul.u32 $0x4F000, s10;
	s18 =	sadd.s32 $0x12000, s0  }
0x9: {  	s9 =	sshll.u32 s10, $0x6;
	s20 =	sshll.u32 s10, $0xB;
	s21 =	sshll.u32 s10, $0x9  }
0xa: {  	s4 =	simm.s32 $0x14080;
	s2 =	smul.u32 $0x140000, s1;
	_ =	strace $0x8000004D  }
0xb: {  	[dreg:$0x4] =	wrdreg s18;
	s19 =	ssub.s32 $0x2, s1;
	s9 =	sor.u32 $0x1C03, s9  }
0xc: {  	p0 =	seq.s32 s1, $0x1;
	s22 =	sor.u32 $0x8000, s21;
	s24 =	sadd.s32 s17, s20  }
0xd: {  	s25 =	sadd.s32 s11, s20;
	s26 =	sor.u32 $0x400, s20;
	[dreg:$0xd] =	wrdreg s17  }
0xe: {  	s20 =	simm.s32 $0x80;
	s21 =	simm.s32 $0x17C00;
	[dreg:$0xe] =	wrdreg s22  }
0xf: {  	s18 =	simm.s32 $0x15C00;
	s8 =	sshrl.u32 s19, $0x1;
	[dreg:$0x8] =	wrdreg s24  }
0x10: {  	s7 =	sshrl.u32 s7, $0x2;
	[dreg:$0x9] =	wrdreg s25;
	s1 =	sadd.s32 s17, s26  }
0x11: {  	s17 =	simm.s32 $0x3;
	s24 =	simm.s32 $0x1;
	s2 =	sadd.s32 s6, s2  }
0x12: {  	[dreg:$0x5] =	wrdreg s9;
	s22 =	simm.s32 $0x16080;
	s2 =	sshrl.u32 s2, $0x3  }
0x13: {  	s7 =	sadd.s32 s7, s3;
	[dreg:$0xa] =	wrdreg s1;
	s0 =	sadd.s32 s2, s0  }
.Ltmp0:
0x14: {  	s2 =	ssub.s32 s19, s8;
	s8 =	sshrl.u32 s7, $0x3;
	(pc) =	sbr.rel .LBB2_1-.Ltmp0, $4  }
0x15: {  	s25 =	simm.s32 $0x14180;
	s0 =	sadd.s32 $0x8C800, s0;
	[dreg:$0xc] =	wrdreg s8  }
0x16: {  	s6 =	simm.s32 $0x0;
	s23 =	smax.u32 s2, $0x1;
	[dreg:$0x6] =	wrdreg s0  }
0x17: {  	[dreg:$0x7] =	wrdreg s23;
	s0 =	sadd.s32 s11, s26;
	s23 =	simm.s32 $0x1BC00  }
0x18: {  	s26 =	simm.s32 $0x2;
	[dreg:$0xb] =	wrdreg s0;
	s0 =	simm.s32 $0x0  }
.LBB2_6:
0x19: {  	s8 =	sadd.s32 $0x13C80, s7;
	[sflag:s17] =	ssyncadd.s32 $0xFFFFC000  }
0x1a: {  	[tilespmem:s23], [sflag:$0x2] =	stream.indirect.gather [hbm4b:s5+s20], $0x80, s8, s20, $0xb8;
	[tilespmem:$0x1FC00] =	vst v63  }
0x1b: {  	_ =	swait.ge [sflag:s24], $0x4000  }
0x1c: {  	[sflag:s24] =	ssyncset.done $0x0  }
0x1d: {  	s9 =	sadd.s32 $0x15C00, s7;
	[sflag:s24] =	ssyncadd.s32 $0xFFFFC000  }
0x1e: {  	[spmem:s3] =	stream.indirect.scatter.add.f32 [tilespmem:s21], [sflag:$0x3], $0x80, s9, s20, $0xb8;
	[tilespmem:$0x1FC00] =	vst v63  }
0x1f: {  	_ =	swait.ge [sflag:s17], $0x4000  }
0x20: {  	[sflag:s17] =	ssyncset.done $0x0  }
0x21: {  	s10 =	sadd.s32 $0x13D00, s7;
	[sflag:s17] =	ssyncadd.s32 $0xFFFFC000  }
0x22: {  	[tilespmem:s21], [sflag:$0x1] =	stream.indirect.gather [hbm4b:s5+s20], $0x80, s10, s20, $0xb8;
	[tilespmem:$0x1FC00] =	vst v63  }
0x23: {  	_ =	swait.ge [sflag:s26], $0x4000  }
0x24: {  	[sflag:s26] =	ssyncset.done $0x0  }
0x25: {  	s11 =	sadd.s32 $0x15C80, s7;
	[sflag:s26] =	ssyncadd.s32 $0xFFFFC000  }
0x26: {  	[spmem:s3] =	stream.indirect.scatter.add.f32 [tilespmem:s23], [sflag:$0x3], $0x80, s11, s20, $0xb8;
	[tilespmem:$0x1FC00] =	vst v63  }
0x27: {  	_ =	swait.ge [sflag:s17], $0x4000  }
0x28: {  	[sflag:s17] =	ssyncset.done $0x0  }
0x29: {  	s0 =	simm.s32 $0x15B80;
	[sflag:s17] =	ssyncadd.s32 $0xFFFFC000  }
0x2a: {  	[tilespmem:s23], [sflag:$0x2] =	stream.indirect.gather [hbm4b:s5+s20], $0x80, s0, s20, $0xb8;
	[tilespmem:$0x1FC00] =	vst v63  }
0x2b: {  	_ =	swait.ge [sflag:s24], $0x4000  }
0x2c: {  	[sflag:s24] =	ssyncset.done $0x0  }
0x2d: {  	s16 =	simm.s32 $0x17B00;
	[sflag:s24] =	ssyncadd.s32 $0xFFFFC000  }
0x2e: {  	[spmem:s3] =	stream.indirect.scatter.add.f32 [tilespmem:s21], [sflag:$0x3], $0x80, s16, s20, $0xb8;
	[tilespmem:$0x1FC00] =	vst v63  }
0x2f: {  	_ =	swait.ge [sflag:s17], $0x4000  }
0x30: {  	[sflag:s17] =	ssyncset.done $0x0  }
0x31: {  	[sflag:s17] =	ssyncadd.s32 $0xFFFFC000  }
0x32: {  	_ =	swait.ge [sflag:s26], $0x4000  }
0x33: {  	[sflag:s26] =	ssyncset.done $0x0  }
0x34: {  	s19 =	simm.s32 $0x17B80;
	[sflag:s26] =	ssyncadd.s32 $0xFFFFC000  }
0x35: {  	[spmem:s3] =	stream.indirect.scatter.add.f32 [tilespmem:s23], [sflag:$0x3], $0x80, s19, s20, $0xb8;
	[tilespmem:$0x1FC00] =	vst v63  }
0x36: {  	_ =	swait.ge [sflag:s17], $0x4000  }
0x37: {  	[sflag:s17] =	ssyncset.done $0x0  }
0x38: {  	[sflag:s17] =	ssyncadd.s32 $0xFFFFC000  }
0x39: {  	s11 =	rddreg [dreg:$0x1]  }
.LBB2_8:
0x3a: {  	[bflag:$0x0] =	sbarrier.arrive $0xFFFF  }
0x3b: {  	s7 =	rddreg [dreg:$0x6]  }
0x3c: {  	s8 =	rddreg [dreg:$0xc]  }
0x3d: {  	s9 =	rddreg [dreg:$0x5]  }
0x3e: {  	[hbm:s7], [sflag:s9] =	dma.local [spmem:s8], $0x2780  }
0x3f: {  	_ =	swait.ge [sflag:s17], $0x2780  }
0x40: {  	s0 =	rddreg [dreg:$0xf]  }
0x41: {  	s19 =	rddreg [dreg:$0x7];
	s0 =	sadd.s32 $0x1, s0  }
0x42: {  	p1 =	sne.s32 s0, s19  }
.Ltmp1:
0x43: {  	_ = 	snop;
	(pc) =	sbr.rel @!p1 .LBB2_9-.Ltmp1, $3  }
0x44: {  	_ =	sdelay $0x1  }
0x45: {  	[sflag:s17] =	ssyncset.done $0x0  }
0x46: {  	[sflag:s17] =	ssyncadd.s32 $0xFFFFD880  }
.LBB2_1:
0x47: {  	[dreg:$0xf] =	wrdreg s0  }
0x48: {  	s19 =	rddreg [dreg:$0x4]  }
0x49: {  	[spmem:s8], [sflag:s9] =	dma.local [hbm:s19], $0x2780  }
0x4a: {  	_ =	swait.ge [sflag:s17], $0x2780  }
.Ltmp2:
0x4b: {  	[sflag:s17] =	ssyncset.done $0x0;
	(pc) =	sbr.rel @!p0 .LBB2_2-.Ltmp2, $4  }
0x4c: {  	p1 =	por $0x1, $0x1;
	[sflag:s17] =	ssyncadd.s32 $0xFFFFD880  }
0x4d: {  	s7 =	simm.s32 $0x0;
	s16 =	simm.s32 $0x13C00;
	[bflag:$0x0] =	sbarrier.arrive $0xFFFF  }
0x4e: {  	s10 =	simm.s32 $0x16000;
	s2 =	simm.s32 $0x14100;
	s9 =	rddreg [dreg:$0xd]  }
0x4f: {  	s1 =	simm.s32 $0x16200;
	s0 =	simm.s32 $0x14300;
	s19 =	rddreg [dreg:$0xe]  }
.LBB2_7:
0x50: {  	s7 =	sor.u32 s19, s7  }
0x51: {  	s8 =	sadd.s32 s9, s7  }
0x52: {  	[tilespmem:s16], [sflag:$0x3] =	stream.linear.gather [hbm4b:s8+s6], $0x800, $0x38;
	[tilespmem:$0x1FC00] =	vst v63  }
0x53: {  	_ =	swait.ge [sflag:s17], $0x800  }
0x54: {  	[sflag:s17] =	ssyncset.done $0x0  }
0x55: {  	s7 =	sadd.s32 s11, s7;
	[sflag:s17] =	ssyncadd.s32 $0xFFFFF800  }
0x56: {  	[tilespmem:s18], [sflag:$0x3] =	stream.linear.gather [hbm4b:s7+s6], $0x800, $0x38;
	[tilespmem:$0x1FC00] =	vst v63  }
0x57: {  	_ =	swait.ge [sflag:s17], $0x800  }
0x58: {  	[sflag:s17] =	ssyncset.done $0x0  }
0x59: {  	[sflag:s17] =	ssyncadd.s32 $0xFFFFF800  }
0x5a: {  	[tilespmem:s21], [sflag:$0x1] =	stream.indirect.gather [hbm4b:s5+s20], $0x80, s16, s20, $0xb8;
	[tilespmem:$0x1FC00] =	vst v63  }
0x5b: {  	s8 =	simm.s32 $0x13C80  }
0x5c: {  	[tilespmem:s23], [sflag:$0x2] =	stream.indirect.gather [hbm4b:s5+s20], $0x80, s8, s20, $0xb8;
	[tilespmem:$0x1FC00] =	vst v63  }
0x5d: {  	_ =	swait.ge [sflag:s24], $0x4000  }
0x5e: {  	[sflag:s24] =	ssyncset.done $0x0  }
0x5f: {  	[sflag:s24] =	ssyncadd.s32 $0xFFFFC000  }
0x60: {  	[spmem:s3] =	stream.indirect.scatter.add.f32 [tilespmem:s21], [sflag:$0x3], $0x80, s18, s20, $0xb8;
	[tilespmem:$0x1FC00] =	vst v63  }
0x61: {  	_ =	swait.ge [sflag:s17], $0x4000  }
0x62: {  	[sflag:s17] =	ssyncset.done $0x0  }
0x63: {  	s8 =	simm.s32 $0x13D00;
	[sflag:s17] =	ssyncadd.s32 $0xFFFFC000  }
0x64: {  	[tilespmem:s21], [sflag:$0x1] =	stream.indirect.gather [hbm4b:s5+s20], $0x80, s8, s20, $0xb8;
	[tilespmem:$0x1FC00] =	vst v63  }
0x65: {  	_ =	swait.ge [sflag:s26], $0x4000  }
0x66: {  	[sflag:s26] =	ssyncset.done $0x0  }
0x67: {  	s8 =	simm.s32 $0x15C80;
	[sflag:s26] =	ssyncadd.s32 $0xFFFFC000  }
0x68: {  	[spmem:s3] =	stream.indirect.scatter.add.f32 [tilespmem:s23], [sflag:$0x3], $0x80, s8, s20, $0xb8;
	[tilespmem:$0x1FC00] =	vst v63  }
0x69: {  	_ =	swait.ge [sflag:s17], $0x4000  }
0x6a: {  	[sflag:s17] =	ssyncset.done $0x0  }
0x6b: {  	s8 =	simm.s32 $0x13D80;
	[sflag:s17] =	ssyncadd.s32 $0xFFFFC000  }
0x6c: {  	[tilespmem:s23], [sflag:$0x2] =	stream.indirect.gather [hbm4b:s5+s20], $0x80, s8, s20, $0xb8;
	[tilespmem:$0x1FC00] =	vst v63  }
0x6d: {  	_ =	swait.ge [sflag:s24], $0x4000  }
0x6e: {  	[sflag:s24] =	ssyncset.done $0x0  }
0x6f: {  	s8 =	simm.s32 $0x15D00;
	[sflag:s24] =	ssyncadd.s32 $0xFFFFC000  }
0x70: {  	[spmem:s3] =	stream.indirect.scatter.add.f32 [tilespmem:s21], [sflag:$0x3], $0x80, s8, s20, $0xb8;
	[tilespmem:$0x1FC00] =	vst v63  }
0x71: {  	_ =	swait.ge [sflag:s17], $0x4000  }
0x72: {  	[sflag:s17] =	ssyncset.done $0x0  }
0x73: {  	s8 =	simm.s32 $0x13E00;
	[sflag:s17] =	ssyncadd.s32 $0xFFFFC000  }
0x74: {  	[tilespmem:s21], [sflag:$0x1] =	stream.indirect.gather [hbm4b:s5+s20], $0x80, s8, s20, $0xb8;
	[tilespmem:$0x1FC00] =	vst v63  }
0x75: {  	_ =	swait.ge [sflag:s26], $0x4000  }
0x76: {  	[sflag:s26] =	ssyncset.done $0x0  }
0x77: {  	s8 =	simm.s32 $0x15D80;
	[sflag:s26] =	ssyncadd.s32 $0xFFFFC000  }
0x78: {  	[spmem:s3] =	stream.indirect.scatter.add.f32 [tilespmem:s23], [sflag:$0x3], $0x80, s8, s20, $0xb8;
	[tilespmem:$0x1FC00] =	vst v63  }
0x79: {  	_ =	swait.ge [sflag:s17], $0x4000  }
0x7a: {  	[sflag:s17] =	ssyncset.done $0x0  }
0x7b: {  	s8 =	simm.s32 $0x13E80;
	[sflag:s17] =	ssyncadd.s32 $0xFFFFC000  }
0x7c: {  	[tilespmem:s23], [sflag:$0x2] =	stream.indirect.gather [hbm4b:s5+s20], $0x80, s8, s20, $0xb8;
	[tilespmem:$0x1FC00] =	vst v63  }
0x7d: {  	_ =	swait.ge [sflag:s24], $0x4000  }
0x7e: {  	[sflag:s24] =	ssyncset.done $0x0  }
0x7f: {  	s8 =	simm.s32 $0x15E00;
	[sflag:s24] =	ssyncadd.s32 $0xFFFFC000  }
0x80: {  	[spmem:s3] =	stream.indirect.scatter.add.f32 [tilespmem:s21], [sflag:$0x3], $0x80, s8, s20, $0xb8;
	[tilespmem:$0x1FC00] =	vst v63  }
0x81: {  	_ =	swait.ge [sflag:s17], $0x4000  }
0x82: {  	[sflag:s17] =	ssyncset.done $0x0  }
0x83: {  	s8 =	simm.s32 $0x13F00;
	[sflag:s17] =	ssyncadd.s32 $0xFFFFC000  }
0x84: {  	[tilespmem:s21], [sflag:$0x1] =	stream.indirect.gather [hbm4b:s5+s20], $0x80, s8, s20, $0xb8;
	[tilespmem:$0x1FC00] =	vst v63  }
0x85: {  	_ =	swait.ge [sflag:s26], $0x4000  }
0x86: {  	[sflag:s26] =	ssyncset.done $0x0  }
0x87: {  	s8 =	simm.s32 $0x15E80;
	[sflag:s26] =	ssyncadd.s32 $0xFFFFC000  }
0x88: {  	[spmem:s3] =	stream.indirect.scatter.add.f32 [tilespmem:s23], [sflag:$0x3], $0x80, s8, s20, $0xb8;
	[tilespmem:$0x1FC00] =	vst v63  }
0x89: {  	_ =	swait.ge [sflag:s17], $0x4000  }
0x8a: {  	[sflag:s17] =	ssyncset.done $0x0  }
0x8b: {  	s8 =	simm.s32 $0x13F80;
	[sflag:s17] =	ssyncadd.s32 $0xFFFFC000  }
0x8c: {  	[tilespmem:s23], [sflag:$0x2] =	stream.indirect.gather [hbm4b:s5+s20], $0x80, s8, s20, $0xb8;
	[tilespmem:$0x1FC00] =	vst v63  }
0x8d: {  	_ =	swait.ge [sflag:s24], $0x4000  }
0x8e: {  	[sflag:s24] =	ssyncset.done $0x0  }
0x8f: {  	s8 =	simm.s32 $0x15F00;
	[sflag:s24] =	ssyncadd.s32 $0xFFFFC000  }
0x90: {  	[spmem:s3] =	stream.indirect.scatter.add.f32 [tilespmem:s21], [sflag:$0x3], $0x80, s8, s20, $0xb8;
	[tilespmem:$0x1FC00] =	vst v63  }
0x91: {  	_ =	swait.ge [sflag:s17], $0x4000  }
0x92: {  	[sflag:s17] =	ssyncset.done $0x0  }
0x93: {  	s8 =	simm.s32 $0x14000;
	[sflag:s17] =	ssyncadd.s32 $0xFFFFC000  }
0x94: {  	[tilespmem:s21], [sflag:$0x1] =	stream.indirect.gather [hbm4b:s5+s20], $0x80, s8, s20, $0xb8;
	[tilespmem:$0x1FC00] =	vst v63  }
0x95: {  	_ =	swait.ge [sflag:s26], $0x4000  }
0x96: {  	[sflag:s26] =	ssyncset.done $0x0  }
0x97: {  	s8 =	simm.s32 $0x15F80;
	[sflag:s26] =	ssyncadd.s32 $0xFFFFC000  }
0x98: {  	[spmem:s3] =	stream.indirect.scatter.add.f32 [tilespmem:s23], [sflag:$0x3], $0x80, s8, s20, $0xb8;
	[tilespmem:$0x1FC00] =	vst v63  }
0x99: {  	_ =	swait.ge [sflag:s17], $0x4000  }
0x9a: {  	[sflag:s17] =	ssyncset.done $0x0  }
0x9b: {  	[sflag:s17] =	ssyncadd.s32 $0xFFFFC000  }
0x9c: {  	[tilespmem:s23], [sflag:$0x2] =	stream.indirect.gather [hbm4b:s5+s20], $0x80, s4, s20, $0xb8;
	[tilespmem:$0x1FC00] =	vst v63  }
0x9d: {  	_ =	swait.ge [sflag:s24], $0x4000  }
0x9e: {  	[sflag:s24] =	ssyncset.done $0x0  }
0x9f: {  	[sflag:s24] =	ssyncadd.s32 $0xFFFFC000  }
0xa0: {  	[spmem:s3] =	stream.indirect.scatter.add.f32 [tilespmem:s21], [sflag:$0x3], $0x80, s10, s20, $0xb8;
	[tilespmem:$0x1FC00] =	vst v63  }
0xa1: {  	_ =	swait.ge [sflag:s17], $0x4000  }
0xa2: {  	[sflag:s17] =	ssyncset.done $0x0  }
0xa3: {  	[sflag:s17] =	ssyncadd.s32 $0xFFFFC000  }
0xa4: {  	[tilespmem:s21], [sflag:$0x1] =	stream.indirect.gather [hbm4b:s5+s20], $0x80, s2, s20, $0xb8;
	[tilespmem:$0x1FC00] =	vst v63  }
0xa5: {  	_ =	swait.ge [sflag:s26], $0x4000  }
0xa6: {  	[sflag:s26] =	ssyncset.done $0x0  }
0xa7: {  	[sflag:s26] =	ssyncadd.s32 $0xFFFFC000  }
0xa8: {  	[spmem:s3] =	stream.indirect.scatter.add.f32 [tilespmem:s23], [sflag:$0x3], $0x80, s22, s20, $0xb8;
	[tilespmem:$0x1FC00] =	vst v63  }
0xa9: {  	_ =	swait.ge [sflag:s17], $0x4000  }
0xaa: {  	[sflag:s17] =	ssyncset.done $0x0  }
0xab: {  	[sflag:s17] =	ssyncadd.s32 $0xFFFFC000  }
0xac: {  	[tilespmem:s23], [sflag:$0x2] =	stream.indirect.gather [hbm4b:s5+s20], $0x80, s25, s20, $0xb8;
	[tilespmem:$0x1FC00] =	vst v63  }
0xad: {  	_ =	swait.ge [sflag:s24], $0x4000  }
0xae: {  	[sflag:s24] =	ssyncset.done $0x0  }
0xaf: {  	[sflag:s24] =	ssyncadd.s32 $0xFFFFC000  }
0xb0: {  	[spmem:s3] =	stream.indirect.scatter.add.f32 [tilespmem:s21], [sflag:$0x3], $0x80, s29, s20, $0xb8;
	[tilespmem:$0x1FC00] =	vst v63  }
0xb1: {  	_ =	swait.ge [sflag:s17], $0x4000  }
0xb2: {  	[sflag:s17] =	ssyncset.done $0x0  }
0xb3: {  	[sflag:s17] =	ssyncadd.s32 $0xFFFFC000  }
0xb4: {  	[tilespmem:s21], [sflag:$0x1] =	stream.indirect.gather [hbm4b:s5+s20], $0x80, s28, s20, $0xb8;
	[tilespmem:$0x1FC00] =	vst v63  }
0xb5: {  	_ =	swait.ge [sflag:s26], $0x4000  }
0xb6: {  	[sflag:s26] =	ssyncset.done $0x0  }
0xb7: {  	[sflag:s26] =	ssyncadd.s32 $0xFFFFC000  }
0xb8: {  	[spmem:s3] =	stream.indirect.scatter.add.f32 [tilespmem:s23], [sflag:$0x3], $0x80, s31, s20, $0xb8;
	[tilespmem:$0x1FC00] =	vst v63  }
0xb9: {  	_ =	swait.ge [sflag:s17], $0x4000  }
0xba: {  	[sflag:s17] =	ssyncset.done $0x0  }
0xbb: {  	[sflag:s17] =	ssyncadd.s32 $0xFFFFC000  }
0xbc: {  	[tilespmem:s23], [sflag:$0x2] =	stream.indirect.gather [hbm4b:s5+s20], $0x80, s30, s20, $0xb8;
	[tilespmem:$0x1FC00] =	vst v63  }
0xbd: {  	_ =	swait.ge [sflag:s24], $0x4000  }
0xbe: {  	[sflag:s24] =	ssyncset.done $0x0  }
0xbf: {  	[sflag:s24] =	ssyncadd.s32 $0xFFFFC000  }
0xc0: {  	[spmem:s3] =	stream.indirect.scatter.add.f32 [tilespmem:s21], [sflag:$0x3], $0x80, s1, s20, $0xb8;
	[tilespmem:$0x1FC00] =	vst v63  }
0xc1: {  	_ =	swait.ge [sflag:s17], $0x4000  }
0xc2: {  	[sflag:s17] =	ssyncset.done $0x0  }
0xc3: {  	[sflag:s17] =	ssyncadd.s32 $0xFFFFC000  }
0xc4: {  	[tilespmem:s21], [sflag:$0x1] =	stream.indirect.gather [hbm4b:s5+s20], $0x80, s0, s20, $0xb8;
	[tilespmem:$0x1FC00] =	vst v63  }
0xc5: {  	_ =	swait.ge [sflag:s26], $0x4000  }
0xc6: {  	[sflag:s26] =	ssyncset.done $0x0  }
0xc7: {  	[sflag:s26] =	ssyncadd.s32 $0xFFFFC000  }
0xc8: {  	[spmem:s3] =	stream.indirect.scatter.add.f32 [tilespmem:s23], [sflag:$0x3], $0x80, s13, s20, $0xb8;
	[tilespmem:$0x1FC00] =	vst v63  }
0xc9: {  	_ =	swait.ge [sflag:s17], $0x4000  }
0xca: {  	[sflag:s17] =	ssyncset.done $0x0  }
0xcb: {  	[sflag:s17] =	ssyncadd.s32 $0xFFFFC000  }
0xcc: {  	[tilespmem:s23], [sflag:$0x2] =	stream.indirect.gather [hbm4b:s5+s20], $0x80, s12, s20, $0xb8;
	[tilespmem:$0x1FC00] =	vst v63  }
0xcd: {  	_ =	swait.ge [sflag:s24], $0x4000  }
0xce: {  	[sflag:s24] =	ssyncset.done $0x0  }
0xcf: {  	[sflag:s24] =	ssyncadd.s32 $0xFFFFC000  }
0xd0: {  	[spmem:s3] =	stream.indirect.scatter.add.f32 [tilespmem:s21], [sflag:$0x3], $0x80, s15, s20, $0xb8;
	[tilespmem:$0x1FC00] =	vst v63  }
0xd1: {  	_ =	swait.ge [sflag:s17], $0x4000  }
0xd2: {  	[sflag:s17] =	ssyncset.done $0x0  }
0xd3: {  	[sflag:s17] =	ssyncadd.s32 $0xFFFFC000  }
0xd4: {  	_ =	swait.ge [sflag:s26], $0x4000  }
0xd5: {  	p2 =	por p1, p1;
	[sflag:s26] =	ssyncset.done $0x0  }
.Ltmp3:
0xd6: {  	[sflag:s26] =	ssyncadd.s32 $0xFFFFC000;
	(pc) =	sbr.rel @p2 .LBB2_7-.Ltmp3, $4  }
0xd7: {  	[spmem:s3] =	stream.indirect.scatter.add.f32 [tilespmem:s23], [sflag:$0x3], $0x80, s14, s20, $0xb8;
	[tilespmem:$0x1FC00] =	vst v63  }
0xd8: {  	_ =	swait.ge [sflag:s17], $0x4000  }
0xd9: {  	[sflag:s17] =	ssyncset.done $0x0  }
0xda: {  	p1 =	por $0x0, $0x0;
	s7 =	simm.s32 $0x100;
	[sflag:s17] =	ssyncadd.s32 $0xFFFFC000  }
.Ltmp4:
0xdb: {  	_ = 	snop;
	(pc) =	sbr.rel .LBB2_8-.Ltmp4, $1  }
0xdc: {  	_ =	sdelay $0x3  }
.LBB2_2:
0xdd: {  	s7 =	simm.s32 $0x0;
	s8 =	rddreg [dreg:$0x8]  }
0xde: {  	[tilespmem:s16], [sflag:$0x3] =	stream.linear.gather [hbm4b:s8+s7], $0x2000, $0x38;
	[tilespmem:$0x1FC00] =	vst v63  }
0xdf: {  	_ =	swait.ge [sflag:s17], $0x2000  }
0xe0: {  	[sflag:s17] =	ssyncset.done $0x0  }
0xe1: {  	s9 =	rddreg [dreg:$0x9];
	[sflag:s17] =	ssyncadd.s32 $0xFFFFE000  }
0xe2: {  	[tilespmem:s18], [sflag:$0x3] =	stream.linear.gather [hbm4b:s9+s7], $0x2000, $0x38;
	[tilespmem:$0x1FC00] =	vst v63  }
0xe3: {  	_ =	swait.ge [sflag:s17], $0x2000  }
0xe4: {  	[sflag:s17] =	ssyncset.done $0x0  }
0xe5: {  	[sflag:s17] =	ssyncadd.s32 $0xFFFFE000  }
0xe6: {  	[tilespmem:s21], [sflag:$0x1] =	stream.indirect.gather [hbm4b:s5+s20], $0x80, s16, s20, $0xb8;
	[tilespmem:$0x1FC00] =	vst v63  }
0xe7: {  	s10 =	simm.s32 $0x13C80  }
0xe8: {  	[tilespmem:s23], [sflag:$0x2] =	stream.indirect.gather [hbm4b:s5+s20], $0x80, s10, s20, $0xb8;
	[tilespmem:$0x1FC00] =	vst v63  }
0xe9: {  	_ =	swait.ge [sflag:s24], $0x4000  }
0xea: {  	[sflag:s24] =	ssyncset.done $0x0  }
0xeb: {  	s11 =	simm.s32 $0x15C00;
	[sflag:s24] =	ssyncadd.s32 $0xFFFFC000  }
0xec: {  	[spmem:s3] =	stream.indirect.scatter.add.f32 [tilespmem:s21], [sflag:$0x3], $0x80, s11, s20, $0xb8;
	[tilespmem:$0x1FC00] =	vst v63  }
0xed: {  	_ =	swait.ge [sflag:s17], $0x4000  }
0xee: {  	[sflag:s17] =	ssyncset.done $0x0  }
0xef: {  	s16 =	simm.s32 $0x13D00;
	[sflag:s17] =	ssyncadd.s32 $0xFFFFC000  }
0xf0: {  	[tilespmem:s21], [sflag:$0x1] =	stream.indirect.gather [hbm4b:s5+s20], $0x80, s16, s20, $0xb8;
	[tilespmem:$0x1FC00] =	vst v63  }
0xf1: {  	_ =	swait.ge [sflag:s26], $0x4000  }
0xf2: {  	[sflag:s26] =	ssyncset.done $0x0  }
0xf3: {  	s19 =	simm.s32 $0x15C80;
	[sflag:s26] =	ssyncadd.s32 $0xFFFFC000  }
0xf4: {  	[spmem:s3] =	stream.indirect.scatter.add.f32 [tilespmem:s23], [sflag:$0x3], $0x80, s19, s20, $0xb8;
	[tilespmem:$0x1FC00] =	vst v63  }
0xf5: {  	s0 =	simm.s32 $0x15C00;
	s1 =	simm.s32 $0x13C00;
	_ =	swait.ge [sflag:s17], $0x4000  }
0xf6: {  	s7 =	simm.s32 $0x100;
	s10 =	simm.s32 $0x800;
	[sflag:s17] =	ssyncset.done $0x0  }
.LBB2_3:
0xf7: {  	s11 =	sadd.s32 $0x13C80, s7  }
0xf8: {  	[sflag:s17] =	ssyncadd.s32 $0xFFFFC000;
	s8 =	smov.u32 s10;
	s16 =	sadd.s32 $0x400, s10  }
0xf9: {  	[tilespmem:s23], [sflag:$0x2] =	stream.indirect.gather [hbm4b:s5+s20], $0x80, s11, s20, $0xb8;
	[tilespmem:$0x1FC00] =	vst v63  }
0xfa: {  	p1 =	sne.s32 s10, $0x7800;
	_ =	swait.ge [sflag:s24], $0x4000  }
0xfb: {  	[sflag:s24] =	ssyncset.done $0x0  }
0xfc: {  	s10 =	sadd.s32 $0x15C00, s7;
	[sflag:s24] =	ssyncadd.s32 $0xFFFFC000  }
0xfd: {  	[spmem:s3] =	stream.indirect.scatter.add.f32 [tilespmem:s21], [sflag:$0x3], $0x80, s10, s20, $0xb8;
	[tilespmem:$0x1FC00] =	vst v63  }
0xfe: {  	_ =	swait.ge [sflag:s17], $0x4000  }
0xff: {  	[sflag:s17] =	ssyncset.done $0x0  }
0x100: {  	s10 =	sadd.s32 $0x13D00, s7;
	[sflag:s17] =	ssyncadd.s32 $0xFFFFC000  }
0x101: {  	[tilespmem:s21], [sflag:$0x1] =	stream.indirect.gather [hbm4b:s5+s20], $0x80, s10, s20, $0xb8;
	[tilespmem:$0x1FC00] =	vst v63  }
0x102: {  	_ =	swait.ge [sflag:s26], $0x4000  }
.Ltmp5:
0x103: {  	[sflag:s26] =	ssyncset.done $0x0;
	(pc) =	sbr.rel @p1 .LBB2_3-.Ltmp5, $4  }
0x104: {  	s7 =	sadd.s32 $0x15C80, s7;
	[sflag:s26] =	ssyncadd.s32 $0xFFFFC000  }
0x105: {  	[spmem:s3] =	stream.indirect.scatter.add.f32 [tilespmem:s23], [sflag:$0x3], $0x80, s7, s20, $0xb8;
	[tilespmem:$0x1FC00] =	vst v63  }
0x106: {  	_ =	swait.ge [sflag:s17], $0x4000  }
0x107: {  	s10 =	smov.u32 s16;
	s7 =	sshra.s32 s8, $0x2;
	[sflag:s17] =	ssyncset.done $0x0  }
0x108: {  	s8 =	sadd.s32 $0x13C80, s7;
	[sflag:s17] =	ssyncadd.s32 $0xFFFFC000  }
0x109: {  	[tilespmem:s23], [sflag:$0x2] =	stream.indirect.gather [hbm4b:s5+s20], $0x80, s8, s20, $0xb8;
	[tilespmem:$0x1FC00] =	vst v63  }
0x10a: {  	_ =	swait.ge [sflag:s24], $0x4000  }
0x10b: {  	[sflag:s24] =	ssyncset.done $0x0  }
0x10c: {  	s2 =	sadd.s32 $0x15C00, s7;
	[sflag:s24] =	ssyncadd.s32 $0xFFFFC000  }
0x10d: {  	[spmem:s3] =	stream.indirect.scatter.add.f32 [tilespmem:s21], [sflag:$0x3], $0x80, s2, s20, $0xb8;
	[tilespmem:$0x1FC00] =	vst v63  }
0x10e: {  	_ =	swait.ge [sflag:s17], $0x4000  }
0x10f: {  	[sflag:s17] =	ssyncset.done $0x0  }
0x110: {  	s9 =	sadd.s32 $0x13D00, s7;
	[sflag:s17] =	ssyncadd.s32 $0xFFFFC000  }
0x111: {  	[tilespmem:s21], [sflag:$0x1] =	stream.indirect.gather [hbm4b:s5+s20], $0x80, s9, s20, $0xb8;
	[tilespmem:$0x1FC00] =	vst v63  }
0x112: {  	_ =	swait.ge [sflag:s26], $0x4000  }
0x113: {  	[sflag:s26] =	ssyncset.done $0x0  }
0x114: {  	s10 =	sadd.s32 $0x15C80, s7;
	[sflag:s26] =	ssyncadd.s32 $0xFFFFC000  }
0x115: {  	[spmem:s3] =	stream.indirect.scatter.add.f32 [tilespmem:s23], [sflag:$0x3], $0x80, s10, s20, $0xb8;
	[tilespmem:$0x1FC00] =	vst v63  }
0x116: {  	_ =	swait.ge [sflag:s17], $0x4000  }
0x117: {  	[sflag:s17] =	ssyncset.done $0x0  }
0x118: {  	s2 =	simm.s32 $0x15B80;
	[sflag:s17] =	ssyncadd.s32 $0xFFFFC000  }
0x119: {  	[tilespmem:s23], [sflag:$0x2] =	stream.indirect.gather [hbm4b:s5+s20], $0x80, s2, s20, $0xb8;
	[tilespmem:$0x1FC00] =	vst v63  }
0x11a: {  	_ =	swait.ge [sflag:s24], $0x4000  }
0x11b: {  	[sflag:s24] =	ssyncset.done $0x0  }
0x11c: {  	s11 =	simm.s32 $0x17B00;
	[sflag:s24] =	ssyncadd.s32 $0xFFFFC000  }
0x11d: {  	[spmem:s3] =	stream.indirect.scatter.add.f32 [tilespmem:s21], [sflag:$0x3], $0x80, s11, s20, $0xb8;
	[tilespmem:$0x1FC00] =	vst v63  }
0x11e: {  	_ =	swait.ge [sflag:s17], $0x4000  }
0x11f: {  	[sflag:s17] =	ssyncset.done $0x0  }
0x120: {  	[sflag:s17] =	ssyncadd.s32 $0xFFFFC000  }
0x121: {  	_ =	swait.ge [sflag:s26], $0x4000  }
0x122: {  	[sflag:s26] =	ssyncset.done $0x0  }
0x123: {  	s16 =	simm.s32 $0x17B80;
	[sflag:s26] =	ssyncadd.s32 $0xFFFFC000  }
0x124: {  	[spmem:s3] =	stream.indirect.scatter.add.f32 [tilespmem:s23], [sflag:$0x3], $0x80, s16, s20, $0xb8;
	[tilespmem:$0x1FC00] =	vst v63  }
0x125: {  	_ =	swait.ge [sflag:s17], $0x4000  }
0x126: {  	[sflag:s17] =	ssyncset.done $0x0  }
0x127: {  	s19 =	simm.s32 $0x0;
	s2 =	rddreg [dreg:$0xa];
	[sflag:s17] =	ssyncadd.s32 $0xFFFFC000  }
0x128: {  	[tilespmem:s1], [sflag:$0x3] =	stream.linear.gather [hbm4b:s2+s19], $0x2000, $0x38;
	[tilespmem:$0x1FC00] =	vst v63  }
0x129: {  	_ =	swait.ge [sflag:s17], $0x2000  }
0x12a: {  	[sflag:s17] =	ssyncset.done $0x0  }
0x12b: {  	s9 =	rddreg [dreg:$0xb];
	[sflag:s17] =	ssyncadd.s32 $0xFFFFE000  }
0x12c: {  	[tilespmem:s0], [sflag:$0x3] =	stream.linear.gather [hbm4b:s9+s19], $0x2000, $0x38;
	[tilespmem:$0x1FC00] =	vst v63  }
0x12d: {  	_ =	swait.ge [sflag:s17], $0x2000  }
0x12e: {  	[sflag:s17] =	ssyncset.done $0x0  }
0x12f: {  	[sflag:s17] =	ssyncadd.s32 $0xFFFFE000  }
0x130: {  	[tilespmem:s21], [sflag:$0x1] =	stream.indirect.gather [hbm4b:s5+s20], $0x80, s1, s20, $0xb8;
	[tilespmem:$0x1FC00] =	vst v63  }
0x131: {  	s10 =	simm.s32 $0x13C80  }
0x132: {  	[tilespmem:s23], [sflag:$0x2] =	stream.indirect.gather [hbm4b:s5+s20], $0x80, s10, s20, $0xb8;
	[tilespmem:$0x1FC00] =	vst v63  }
0x133: {  	_ =	swait.ge [sflag:s24], $0x4000  }
0x134: {  	[sflag:s24] =	ssyncset.done $0x0  }
0x135: {  	s11 =	simm.s32 $0x15C00;
	[sflag:s24] =	ssyncadd.s32 $0xFFFFC000  }
0x136: {  	[spmem:s3] =	stream.indirect.scatter.add.f32 [tilespmem:s21], [sflag:$0x3], $0x80, s11, s20, $0xb8;
	[tilespmem:$0x1FC00] =	vst v63  }
0x137: {  	_ =	swait.ge [sflag:s17], $0x4000  }
0x138: {  	[sflag:s17] =	ssyncset.done $0x0  }
0x139: {  	s16 =	simm.s32 $0x13D00;
	[sflag:s17] =	ssyncadd.s32 $0xFFFFC000  }
0x13a: {  	[tilespmem:s21], [sflag:$0x1] =	stream.indirect.gather [hbm4b:s5+s20], $0x80, s16, s20, $0xb8;
	[tilespmem:$0x1FC00] =	vst v63  }
0x13b: {  	_ =	swait.ge [sflag:s26], $0x4000  }
0x13c: {  	[sflag:s26] =	ssyncset.done $0x0  }
0x13d: {  	s19 =	simm.s32 $0x15C80;
	[sflag:s26] =	ssyncadd.s32 $0xFFFFC000  }
0x13e: {  	[spmem:s3] =	stream.indirect.scatter.add.f32 [tilespmem:s23], [sflag:$0x3], $0x80, s19, s20, $0xb8;
	[tilespmem:$0x1FC00] =	vst v63  }
0x13f: {  	_ =	swait.ge [sflag:s17], $0x4000  }
0x140: {  	s7 =	simm.s32 $0x100;
	s10 =	simm.s32 $0x800;
	[sflag:s17] =	ssyncset.done $0x0  }
.LBB2_5:
0x141: {  	s8 =	sadd.s32 $0x13C80, s7  }
0x142: {  	[sflag:s17] =	ssyncadd.s32 $0xFFFFC000;
	s11 =	smov.u32 s10;
	s16 =	sadd.s32 $0x400, s10  }
0x143: {  	[tilespmem:s23], [sflag:$0x2] =	stream.indirect.gather [hbm4b:s5+s20], $0x80, s8, s20, $0xb8;
	[tilespmem:$0x1FC00] =	vst v63  }
0x144: {  	p1 =	sne.s32 s10, $0x7800;
	_ =	swait.ge [sflag:s24], $0x4000  }
0x145: {  	[sflag:s24] =	ssyncset.done $0x0  }
0x146: {  	s8 =	sadd.s32 $0x15C00, s7;
	[sflag:s24] =	ssyncadd.s32 $0xFFFFC000  }
0x147: {  	[spmem:s3] =	stream.indirect.scatter.add.f32 [tilespmem:s21], [sflag:$0x3], $0x80, s8, s20, $0xb8;
	[tilespmem:$0x1FC00] =	vst v63  }
0x148: {  	_ =	swait.ge [sflag:s17], $0x4000  }
0x149: {  	[sflag:s17] =	ssyncset.done $0x0  }
0x14a: {  	s8 =	sadd.s32 $0x13D00, s7;
	[sflag:s17] =	ssyncadd.s32 $0xFFFFC000  }
0x14b: {  	[tilespmem:s21], [sflag:$0x1] =	stream.indirect.gather [hbm4b:s5+s20], $0x80, s8, s20, $0xb8;
	[tilespmem:$0x1FC00] =	vst v63  }
0x14c: {  	_ =	swait.ge [sflag:s26], $0x4000  }
.Ltmp6:
0x14d: {  	[sflag:s26] =	ssyncset.done $0x0;
	(pc) =	sbr.rel @p1 .LBB2_5-.Ltmp6, $4  }
0x14e: {  	s7 =	sadd.s32 $0x15C80, s7;
	[sflag:s26] =	ssyncadd.s32 $0xFFFFC000  }
0x14f: {  	[spmem:s3] =	stream.indirect.scatter.add.f32 [tilespmem:s23], [sflag:$0x3], $0x80, s7, s20, $0xb8;
	[tilespmem:$0x1FC00] =	vst v63  }
0x150: {  	_ =	swait.ge [sflag:s17], $0x4000  }
0x151: {  	s10 =	smov.u32 s16;
	s7 =	sshra.s32 s11, $0x2;
	[sflag:s17] =	ssyncset.done $0x0  }
.Ltmp7:
0x152: {  	_ = 	snop;
	(pc) =	sbr.rel .LBB2_6-.Ltmp7, $1  }
0x153: {  	_ =	sdelay $0x3  }
.LBB2_9:
0x154: {  	_ =	sfence.sel $0x180000  }
0x155: {  	[bflag:$0x0] =	sbarrier.arrive $0xFFFF  }
0x156: {  	_ =	strace $0x9000004D  }
0x157: {  	s0 =	stileid.u32;
	[bflag:$0x2] =	sbarrier.arrive $0xFFFF  }
0x158: {  	p0 =	sne.s32 s0, $0x0;
	s0 =	rddreg [dreg:$0x3]  }
0x159: {  	s0 =	sadd.s32 @!p0 $0x100000, s0  }
0x15a: {  	[sflag:s0] =	ssyncadd.tile.s32 @!p0 $0x1;
	_ =	shalt  }
.Lfunc_end2:
_tile_overlayer_lowered:
.L_overlay_start_2:
0x15b: {  	(tag) =	ssettag $0x2  }
0x15c: {  	s0 =	rddreg [dreg:$0x0];
	s2 =	stileid.u32  }
0x15d: {  	s1 =	rddreg [dreg:$0x1];
	p0 =	sne.s32 s2, $0x0  }
0x15e: {  	s3 =	rddreg [dreg:$0x2];
	[bflag:$0x3] =	sbarrier.arrive $0xFFFF;
	s2 =	simm.s32 @!p0 $0x1C03  }
0x15f: {  	[timem:s3], [sflag:s2] =	dma.local @!p0 [hbm:s0], s1  }
0x160: {  	s0 =	simm.s32 @!p0 $0x3  }
0x161: {  	_ =	swait.ge @!p0 [sflag:s0], s1  }
0x162: {  	s1 =	ssub.s32 @!p0 $0x0, s1;
	[sflag:s0] =	ssyncset.done @!p0 $0x0  }
0x163: {  	[sflag:s0] =	ssyncadd.s32 @!p0 s1  }
0x164: {  	[bflag:$0x3] =	sbarrier.arrive $0xFFFF  }
0x165: {  	_ =	shalt  }

// kernel: kernel.21.cloned.1.call-start
scs
__scs_entry_jumppad:
0x0: {  	(pc) =	sbr.rel $0x88, $3  }
0x1: {  	(tag) =	ssettag $0x0;
	lr =	simm.s32 $0x1  }
0x2: {  	[smem:$0x3F90] =	sst lr;
	_ =	strace $0xD0000000  }
0x3: {  	_ = 	snop  }
0x4: {  	_ = 	snop  }
0x5: {  	_ = 	snop  }
0x6: {  	_ = 	snop  }
0x7: {  	_ = 	snop  }
__scs_overlays_trampoline_lowered:
0x8: {  	[smem:$0x3F9F] =	sst s0  }
0x9: {  	[smem:$0x3FA0] =	sst s1  }
0xa: {  	[smem:$0x3FA1] =	sst s2  }
0xb: {  	[smem:$0x3FA2] =	sst s3  }
0xc: {  	[smem:$0x3FA3] =	sst s4  }
0xd: {  	[smem:$0x3FA4] =	sst s5  }
0xe: {  	[smem:$0x3FA5] =	sst s6  }
0xf: {  	[smem:$0x3FA6] =	sst s7  }
0x10: {  	[smem:$0x3FA7] =	sst s8  }
0x11: {  	[smem:$0x3FA8] =	sst s9;
	s0 =	simm.s32 @!p0 $0x0  }
0x12: {  	s1 =	sld [smem:$0x3F8E];
	s0 =	simm.s32 @p0 $0x1  }
0x13: {  	[smem:$0x3FA9] =	sst s0;
	s0 =	simm.s32 @!p1 $0x0  }
0x14: {  	s2 =	sld [smem:$0x3F8D];
	s0 =	simm.s32 @p1 $0x1  }
0x15: {  	[smem:$0x3FAA] =	sst s0;
	s0 =	simm.s32 @!p2 $0x0  }
0x16: {  	s3 =	sld [smem:$0x3FDB];
	s0 =	simm.s32 @p2 $0x1  }
0x17: {  	s4 =	simm.s32 $0x1BF5;
	[smem:$0x3FAC] =	sst s0  }
0x18: {  	s0 =	sld [smem:$0x3F8F];
	_ =	swait.ge [sflag:s4], $0x0  }
0x19: {  	s7 =	sld [smem:$0x3F90]  }
0x1a: {  	s8 =	sadd.s32 $0xFFFFE003, lr  }
0x1b: {  	s9 =	sadd.s32 $0xFFFFFEF7, lr;
	s5 =	simm.s32 $0xFFFFFFFF;
	p2 =	slt.u32 s8, $0xFFFFF086  }
0x1c: {  	p1 =	slt.u32 s9, $0xF7A;
	s5 =	simm.s32 @!p2 $0x0  }
0x1d: {  	s5 =	simm.s32 @p1 $0x1;
	p0 =	seq.s32 s7, s2  }
0x1e: {  	s7 =	smul.u32 @!p0 $0xF7A, s2;
	p2 =	seq.s32 @!p0 s5, $0x0  }
0x1f: {  	s9 =	smul.u32 $0xF7A, s1;
	s8 =	simm.s32 @!p0 $0x1BF5;
	p2 =	por !p2, p0  }
0x20: {  	[sflag:s8] =	ssyncset.s32 @!p0 $0xFFFFF086;
	s6 =	sadd.s32 @!p0 s3, s7;
	s7 =	simm.s32 @!p0 $0x108  }
0x21: {  	s3 =	sadd.s32 s3, s9;
	s6 =	sadd.s32 @!p0 $0x88, s6;
	s7 =	simm.s32 @p2 $0x1082  }
0x22: {  	[simem:s7], [sflag:s8] =	dma.local @!p0 [hbm:s6], $0xF7A  }
0x23: {  	s9 =	sor.u32 $0xD0000000, s2;
	s6 =	simm.s32 $0x108;
	_ =	swait.ge @!p0 [sflag:s8], $0x0  }
0x24: {  	s3 =	sadd.s32 $0x88, s3;
	s6 =	simm.s32 @!p1 $0x1082;
	[sflag:s4] =	ssyncset.s32 $0xFFFFF086  }
0x25: {  	[simem:s6], [sflag:s4] =	dma.local [hbm:s3], $0xF7A  }
0x26: {  	[smem:$0x3F90] =	sst s1;
	(tag) =	ssettag s2;
	_ =	strace s9  }
0x27: {  	s1 =	sld [smem:$0x3FA0]  }
0x28: {  	s2 =	sld [smem:$0x3FA1]  }
0x29: {  	s4 =	sld [smem:$0x3FA3]  }
0x2a: {  	p0 =	seq.s32 s5, $0x0;
	s5 =	sld [smem:$0x3FA4]  }
0x2b: {  	s6 =	sld [smem:$0x3FA5]  }
0x2c: {  	s7 =	sld [smem:$0x3FA6]  }
0x2d: {  	s3 =	simm.s32 $0x108;
	s8 =	sld [smem:$0x3FA7]  }
0x2e: {  	s3 =	simm.s32 @!p0 $0x1082;
	s9 =	sld [smem:$0x3FA8]  }
0x2f: {  	lr =	sadd.s32 s0, s3;
	s0 =	sld [smem:$0x3F9F]  }
0x30: {  	s3 =	sld [smem:$0x3FA2]  }
0x31: {  	[smem:$0x3FAB] =	sst s10  }
0x32: {  	s10 =	sld [smem:$0x3FA9];
	_ =	sdelay $0x3  }
0x33: {  	p0 =	seq.s32 s10, $0x1;
	s10 =	sld [smem:$0x3FAB];
	_ =	sdelay $0x3  }
0x34: {  	[smem:$0x3FAB] =	sst s10  }
0x35: {  	s10 =	sld [smem:$0x3FAA];
	_ =	sdelay $0x3  }
0x36: {  	p1 =	seq.s32 s10, $0x1;
	s10 =	sld [smem:$0x3FAB];
	_ =	sdelay $0x3  }
0x37: {  	[smem:$0x3FAB] =	sst s10  }
0x38: {  	s10 =	sld [smem:$0x3FAC]  }
0x39: {  	_ = 	snop;
	(pc) =	sbr.ind lr, $3  }
0x3a: {  	_ = 	snop  }
0x3b: {  	_ = 	snop  }
0x3c: {  	p2 =	seq.s32 s10, $0x1;
	s10 =	sld [smem:$0x3FAB]  }
0x3d: {  	_ =	shalt  }
0x3e: {  	_ =	shalt  }
0x3f: {  	_ =	shalt  }
0x40: {  	_ =	shalt  }
0x41: {  	_ =	shalt  }
0x42: {  	_ =	shalt  }
0x43: {  	_ =	shalt  }
0x44: {  	_ =	shalt  }
0x45: {  	_ =	shalt  }
0x46: {  	_ =	shalt  }
0x47: {  	_ =	shalt  }
0x48: {  	_ =	shalt  }
0x49: {  	_ =	shalt  }
0x4a: {  	_ =	shalt  }
0x4b: {  	_ =	shalt  }
0x4c: {  	_ =	shalt  }
0x4d: {  	_ =	shalt  }
0x4e: {  	_ =	shalt  }
0x4f: {  	_ =	shalt  }
0x50: {  	_ =	shalt  }
0x51: {  	_ =	shalt  }
0x52: {  	_ =	shalt  }
0x53: {  	_ =	shalt  }
0x54: {  	_ =	shalt  }
0x55: {  	_ =	shalt  }
0x56: {  	_ =	shalt  }
0x57: {  	_ =	shalt  }
0x58: {  	_ =	shalt  }
0x59: {  	_ =	shalt  }
0x5a: {  	_ =	shalt  }
0x5b: {  	_ =	shalt  }
0x5c: {  	_ =	shalt  }
0x5d: {  	_ =	shalt  }
0x5e: {  	_ =	shalt  }
0x5f: {  	_ =	shalt  }
0x60: {  	_ =	shalt  }
0x61: {  	_ =	shalt  }
0x62: {  	_ =	shalt  }
0x63: {  	_ =	shalt  }
0x64: {  	_ =	shalt  }
0x65: {  	_ =	shalt  }
0x66: {  	_ =	shalt  }
0x67: {  	_ =	shalt  }
0x68: {  	_ =	shalt  }
0x69: {  	_ =	shalt  }
0x6a: {  	_ =	shalt  }
0x6b: {  	_ =	shalt  }
0x6c: {  	_ =	shalt  }
0x6d: {  	_ =	shalt  }
0x6e: {  	_ =	shalt  }
0x6f: {  	_ =	shalt  }
0x70: {  	_ =	shalt  }
0x71: {  	_ =	shalt  }
0x72: {  	_ =	shalt  }
0x73: {  	_ =	shalt  }
0x74: {  	_ =	shalt  }
0x75: {  	_ =	shalt  }
0x76: {  	_ =	shalt  }
0x77: {  	_ =	shalt  }
0x78: {  	_ =	shalt  }
0x79: {  	_ =	shalt  }
0x7a: {  	_ =	shalt  }
0x7b: {  	_ =	shalt  }
0x7c: {  	_ =	shalt  }
0x7d: {  	_ =	shalt  }
0x7e: {  	_ =	shalt  }
0x7f: {  	_ =	shalt  }
0x80: {  	_ =	shalt  }
0x81: {  	_ =	shalt  }
0x82: {  	_ =	shalt  }
0x83: {  	_ =	shalt  }
0x84: {  	_ =	shalt  }
0x85: {  	_ =	shalt  }
0x86: {  	_ =	shalt  }
0x87: {  	_ =	shalt  }
.Lfunc_end0:
.L_simem_size_0:
called_computation.3_lowered:
.L_overlay_start_0:
0x88: {  	s2 =	sld [smem:$0x3FD9]  }
0x89: {  	s3 =	sld [smem:$0x3FFE];
	_ =	sdelay $0x1  }
0x8a: {  	s1 =	srdreg.scid  }
0x8b: {  	s0 =	sand.u32 $0x1, s1  }
0x8c: {  	s17 =	sshll.u32 s0, $0xA;
	s2 =	sadd.s32 s3, s2  }
0x8d: {  	s2 =	sadd.s32 s2, s17  }
0x8e: {  	[smem:$0x3FB7] =	sst s2  }
0x8f: {  	_ = 	snop  }
0x90: {  	s2 =	sld [smem:$0x3FD0];
	(tm) =	ssettm $0x1  }
0x91: {  	s18 =	sld [smem:$0x3FFB];
	_ =	sdelay $0x3  }
0x92: {  	_ =	strace s18  }
0x93: {  	s3 =	sld [smem:$0x3FFC];
	_ =	sdelay $0x3  }
0x94: {  	_ =	strace s3  }
0x95: {  	s3 =	sld [smem:$0x3FFD];
	_ =	sdelay $0x3  }
0x96: {  	_ =	strace s3  }
0x97: {  	_ =	strace $0x8FFFFFFF  }
0x98: {  	s19 =	sld [smem:$0x3FDB];
	_ =	sdelay $0x1  }
0x99: {  	s4 =	simm.s32 $_scs_section_size  }
0x9a: {  	s5 =	simm.s32 $_size__tile_overlayer_lowered;
	s6 =	simm.s32 $_tile_overlayer_lowered  }
0x9b: {  	s22 =	simm.s32 $0x1BFF;
	s21 =	sshll.u32 s6, $0x1;
	s3 =	sadd.s32 s4, s19  }
0x9c: {  	s7 =	simm.s32 $0x0;
	s20 =	sshll.u32 s5, $0x1;
	s5 =	sadd.s32 s21, s3  }
0x9d: {  	[timem:s7], [sflag:s22] =	dma.local [hbm:s5], s20  }
0x9e: {  	_ =	swait.ge [sflag:s22], s20  }
0x9f: {  	s4 =	ssub.s32 $0x0, s20;
	[sflag:s22] =	ssyncset.done $0x0  }
0xa0: {  	[sflag:s22] =	ssyncadd.s32 s4;
	_ =	sdelay $0x1  }
0xa1: {  	s23 =	simm.s32 $0x1B8B  }
0xa2: {  	_ =	swait.ge [sflag:s23], $0x1  }
0xa3: {  	[sflag:s23] =	ssyncset.done $0x0  }
0xa4: {  	s25 =	simm.s32 $0x1B8E;
	s24 =	sld [smem:$0x3FFE];
	[sflag:s23] =	ssyncadd.s32 $0xFFFFFFFF  }
0xa5: {  	s26 =	simm.s32 $execute0_lowered;
	[smem:$0x3FD2] =	sst s25  }
0xa6: {  	s5 =	sshll.u32 s26, $0x1;
	_ =	strace $0x8000004F;
	[dreg:$0x1] =	wrdreg $0xFFFFFFFF  }
0xa7: {  	s28 =	simm.s32 $_size_execute0_lowered;
	s3 =	sadd.s32 s3, s5;
	[dreg:$0x0] =	wrdreg $0x0  }
0xa8: {  	s5 =	sshll.u32 s28, $0x1;
	[dreg:$0x2] =	wrdreg s3  }
0xa9: {  	[dreg:$0x3] =	wrdreg s5  }
0xaa: {  	[dreg:$0x4] =	wrdreg $0xC0  }
0xab: {  	_ =	task [dreg:s7], $0x5FFFF  }
0xac: {  	[dreg:$0x1] =	wrdreg $0xFFFFFFFF  }
0xad: {  	[dreg:$0x0] =	wrdreg $0x60  }
0xae: {  	[dreg:$0x2] =	wrdreg s24  }
0xaf: {  	[dreg:$0x3] =	wrdreg s2  }
0xb0: {  	[dreg:$0x4] =	wrdreg $0x0  }
0xb1: {  	[dreg:$0x5] =	wrdreg $0x9  }
0xb2: {  	_ =	task.clear_ibuf [dreg:s7], $0x6FFFF;
	_ =	strace $0x9000004F  }
0xb3: {  	s29 =	simm.s32 $0x9;
	_ =	strace $0x80000051  }
0xb4: {  	_ =	swait.ge [sflag:s29], $0x1  }
0xb5: {  	[sflag:s29] =	ssyncadd.s32 $0xFFFFFFFF  }
0xb6: {  	_ =	strace $0x90000051  }
0xb7: {  	_ =	sfence  }
0xb8: {  	s30 =	sld [smem:$0x0];
	_ =	sdelay $0x2  }
0xb9: {  	s31 =	sshll.u32 s1, $0xD;
	s1 =	sshrl.u32 s1, $0x2  }
0xba: {  	s3 =	sand.u32 $0x4000, s31;
	s1 =	sadd.s32 s1, s30  }
0xbb: {  	s0 =	sor.u32 s3, s0;
	s1 =	sshll.u32 s1, $0x11  }
0xbc: {  	s0 =	sor.u32 s1, s0  }
0xbd: {  	s0 =	sadd.s32 $0x8F2B, s0  }
0xbe: {  	[sflag:s0] =	ssyncadd.remote.s32 $0x1  }
0xbf: {  	_ =	sfence.sel $0xFFFF  }
0xc0: {  	[dreg:$0x0] =	wrdreg $0xFFFFFFFF;
	(pc) =	sbr.abs _section_cstart, $3  }
0xc1: {  	[dreg:$0x1] =	wrdreg $0xFFFFFFFF  }
0xc2: {  	_ =	task.clear_ibuf [dreg:s7], $0x2FFFF;
	_ =	strace $0x9FFFFFFF  }
0xc3: {  	(tm) =	ssettm $0x7FFFFFFF  }
tec
execute0_lowered:
.L_overlay_start_1:
0x0: {  	(tag) =	ssettag $0x1  }
0x1: {  	s0 =	rddreg [dreg:$0x0]  }
0x2: {  	s11 =	rddreg [dreg:$0x1];
	s1 =	srdreg.scid  }
0x3: {  	s3 =	rddreg [dreg:$0x2];
	s10 =	stileid.u32;
	s4 =	simm.s32 $0x0  }
0x4: {  	s29 =	simm.s32 $0x16100;
	s28 =	simm.s32 $0x14200;
	s31 =	simm.s32 $0x16180  }
0x5: {  	s30 =	simm.s32 $0x14280;
	s13 =	simm.s32 $0x16280;
	s12 =	simm.s32 $0x14380  }
0x6: {  	s15 =	simm.s32 $0x16300;
	s14 =	simm.s32 $0x16380;
	s1 =	sand.u32 $0x1, s1  }
0x7: {  	s6 =	smul.u32 $0x13C00, s10;
	[smem:$0x7FF] =	sst s4;
	s5 =	sadd.s32 $0x64800, s0  }
0x8: {  	s17 =	sadd.s32 $0x8000, s0;
	s7 =	smul.u32 $0x4F000, s10;
	s18 =	sadd.s32 $0x12000, s0  }
0x9: {  	s9 =	sshll.u32 s10, $0x6;
	s20 =	sshll.u32 s10, $0xB;
	s21 =	sshll.u32 s10, $0x9  }
0xa: {  	s4 =	simm.s32 $0x14080;
	s2 =	smul.u32 $0x140000, s1;
	_ =	strace $0x80000050  }
0xb: {  	[dreg:$0x4] =	wrdreg s18;
	s19 =	ssub.s32 $0x2, s1;
	s9 =	sor.u32 $0x1C03, s9  }
0xc: {  	p0 =	seq.s32 s1, $0x1;
	s22 =	sor.u32 $0x8000, s21;
	s24 =	sadd.s32 s17, s20  }
0xd: {  	s25 =	sadd.s32 s11, s20;
	s26 =	sor.u32 $0x400, s20;
	[dreg:$0xd] =	wrdreg s17  }
0xe: {  	s20 =	simm.s32 $0x80;
	s21 =	simm.s32 $0x17C00;
	[dreg:$0xe] =	wrdreg s22  }
0xf: {  	s18 =	simm.s32 $0x15C00;
	s8 =	sshrl.u32 s19, $0x1;
	[dreg:$0x8] =	wrdreg s24  }
0x10: {  	s7 =	sshrl.u32 s7, $0x2;
	[dreg:$0x9] =	wrdreg s25;
	s1 =	sadd.s32 s17, s26  }
0x11: {  	s17 =	simm.s32 $0x3;
	s24 =	simm.s32 $0x1;
	s2 =	sadd.s32 s6, s2  }
0x12: {  	[dreg:$0x5] =	wrdreg s9;
	s22 =	simm.s32 $0x16080;
	s2 =	sshrl.u32 s2, $0x3  }
0x13: {  	s7 =	sadd.s32 s7, s3;
	[dreg:$0xa] =	wrdreg s1;
	s0 =	sadd.s32 s2, s0  }
.Ltmp0:
0x14: {  	s2 =	ssub.s32 s19, s8;
	s8 =	sshrl.u32 s7, $0x3;
	(pc) =	sbr.rel .LBB2_1-.Ltmp0, $4  }
0x15: {  	s25 =	simm.s32 $0x14180;
	s0 =	sadd.s32 $0x8C800, s0;
	[dreg:$0xc] =	wrdreg s8  }
0x16: {  	s6 =	simm.s32 $0x0;
	s23 =	smax.u32 s2, $0x1;
	[dreg:$0x6] =	wrdreg s0  }
0x17: {  	[dreg:$0x7] =	wrdreg s23;
	s0 =	sadd.s32 s11, s26;
	s23 =	simm.s32 $0x1BC00  }
0x18: {  	s26 =	simm.s32 $0x2;
	[dreg:$0xb] =	wrdreg s0;
	s0 =	simm.s32 $0x0  }
.LBB2_6:
0x19: {  	s8 =	sadd.s32 $0x13C80, s7;
	[sflag:s17] =	ssyncadd.s32 $0xFFFFC000  }
0x1a: {  	[tilespmem:s23], [sflag:$0x2] =	stream.indirect.gather [hbm4b:s5+s20], $0x80, s8, s20, $0xb8;
	[tilespmem:$0x1FC00] =	vst v63  }
0x1b: {  	_ =	swait.ge [sflag:s24], $0x4000  }
0x1c: {  	[sflag:s24] =	ssyncset.done $0x0  }
0x1d: {  	s9 =	sadd.s32 $0x15C00, s7;
	[sflag:s24] =	ssyncadd.s32 $0xFFFFC000  }
0x1e: {  	[spmem:s3] =	stream.indirect.scatter.add.f32 [tilespmem:s21], [sflag:$0x3], $0x80, s9, s20, $0xb8;
	[tilespmem:$0x1FC00] =	vst v63  }
0x1f: {  	_ =	swait.ge [sflag:s17], $0x4000  }
0x20: {  	[sflag:s17] =	ssyncset.done $0x0  }
0x21: {  	s10 =	sadd.s32 $0x13D00, s7;
	[sflag:s17] =	ssyncadd.s32 $0xFFFFC000  }
0x22: {  	[tilespmem:s21], [sflag:$0x1] =	stream.indirect.gather [hbm4b:s5+s20], $0x80, s10, s20, $0xb8;
	[tilespmem:$0x1FC00] =	vst v63  }
0x23: {  	_ =	swait.ge [sflag:s26], $0x4000  }
0x24: {  	[sflag:s26] =	ssyncset.done $0x0  }
0x25: {  	s11 =	sadd.s32 $0x15C80, s7;
	[sflag:s26] =	ssyncadd.s32 $0xFFFFC000  }
0x26: {  	[spmem:s3] =	stream.indirect.scatter.add.f32 [tilespmem:s23], [sflag:$0x3], $0x80, s11, s20, $0xb8;
	[tilespmem:$0x1FC00] =	vst v63  }
0x27: {  	_ =	swait.ge [sflag:s17], $0x4000  }
0x28: {  	[sflag:s17] =	ssyncset.done $0x0  }
0x29: {  	s0 =	simm.s32 $0x15B80;
	[sflag:s17] =	ssyncadd.s32 $0xFFFFC000  }
0x2a: {  	[tilespmem:s23], [sflag:$0x2] =	stream.indirect.gather [hbm4b:s5+s20], $0x80, s0, s20, $0xb8;
	[tilespmem:$0x1FC00] =	vst v63  }
0x2b: {  	_ =	swait.ge [sflag:s24], $0x4000  }
0x2c: {  	[sflag:s24] =	ssyncset.done $0x0  }
0x2d: {  	s16 =	simm.s32 $0x17B00;
	[sflag:s24] =	ssyncadd.s32 $0xFFFFC000  }
0x2e: {  	[spmem:s3] =	stream.indirect.scatter.add.f32 [tilespmem:s21], [sflag:$0x3], $0x80, s16, s20, $0xb8;
	[tilespmem:$0x1FC00] =	vst v63  }
0x2f: {  	_ =	swait.ge [sflag:s17], $0x4000  }
0x30: {  	[sflag:s17] =	ssyncset.done $0x0  }
0x31: {  	[sflag:s17] =	ssyncadd.s32 $0xFFFFC000  }
0x32: {  	_ =	swait.ge [sflag:s26], $0x4000  }
0x33: {  	[sflag:s26] =	ssyncset.done $0x0  }
0x34: {  	s19 =	simm.s32 $0x17B80;
	[sflag:s26] =	ssyncadd.s32 $0xFFFFC000  }
0x35: {  	[spmem:s3] =	stream.indirect.scatter.add.f32 [tilespmem:s23], [sflag:$0x3], $0x80, s19, s20, $0xb8;
	[tilespmem:$0x1FC00] =	vst v63  }
0x36: {  	_ =	swait.ge [sflag:s17], $0x4000  }
0x37: {  	[sflag:s17] =	ssyncset.done $0x0  }
0x38: {  	[sflag:s17] =	ssyncadd.s32 $0xFFFFC000  }
0x39: {  	s11 =	rddreg [dreg:$0x1]  }
.LBB2_8:
0x3a: {  	[bflag:$0x0] =	sbarrier.arrive $0xFFFF  }
0x3b: {  	s7 =	rddreg [dreg:$0x6]  }
0x3c: {  	s8 =	rddreg [dreg:$0xc]  }
0x3d: {  	s9 =	rddreg [dreg:$0x5]  }
0x3e: {  	[hbm:s7], [sflag:s9] =	dma.local [spmem:s8], $0x2780  }
0x3f: {  	_ =	swait.ge [sflag:s17], $0x2780  }
0x40: {  	s0 =	rddreg [dreg:$0xf]  }
0x41: {  	s19 =	rddreg [dreg:$0x7];
	s0 =	sadd.s32 $0x1, s0  }
0x42: {  	p1 =	sne.s32 s0, s19  }
.Ltmp1:
0x43: {  	_ = 	snop;
	(pc) =	sbr.rel @!p1 .LBB2_9-.Ltmp1, $3  }
0x44: {  	_ =	sdelay $0x1  }
0x45: {  	[sflag:s17] =	ssyncset.done $0x0  }
0x46: {  	[sflag:s17] =	ssyncadd.s32 $0xFFFFD880  }
.LBB2_1:
0x47: {  	[dreg:$0xf] =	wrdreg s0  }
0x48: {  	s19 =	rddreg [dreg:$0x4]  }
0x49: {  	[spmem:s8], [sflag:s9] =	dma.local [hbm:s19], $0x2780  }
0x4a: {  	_ =	swait.ge [sflag:s17], $0x2780  }
.Ltmp2:
0x4b: {  	[sflag:s17] =	ssyncset.done $0x0;
	(pc) =	sbr.rel @!p0 .LBB2_2-.Ltmp2, $4  }
0x4c: {  	p1 =	por $0x1, $0x1;
	[sflag:s17] =	ssyncadd.s32 $0xFFFFD880  }
0x4d: {  	s7 =	simm.s32 $0x0;
	s16 =	simm.s32 $0x13C00;
	[bflag:$0x0] =	sbarrier.arrive $0xFFFF  }
0x4e: {  	s10 =	simm.s32 $0x16000;
	s2 =	simm.s32 $0x14100;
	s9 =	rddreg [dreg:$0xd]  }
0x4f: {  	s1 =	simm.s32 $0x16200;
	s0 =	simm.s32 $0x14300;
	s19 =	rddreg [dreg:$0xe]  }
.LBB2_7:
0x50: {  	s7 =	sor.u32 s19, s7  }
0x51: {  	s8 =	sadd.s32 s9, s7  }
0x52: {  	[tilespmem:s16], [sflag:$0x3] =	stream.linear.gather [hbm4b:s8+s6], $0x800, $0x38;
	[tilespmem:$0x1FC00] =	vst v63  }
0x53: {  	_ =	swait.ge [sflag:s17], $0x800  }
0x54: {  	[sflag:s17] =	ssyncset.done $0x0  }
0x55: {  	s7 =	sadd.s32 s11, s7;
	[sflag:s17] =	ssyncadd.s32 $0xFFFFF800  }
0x56: {  	[tilespmem:s18], [sflag:$0x3] =	stream.linear.gather [hbm4b:s7+s6], $0x800, $0x38;
	[tilespmem:$0x1FC00] =	vst v63  }
0x57: {  	_ =	swait.ge [sflag:s17], $0x800  }
0x58: {  	[sflag:s17] =	ssyncset.done $0x0  }
0x59: {  	[sflag:s17] =	ssyncadd.s32 $0xFFFFF800  }
0x5a: {  	[tilespmem:s21], [sflag:$0x1] =	stream.indirect.gather [hbm4b:s5+s20], $0x80, s16, s20, $0xb8;
	[tilespmem:$0x1FC00] =	vst v63  }
0x5b: {  	s8 =	simm.s32 $0x13C80  }
0x5c: {  	[tilespmem:s23], [sflag:$0x2] =	stream.indirect.gather [hbm4b:s5+s20], $0x80, s8, s20, $0xb8;
	[tilespmem:$0x1FC00] =	vst v63  }
0x5d: {  	_ =	swait.ge [sflag:s24], $0x4000  }
0x5e: {  	[sflag:s24] =	ssyncset.done $0x0  }
0x5f: {  	[sflag:s24] =	ssyncadd.s32 $0xFFFFC000  }
0x60: {  	[spmem:s3] =	stream.indirect.scatter.add.f32 [tilespmem:s21], [sflag:$0x3], $0x80, s18, s20, $0xb8;
	[tilespmem:$0x1FC00] =	vst v63  }
0x61: {  	_ =	swait.ge [sflag:s17], $0x4000  }
0x62: {  	[sflag:s17] =	ssyncset.done $0x0  }
0x63: {  	s8 =	simm.s32 $0x13D00;
	[sflag:s17] =	ssyncadd.s32 $0xFFFFC000  }
0x64: {  	[tilespmem:s21], [sflag:$0x1] =	stream.indirect.gather [hbm4b:s5+s20], $0x80, s8, s20, $0xb8;
	[tilespmem:$0x1FC00] =	vst v63  }
0x65: {  	_ =	swait.ge [sflag:s26], $0x4000  }
0x66: {  	[sflag:s26] =	ssyncset.done $0x0  }
0x67: {  	s8 =	simm.s32 $0x15C80;
	[sflag:s26] =	ssyncadd.s32 $0xFFFFC000  }
0x68: {  	[spmem:s3] =	stream.indirect.scatter.add.f32 [tilespmem:s23], [sflag:$0x3], $0x80, s8, s20, $0xb8;
	[tilespmem:$0x1FC00] =	vst v63  }
0x69: {  	_ =	swait.ge [sflag:s17], $0x4000  }
0x6a: {  	[sflag:s17] =	ssyncset.done $0x0  }
0x6b: {  	s8 =	simm.s32 $0x13D80;
	[sflag:s17] =	ssyncadd.s32 $0xFFFFC000  }
0x6c: {  	[tilespmem:s23], [sflag:$0x2] =	stream.indirect.gather [hbm4b:s5+s20], $0x80, s8, s20, $0xb8;
	[tilespmem:$0x1FC00] =	vst v63  }
0x6d: {  	_ =	swait.ge [sflag:s24], $0x4000  }
0x6e: {  	[sflag:s24] =	ssyncset.done $0x0  }
0x6f: {  	s8 =	simm.s32 $0x15D00;
	[sflag:s24] =	ssyncadd.s32 $0xFFFFC000  }
0x70: {  	[spmem:s3] =	stream.indirect.scatter.add.f32 [tilespmem:s21], [sflag:$0x3], $0x80, s8, s20, $0xb8;
	[tilespmem:$0x1FC00] =	vst v63  }
0x71: {  	_ =	swait.ge [sflag:s17], $0x4000  }
0x72: {  	[sflag:s17] =	ssyncset.done $0x0  }
0x73: {  	s8 =	simm.s32 $0x13E00;
	[sflag:s17] =	ssyncadd.s32 $0xFFFFC000  }
0x74: {  	[tilespmem:s21], [sflag:$0x1] =	stream.indirect.gather [hbm4b:s5+s20], $0x80, s8, s20, $0xb8;
	[tilespmem:$0x1FC00] =	vst v63  }
0x75: {  	_ =	swait.ge [sflag:s26], $0x4000  }
0x76: {  	[sflag:s26] =	ssyncset.done $0x0  }
0x77: {  	s8 =	simm.s32 $0x15D80;
	[sflag:s26] =	ssyncadd.s32 $0xFFFFC000  }
0x78: {  	[spmem:s3] =	stream.indirect.scatter.add.f32 [tilespmem:s23], [sflag:$0x3], $0x80, s8, s20, $0xb8;
	[tilespmem:$0x1FC00] =	vst v63  }
0x79: {  	_ =	swait.ge [sflag:s17], $0x4000  }
0x7a: {  	[sflag:s17] =	ssyncset.done $0x0  }
0x7b: {  	s8 =	simm.s32 $0x13E80;
	[sflag:s17] =	ssyncadd.s32 $0xFFFFC000  }
0x7c: {  	[tilespmem:s23], [sflag:$0x2] =	stream.indirect.gather [hbm4b:s5+s20], $0x80, s8, s20, $0xb8;
	[tilespmem:$0x1FC00] =	vst v63  }
0x7d: {  	_ =	swait.ge [sflag:s24], $0x4000  }
0x7e: {  	[sflag:s24] =	ssyncset.done $0x0  }
0x7f: {  	s8 =	simm.s32 $0x15E00;
	[sflag:s24] =	ssyncadd.s32 $0xFFFFC000  }
0x80: {  	[spmem:s3] =	stream.indirect.scatter.add.f32 [tilespmem:s21], [sflag:$0x3], $0x80, s8, s20, $0xb8;
	[tilespmem:$0x1FC00] =	vst v63  }
0x81: {  	_ =	swait.ge [sflag:s17], $0x4000  }
0x82: {  	[sflag:s17] =	ssyncset.done $0x0  }
0x83: {  	s8 =	simm.s32 $0x13F00;
	[sflag:s17] =	ssyncadd.s32 $0xFFFFC000  }
0x84: {  	[tilespmem:s21], [sflag:$0x1] =	stream.indirect.gather [hbm4b:s5+s20], $0x80, s8, s20, $0xb8;
	[tilespmem:$0x1FC00] =	vst v63  }
0x85: {  	_ =	swait.ge [sflag:s26], $0x4000  }
0x86: {  	[sflag:s26] =	ssyncset.done $0x0  }
0x87: {  	s8 =	simm.s32 $0x15E80;
	[sflag:s26] =	ssyncadd.s32 $0xFFFFC000  }
0x88: {  	[spmem:s3] =	stream.indirect.scatter.add.f32 [tilespmem:s23], [sflag:$0x3], $0x80, s8, s20, $0xb8;
	[tilespmem:$0x1FC00] =	vst v63  }
0x89: {  	_ =	swait.ge [sflag:s17], $0x4000  }
0x8a: {  	[sflag:s17] =	ssyncset.done $0x0  }
0x8b: {  	s8 =	simm.s32 $0x13F80;
	[sflag:s17] =	ssyncadd.s32 $0xFFFFC000  }
0x8c: {  	[tilespmem:s23], [sflag:$0x2] =	stream.indirect.gather [hbm4b:s5+s20], $0x80, s8, s20, $0xb8;
	[tilespmem:$0x1FC00] =	vst v63  }
0x8d: {  	_ =	swait.ge [sflag:s24], $0x4000  }
0x8e: {  	[sflag:s24] =	ssyncset.done $0x0  }
0x8f: {  	s8 =	simm.s32 $0x15F00;
	[sflag:s24] =	ssyncadd.s32 $0xFFFFC000  }
0x90: {  	[spmem:s3] =	stream.indirect.scatter.add.f32 [tilespmem:s21], [sflag:$0x3], $0x80, s8, s20, $0xb8;
	[tilespmem:$0x1FC00] =	vst v63  }
0x91: {  	_ =	swait.ge [sflag:s17], $0x4000  }
0x92: {  	[sflag:s17] =	ssyncset.done $0x0  }
0x93: {  	s8 =	simm.s32 $0x14000;
	[sflag:s17] =	ssyncadd.s32 $0xFFFFC000  }
0x94: {  	[tilespmem:s21], [sflag:$0x1] =	stream.indirect.gather [hbm4b:s5+s20], $0x80, s8, s20, $0xb8;
	[tilespmem:$0x1FC00] =	vst v63  }
0x95: {  	_ =	swait.ge [sflag:s26], $0x4000  }
0x96: {  	[sflag:s26] =	ssyncset.done $0x0  }
0x97: {  	s8 =	simm.s32 $0x15F80;
	[sflag:s26] =	ssyncadd.s32 $0xFFFFC000  }
0x98: {  	[spmem:s3] =	stream.indirect.scatter.add.f32 [tilespmem:s23], [sflag:$0x3], $0x80, s8, s20, $0xb8;
	[tilespmem:$0x1FC00] =	vst v63  }
0x99: {  	_ =	swait.ge [sflag:s17], $0x4000  }
0x9a: {  	[sflag:s17] =	ssyncset.done $0x0  }
0x9b: {  	[sflag:s17] =	ssyncadd.s32 $0xFFFFC000  }
0x9c: {  	[tilespmem:s23], [sflag:$0x2] =	stream.indirect.gather [hbm4b:s5+s20], $0x80, s4, s20, $0xb8;
	[tilespmem:$0x1FC00] =	vst v63  }
0x9d: {  	_ =	swait.ge [sflag:s24], $0x4000  }
0x9e: {  	[sflag:s24] =	ssyncset.done $0x0  }
0x9f: {  	[sflag:s24] =	ssyncadd.s32 $0xFFFFC000  }
0xa0: {  	[spmem:s3] =	stream.indirect.scatter.add.f32 [tilespmem:s21], [sflag:$0x3], $0x80, s10, s20, $0xb8;
	[tilespmem:$0x1FC00] =	vst v63  }
0xa1: {  	_ =	swait.ge [sflag:s17], $0x4000  }
0xa2: {  	[sflag:s17] =	ssyncset.done $0x0  }
0xa3: {  	[sflag:s17] =	ssyncadd.s32 $0xFFFFC000  }
0xa4: {  	[tilespmem:s21], [sflag:$0x1] =	stream.indirect.gather [hbm4b:s5+s20], $0x80, s2, s20, $0xb8;
	[tilespmem:$0x1FC00] =	vst v63  }
0xa5: {  	_ =	swait.ge [sflag:s26], $0x4000  }
0xa6: {  	[sflag:s26] =	ssyncset.done $0x0  }
0xa7: {  	[sflag:s26] =	ssyncadd.s32 $0xFFFFC000  }
0xa8: {  	[spmem:s3] =	stream.indirect.scatter.add.f32 [tilespmem:s23], [sflag:$0x3], $0x80, s22, s20, $0xb8;
	[tilespmem:$0x1FC00] =	vst v63  }
0xa9: {  	_ =	swait.ge [sflag:s17], $0x4000  }
0xaa: {  	[sflag:s17] =	ssyncset.done $0x0  }
0xab: {  	[sflag:s17] =	ssyncadd.s32 $0xFFFFC000  }
0xac: {  	[tilespmem:s23], [sflag:$0x2] =	stream.indirect.gather [hbm4b:s5+s20], $0x80, s25, s20, $0xb8;
	[tilespmem:$0x1FC00] =	vst v63  }
0xad: {  	_ =	swait.ge [sflag:s24], $0x4000  }
0xae: {  	[sflag:s24] =	ssyncset.done $0x0  }
0xaf: {  	[sflag:s24] =	ssyncadd.s32 $0xFFFFC000  }
0xb0: {  	[spmem:s3] =	stream.indirect.scatter.add.f32 [tilespmem:s21], [sflag:$0x3], $0x80, s29, s20, $0xb8;
	[tilespmem:$0x1FC00] =	vst v63  }
0xb1: {  	_ =	swait.ge [sflag:s17], $0x4000  }
0xb2: {  	[sflag:s17] =	ssyncset.done $0x0  }
0xb3: {  	[sflag:s17] =	ssyncadd.s32 $0xFFFFC000  }
0xb4: {  	[tilespmem:s21], [sflag:$0x1] =	stream.indirect.gather [hbm4b:s5+s20], $0x80, s28, s20, $0xb8;
	[tilespmem:$0x1FC00] =	vst v63  }
0xb5: {  	_ =	swait.ge [sflag:s26], $0x4000  }
0xb6: {  	[sflag:s26] =	ssyncset.done $0x0  }
0xb7: {  	[sflag:s26] =	ssyncadd.s32 $0xFFFFC000  }
0xb8: {  	[spmem:s3] =	stream.indirect.scatter.add.f32 [tilespmem:s23], [sflag:$0x3], $0x80, s31, s20, $0xb8;
	[tilespmem:$0x1FC00] =	vst v63  }
0xb9: {  	_ =	swait.ge [sflag:s17], $0x4000  }
0xba: {  	[sflag:s17] =	ssyncset.done $0x0  }
0xbb: {  	[sflag:s17] =	ssyncadd.s32 $0xFFFFC000  }
0xbc: {  	[tilespmem:s23], [sflag:$0x2] =	stream.indirect.gather [hbm4b:s5+s20], $0x80, s30, s20, $0xb8;
	[tilespmem:$0x1FC00] =	vst v63  }
0xbd: {  	_ =	swait.ge [sflag:s24], $0x4000  }
0xbe: {  	[sflag:s24] =	ssyncset.done $0x0  }
0xbf: {  	[sflag:s24] =	ssyncadd.s32 $0xFFFFC000  }
0xc0: {  	[spmem:s3] =	stream.indirect.scatter.add.f32 [tilespmem:s21], [sflag:$0x3], $0x80, s1, s20, $0xb8;
	[tilespmem:$0x1FC00] =	vst v63  }
0xc1: {  	_ =	swait.ge [sflag:s17], $0x4000  }
0xc2: {  	[sflag:s17] =	ssyncset.done $0x0  }
0xc3: {  	[sflag:s17] =	ssyncadd.s32 $0xFFFFC000  }
0xc4: {  	[tilespmem:s21], [sflag:$0x1] =	stream.indirect.gather [hbm4b:s5+s20], $0x80, s0, s20, $0xb8;
	[tilespmem:$0x1FC00] =	vst v63  }
0xc5: {  	_ =	swait.ge [sflag:s26], $0x4000  }
0xc6: {  	[sflag:s26] =	ssyncset.done $0x0  }
0xc7: {  	[sflag:s26] =	ssyncadd.s32 $0xFFFFC000  }
0xc8: {  	[spmem:s3] =	stream.indirect.scatter.add.f32 [tilespmem:s23], [sflag:$0x3], $0x80, s13, s20, $0xb8;
	[tilespmem:$0x1FC00] =	vst v63  }
0xc9: {  	_ =	swait.ge [sflag:s17], $0x4000  }
0xca: {  	[sflag:s17] =	ssyncset.done $0x0  }
0xcb: {  	[sflag:s17] =	ssyncadd.s32 $0xFFFFC000  }
0xcc: {  	[tilespmem:s23], [sflag:$0x2] =	stream.indirect.gather [hbm4b:s5+s20], $0x80, s12, s20, $0xb8;
	[tilespmem:$0x1FC00] =	vst v63  }
0xcd: {  	_ =	swait.ge [sflag:s24], $0x4000  }
0xce: {  	[sflag:s24] =	ssyncset.done $0x0  }
0xcf: {  	[sflag:s24] =	ssyncadd.s32 $0xFFFFC000  }
0xd0: {  	[spmem:s3] =	stream.indirect.scatter.add.f32 [tilespmem:s21], [sflag:$0x3], $0x80, s15, s20, $0xb8;
	[tilespmem:$0x1FC00] =	vst v63  }
0xd1: {  	_ =	swait.ge [sflag:s17], $0x4000  }
0xd2: {  	[sflag:s17] =	ssyncset.done $0x0  }
0xd3: {  	[sflag:s17] =	ssyncadd.s32 $0xFFFFC000  }
0xd4: {  	_ =	swait.ge [sflag:s26], $0x4000  }
0xd5: {  	p2 =	por p1, p1;
	[sflag:s26] =	ssyncset.done $0x0  }
.Ltmp3:
0xd6: {  	[sflag:s26] =	ssyncadd.s32 $0xFFFFC000;
	(pc) =	sbr.rel @p2 .LBB2_7-.Ltmp3, $4  }
0xd7: {  	[spmem:s3] =	stream.indirect.scatter.add.f32 [tilespmem:s23], [sflag:$0x3], $0x80, s14, s20, $0xb8;
	[tilespmem:$0x1FC00] =	vst v63  }
0xd8: {  	_ =	swait.ge [sflag:s17], $0x4000  }
0xd9: {  	[sflag:s17] =	ssyncset.done $0x0  }
0xda: {  	p1 =	por $0x0, $0x0;
	s7 =	simm.s32 $0x100;
	[sflag:s17] =	ssyncadd.s32 $0xFFFFC000  }
.Ltmp4:
0xdb: {  	_ = 	snop;
	(pc) =	sbr.rel .LBB2_8-.Ltmp4, $1  }
0xdc: {  	_ =	sdelay $0x3  }
.LBB2_2:
0xdd: {  	s7 =	simm.s32 $0x0;
	s8 =	rddreg [dreg:$0x8]  }
0xde: {  	[tilespmem:s16], [sflag:$0x3] =	stream.linear.gather [hbm4b:s8+s7], $0x2000, $0x38;
	[tilespmem:$0x1FC00] =	vst v63  }
0xdf: {  	_ =	swait.ge [sflag:s17], $0x2000  }
0xe0: {  	[sflag:s17] =	ssyncset.done $0x0  }
0xe1: {  	s9 =	rddreg [dreg:$0x9];
	[sflag:s17] =	ssyncadd.s32 $0xFFFFE000  }
0xe2: {  	[tilespmem:s18], [sflag:$0x3] =	stream.linear.gather [hbm4b:s9+s7], $0x2000, $0x38;
	[tilespmem:$0x1FC00] =	vst v63  }
0xe3: {  	_ =	swait.ge [sflag:s17], $0x2000  }
0xe4: {  	[sflag:s17] =	ssyncset.done $0x0  }
0xe5: {  	[sflag:s17] =	ssyncadd.s32 $0xFFFFE000  }
0xe6: {  	[tilespmem:s21], [sflag:$0x1] =	stream.indirect.gather [hbm4b:s5+s20], $0x80, s16, s20, $0xb8;
	[tilespmem:$0x1FC00] =	vst v63  }
0xe7: {  	s10 =	simm.s32 $0x13C80  }
0xe8: {  	[tilespmem:s23], [sflag:$0x2] =	stream.indirect.gather [hbm4b:s5+s20], $0x80, s10, s20, $0xb8;
	[tilespmem:$0x1FC00] =	vst v63  }
0xe9: {  	_ =	swait.ge [sflag:s24], $0x4000  }
0xea: {  	[sflag:s24] =	ssyncset.done $0x0  }
0xeb: {  	s11 =	simm.s32 $0x15C00;
	[sflag:s24] =	ssyncadd.s32 $0xFFFFC000  }
0xec: {  	[spmem:s3] =	stream.indirect.scatter.add.f32 [tilespmem:s21], [sflag:$0x3], $0x80, s11, s20, $0xb8;
	[tilespmem:$0x1FC00] =	vst v63  }
0xed: {  	_ =	swait.ge [sflag:s17], $0x4000  }
0xee: {  	[sflag:s17] =	ssyncset.done $0x0  }
0xef: {  	s16 =	simm.s32 $0x13D00;
	[sflag:s17] =	ssyncadd.s32 $0xFFFFC000  }
0xf0: {  	[tilespmem:s21], [sflag:$0x1] =	stream.indirect.gather [hbm4b:s5+s20], $0x80, s16, s20, $0xb8;
	[tilespmem:$0x1FC00] =	vst v63  }
0xf1: {  	_ =	swait.ge [sflag:s26], $0x4000  }
0xf2: {  	[sflag:s26] =	ssyncset.done $0x0  }
0xf3: {  	s19 =	simm.s32 $0x15C80;
	[sflag:s26] =	ssyncadd.s32 $0xFFFFC000  }
0xf4: {  	[spmem:s3] =	stream.indirect.scatter.add.f32 [tilespmem:s23], [sflag:$0x3], $0x80, s19, s20, $0xb8;
	[tilespmem:$0x1FC00] =	vst v63  }
0xf5: {  	s0 =	simm.s32 $0x15C00;
	s1 =	simm.s32 $0x13C00;
	_ =	swait.ge [sflag:s17], $0x4000  }
0xf6: {  	s7 =	simm.s32 $0x100;
	s10 =	simm.s32 $0x800;
	[sflag:s17] =	ssyncset.done $0x0  }
.LBB2_3:
0xf7: {  	s11 =	sadd.s32 $0x13C80, s7  }
0xf8: {  	[sflag:s17] =	ssyncadd.s32 $0xFFFFC000;
	s8 =	smov.u32 s10;
	s16 =	sadd.s32 $0x400, s10  }
0xf9: {  	[tilespmem:s23], [sflag:$0x2] =	stream.indirect.gather [hbm4b:s5+s20], $0x80, s11, s20, $0xb8;
	[tilespmem:$0x1FC00] =	vst v63  }
0xfa: {  	p1 =	sne.s32 s10, $0x7800;
	_ =	swait.ge [sflag:s24], $0x4000  }
0xfb: {  	[sflag:s24] =	ssyncset.done $0x0  }
0xfc: {  	s10 =	sadd.s32 $0x15C00, s7;
	[sflag:s24] =	ssyncadd.s32 $0xFFFFC000  }
0xfd: {  	[spmem:s3] =	stream.indirect.scatter.add.f32 [tilespmem:s21], [sflag:$0x3], $0x80, s10, s20, $0xb8;
	[tilespmem:$0x1FC00] =	vst v63  }
0xfe: {  	_ =	swait.ge [sflag:s17], $0x4000  }
0xff: {  	[sflag:s17] =	ssyncset.done $0x0  }
0x100: {  	s10 =	sadd.s32 $0x13D00, s7;
	[sflag:s17] =	ssyncadd.s32 $0xFFFFC000  }
0x101: {  	[tilespmem:s21], [sflag:$0x1] =	stream.indirect.gather [hbm4b:s5+s20], $0x80, s10, s20, $0xb8;
	[tilespmem:$0x1FC00] =	vst v63  }
0x102: {  	_ =	swait.ge [sflag:s26], $0x4000  }
.Ltmp5:
0x103: {  	[sflag:s26] =	ssyncset.done $0x0;
	(pc) =	sbr.rel @p1 .LBB2_3-.Ltmp5, $4  }
0x104: {  	s7 =	sadd.s32 $0x15C80, s7;
	[sflag:s26] =	ssyncadd.s32 $0xFFFFC000  }
0x105: {  	[spmem:s3] =	stream.indirect.scatter.add.f32 [tilespmem:s23], [sflag:$0x3], $0x80, s7, s20, $0xb8;
	[tilespmem:$0x1FC00] =	vst v63  }
0x106: {  	_ =	swait.ge [sflag:s17], $0x4000  }
0x107: {  	s10 =	smov.u32 s16;
	s7 =	sshra.s32 s8, $0x2;
	[sflag:s17] =	ssyncset.done $0x0  }
0x108: {  	s8 =	sadd.s32 $0x13C80, s7;
	[sflag:s17] =	ssyncadd.s32 $0xFFFFC000  }
0x109: {  	[tilespmem:s23], [sflag:$0x2] =	stream.indirect.gather [hbm4b:s5+s20], $0x80, s8, s20, $0xb8;
	[tilespmem:$0x1FC00] =	vst v63  }
0x10a: {  	_ =	swait.ge [sflag:s24], $0x4000  }
0x10b: {  	[sflag:s24] =	ssyncset.done $0x0  }
0x10c: {  	s2 =	sadd.s32 $0x15C00, s7;
	[sflag:s24] =	ssyncadd.s32 $0xFFFFC000  }
0x10d: {  	[spmem:s3] =	stream.indirect.scatter.add.f32 [tilespmem:s21], [sflag:$0x3], $0x80, s2, s20, $0xb8;
	[tilespmem:$0x1FC00] =	vst v63  }
0x10e: {  	_ =	swait.ge [sflag:s17], $0x4000  }
0x10f: {  	[sflag:s17] =	ssyncset.done $0x0  }
0x110: {  	s9 =	sadd.s32 $0x13D00, s7;
	[sflag:s17] =	ssyncadd.s32 $0xFFFFC000  }
0x111: {  	[tilespmem:s21], [sflag:$0x1] =	stream.indirect.gather [hbm4b:s5+s20], $0x80, s9, s20, $0xb8;
	[tilespmem:$0x1FC00] =	vst v63  }
0x112: {  	_ =	swait.ge [sflag:s26], $0x4000  }
0x113: {  	[sflag:s26] =	ssyncset.done $0x0  }
0x114: {  	s10 =	sadd.s32 $0x15C80, s7;
	[sflag:s26] =	ssyncadd.s32 $0xFFFFC000  }
0x115: {  	[spmem:s3] =	stream.indirect.scatter.add.f32 [tilespmem:s23], [sflag:$0x3], $0x80, s10, s20, $0xb8;
	[tilespmem:$0x1FC00] =	vst v63  }
0x116: {  	_ =	swait.ge [sflag:s17], $0x4000  }
0x117: {  	[sflag:s17] =	ssyncset.done $0x0  }
0x118: {  	s2 =	simm.s32 $0x15B80;
	[sflag:s17] =	ssyncadd.s32 $0xFFFFC000  }
0x119: {  	[tilespmem:s23], [sflag:$0x2] =	stream.indirect.gather [hbm4b:s5+s20], $0x80, s2, s20, $0xb8;
	[tilespmem:$0x1FC00] =	vst v63  }
0x11a: {  	_ =	swait.ge [sflag:s24], $0x4000  }
0x11b: {  	[sflag:s24] =	ssyncset.done $0x0  }
0x11c: {  	s11 =	simm.s32 $0x17B00;
	[sflag:s24] =	ssyncadd.s32 $0xFFFFC000  }
0x11d: {  	[spmem:s3] =	stream.indirect.scatter.add.f32 [tilespmem:s21], [sflag:$0x3], $0x80, s11, s20, $0xb8;
	[tilespmem:$0x1FC00] =	vst v63  }
0x11e: {  	_ =	swait.ge [sflag:s17], $0x4000  }
0x11f: {  	[sflag:s17] =	ssyncset.done $0x0  }
0x120: {  	[sflag:s17] =	ssyncadd.s32 $0xFFFFC000  }
0x121: {  	_ =	swait.ge [sflag:s26], $0x4000  }
0x122: {  	[sflag:s26] =	ssyncset.done $0x0  }
0x123: {  	s16 =	simm.s32 $0x17B80;
	[sflag:s26] =	ssyncadd.s32 $0xFFFFC000  }
0x124: {  	[spmem:s3] =	stream.indirect.scatter.add.f32 [tilespmem:s23], [sflag:$0x3], $0x80, s16, s20, $0xb8;
	[tilespmem:$0x1FC00] =	vst v63  }
0x125: {  	_ =	swait.ge [sflag:s17], $0x4000  }
0x126: {  	[sflag:s17] =	ssyncset.done $0x0  }
0x127: {  	s19 =	simm.s32 $0x0;
	s2 =	rddreg [dreg:$0xa];
	[sflag:s17] =	ssyncadd.s32 $0xFFFFC000  }
0x128: {  	[tilespmem:s1], [sflag:$0x3] =	stream.linear.gather [hbm4b:s2+s19], $0x2000, $0x38;
	[tilespmem:$0x1FC00] =	vst v63  }
0x129: {  	_ =	swait.ge [sflag:s17], $0x2000  }
0x12a: {  	[sflag:s17] =	ssyncset.done $0x0  }
0x12b: {  	s9 =	rddreg [dreg:$0xb];
	[sflag:s17] =	ssyncadd.s32 $0xFFFFE000  }
0x12c: {  	[tilespmem:s0], [sflag:$0x3] =	stream.linear.gather [hbm4b:s9+s19], $0x2000, $0x38;
	[tilespmem:$0x1FC00] =	vst v63  }
0x12d: {  	_ =	swait.ge [sflag:s17], $0x2000  }
0x12e: {  	[sflag:s17] =	ssyncset.done $0x0  }
0x12f: {  	[sflag:s17] =	ssyncadd.s32 $0xFFFFE000  }
0x130: {  	[tilespmem:s21], [sflag:$0x1] =	stream.indirect.gather [hbm4b:s5+s20], $0x80, s1, s20, $0xb8;
	[tilespmem:$0x1FC00] =	vst v63  }
0x131: {  	s10 =	simm.s32 $0x13C80  }
0x132: {  	[tilespmem:s23], [sflag:$0x2] =	stream.indirect.gather [hbm4b:s5+s20], $0x80, s10, s20, $0xb8;
	[tilespmem:$0x1FC00] =	vst v63  }
0x133: {  	_ =	swait.ge [sflag:s24], $0x4000  }
0x134: {  	[sflag:s24] =	ssyncset.done $0x0  }
0x135: {  	s11 =	simm.s32 $0x15C00;
	[sflag:s24] =	ssyncadd.s32 $0xFFFFC000  }
0x136: {  	[spmem:s3] =	stream.indirect.scatter.add.f32 [tilespmem:s21], [sflag:$0x3], $0x80, s11, s20, $0xb8;
	[tilespmem:$0x1FC00] =	vst v63  }
0x137: {  	_ =	swait.ge [sflag:s17], $0x4000  }
0x138: {  	[sflag:s17] =	ssyncset.done $0x0  }
0x139: {  	s16 =	simm.s32 $0x13D00;
	[sflag:s17] =	ssyncadd.s32 $0xFFFFC000  }
0x13a: {  	[tilespmem:s21], [sflag:$0x1] =	stream.indirect.gather [hbm4b:s5+s20], $0x80, s16, s20, $0xb8;
	[tilespmem:$0x1FC00] =	vst v63  }
0x13b: {  	_ =	swait.ge [sflag:s26], $0x4000  }
0x13c: {  	[sflag:s26] =	ssyncset.done $0x0  }
0x13d: {  	s19 =	simm.s32 $0x15C80;
	[sflag:s26] =	ssyncadd.s32 $0xFFFFC000  }
0x13e: {  	[spmem:s3] =	stream.indirect.scatter.add.f32 [tilespmem:s23], [sflag:$0x3], $0x80, s19, s20, $0xb8;
	[tilespmem:$0x1FC00] =	vst v63  }
0x13f: {  	_ =	swait.ge [sflag:s17], $0x4000  }
0x140: {  	s7 =	simm.s32 $0x100;
	s10 =	simm.s32 $0x800;
	[sflag:s17] =	ssyncset.done $0x0  }
.LBB2_5:
0x141: {  	s8 =	sadd.s32 $0x13C80, s7  }
0x142: {  	[sflag:s17] =	ssyncadd.s32 $0xFFFFC000;
	s11 =	smov.u32 s10;
	s16 =	sadd.s32 $0x400, s10  }
0x143: {  	[tilespmem:s23], [sflag:$0x2] =	stream.indirect.gather [hbm4b:s5+s20], $0x80, s8, s20, $0xb8;
	[tilespmem:$0x1FC00] =	vst v63  }
0x144: {  	p1 =	sne.s32 s10, $0x7800;
	_ =	swait.ge [sflag:s24], $0x4000  }
0x145: {  	[sflag:s24] =	ssyncset.done $0x0  }
0x146: {  	s8 =	sadd.s32 $0x15C00, s7;
	[sflag:s24] =	ssyncadd.s32 $0xFFFFC000  }
0x147: {  	[spmem:s3] =	stream.indirect.scatter.add.f32 [tilespmem:s21], [sflag:$0x3], $0x80, s8, s20, $0xb8;
	[tilespmem:$0x1FC00] =	vst v63  }
0x148: {  	_ =	swait.ge [sflag:s17], $0x4000  }
0x149: {  	[sflag:s17] =	ssyncset.done $0x0  }
0x14a: {  	s8 =	sadd.s32 $0x13D00, s7;
	[sflag:s17] =	ssyncadd.s32 $0xFFFFC000  }
0x14b: {  	[tilespmem:s21], [sflag:$0x1] =	stream.indirect.gather [hbm4b:s5+s20], $0x80, s8, s20, $0xb8;
	[tilespmem:$0x1FC00] =	vst v63  }
0x14c: {  	_ =	swait.ge [sflag:s26], $0x4000  }
.Ltmp6:
0x14d: {  	[sflag:s26] =	ssyncset.done $0x0;
	(pc) =	sbr.rel @p1 .LBB2_5-.Ltmp6, $4  }
0x14e: {  	s7 =	sadd.s32 $0x15C80, s7;
	[sflag:s26] =	ssyncadd.s32 $0xFFFFC000  }
0x14f: {  	[spmem:s3] =	stream.indirect.scatter.add.f32 [tilespmem:s23], [sflag:$0x3], $0x80, s7, s20, $0xb8;
	[tilespmem:$0x1FC00] =	vst v63  }
0x150: {  	_ =	swait.ge [sflag:s17], $0x4000  }
0x151: {  	s10 =	smov.u32 s16;
	s7 =	sshra.s32 s11, $0x2;
	[sflag:s17] =	ssyncset.done $0x0  }
.Ltmp7:
0x152: {  	_ = 	snop;
	(pc) =	sbr.rel .LBB2_6-.Ltmp7, $1  }
0x153: {  	_ =	sdelay $0x3  }
.LBB2_9:
0x154: {  	_ =	sfence.sel $0x180000  }
0x155: {  	[bflag:$0x0] =	sbarrier.arrive $0xFFFF  }
0x156: {  	_ =	strace $0x90000050  }
0x157: {  	s0 =	stileid.u32;
	[bflag:$0x2] =	sbarrier.arrive $0xFFFF  }
0x158: {  	p0 =	sne.s32 s0, $0x0;
	s0 =	rddreg [dreg:$0x3]  }
0x159: {  	s0 =	sadd.s32 @!p0 $0x100000, s0  }
0x15a: {  	[sflag:s0] =	ssyncadd.tile.s32 @!p0 $0x1;
	_ =	shalt  }
.Lfunc_end2:
_tile_overlayer_lowered:
.L_overlay_start_2:
0x15b: {  	(tag) =	ssettag $0x2  }
0x15c: {  	s0 =	rddreg [dreg:$0x0];
	s2 =	stileid.u32  }
0x15d: {  	s1 =	rddreg [dreg:$0x1];
	p0 =	sne.s32 s2, $0x0  }
0x15e: {  	s3 =	rddreg [dreg:$0x2];
	[bflag:$0x3] =	sbarrier.arrive $0xFFFF;
	s2 =	simm.s32 @!p0 $0x1C03  }
0x15f: {  	[timem:s3], [sflag:s2] =	dma.local @!p0 [hbm:s0], s1  }
0x160: {  	s0 =	simm.s32 @!p0 $0x3  }
0x161: {  	_ =	swait.ge @!p0 [sflag:s0], s1  }
0x162: {  	s1 =	ssub.s32 @!p0 $0x0, s1;
	[sflag:s0] =	ssyncset.done @!p0 $0x0  }
0x163: {  	[sflag:s0] =	ssyncadd.s32 @!p0 s1  }
0x164: {  	[bflag:$0x3] =	sbarrier.arrive $0xFFFF  }
0x165: {  	_ =	shalt  }

</sc_bundles>
